<compile_context>
chip_gen: v7x
topology: tpu7x:2x2x1
jax: 0.10.2.dev20260603
libtpu: 0.0.44.dev20260713+nightly
codegen_flags: <defaults>
</compile_context>

<pallas_src>
import functools
import jax
import jax.numpy as jnp
from jax import lax
from jax.experimental import pallas as pl
from jax.experimental.pallas import tpu as pltpu, tpu_sc as plsc

NC, NS, L = 2, 16, 16
NW = NC * NS
NB = 4096
NP = 12
BPW = NB // NW
NBUF = 4
LOOK = 2
SPP = 6
NSTEP = NP * SPP

_mesh = plsc.VectorSubcoreMesh(core_axis_name="c", subcore_axis_name="s")


@functools.partial(
    pl.kernel,
    out_type=jax.ShapeDtypeStruct((NP, NB, 768), jnp.float32),
    mesh=_mesh,
    scratch_types=[
        pltpu.VMEM((BPW * NP * 7 // 4,), jnp.int32),
        pltpu.VMEM((NP * 7, BPW), jnp.int32),
        pltpu.VMEM((NBUF, BPW, 128), jnp.float32),
        pltpu.VMEM((1, BPW, 128), jnp.float32),
        pltpu.VMEM((176, 128), jnp.float32),
        pltpu.SemaphoreType.DMA((NBUF,)),
        pltpu.SemaphoreType.DMA((NBUF,)),
        pltpu.SemaphoreType.DMA,
        pltpu.SemaphoreType.DMA,
        pltpu.VMEM_SHARED((1024, 128), jnp.float32),
    ],
    compiler_params=pltpu.CompilerParams(
        use_tc_tiling_on_sc=True, needs_layout_passes=False),
)
def _embed(sp_hbm, mv_hbm, abf_hbm, it_hbm, ids_hbm, out_hbm,
           ids_v, idx_v, ring, ibuf, ab_v, gsems, wsems, isem, ssem, mv_s):
    wid = lax.axis_index("s") * NC + lax.axis_index("c")
    sid = lax.axis_index("s")
    bat0 = wid * BPW
    lane = lax.iota(jnp.int32, L)

    pltpu.sync_copy(mv_hbm.at[pl.ds(sid * 64, 64)], ring.at[0, pl.ds(0, 64)])
    pltpu.sync_copy(ring.at[0, pl.ds(0, 64)], mv_s.at[pl.ds(sid * 64, 64)])
    pltpu.sync_copy(abf_hbm, ab_v)

    Q = BPW * NP * 7 // 4

    @pl.loop(0, 4)
    def _build(h):
        pltpu.async_copy(ids_hbm.at[wid, pl.ds(h * Q, Q)], ids_v, ssem).wait()
        for g2 in range(2):
            base = h * 2 * L + g2 * L
            pos = (g2 * L + lane) * (NP * 7)
            for r in range(NP * 7):
                idx_v[r, pl.ds(base, L)] = plsc.load_gather(ids_v, [pos + r])

    plsc.subcore_barrier()

    def _gdesc(j, p, b):
        if j == 0:
            tbl, r = sp_hbm, p * 7
        else:
            tbl, r = mv_s, p * 7 + j
        return pltpu.make_async_copy(
            tbl.at[idx_v.at[r]], ring.at[b], gsems.at[b])

    def _idesc(p):
        return pltpu.make_async_copy(
            it_hbm.at[idx_v.at[p * 7 + 6]], ibuf.at[0], isem)

    def _wdesc(p, col, b):
        return pltpu.make_async_copy(
            ring.at[b],
            out_hbm.at[p, pl.ds(bat0, BPW), pl.ds(col * 128, 128)],
            wsems.at[b])

    _idesc(0).start()
    for k in range(LOOK):
        _gdesc(k, 0, k).start()

    @pl.loop(0, NP)
    def _party(p):
        k0 = p * SPP
        for j in range(SPP):
            k = k0 + j
            b = lax.rem(k, NBUF)
            if j < 5:
                _gdesc(j, p, b).wait()
            else:
                _idesc(p).wait()
                arow = p * 7 + 5

                @pl.loop(0, BPW // L)
                def _asm(gg):
                    rbase = gg * L
                    av = idx_v[arow, pl.ds(rbase, L)]
                    for jj in range(L):
                        a = av[jj]
                        arw = lax.shift_right_logical(a, 1)
                        acl = lax.bitwise_and(a, 1) * 64
                        r = rbase + jj
                        for q in range(4):
                            ring[b, r, pl.ds(q * L, L)] = (
                                ab_v[arw, pl.ds(acl + q * L, L)])
                            ring[b, r, pl.ds(64 + q * L, L)] = (
                                ibuf[0, r, pl.ds(64 + q * L, L)])

                @pl.when(p + 1 < NP)
                def _():
                    _idesc(p + 1).start()
            _wdesc(p, j, b).start()

            g = k + LOOK
            jg = (j + LOOK) % SPP
            pg = p + (j + LOOK) // SPP

            @pl.when(g < NSTEP)
            def _():
                bg = lax.rem(g, NBUF)

                @pl.when(g >= NBUF)
                def _():
                    jw = (j + LOOK - NBUF) % SPP
                    pw = p - 1 if j + LOOK - NBUF < 0 else p
                    _wdesc(pw, jw, bg).wait()
                if jg != 5:
                    _gdesc(jg, pg, bg).start()

    for d in range(NBUF):
        k = NSTEP - NBUF + d
        _wdesc(NP - 1, k % SPP, k % NBUF).wait()


def kernel(int_ids, species_table, move_table, ability_table, item_table):
    ids = int_ids.astype(jnp.int32).reshape(NW, BPW * NP * 7)
    ab_f = jnp.pad(ability_table.reshape(175, 128), ((0, 1), (0, 0)))
    it_p = jnp.pad(item_table, ((0, 24), (64, 0)))
    mv_p = jnp.pad(move_table, ((0, 24), (0, 0)))
    out = _embed(species_table, mv_p, ab_f, it_p, ids)
    return jnp.transpose(out, (1, 0, 2))

# --- scband reference (transcript-rebuilt; emitter-appended) ---
"""Pipeline reference for scband-pokemon-embeddings-1666447311448 (READ-ONLY COPY).

The authoritative reference and input builder live on the scoring server;
editing this copy changes nothing except your own understanding.
"""

import jax, jax.numpy as jnp
import numpy as np


def setup_inputs(seed: int = 0) -> dict:
    key = jax.random.key(seed)
    k1, k2, k3, k4, k5 = jax.random.split(key, 5)
    int_ids = jax.random.randint(k1, (4096, 12, 7), 0, 350, dtype=jnp.int64 if jax.config.jax_enable_x64 else jnp.int32)
    # learned parameters sized per init cfg; padding_idx=0 row zeroed
    species_table = (jax.random.normal(k2, (1024, 128), dtype=jnp.float32) * 0.02).at[0].set(0.0)
    move_table = (jax.random.normal(k3, (1000, 128), dtype=jnp.float32) * 0.02).at[0].set(0.0)
    ability_table = (jax.random.normal(k4, (350, 64), dtype=jnp.float32) * 0.02).at[0].set(0.0)
    item_table = (jax.random.normal(k5, (1000, 64), dtype=jnp.float32) * 0.02).at[0].set(0.0)
    return {
        "int_ids": int_ids,
        "species_table": species_table,
        "move_table": move_table,
        "ability_table": ability_table,
        "item_table": item_table,
    }


def reference(int_ids, species_table, move_table, ability_table, item_table):
    species = jnp.take(species_table, int_ids[..., 0], axis=0)
    moves = jnp.concatenate([
        jnp.take(move_table, int_ids[..., 1], axis=0),
        jnp.take(move_table, int_ids[..., 2], axis=0),
        jnp.take(move_table, int_ids[..., 3], axis=0),
        jnp.take(move_table, int_ids[..., 4], axis=0),
    ], axis=-1)
    ability = jnp.take(ability_table, int_ids[..., 5], axis=0)
    item = jnp.take(item_table, int_ids[..., 6], axis=0)
    return jnp.concatenate([species, moves, ability, item], axis=-1)

if __name__ == "__main__":
    import jax
    _d = setup_inputs()
    print(jax.jit(kernel)(*tuple(_d.values())))

</pallas_src>

<mosaic_0001>
#map = affine_map<(d0, d1) -> (0, 0)>
#map1 = affine_map<(d0, d1) -> (0, 0, 0)>
module attributes {stable_mosaic.version = 14 : i64} {
  func.func @_embed(%arg0: i32, %arg1: i32, %arg2: memref<1024x128xf32, #tpu.memory_space<hbm>>, %arg3: memref<1024x128xf32, #tpu.memory_space<hbm>>, %arg4: memref<176x128xf32, #tpu.memory_space<hbm>>, %arg5: memref<1024x128xf32, #tpu.memory_space<hbm>>, %arg6: memref<32x10752xi32, #tpu.memory_space<hbm>>, %arg7: memref<12x4096x768xf32, #tpu.memory_space<hbm>>, %arg8: memref<2688xi32, #tpu.memory_space<vmem>>, %arg9: memref<84x128xi32, #tpu.memory_space<vmem>>, %arg10: memref<4x128x128xf32, #tpu.memory_space<vmem>>, %arg11: memref<1x128x128xf32, #tpu.memory_space<vmem>>, %arg12: memref<176x128xf32, #tpu.memory_space<vmem>>, %arg13: memref<4x!tpu.dma_semaphore, #tpu.memory_space<semaphore_mem>>, %arg14: memref<4x!tpu.dma_semaphore, #tpu.memory_space<semaphore_mem>>, %arg15: memref<!tpu.dma_semaphore, #tpu.memory_space<semaphore_mem>>, %arg16: memref<!tpu.dma_semaphore, #tpu.memory_space<semaphore_mem>>, %arg17: memref<1024x128xf32, #tpu.memory_space<vmem_shared>>) attributes {dimension_semantics = [#tpu.dimension_semantics<core_parallel>, #tpu.dimension_semantics<subcore_parallel>], iteration_bounds = array<i64: 2, 16>, scalar_prefetch = 0 : i64, scratch_operands = 10 : i64, tpu.core_type = #tpu.core_type<sc_vector_subcore>, window_params = [{transform_indices = #map}, {transform_indices = #map}, {transform_indices = #map}, {transform_indices = #map}, {transform_indices = #map}, {transform_indices = #map1}]} {
    %mul3A = arith.constant 2 : i32
    %mul3A_0 = arith.muli %arg1, %mul3A : i32
    %add3A = arith.addi %mul3A_0, %arg0 : i32
    %mul3A_1 = arith.constant 128 : i32
    %mul3A_2 = arith.muli %add3A, %mul3A_1 : i32
    %iota3A = tpu.iota {dimensions = array<i32: 0>} : vector<16xi32>
    %mul3A_3 = arith.constant 64 : i32
    %mul3A_4 = arith.muli %arg1, %mul3A_3 : i32
    %run_scoped3A = arith.constant 0 : i32
    "tpu.region"() ({
      %run_scoped3A_133 = tpu.sem_alloc : memref<!tpu.dma_semaphore, #tpu.memory_space<semaphore_mem>>
      %dma_start3A_134 = arith.constant 0 : i32
      %dma_start3A_135 = arith.constant 0 : i32
      %dma_start3A_136 = tpu.memref_slice %arg10[%run_scoped3A, %dma_start3A_134, %dma_start3A_135] : memref<4x128x128xf32, #tpu.memory_space<vmem>> -> memref<1x64x128xf32, #tpu.memory_space<vmem>>
      %dma_start3A_137 = tpu.memref_squeeze %dma_start3A_136 : memref<1x64x128xf32, #tpu.memory_space<vmem>> -> memref<64x128xf32, #tpu.memory_space<vmem>>
      %dma_start3A_138 = arith.constant 0 : i32
      %dma_start3A_139 = tpu.memref_slice %arg3[%mul3A_4, %dma_start3A_138] : memref<1024x128xf32, #tpu.memory_space<hbm>> -> memref<64x128xf32, #tpu.memory_space<hbm>>
      %dma_start3A_140 = arith.constant 0 : i32
      %dma_start3A_141 = arith.constant 0 : i32
      %dma_start3A_142 = tpu.memref_slice %arg10[%run_scoped3A, %dma_start3A_140, %dma_start3A_141] : memref<4x128x128xf32, #tpu.memory_space<vmem>> -> memref<1x64x128xf32, #tpu.memory_space<vmem>>
      %dma_start3A_143 = tpu.memref_squeeze %dma_start3A_142 : memref<1x64x128xf32, #tpu.memory_space<vmem>> -> memref<64x128xf32, #tpu.memory_space<vmem>>
      %dma_start3A_144 = arith.constant 0 : i32
      %dma_start3A_145 = tpu.memref_slice %arg3[%mul3A_4, %dma_start3A_144] : memref<1024x128xf32, #tpu.memory_space<hbm>> -> memref<64x128xf32, #tpu.memory_space<hbm>>
      tpu.enqueue_dma source(%dma_start3A_145 : memref<64x128xf32, #tpu.memory_space<hbm>>) target(%dma_start3A_143 : memref<64x128xf32, #tpu.memory_space<vmem>>) target_semaphore(%run_scoped3A_133 : memref<!tpu.dma_semaphore, #tpu.memory_space<semaphore_mem>>)
      %dma_wait3A_146 = arith.constant 0 : i32
      %dma_wait3A_147 = arith.constant 0 : i32
      %dma_wait3A_148 = tpu.memref_slice %arg10[%run_scoped3A, %dma_wait3A_146, %dma_wait3A_147] : memref<4x128x128xf32, #tpu.memory_space<vmem>> -> memref<1x64x128xf32, #tpu.memory_space<vmem>>
      %dma_wait3A_149 = tpu.memref_squeeze %dma_wait3A_148 : memref<1x64x128xf32, #tpu.memory_space<vmem>> -> memref<64x128xf32, #tpu.memory_space<vmem>>
      %dma_wait3A_150 = arith.constant 0 : i32
      %dma_wait3A_151 = tpu.memref_slice %arg3[%mul3A_4, %dma_wait3A_150] : memref<1024x128xf32, #tpu.memory_space<hbm>> -> memref<64x128xf32, #tpu.memory_space<hbm>>
      %dma_wait3A_152 = arith.constant 0 : i32
      %dma_wait3A_153 = arith.constant 0 : i32
      %dma_wait3A_154 = tpu.memref_slice %arg10[%run_scoped3A, %dma_wait3A_152, %dma_wait3A_153] : memref<4x128x128xf32, #tpu.memory_space<vmem>> -> memref<1x64x128xf32, #tpu.memory_space<vmem>>
      %dma_wait3A_155 = tpu.memref_squeeze %dma_wait3A_154 : memref<1x64x128xf32, #tpu.memory_space<vmem>> -> memref<64x128xf32, #tpu.memory_space<vmem>>
      %dma_wait3A_156 = arith.constant 0 : i32
      %dma_wait3A_157 = tpu.memref_slice %arg3[%mul3A_4, %dma_wait3A_156] : memref<1024x128xf32, #tpu.memory_space<hbm>> -> memref<64x128xf32, #tpu.memory_space<hbm>>
      tpu.wait_dma2 semaphore(%run_scoped3A_133 : memref<!tpu.dma_semaphore, #tpu.memory_space<semaphore_mem>>) src(%dma_wait3A_157 : memref<64x128xf32, #tpu.memory_space<hbm>>) dst(%dma_wait3A_155 : memref<64x128xf32, #tpu.memory_space<vmem>>)
      tpu.yield
    }) : () -> ()
    %mul3A_5 = arith.constant 64 : i32
    %mul3A_6 = arith.muli %arg1, %mul3A_5 : i32
    %run_scoped3A_7 = arith.constant 0 : i32
    "tpu.region"() ({
      %run_scoped3A_133 = tpu.sem_alloc : memref<!tpu.dma_semaphore, #tpu.memory_space<semaphore_mem>>
      %dma_start3A_134 = arith.constant 0 : i32
      %dma_start3A_135 = arith.constant 0 : i32
      %dma_start3A_136 = tpu.memref_slice %arg10[%run_scoped3A_7, %dma_start3A_134, %dma_start3A_135] : memref<4x128x128xf32, #tpu.memory_space<vmem>> -> memref<1x64x128xf32, #tpu.memory_space<vmem>>
      %dma_start3A_137 = tpu.memref_squeeze %dma_start3A_136 : memref<1x64x128xf32, #tpu.memory_space<vmem>> -> memref<64x128xf32, #tpu.memory_space<vmem>>
      %dma_start3A_138 = arith.constant 0 : i32
      %dma_start3A_139 = tpu.memref_slice %arg17[%mul3A_6, %dma_start3A_138] : memref<1024x128xf32, #tpu.memory_space<vmem_shared>> -> memref<64x128xf32, #tpu.memory_space<vmem_shared>>
      %dma_start3A_140 = arith.constant 0 : i32
      %dma_start3A_141 = tpu.memref_slice %arg17[%mul3A_6, %dma_start3A_140] : memref<1024x128xf32, #tpu.memory_space<vmem_shared>> -> memref<64x128xf32, #tpu.memory_space<vmem_shared>>
      %dma_start3A_142 = arith.constant 0 : i32
      %dma_start3A_143 = arith.constant 0 : i32
      %dma_start3A_144 = tpu.memref_slice %arg10[%run_scoped3A_7, %dma_start3A_142, %dma_start3A_143] : memref<4x128x128xf32, #tpu.memory_space<vmem>> -> memref<1x64x128xf32, #tpu.memory_space<vmem>>
      %dma_start3A_145 = tpu.memref_squeeze %dma_start3A_144 : memref<1x64x128xf32, #tpu.memory_space<vmem>> -> memref<64x128xf32, #tpu.memory_space<vmem>>
      tpu.enqueue_dma source(%dma_start3A_145 : memref<64x128xf32, #tpu.memory_space<vmem>>) target(%dma_start3A_141 : memref<64x128xf32, #tpu.memory_space<vmem_shared>>) target_semaphore(%run_scoped3A_133 : memref<!tpu.dma_semaphore, #tpu.memory_space<semaphore_mem>>)
      %dma_wait3A_146 = arith.constant 0 : i32
      %dma_wait3A_147 = arith.constant 0 : i32
      %dma_wait3A_148 = tpu.memref_slice %arg10[%run_scoped3A_7, %dma_wait3A_146, %dma_wait3A_147] : memref<4x128x128xf32, #tpu.memory_space<vmem>> -> memref<1x64x128xf32, #tpu.memory_space<vmem>>
      %dma_wait3A_149 = tpu.memref_squeeze %dma_wait3A_148 : memref<1x64x128xf32, #tpu.memory_space<vmem>> -> memref<64x128xf32, #tpu.memory_space<vmem>>
      %dma_wait3A_150 = arith.constant 0 : i32
      %dma_wait3A_151 = tpu.memref_slice %arg17[%mul3A_6, %dma_wait3A_150] : memref<1024x128xf32, #tpu.memory_space<vmem_shared>> -> memref<64x128xf32, #tpu.memory_space<vmem_shared>>
      %dma_wait3A_152 = arith.constant 0 : i32
      %dma_wait3A_153 = tpu.memref_slice %arg17[%mul3A_6, %dma_wait3A_152] : memref<1024x128xf32, #tpu.memory_space<vmem_shared>> -> memref<64x128xf32, #tpu.memory_space<vmem_shared>>
      %dma_wait3A_154 = arith.constant 0 : i32
      %dma_wait3A_155 = arith.constant 0 : i32
      %dma_wait3A_156 = tpu.memref_slice %arg10[%run_scoped3A_7, %dma_wait3A_154, %dma_wait3A_155] : memref<4x128x128xf32, #tpu.memory_space<vmem>> -> memref<1x64x128xf32, #tpu.memory_space<vmem>>
      %dma_wait3A_157 = tpu.memref_squeeze %dma_wait3A_156 : memref<1x64x128xf32, #tpu.memory_space<vmem>> -> memref<64x128xf32, #tpu.memory_space<vmem>>
      tpu.wait_dma2 semaphore(%run_scoped3A_133 : memref<!tpu.dma_semaphore, #tpu.memory_space<semaphore_mem>>) src(%dma_wait3A_157 : memref<64x128xf32, #tpu.memory_space<vmem>>) dst(%dma_wait3A_153 : memref<64x128xf32, #tpu.memory_space<vmem_shared>>)
      tpu.yield
    }) : () -> ()
    "tpu.region"() ({
      %run_scoped3A_133 = tpu.sem_alloc : memref<!tpu.dma_semaphore, #tpu.memory_space<semaphore_mem>>
      tpu.enqueue_dma source(%arg4 : memref<176x128xf32, #tpu.memory_space<hbm>>) target(%arg12 : memref<176x128xf32, #tpu.memory_space<vmem>>) target_semaphore(%run_scoped3A_133 : memref<!tpu.dma_semaphore, #tpu.memory_space<semaphore_mem>>)
      tpu.wait_dma2 semaphore(%run_scoped3A_133 : memref<!tpu.dma_semaphore, #tpu.memory_space<semaphore_mem>>) src(%arg4 : memref<176x128xf32, #tpu.memory_space<hbm>>) dst(%arg12 : memref<176x128xf32, #tpu.memory_space<vmem>>)
      tpu.yield
    }) : () -> ()
    %scan3A = arith.constant 0 : i32
    %scan3A_8 = arith.constant 4 : i32
    %scan3A_9 = arith.addi %scan3A, %scan3A_8 : i32
    %scan3A_10 = arith.constant 1 : i32
    scf.for %scan3A_133 = %scan3A to %scan3A_9 step %scan3A_10  : i32 {
      %mul3A_134 = arith.constant 1 : i32
      %mul3A_135 = arith.muli %scan3A_133, %mul3A_134 : i32
      %add3A_136 = arith.constant 0 : i32
      %add3A_137 = arith.addi %add3A_136, %mul3A_135 : i32
      %mul3A_138 = arith.constant 2688 : i32
      %mul3A_139 = arith.muli %add3A_137, %mul3A_138 : i32
      %dma_start3A_140 = tpu.memref_slice %arg6[%add3A, %mul3A_139] : memref<32x10752xi32, #tpu.memory_space<hbm>> -> memref<1x2688xi32, #tpu.memory_space<hbm>>
      %dma_start3A_141 = tpu.memref_squeeze %dma_start3A_140 : memref<1x2688xi32, #tpu.memory_space<hbm>> -> memref<2688xi32, #tpu.memory_space<hbm>>
      %dma_start3A_142 = tpu.memref_slice %arg6[%add3A, %mul3A_139] : memref<32x10752xi32, #tpu.memory_space<hbm>> -> memref<1x2688xi32, #tpu.memory_space<hbm>>
      %dma_start3A_143 = tpu.memref_squeeze %dma_start3A_142 : memref<1x2688xi32, #tpu.memory_space<hbm>> -> memref<2688xi32, #tpu.memory_space<hbm>>
      tpu.enqueue_dma source(%dma_start3A_143 : memref<2688xi32, #tpu.memory_space<hbm>>) target(%arg8 : memref<2688xi32, #tpu.memory_space<vmem>>) target_semaphore(%arg16 : memref<!tpu.dma_semaphore, #tpu.memory_space<semaphore_mem>>)
      %dma_wait3A_144 = tpu.memref_slice %arg6[%add3A, %mul3A_139] : memref<32x10752xi32, #tpu.memory_space<hbm>> -> memref<1x2688xi32, #tpu.memory_space<hbm>>
      %dma_wait3A_145 = tpu.memref_squeeze %dma_wait3A_144 : memref<1x2688xi32, #tpu.memory_space<hbm>> -> memref<2688xi32, #tpu.memory_space<hbm>>
      %dma_wait3A_146 = tpu.memref_slice %arg6[%add3A, %mul3A_139] : memref<32x10752xi32, #tpu.memory_space<hbm>> -> memref<1x2688xi32, #tpu.memory_space<hbm>>
      %dma_wait3A_147 = tpu.memref_squeeze %dma_wait3A_146 : memref<1x2688xi32, #tpu.memory_space<hbm>> -> memref<2688xi32, #tpu.memory_space<hbm>>
      tpu.wait_dma2 semaphore(%arg16 : memref<!tpu.dma_semaphore, #tpu.memory_space<semaphore_mem>>) src(%dma_wait3A_147 : memref<2688xi32, #tpu.memory_space<hbm>>) dst(%arg8 : memref<2688xi32, #tpu.memory_space<vmem>>)
      %mul3A_148 = arith.constant 2 : i32
      %mul3A_149 = arith.muli %add3A_137, %mul3A_148 : i32
      %mul3A_150 = arith.constant 16 : i32
      %mul3A_151 = arith.muli %mul3A_149, %mul3A_150 : i32
      %add3A_152 = arith.constant 0 : i32
      %add3A_153 = arith.addi %mul3A_151, %add3A_152 : i32
      %add3A_154 = arith.constant 0 : i32
      %add3A_155 = vector.broadcast %add3A_154 : i32 to vector<16xi32>
      %add3A_156 = arith.addi %add3A_155, %iota3A : vector<16xi32>
      %mul3A_157 = arith.constant 84 : i32
      %mul3A_158 = vector.broadcast %mul3A_157 : i32 to vector<16xi32>
      %mul3A_159 = arith.muli %add3A_156, %mul3A_158 : vector<16xi32>
      %add3A_160 = arith.constant 0 : i32
      %add3A_161 = vector.broadcast %add3A_160 : i32 to vector<16xi32>
      %add3A_162 = arith.addi %mul3A_159, %add3A_161 : vector<16xi32>
      %gather3A = tpu.vector_load_idx %arg8[%add3A_162] : memref<2688xi32, #tpu.memory_space<vmem>>[vector<16xi32>], vector<16xi32>,
      %swap3A = arith.constant 0 : i32
      %swap3A_163 = arith.index_cast %swap3A : i32 to index
      %swap3A_164 = arith.index_cast %add3A_153 : i32 to index
      %swap3A_165 = tpu.vector_load %arg9[%swap3A_163, %swap3A_164] {strides = array<i32>} : memref<84x128xi32, #tpu.memory_space<vmem>>, vector<16xi32>,
      tpu.vector_store %arg9[%swap3A_163, %swap3A_164], %gather3A {strides = array<i32>} : memref<84x128xi32, #tpu.memory_space<vmem>>, vector<16xi32>,
      %add3A_166 = arith.constant 1 : i32
      %add3A_167 = vector.broadcast %add3A_166 : i32 to vector<16xi32>
      %add3A_168 = arith.addi %mul3A_159, %add3A_167 : vector<16xi32>
      %gather3A_169 = tpu.vector_load_idx %arg8[%add3A_168] : memref<2688xi32, #tpu.memory_space<vmem>>[vector<16xi32>], vector<16xi32>,
      %swap3A_170 = arith.constant 1 : i32
      %swap3A_171 = arith.index_cast %swap3A_170 : i32 to index
      %swap3A_172 = arith.index_cast %add3A_153 : i32 to index
      %swap3A_173 = tpu.vector_load %arg9[%swap3A_171, %swap3A_172] {strides = array<i32>} : memref<84x128xi32, #tpu.memory_space<vmem>>, vector<16xi32>,
      tpu.vector_store %arg9[%swap3A_171, %swap3A_172], %gather3A_169 {strides = array<i32>} : memref<84x128xi32, #tpu.memory_space<vmem>>, vector<16xi32>,
      %add3A_174 = arith.constant 2 : i32
      %add3A_175 = vector.broadcast %add3A_174 : i32 to vector<16xi32>
      %add3A_176 = arith.addi %mul3A_159, %add3A_175 : vector<16xi32>
      %gather3A_177 = tpu.vector_load_idx %arg8[%add3A_176] : memref<2688xi32, #tpu.memory_space<vmem>>[vector<16xi32>], vector<16xi32>,
      %swap3A_178 = arith.constant 2 : i32
      %swap3A_179 = arith.index_cast %swap3A_178 : i32 to index
      %swap3A_180 = arith.index_cast %add3A_153 : i32 to index
      %swap3A_181 = tpu.vector_load %arg9[%swap3A_179, %swap3A_180] {strides = array<i32>} : memref<84x128xi32, #tpu.memory_space<vmem>>, vector<16xi32>,
      tpu.vector_store %arg9[%swap3A_179, %swap3A_180], %gather3A_177 {strides = array<i32>} : memref<84x128xi32, #tpu.memory_space<vmem>>, vector<16xi32>,
      %add3A_182 = arith.constant 3 : i32
      %add3A_183 = vector.broadcast %add3A_182 : i32 to vector<16xi32>
      %add3A_184 = arith.addi %mul3A_159, %add3A_183 : vector<16xi32>
      %gather3A_185 = tpu.vector_load_idx %arg8[%add3A_184] : memref<2688xi32, #tpu.memory_space<vmem>>[vector<16xi32>], vector<16xi32>,
      %swap3A_186 = arith.constant 3 : i32
      %swap3A_187 = arith.index_cast %swap3A_186 : i32 to index
      %swap3A_188 = arith.index_cast %add3A_153 : i32 to index
      %swap3A_189 = tpu.vector_load %arg9[%swap3A_187, %swap3A_188] {strides = array<i32>} : memref<84x128xi32, #tpu.memory_space<vmem>>, vector<16xi32>,
      tpu.vector_store %arg9[%swap3A_187, %swap3A_188], %gather3A_185 {strides = array<i32>} : memref<84x128xi32, #tpu.memory_space<vmem>>, vector<16xi32>,
      %add3A_190 = arith.constant 4 : i32
      %add3A_191 = vector.broadcast %add3A_190 : i32 to vector<16xi32>
      %add3A_192 = arith.addi %mul3A_159, %add3A_191 : vector<16xi32>
      %gather3A_193 = tpu.vector_load_idx %arg8[%add3A_192] : memref<2688xi32, #tpu.memory_space<vmem>>[vector<16xi32>], vector<16xi32>,
      %swap3A_194 = arith.constant 4 : i32
      %swap3A_195 = arith.index_cast %swap3A_194 : i32 to index
      %swap3A_196 = arith.index_cast %add3A_153 : i32 to index
      %swap3A_197 = tpu.vector_load %arg9[%swap3A_195, %swap3A_196] {strides = array<i32>} : memref<84x128xi32, #tpu.memory_space<vmem>>, vector<16xi32>,
      tpu.vector_store %arg9[%swap3A_195, %swap3A_196], %gather3A_193 {strides = array<i32>} : memref<84x128xi32, #tpu.memory_space<vmem>>, vector<16xi32>,
      %add3A_198 = arith.constant 5 : i32
      %add3A_199 = vector.broadcast %add3A_198 : i32 to vector<16xi32>
      %add3A_200 = arith.addi %mul3A_159, %add3A_199 : vector<16xi32>
      %gather3A_201 = tpu.vector_load_idx %arg8[%add3A_200] : memref<2688xi32, #tpu.memory_space<vmem>>[vector<16xi32>], vector<16xi32>,
      %swap3A_202 = arith.constant 5 : i32
      %swap3A_203 = arith.index_cast %swap3A_202 : i32 to index
      %swap3A_204 = arith.index_cast %add3A_153 : i32 to index
      %swap3A_205 = tpu.vector_load %arg9[%swap3A_203, %swap3A_204] {strides = array<i32>} : memref<84x128xi32, #tpu.memory_space<vmem>>, vector<16xi32>,
      tpu.vector_store %arg9[%swap3A_203, %swap3A_204], %gather3A_201 {strides = array<i32>} : memref<84x128xi32, #tpu.memory_space<vmem>>, vector<16xi32>,
      %add3A_206 = arith.constant 6 : i32
      %add3A_207 = vector.broadcast %add3A_206 : i32 to vector<16xi32>
      %add3A_208 = arith.addi %mul3A_159, %add3A_207 : vector<16xi32>
      %gather3A_209 = tpu.vector_load_idx %arg8[%add3A_208] : memref<2688xi32, #tpu.memory_space<vmem>>[vector<16xi32>], vector<16xi32>,
      %swap3A_210 = arith.constant 6 : i32
      %swap3A_211 = arith.index_cast %swap3A_210 : i32 to index
      %swap3A_212 = arith.index_cast %add3A_153 : i32 to index
      %swap3A_213 = tpu.vector_load %arg9[%swap3A_211, %swap3A_212] {strides = array<i32>} : memref<84x128xi32, #tpu.memory_space<vmem>>, vector<16xi32>,
      tpu.vector_store %arg9[%swap3A_211, %swap3A_212], %gather3A_209 {strides = array<i32>} : memref<84x128xi32, #tpu.memory_space<vmem>>, vector<16xi32>,
      %add3A_214 = arith.constant 7 : i32
      %add3A_215 = vector.broadcast %add3A_214 : i32 to vector<16xi32>
      %add3A_216 = arith.addi %mul3A_159, %add3A_215 : vector<16xi32>
      %gather3A_217 = tpu.vector_load_idx %arg8[%add3A_216] : memref<2688xi32, #tpu.memory_space<vmem>>[vector<16xi32>], vector<16xi32>,
      %swap3A_218 = arith.constant 7 : i32
      %swap3A_219 = arith.index_cast %swap3A_218 : i32 to index
      %swap3A_220 = arith.index_cast %add3A_153 : i32 to index
      %swap3A_221 = tpu.vector_load %arg9[%swap3A_219, %swap3A_220] {strides = array<i32>} : memref<84x128xi32, #tpu.memory_space<vmem>>, vector<16xi32>,
      tpu.vector_store %arg9[%swap3A_219, %swap3A_220], %gather3A_217 {strides = array<i32>} : memref<84x128xi32, #tpu.memory_space<vmem>>, vector<16xi32>,
      %add3A_222 = arith.constant 8 : i32
      %add3A_223 = vector.broadcast %add3A_222 : i32 to vector<16xi32>
      %add3A_224 = arith.addi %mul3A_159, %add3A_223 : vector<16xi32>
      %gather3A_225 = tpu.vector_load_idx %arg8[%add3A_224] : memref<2688xi32, #tpu.memory_space<vmem>>[vector<16xi32>], vector<16xi32>,
      %swap3A_226 = arith.constant 8 : i32
      %swap3A_227 = arith.index_cast %swap3A_226 : i32 to index
      %swap3A_228 = arith.index_cast %add3A_153 : i32 to index
      %swap3A_229 = tpu.vector_load %arg9[%swap3A_227, %swap3A_228] {strides = array<i32>} : memref<84x128xi32, #tpu.memory_space<vmem>>, vector<16xi32>,
      tpu.vector_store %arg9[%swap3A_227, %swap3A_228], %gather3A_225 {strides = array<i32>} : memref<84x128xi32, #tpu.memory_space<vmem>>, vector<16xi32>,
      %add3A_230 = arith.constant 9 : i32
      %add3A_231 = vector.broadcast %add3A_230 : i32 to vector<16xi32>
      %add3A_232 = arith.addi %mul3A_159, %add3A_231 : vector<16xi32>
      %gather3A_233 = tpu.vector_load_idx %arg8[%add3A_232] : memref<2688xi32, #tpu.memory_space<vmem>>[vector<16xi32>], vector<16xi32>,
      %swap3A_234 = arith.constant 9 : i32
      %swap3A_235 = arith.index_cast %swap3A_234 : i32 to index
      %swap3A_236 = arith.index_cast %add3A_153 : i32 to index
      %swap3A_237 = tpu.vector_load %arg9[%swap3A_235, %swap3A_236] {strides = array<i32>} : memref<84x128xi32, #tpu.memory_space<vmem>>, vector<16xi32>,
      tpu.vector_store %arg9[%swap3A_235, %swap3A_236], %gather3A_233 {strides = array<i32>} : memref<84x128xi32, #tpu.memory_space<vmem>>, vector<16xi32>,
      %add3A_238 = arith.constant 10 : i32
      %add3A_239 = vector.broadcast %add3A_238 : i32 to vector<16xi32>
      %add3A_240 = arith.addi %mul3A_159, %add3A_239 : vector<16xi32>
      %gather3A_241 = tpu.vector_load_idx %arg8[%add3A_240] : memref<2688xi32, #tpu.memory_space<vmem>>[vector<16xi32>], vector<16xi32>,
      %swap3A_242 = arith.constant 10 : i32
      %swap3A_243 = arith.index_cast %swap3A_242 : i32 to index
      %swap3A_244 = arith.index_cast %add3A_153 : i32 to index
      %swap3A_245 = tpu.vector_load %arg9[%swap3A_243, %swap3A_244] {strides = array<i32>} : memref<84x128xi32, #tpu.memory_space<vmem>>, vector<16xi32>,
      tpu.vector_store %arg9[%swap3A_243, %swap3A_244], %gather3A_241 {strides = array<i32>} : memref<84x128xi32, #tpu.memory_space<vmem>>, vector<16xi32>,
      %add3A_246 = arith.constant 11 : i32
      %add3A_247 = vector.broadcast %add3A_246 : i32 to vector<16xi32>
      %add3A_248 = arith.addi %mul3A_159, %add3A_247 : vector<16xi32>
      %gather3A_249 = tpu.vector_load_idx %arg8[%add3A_248] : memref<2688xi32, #tpu.memory_space<vmem>>[vector<16xi32>], vector<16xi32>,
      %swap3A_250 = arith.constant 11 : i32
      %swap3A_251 = arith.index_cast %swap3A_250 : i32 to index
      %swap3A_252 = arith.index_cast %add3A_153 : i32 to index
      %swap3A_253 = tpu.vector_load %arg9[%swap3A_251, %swap3A_252] {strides = array<i32>} : memref<84x128xi32, #tpu.memory_space<vmem>>, vector<16xi32>,
      tpu.vector_store %arg9[%swap3A_251, %swap3A_252], %gather3A_249 {strides = array<i32>} : memref<84x128xi32, #tpu.memory_space<vmem>>, vector<16xi32>,
      %add3A_254 = arith.constant 12 : i32
      %add3A_255 = vector.broadcast %add3A_254 : i32 to vector<16xi32>
      %add3A_256 = arith.addi %mul3A_159, %add3A_255 : vector<16xi32>
      %gather3A_257 = tpu.vector_load_idx %arg8[%add3A_256] : memref<2688xi32, #tpu.memory_space<vmem>>[vector<16xi32>], vector<16xi32>,
      %swap3A_258 = arith.constant 12 : i32
      %swap3A_259 = arith.index_cast %swap3A_258 : i32 to index
      %swap3A_260 = arith.index_cast %add3A_153 : i32 to index
      %swap3A_261 = tpu.vector_load %arg9[%swap3A_259, %swap3A_260] {strides = array<i32>} : memref<84x128xi32, #tpu.memory_space<vmem>>, vector<16xi32>,
      tpu.vector_store %arg9[%swap3A_259, %swap3A_260], %gather3A_257 {strides = array<i32>} : memref<84x128xi32, #tpu.memory_space<vmem>>, vector<16xi32>,
      %add3A_262 = arith.constant 13 : i32
      %add3A_263 = vector.broadcast %add3A_262 : i32 to vector<16xi32>
      %add3A_264 = arith.addi %mul3A_159, %add3A_263 : vector<16xi32>
      %gather3A_265 = tpu.vector_load_idx %arg8[%add3A_264] : memref<2688xi32, #tpu.memory_space<vmem>>[vector<16xi32>], vector<16xi32>,
      %swap3A_266 = arith.constant 13 : i32
      %swap3A_267 = arith.index_cast %swap3A_266 : i32 to index
      %swap3A_268 = arith.index_cast %add3A_153 : i32 to index
      %swap3A_269 = tpu.vector_load %arg9[%swap3A_267, %swap3A_268] {strides = array<i32>} : memref<84x128xi32, #tpu.memory_space<vmem>>, vector<16xi32>,
      tpu.vector_store %arg9[%swap3A_267, %swap3A_268], %gather3A_265 {strides = array<i32>} : memref<84x128xi32, #tpu.memory_space<vmem>>, vector<16xi32>,
      %add3A_270 = arith.constant 14 : i32
      %add3A_271 = vector.broadcast %add3A_270 : i32 to vector<16xi32>
      %add3A_272 = arith.addi %mul3A_159, %add3A_271 : vector<16xi32>
      %gather3A_273 = tpu.vector_load_idx %arg8[%add3A_272] : memref<2688xi32, #tpu.memory_space<vmem>>[vector<16xi32>], vector<16xi32>,
      %swap3A_274 = arith.constant 14 : i32
      %swap3A_275 = arith.index_cast %swap3A_274 : i32 to index
      %swap3A_276 = arith.index_cast %add3A_153 : i32 to index
      %swap3A_277 = tpu.vector_load %arg9[%swap3A_275, %swap3A_276] {strides = array<i32>} : memref<84x128xi32, #tpu.memory_space<vmem>>, vector<16xi32>,
      tpu.vector_store %arg9[%swap3A_275, %swap3A_276], %gather3A_273 {strides = array<i32>} : memref<84x128xi32, #tpu.memory_space<vmem>>, vector<16xi32>,
      %add3A_278 = arith.constant 15 : i32
      %add3A_279 = vector.broadcast %add3A_278 : i32 to vector<16xi32>
      %add3A_280 = arith.addi %mul3A_159, %add3A_279 : vector<16xi32>
      %gather3A_281 = tpu.vector_load_idx %arg8[%add3A_280] : memref<2688xi32, #tpu.memory_space<vmem>>[vector<16xi32>], vector<16xi32>,
      %swap3A_282 = arith.constant 15 : i32
      %swap3A_283 = arith.index_cast %swap3A_282 : i32 to index
      %swap3A_284 = arith.index_cast %add3A_153 : i32 to index
      %swap3A_285 = tpu.vector_load %arg9[%swap3A_283, %swap3A_284] {strides = array<i32>} : memref<84x128xi32, #tpu.memory_space<vmem>>, vector<16xi32>,
      tpu.vector_store %arg9[%swap3A_283, %swap3A_284], %gather3A_281 {strides = array<i32>} : memref<84x128xi32, #tpu.memory_space<vmem>>, vector<16xi32>,
      %add3A_286 = arith.constant 16 : i32
      %add3A_287 = vector.broadcast %add3A_286 : i32 to vector<16xi32>
      %add3A_288 = arith.addi %mul3A_159, %add3A_287 : vector<16xi32>
      %gather3A_289 = tpu.vector_load_idx %arg8[%add3A_288] : memref<2688xi32, #tpu.memory_space<vmem>>[vector<16xi32>], vector<16xi32>,
      %swap3A_290 = arith.constant 16 : i32
      %swap3A_291 = arith.index_cast %swap3A_290 : i32 to index
      %swap3A_292 = arith.index_cast %add3A_153 : i32 to index
      %swap3A_293 = tpu.vector_load %arg9[%swap3A_291, %swap3A_292] {strides = array<i32>} : memref<84x128xi32, #tpu.memory_space<vmem>>, vector<16xi32>,
      tpu.vector_store %arg9[%swap3A_291, %swap3A_292], %gather3A_289 {strides = array<i32>} : memref<84x128xi32, #tpu.memory_space<vmem>>, vector<16xi32>,
      %add3A_294 = arith.constant 17 : i32
      %add3A_295 = vector.broadcast %add3A_294 : i32 to vector<16xi32>
      %add3A_296 = arith.addi %mul3A_159, %add3A_295 : vector<16xi32>
      %gather3A_297 = tpu.vector_load_idx %arg8[%add3A_296] : memref<2688xi32, #tpu.memory_space<vmem>>[vector<16xi32>], vector<16xi32>,
      %swap3A_298 = arith.constant 17 : i32
      %swap3A_299 = arith.index_cast %swap3A_298 : i32 to index
      %swap3A_300 = arith.index_cast %add3A_153 : i32 to index
      %swap3A_301 = tpu.vector_load %arg9[%swap3A_299, %swap3A_300] {strides = array<i32>} : memref<84x128xi32, #tpu.memory_space<vmem>>, vector<16xi32>,
      tpu.vector_store %arg9[%swap3A_299, %swap3A_300], %gather3A_297 {strides = array<i32>} : memref<84x128xi32, #tpu.memory_space<vmem>>, vector<16xi32>,
      %add3A_302 = arith.constant 18 : i32
      %add3A_303 = vector.broadcast %add3A_302 : i32 to vector<16xi32>
      %add3A_304 = arith.addi %mul3A_159, %add3A_303 : vector<16xi32>
      %gather3A_305 = tpu.vector_load_idx %arg8[%add3A_304] : memref<2688xi32, #tpu.memory_space<vmem>>[vector<16xi32>], vector<16xi32>,
      %swap3A_306 = arith.constant 18 : i32
      %swap3A_307 = arith.index_cast %swap3A_306 : i32 to index
      %swap3A_308 = arith.index_cast %add3A_153 : i32 to index
      %swap3A_309 = tpu.vector_load %arg9[%swap3A_307, %swap3A_308] {strides = array<i32>} : memref<84x128xi32, #tpu.memory_space<vmem>>, vector<16xi32>,
      tpu.vector_store %arg9[%swap3A_307, %swap3A_308], %gather3A_305 {strides = array<i32>} : memref<84x128xi32, #tpu.memory_space<vmem>>, vector<16xi32>,
      %add3A_310 = arith.constant 19 : i32
      %add3A_311 = vector.broadcast %add3A_310 : i32 to vector<16xi32>
      %add3A_312 = arith.addi %mul3A_159, %add3A_311 : vector<16xi32>
      %gather3A_313 = tpu.vector_load_idx %arg8[%add3A_312] : memref<2688xi32, #tpu.memory_space<vmem>>[vector<16xi32>], vector<16xi32>,
      %swap3A_314 = arith.constant 19 : i32
      %swap3A_315 = arith.index_cast %swap3A_314 : i32 to index
      %swap3A_316 = arith.index_cast %add3A_153 : i32 to index
      %swap3A_317 = tpu.vector_load %arg9[%swap3A_315, %swap3A_316] {strides = array<i32>} : memref<84x128xi32, #tpu.memory_space<vmem>>, vector<16xi32>,
      tpu.vector_store %arg9[%swap3A_315, %swap3A_316], %gather3A_313 {strides = array<i32>} : memref<84x128xi32, #tpu.memory_space<vmem>>, vector<16xi32>,
      %add3A_318 = arith.constant 20 : i32
      %add3A_319 = vector.broadcast %add3A_318 : i32 to vector<16xi32>
      %add3A_320 = arith.addi %mul3A_159, %add3A_319 : vector<16xi32>
      %gather3A_321 = tpu.vector_load_idx %arg8[%add3A_320] : memref<2688xi32, #tpu.memory_space<vmem>>[vector<16xi32>], vector<16xi32>,
      %swap3A_322 = arith.constant 20 : i32
      %swap3A_323 = arith.index_cast %swap3A_322 : i32 to index
      %swap3A_324 = arith.index_cast %add3A_153 : i32 to index
      %swap3A_325 = tpu.vector_load %arg9[%swap3A_323, %swap3A_324] {strides = array<i32>} : memref<84x128xi32, #tpu.memory_space<vmem>>, vector<16xi32>,
      tpu.vector_store %arg9[%swap3A_323, %swap3A_324], %gather3A_321 {strides = array<i32>} : memref<84x128xi32, #tpu.memory_space<vmem>>, vector<16xi32>,
      %add3A_326 = arith.constant 21 : i32
      %add3A_327 = vector.broadcast %add3A_326 : i32 to vector<16xi32>
      %add3A_328 = arith.addi %mul3A_159, %add3A_327 : vector<16xi32>
      %gather3A_329 = tpu.vector_load_idx %arg8[%add3A_328] : memref<2688xi32, #tpu.memory_space<vmem>>[vector<16xi32>], vector<16xi32>,
      %swap3A_330 = arith.constant 21 : i32
      %swap3A_331 = arith.index_cast %swap3A_330 : i32 to index
      %swap3A_332 = arith.index_cast %add3A_153 : i32 to index
      %swap3A_333 = tpu.vector_load %arg9[%swap3A_331, %swap3A_332] {strides = array<i32>} : memref<84x128xi32, #tpu.memory_space<vmem>>, vector<16xi32>,
      tpu.vector_store %arg9[%swap3A_331, %swap3A_332], %gather3A_329 {strides = array<i32>} : memref<84x128xi32, #tpu.memory_space<vmem>>, vector<16xi32>,
      %add3A_334 = arith.constant 22 : i32
      %add3A_335 = vector.broadcast %add3A_334 : i32 to vector<16xi32>
      %add3A_336 = arith.addi %mul3A_159, %add3A_335 : vector<16xi32>
      %gather3A_337 = tpu.vector_load_idx %arg8[%add3A_336] : memref<2688xi32, #tpu.memory_space<vmem>>[vector<16xi32>], vector<16xi32>,
      %swap3A_338 = arith.constant 22 : i32
      %swap3A_339 = arith.index_cast %swap3A_338 : i32 to index
      %swap3A_340 = arith.index_cast %add3A_153 : i32 to index
      %swap3A_341 = tpu.vector_load %arg9[%swap3A_339, %swap3A_340] {strides = array<i32>} : memref<84x128xi32, #tpu.memory_space<vmem>>, vector<16xi32>,
      tpu.vector_store %arg9[%swap3A_339, %swap3A_340], %gather3A_337 {strides = array<i32>} : memref<84x128xi32, #tpu.memory_space<vmem>>, vector<16xi32>,
      %add3A_342 = arith.constant 23 : i32
      %add3A_343 = vector.broadcast %add3A_342 : i32 to vector<16xi32>
      %add3A_344 = arith.addi %mul3A_159, %add3A_343 : vector<16xi32>
      %gather3A_345 = tpu.vector_load_idx %arg8[%add3A_344] : memref<2688xi32, #tpu.memory_space<vmem>>[vector<16xi32>], vector<16xi32>,
      %swap3A_346 = arith.constant 23 : i32
      %swap3A_347 = arith.index_cast %swap3A_346 : i32 to index
      %swap3A_348 = arith.index_cast %add3A_153 : i32 to index
      %swap3A_349 = tpu.vector_load %arg9[%swap3A_347, %swap3A_348] {strides = array<i32>} : memref<84x128xi32, #tpu.memory_space<vmem>>, vector<16xi32>,
      tpu.vector_store %arg9[%swap3A_347, %swap3A_348], %gather3A_345 {strides = array<i32>} : memref<84x128xi32, #tpu.memory_space<vmem>>, vector<16xi32>,
      %add3A_350 = arith.constant 24 : i32
      %add3A_351 = vector.broadcast %add3A_350 : i32 to vector<16xi32>
      %add3A_352 = arith.addi %mul3A_159, %add3A_351 : vector<16xi32>
      %gather3A_353 = tpu.vector_load_idx %arg8[%add3A_352] : memref<2688xi32, #tpu.memory_space<vmem>>[vector<16xi32>], vector<16xi32>,
      %swap3A_354 = arith.constant 24 : i32
      %swap3A_355 = arith.index_cast %swap3A_354 : i32 to index
      %swap3A_356 = arith.index_cast %add3A_153 : i32 to index
      %swap3A_357 = tpu.vector_load %arg9[%swap3A_355, %swap3A_356] {strides = array<i32>} : memref<84x128xi32, #tpu.memory_space<vmem>>, vector<16xi32>,
      tpu.vector_store %arg9[%swap3A_355, %swap3A_356], %gather3A_353 {strides = array<i32>} : memref<84x128xi32, #tpu.memory_space<vmem>>, vector<16xi32>,
      %add3A_358 = arith.constant 25 : i32
      %add3A_359 = vector.broadcast %add3A_358 : i32 to vector<16xi32>
      %add3A_360 = arith.addi %mul3A_159, %add3A_359 : vector<16xi32>
      %gather3A_361 = tpu.vector_load_idx %arg8[%add3A_360] : memref<2688xi32, #tpu.memory_space<vmem>>[vector<16xi32>], vector<16xi32>,
      %swap3A_362 = arith.constant 25 : i32
      %swap3A_363 = arith.index_cast %swap3A_362 : i32 to index
      %swap3A_364 = arith.index_cast %add3A_153 : i32 to index
      %swap3A_365 = tpu.vector_load %arg9[%swap3A_363, %swap3A_364] {strides = array<i32>} : memref<84x128xi32, #tpu.memory_space<vmem>>, vector<16xi32>,
      tpu.vector_store %arg9[%swap3A_363, %swap3A_364], %gather3A_361 {strides = array<i32>} : memref<84x128xi32, #tpu.memory_space<vmem>>, vector<16xi32>,
      %add3A_366 = arith.constant 26 : i32
      %add3A_367 = vector.broadcast %add3A_366 : i32 to vector<16xi32>
      %add3A_368 = arith.addi %mul3A_159, %add3A_367 : vector<16xi32>
      %gather3A_369 = tpu.vector_load_idx %arg8[%add3A_368] : memref<2688xi32, #tpu.memory_space<vmem>>[vector<16xi32>], vector<16xi32>,
      %swap3A_370 = arith.constant 26 : i32
      %swap3A_371 = arith.index_cast %swap3A_370 : i32 to index
      %swap3A_372 = arith.index_cast %add3A_153 : i32 to index
      %swap3A_373 = tpu.vector_load %arg9[%swap3A_371, %swap3A_372] {strides = array<i32>} : memref<84x128xi32, #tpu.memory_space<vmem>>, vector<16xi32>,
      tpu.vector_store %arg9[%swap3A_371, %swap3A_372], %gather3A_369 {strides = array<i32>} : memref<84x128xi32, #tpu.memory_space<vmem>>, vector<16xi32>,
      %add3A_374 = arith.constant 27 : i32
      %add3A_375 = vector.broadcast %add3A_374 : i32 to vector<16xi32>
      %add3A_376 = arith.addi %mul3A_159, %add3A_375 : vector<16xi32>
      %gather3A_377 = tpu.vector_load_idx %arg8[%add3A_376] : memref<2688xi32, #tpu.memory_space<vmem>>[vector<16xi32>], vector<16xi32>,
      %swap3A_378 = arith.constant 27 : i32
      %swap3A_379 = arith.index_cast %swap3A_378 : i32 to index
      %swap3A_380 = arith.index_cast %add3A_153 : i32 to index
      %swap3A_381 = tpu.vector_load %arg9[%swap3A_379, %swap3A_380] {strides = array<i32>} : memref<84x128xi32, #tpu.memory_space<vmem>>, vector<16xi32>,
      tpu.vector_store %arg9[%swap3A_379, %swap3A_380], %gather3A_377 {strides = array<i32>} : memref<84x128xi32, #tpu.memory_space<vmem>>, vector<16xi32>,
      %add3A_382 = arith.constant 28 : i32
      %add3A_383 = vector.broadcast %add3A_382 : i32 to vector<16xi32>
      %add3A_384 = arith.addi %mul3A_159, %add3A_383 : vector<16xi32>
      %gather3A_385 = tpu.vector_load_idx %arg8[%add3A_384] : memref<2688xi32, #tpu.memory_space<vmem>>[vector<16xi32>], vector<16xi32>,
      %swap3A_386 = arith.constant 28 : i32
      %swap3A_387 = arith.index_cast %swap3A_386 : i32 to index
      %swap3A_388 = arith.index_cast %add3A_153 : i32 to index
      %swap3A_389 = tpu.vector_load %arg9[%swap3A_387, %swap3A_388] {strides = array<i32>} : memref<84x128xi32, #tpu.memory_space<vmem>>, vector<16xi32>,
      tpu.vector_store %arg9[%swap3A_387, %swap3A_388], %gather3A_385 {strides = array<i32>} : memref<84x128xi32, #tpu.memory_space<vmem>>, vector<16xi32>,
      %add3A_390 = arith.constant 29 : i32
      %add3A_391 = vector.broadcast %add3A_390 : i32 to vector<16xi32>
      %add3A_392 = arith.addi %mul3A_159, %add3A_391 : vector<16xi32>
      %gather3A_393 = tpu.vector_load_idx %arg8[%add3A_392] : memref<2688xi32, #tpu.memory_space<vmem>>[vector<16xi32>], vector<16xi32>,
      %swap3A_394 = arith.constant 29 : i32
      %swap3A_395 = arith.index_cast %swap3A_394 : i32 to index
      %swap3A_396 = arith.index_cast %add3A_153 : i32 to index
      %swap3A_397 = tpu.vector_load %arg9[%swap3A_395, %swap3A_396] {strides = array<i32>} : memref<84x128xi32, #tpu.memory_space<vmem>>, vector<16xi32>,
      tpu.vector_store %arg9[%swap3A_395, %swap3A_396], %gather3A_393 {strides = array<i32>} : memref<84x128xi32, #tpu.memory_space<vmem>>, vector<16xi32>,
      %add3A_398 = arith.constant 30 : i32
      %add3A_399 = vector.broadcast %add3A_398 : i32 to vector<16xi32>
      %add3A_400 = arith.addi %mul3A_159, %add3A_399 : vector<16xi32>
      %gather3A_401 = tpu.vector_load_idx %arg8[%add3A_400] : memref<2688xi32, #tpu.memory_space<vmem>>[vector<16xi32>], vector<16xi32>,
      %swap3A_402 = arith.constant 30 : i32
      %swap3A_403 = arith.index_cast %swap3A_402 : i32 to index
      %swap3A_404 = arith.index_cast %add3A_153 : i32 to index
      %swap3A_405 = tpu.vector_load %arg9[%swap3A_403, %swap3A_404] {strides = array<i32>} : memref<84x128xi32, #tpu.memory_space<vmem>>, vector<16xi32>,
      tpu.vector_store %arg9[%swap3A_403, %swap3A_404], %gather3A_401 {strides = array<i32>} : memref<84x128xi32, #tpu.memory_space<vmem>>, vector<16xi32>,
      %add3A_406 = arith.constant 31 : i32
      %add3A_407 = vector.broadcast %add3A_406 : i32 to vector<16xi32>
      %add3A_408 = arith.addi %mul3A_159, %add3A_407 : vector<16xi32>
      %gather3A_409 = tpu.vector_load_idx %arg8[%add3A_408] : memref<2688xi32, #tpu.memory_space<vmem>>[vector<16xi32>], vector<16xi32>,
      %swap3A_410 = arith.constant 31 : i32
      %swap3A_411 = arith.index_cast %swap3A_410 : i32 to index
      %swap3A_412 = arith.index_cast %add3A_153 : i32 to index
      %swap3A_413 = tpu.vector_load %arg9[%swap3A_411, %swap3A_412] {strides = array<i32>} : memref<84x128xi32, #tpu.memory_space<vmem>>, vector<16xi32>,
      tpu.vector_store %arg9[%swap3A_411, %swap3A_412], %gather3A_409 {strides = array<i32>} : memref<84x128xi32, #tpu.memory_space<vmem>>, vector<16xi32>,
      %add3A_414 = arith.constant 32 : i32
      %add3A_415 = vector.broadcast %add3A_414 : i32 to vector<16xi32>
      %add3A_416 = arith.addi %mul3A_159, %add3A_415 : vector<16xi32>
      %gather3A_417 = tpu.vector_load_idx %arg8[%add3A_416] : memref<2688xi32, #tpu.memory_space<vmem>>[vector<16xi32>], vector<16xi32>,
      %swap3A_418 = arith.constant 32 : i32
      %swap3A_419 = arith.index_cast %swap3A_418 : i32 to index
      %swap3A_420 = arith.index_cast %add3A_153 : i32 to index
      %swap3A_421 = tpu.vector_load %arg9[%swap3A_419, %swap3A_420] {strides = array<i32>} : memref<84x128xi32, #tpu.memory_space<vmem>>, vector<16xi32>,
      tpu.vector_store %arg9[%swap3A_419, %swap3A_420], %gather3A_417 {strides = array<i32>} : memref<84x128xi32, #tpu.memory_space<vmem>>, vector<16xi32>,
      %add3A_422 = arith.constant 33 : i32
      %add3A_423 = vector.broadcast %add3A_422 : i32 to vector<16xi32>
      %add3A_424 = arith.addi %mul3A_159, %add3A_423 : vector<16xi32>
      %gather3A_425 = tpu.vector_load_idx %arg8[%add3A_424] : memref<2688xi32, #tpu.memory_space<vmem>>[vector<16xi32>], vector<16xi32>,
      %swap3A_426 = arith.constant 33 : i32
      %swap3A_427 = arith.index_cast %swap3A_426 : i32 to index
      %swap3A_428 = arith.index_cast %add3A_153 : i32 to index
      %swap3A_429 = tpu.vector_load %arg9[%swap3A_427, %swap3A_428] {strides = array<i32>} : memref<84x128xi32, #tpu.memory_space<vmem>>, vector<16xi32>,
      tpu.vector_store %arg9[%swap3A_427, %swap3A_428], %gather3A_425 {strides = array<i32>} : memref<84x128xi32, #tpu.memory_space<vmem>>, vector<16xi32>,
      %add3A_430 = arith.constant 34 : i32
      %add3A_431 = vector.broadcast %add3A_430 : i32 to vector<16xi32>
      %add3A_432 = arith.addi %mul3A_159, %add3A_431 : vector<16xi32>
      %gather3A_433 = tpu.vector_load_idx %arg8[%add3A_432] : memref<2688xi32, #tpu.memory_space<vmem>>[vector<16xi32>], vector<16xi32>,
      %swap3A_434 = arith.constant 34 : i32
      %swap3A_435 = arith.index_cast %swap3A_434 : i32 to index
      %swap3A_436 = arith.index_cast %add3A_153 : i32 to index
      %swap3A_437 = tpu.vector_load %arg9[%swap3A_435, %swap3A_436] {strides = array<i32>} : memref<84x128xi32, #tpu.memory_space<vmem>>, vector<16xi32>,
      tpu.vector_store %arg9[%swap3A_435, %swap3A_436], %gather3A_433 {strides = array<i32>} : memref<84x128xi32, #tpu.memory_space<vmem>>, vector<16xi32>,
      %add3A_438 = arith.constant 35 : i32
      %add3A_439 = vector.broadcast %add3A_438 : i32 to vector<16xi32>
      %add3A_440 = arith.addi %mul3A_159, %add3A_439 : vector<16xi32>
      %gather3A_441 = tpu.vector_load_idx %arg8[%add3A_440] : memref<2688xi32, #tpu.memory_space<vmem>>[vector<16xi32>], vector<16xi32>,
      %swap3A_442 = arith.constant 35 : i32
      %swap3A_443 = arith.index_cast %swap3A_442 : i32 to index
      %swap3A_444 = arith.index_cast %add3A_153 : i32 to index
      %swap3A_445 = tpu.vector_load %arg9[%swap3A_443, %swap3A_444] {strides = array<i32>} : memref<84x128xi32, #tpu.memory_space<vmem>>, vector<16xi32>,
      tpu.vector_store %arg9[%swap3A_443, %swap3A_444], %gather3A_441 {strides = array<i32>} : memref<84x128xi32, #tpu.memory_space<vmem>>, vector<16xi32>,
      %add3A_446 = arith.constant 36 : i32
      %add3A_447 = vector.broadcast %add3A_446 : i32 to vector<16xi32>
      %add3A_448 = arith.addi %mul3A_159, %add3A_447 : vector<16xi32>
      %gather3A_449 = tpu.vector_load_idx %arg8[%add3A_448] : memref<2688xi32, #tpu.memory_space<vmem>>[vector<16xi32>], vector<16xi32>,
      %swap3A_450 = arith.constant 36 : i32
      %swap3A_451 = arith.index_cast %swap3A_450 : i32 to index
      %swap3A_452 = arith.index_cast %add3A_153 : i32 to index
      %swap3A_453 = tpu.vector_load %arg9[%swap3A_451, %swap3A_452] {strides = array<i32>} : memref<84x128xi32, #tpu.memory_space<vmem>>, vector<16xi32>,
      tpu.vector_store %arg9[%swap3A_451, %swap3A_452], %gather3A_449 {strides = array<i32>} : memref<84x128xi32, #tpu.memory_space<vmem>>, vector<16xi32>,
      %add3A_454 = arith.constant 37 : i32
      %add3A_455 = vector.broadcast %add3A_454 : i32 to vector<16xi32>
      %add3A_456 = arith.addi %mul3A_159, %add3A_455 : vector<16xi32>
      %gather3A_457 = tpu.vector_load_idx %arg8[%add3A_456] : memref<2688xi32, #tpu.memory_space<vmem>>[vector<16xi32>], vector<16xi32>,
      %swap3A_458 = arith.constant 37 : i32
      %swap3A_459 = arith.index_cast %swap3A_458 : i32 to index
      %swap3A_460 = arith.index_cast %add3A_153 : i32 to index
      %swap3A_461 = tpu.vector_load %arg9[%swap3A_459, %swap3A_460] {strides = array<i32>} : memref<84x128xi32, #tpu.memory_space<vmem>>, vector<16xi32>,
      tpu.vector_store %arg9[%swap3A_459, %swap3A_460], %gather3A_457 {strides = array<i32>} : memref<84x128xi32, #tpu.memory_space<vmem>>, vector<16xi32>,
      %add3A_462 = arith.constant 38 : i32
      %add3A_463 = vector.broadcast %add3A_462 : i32 to vector<16xi32>
      %add3A_464 = arith.addi %mul3A_159, %add3A_463 : vector<16xi32>
      %gather3A_465 = tpu.vector_load_idx %arg8[%add3A_464] : memref<2688xi32, #tpu.memory_space<vmem>>[vector<16xi32>], vector<16xi32>,
      %swap3A_466 = arith.constant 38 : i32
      %swap3A_467 = arith.index_cast %swap3A_466 : i32 to index
      %swap3A_468 = arith.index_cast %add3A_153 : i32 to index
      %swap3A_469 = tpu.vector_load %arg9[%swap3A_467, %swap3A_468] {strides = array<i32>} : memref<84x128xi32, #tpu.memory_space<vmem>>, vector<16xi32>,
      tpu.vector_store %arg9[%swap3A_467, %swap3A_468], %gather3A_465 {strides = array<i32>} : memref<84x128xi32, #tpu.memory_space<vmem>>, vector<16xi32>,
      %add3A_470 = arith.constant 39 : i32
      %add3A_471 = vector.broadcast %add3A_470 : i32 to vector<16xi32>
      %add3A_472 = arith.addi %mul3A_159, %add3A_471 : vector<16xi32>
      %gather3A_473 = tpu.vector_load_idx %arg8[%add3A_472] : memref<2688xi32, #tpu.memory_space<vmem>>[vector<16xi32>], vector<16xi32>,
      %swap3A_474 = arith.constant 39 : i32
      %swap3A_475 = arith.index_cast %swap3A_474 : i32 to index
      %swap3A_476 = arith.index_cast %add3A_153 : i32 to index
      %swap3A_477 = tpu.vector_load %arg9[%swap3A_475, %swap3A_476] {strides = array<i32>} : memref<84x128xi32, #tpu.memory_space<vmem>>, vector<16xi32>,
      tpu.vector_store %arg9[%swap3A_475, %swap3A_476], %gather3A_473 {strides = array<i32>} : memref<84x128xi32, #tpu.memory_space<vmem>>, vector<16xi32>,
      %add3A_478 = arith.constant 40 : i32
      %add3A_479 = vector.broadcast %add3A_478 : i32 to vector<16xi32>
      %add3A_480 = arith.addi %mul3A_159, %add3A_479 : vector<16xi32>
      %gather3A_481 = tpu.vector_load_idx %arg8[%add3A_480] : memref<2688xi32, #tpu.memory_space<vmem>>[vector<16xi32>], vector<16xi32>,
      %swap3A_482 = arith.constant 40 : i32
      %swap3A_483 = arith.index_cast %swap3A_482 : i32 to index
      %swap3A_484 = arith.index_cast %add3A_153 : i32 to index
      %swap3A_485 = tpu.vector_load %arg9[%swap3A_483, %swap3A_484] {strides = array<i32>} : memref<84x128xi32, #tpu.memory_space<vmem>>, vector<16xi32>,
      tpu.vector_store %arg9[%swap3A_483, %swap3A_484], %gather3A_481 {strides = array<i32>} : memref<84x128xi32, #tpu.memory_space<vmem>>, vector<16xi32>,
      %add3A_486 = arith.constant 41 : i32
      %add3A_487 = vector.broadcast %add3A_486 : i32 to vector<16xi32>
      %add3A_488 = arith.addi %mul3A_159, %add3A_487 : vector<16xi32>
      %gather3A_489 = tpu.vector_load_idx %arg8[%add3A_488] : memref<2688xi32, #tpu.memory_space<vmem>>[vector<16xi32>], vector<16xi32>,
      %swap3A_490 = arith.constant 41 : i32
      %swap3A_491 = arith.index_cast %swap3A_490 : i32 to index
      %swap3A_492 = arith.index_cast %add3A_153 : i32 to index
      %swap3A_493 = tpu.vector_load %arg9[%swap3A_491, %swap3A_492] {strides = array<i32>} : memref<84x128xi32, #tpu.memory_space<vmem>>, vector<16xi32>,
      tpu.vector_store %arg9[%swap3A_491, %swap3A_492], %gather3A_489 {strides = array<i32>} : memref<84x128xi32, #tpu.memory_space<vmem>>, vector<16xi32>,
      %add3A_494 = arith.constant 42 : i32
      %add3A_495 = vector.broadcast %add3A_494 : i32 to vector<16xi32>
      %add3A_496 = arith.addi %mul3A_159, %add3A_495 : vector<16xi32>
      %gather3A_497 = tpu.vector_load_idx %arg8[%add3A_496] : memref<2688xi32, #tpu.memory_space<vmem>>[vector<16xi32>], vector<16xi32>,
      %swap3A_498 = arith.constant 42 : i32
      %swap3A_499 = arith.index_cast %swap3A_498 : i32 to index
      %swap3A_500 = arith.index_cast %add3A_153 : i32 to index
      %swap3A_501 = tpu.vector_load %arg9[%swap3A_499, %swap3A_500] {strides = array<i32>} : memref<84x128xi32, #tpu.memory_space<vmem>>, vector<16xi32>,
      tpu.vector_store %arg9[%swap3A_499, %swap3A_500], %gather3A_497 {strides = array<i32>} : memref<84x128xi32, #tpu.memory_space<vmem>>, vector<16xi32>,
      %add3A_502 = arith.constant 43 : i32
      %add3A_503 = vector.broadcast %add3A_502 : i32 to vector<16xi32>
      %add3A_504 = arith.addi %mul3A_159, %add3A_503 : vector<16xi32>
      %gather3A_505 = tpu.vector_load_idx %arg8[%add3A_504] : memref<2688xi32, #tpu.memory_space<vmem>>[vector<16xi32>], vector<16xi32>,
      %swap3A_506 = arith.constant 43 : i32
      %swap3A_507 = arith.index_cast %swap3A_506 : i32 to index
      %swap3A_508 = arith.index_cast %add3A_153 : i32 to index
      %swap3A_509 = tpu.vector_load %arg9[%swap3A_507, %swap3A_508] {strides = array<i32>} : memref<84x128xi32, #tpu.memory_space<vmem>>, vector<16xi32>,
      tpu.vector_store %arg9[%swap3A_507, %swap3A_508], %gather3A_505 {strides = array<i32>} : memref<84x128xi32, #tpu.memory_space<vmem>>, vector<16xi32>,
      %add3A_510 = arith.constant 44 : i32
      %add3A_511 = vector.broadcast %add3A_510 : i32 to vector<16xi32>
      %add3A_512 = arith.addi %mul3A_159, %add3A_511 : vector<16xi32>
      %gather3A_513 = tpu.vector_load_idx %arg8[%add3A_512] : memref<2688xi32, #tpu.memory_space<vmem>>[vector<16xi32>], vector<16xi32>,
      %swap3A_514 = arith.constant 44 : i32
      %swap3A_515 = arith.index_cast %swap3A_514 : i32 to index
      %swap3A_516 = arith.index_cast %add3A_153 : i32 to index
      %swap3A_517 = tpu.vector_load %arg9[%swap3A_515, %swap3A_516] {strides = array<i32>} : memref<84x128xi32, #tpu.memory_space<vmem>>, vector<16xi32>,
      tpu.vector_store %arg9[%swap3A_515, %swap3A_516], %gather3A_513 {strides = array<i32>} : memref<84x128xi32, #tpu.memory_space<vmem>>, vector<16xi32>,
      %add3A_518 = arith.constant 45 : i32
      %add3A_519 = vector.broadcast %add3A_518 : i32 to vector<16xi32>
      %add3A_520 = arith.addi %mul3A_159, %add3A_519 : vector<16xi32>
      %gather3A_521 = tpu.vector_load_idx %arg8[%add3A_520] : memref<2688xi32, #tpu.memory_space<vmem>>[vector<16xi32>], vector<16xi32>,
      %swap3A_522 = arith.constant 45 : i32
      %swap3A_523 = arith.index_cast %swap3A_522 : i32 to index
      %swap3A_524 = arith.index_cast %add3A_153 : i32 to index
      %swap3A_525 = tpu.vector_load %arg9[%swap3A_523, %swap3A_524] {strides = array<i32>} : memref<84x128xi32, #tpu.memory_space<vmem>>, vector<16xi32>,
      tpu.vector_store %arg9[%swap3A_523, %swap3A_524], %gather3A_521 {strides = array<i32>} : memref<84x128xi32, #tpu.memory_space<vmem>>, vector<16xi32>,
      %add3A_526 = arith.constant 46 : i32
      %add3A_527 = vector.broadcast %add3A_526 : i32 to vector<16xi32>
      %add3A_528 = arith.addi %mul3A_159, %add3A_527 : vector<16xi32>
      %gather3A_529 = tpu.vector_load_idx %arg8[%add3A_528] : memref<2688xi32, #tpu.memory_space<vmem>>[vector<16xi32>], vector<16xi32>,
      %swap3A_530 = arith.constant 46 : i32
      %swap3A_531 = arith.index_cast %swap3A_530 : i32 to index
      %swap3A_532 = arith.index_cast %add3A_153 : i32 to index
      %swap3A_533 = tpu.vector_load %arg9[%swap3A_531, %swap3A_532] {strides = array<i32>} : memref<84x128xi32, #tpu.memory_space<vmem>>, vector<16xi32>,
      tpu.vector_store %arg9[%swap3A_531, %swap3A_532], %gather3A_529 {strides = array<i32>} : memref<84x128xi32, #tpu.memory_space<vmem>>, vector<16xi32>,
      %add3A_534 = arith.constant 47 : i32
      %add3A_535 = vector.broadcast %add3A_534 : i32 to vector<16xi32>
      %add3A_536 = arith.addi %mul3A_159, %add3A_535 : vector<16xi32>
      %gather3A_537 = tpu.vector_load_idx %arg8[%add3A_536] : memref<2688xi32, #tpu.memory_space<vmem>>[vector<16xi32>], vector<16xi32>,
      %swap3A_538 = arith.constant 47 : i32
      %swap3A_539 = arith.index_cast %swap3A_538 : i32 to index
      %swap3A_540 = arith.index_cast %add3A_153 : i32 to index
      %swap3A_541 = tpu.vector_load %arg9[%swap3A_539, %swap3A_540] {strides = array<i32>} : memref<84x128xi32, #tpu.memory_space<vmem>>, vector<16xi32>,
      tpu.vector_store %arg9[%swap3A_539, %swap3A_540], %gather3A_537 {strides = array<i32>} : memref<84x128xi32, #tpu.memory_space<vmem>>, vector<16xi32>,
      %add3A_542 = arith.constant 48 : i32
      %add3A_543 = vector.broadcast %add3A_542 : i32 to vector<16xi32>
      %add3A_544 = arith.addi %mul3A_159, %add3A_543 : vector<16xi32>
      %gather3A_545 = tpu.vector_load_idx %arg8[%add3A_544] : memref<2688xi32, #tpu.memory_space<vmem>>[vector<16xi32>], vector<16xi32>,
      %swap3A_546 = arith.constant 48 : i32
      %swap3A_547 = arith.index_cast %swap3A_546 : i32 to index
      %swap3A_548 = arith.index_cast %add3A_153 : i32 to index
      %swap3A_549 = tpu.vector_load %arg9[%swap3A_547, %swap3A_548] {strides = array<i32>} : memref<84x128xi32, #tpu.memory_space<vmem>>, vector<16xi32>,
      tpu.vector_store %arg9[%swap3A_547, %swap3A_548], %gather3A_545 {strides = array<i32>} : memref<84x128xi32, #tpu.memory_space<vmem>>, vector<16xi32>,
      %add3A_550 = arith.constant 49 : i32
      %add3A_551 = vector.broadcast %add3A_550 : i32 to vector<16xi32>
      %add3A_552 = arith.addi %mul3A_159, %add3A_551 : vector<16xi32>
      %gather3A_553 = tpu.vector_load_idx %arg8[%add3A_552] : memref<2688xi32, #tpu.memory_space<vmem>>[vector<16xi32>], vector<16xi32>,
      %swap3A_554 = arith.constant 49 : i32
      %swap3A_555 = arith.index_cast %swap3A_554 : i32 to index
      %swap3A_556 = arith.index_cast %add3A_153 : i32 to index
      %swap3A_557 = tpu.vector_load %arg9[%swap3A_555, %swap3A_556] {strides = array<i32>} : memref<84x128xi32, #tpu.memory_space<vmem>>, vector<16xi32>,
      tpu.vector_store %arg9[%swap3A_555, %swap3A_556], %gather3A_553 {strides = array<i32>} : memref<84x128xi32, #tpu.memory_space<vmem>>, vector<16xi32>,
      %add3A_558 = arith.constant 50 : i32
      %add3A_559 = vector.broadcast %add3A_558 : i32 to vector<16xi32>
      %add3A_560 = arith.addi %mul3A_159, %add3A_559 : vector<16xi32>
      %gather3A_561 = tpu.vector_load_idx %arg8[%add3A_560] : memref<2688xi32, #tpu.memory_space<vmem>>[vector<16xi32>], vector<16xi32>,
      %swap3A_562 = arith.constant 50 : i32
      %swap3A_563 = arith.index_cast %swap3A_562 : i32 to index
      %swap3A_564 = arith.index_cast %add3A_153 : i32 to index
      %swap3A_565 = tpu.vector_load %arg9[%swap3A_563, %swap3A_564] {strides = array<i32>} : memref<84x128xi32, #tpu.memory_space<vmem>>, vector<16xi32>,
      tpu.vector_store %arg9[%swap3A_563, %swap3A_564], %gather3A_561 {strides = array<i32>} : memref<84x128xi32, #tpu.memory_space<vmem>>, vector<16xi32>,
      %add3A_566 = arith.constant 51 : i32
      %add3A_567 = vector.broadcast %add3A_566 : i32 to vector<16xi32>
      %add3A_568 = arith.addi %mul3A_159, %add3A_567 : vector<16xi32>
      %gather3A_569 = tpu.vector_load_idx %arg8[%add3A_568] : memref<2688xi32, #tpu.memory_space<vmem>>[vector<16xi32>], vector<16xi32>,
      %swap3A_570 = arith.constant 51 : i32
      %swap3A_571 = arith.index_cast %swap3A_570 : i32 to index
      %swap3A_572 = arith.index_cast %add3A_153 : i32 to index
      %swap3A_573 = tpu.vector_load %arg9[%swap3A_571, %swap3A_572] {strides = array<i32>} : memref<84x128xi32, #tpu.memory_space<vmem>>, vector<16xi32>,
      tpu.vector_store %arg9[%swap3A_571, %swap3A_572], %gather3A_569 {strides = array<i32>} : memref<84x128xi32, #tpu.memory_space<vmem>>, vector<16xi32>,
      %add3A_574 = arith.constant 52 : i32
      %add3A_575 = vector.broadcast %add3A_574 : i32 to vector<16xi32>
      %add3A_576 = arith.addi %mul3A_159, %add3A_575 : vector<16xi32>
      %gather3A_577 = tpu.vector_load_idx %arg8[%add3A_576] : memref<2688xi32, #tpu.memory_space<vmem>>[vector<16xi32>], vector<16xi32>,
      %swap3A_578 = arith.constant 52 : i32
      %swap3A_579 = arith.index_cast %swap3A_578 : i32 to index
      %swap3A_580 = arith.index_cast %add3A_153 : i32 to index
      %swap3A_581 = tpu.vector_load %arg9[%swap3A_579, %swap3A_580] {strides = array<i32>} : memref<84x128xi32, #tpu.memory_space<vmem>>, vector<16xi32>,
      tpu.vector_store %arg9[%swap3A_579, %swap3A_580], %gather3A_577 {strides = array<i32>} : memref<84x128xi32, #tpu.memory_space<vmem>>, vector<16xi32>,
      %add3A_582 = arith.constant 53 : i32
      %add3A_583 = vector.broadcast %add3A_582 : i32 to vector<16xi32>
      %add3A_584 = arith.addi %mul3A_159, %add3A_583 : vector<16xi32>
      %gather3A_585 = tpu.vector_load_idx %arg8[%add3A_584] : memref<2688xi32, #tpu.memory_space<vmem>>[vector<16xi32>], vector<16xi32>,
      %swap3A_586 = arith.constant 53 : i32
      %swap3A_587 = arith.index_cast %swap3A_586 : i32 to index
      %swap3A_588 = arith.index_cast %add3A_153 : i32 to index
      %swap3A_589 = tpu.vector_load %arg9[%swap3A_587, %swap3A_588] {strides = array<i32>} : memref<84x128xi32, #tpu.memory_space<vmem>>, vector<16xi32>,
      tpu.vector_store %arg9[%swap3A_587, %swap3A_588], %gather3A_585 {strides = array<i32>} : memref<84x128xi32, #tpu.memory_space<vmem>>, vector<16xi32>,
      %add3A_590 = arith.constant 54 : i32
      %add3A_591 = vector.broadcast %add3A_590 : i32 to vector<16xi32>
      %add3A_592 = arith.addi %mul3A_159, %add3A_591 : vector<16xi32>
      %gather3A_593 = tpu.vector_load_idx %arg8[%add3A_592] : memref<2688xi32, #tpu.memory_space<vmem>>[vector<16xi32>], vector<16xi32>,
      %swap3A_594 = arith.constant 54 : i32
      %swap3A_595 = arith.index_cast %swap3A_594 : i32 to index
      %swap3A_596 = arith.index_cast %add3A_153 : i32 to index
      %swap3A_597 = tpu.vector_load %arg9[%swap3A_595, %swap3A_596] {strides = array<i32>} : memref<84x128xi32, #tpu.memory_space<vmem>>, vector<16xi32>,
      tpu.vector_store %arg9[%swap3A_595, %swap3A_596], %gather3A_593 {strides = array<i32>} : memref<84x128xi32, #tpu.memory_space<vmem>>, vector<16xi32>,
      %add3A_598 = arith.constant 55 : i32
      %add3A_599 = vector.broadcast %add3A_598 : i32 to vector<16xi32>
      %add3A_600 = arith.addi %mul3A_159, %add3A_599 : vector<16xi32>
      %gather3A_601 = tpu.vector_load_idx %arg8[%add3A_600] : memref<2688xi32, #tpu.memory_space<vmem>>[vector<16xi32>], vector<16xi32>,
      %swap3A_602 = arith.constant 55 : i32
      %swap3A_603 = arith.index_cast %swap3A_602 : i32 to index
      %swap3A_604 = arith.index_cast %add3A_153 : i32 to index
      %swap3A_605 = tpu.vector_load %arg9[%swap3A_603, %swap3A_604] {strides = array<i32>} : memref<84x128xi32, #tpu.memory_space<vmem>>, vector<16xi32>,
      tpu.vector_store %arg9[%swap3A_603, %swap3A_604], %gather3A_601 {strides = array<i32>} : memref<84x128xi32, #tpu.memory_space<vmem>>, vector<16xi32>,
      %add3A_606 = arith.constant 56 : i32
      %add3A_607 = vector.broadcast %add3A_606 : i32 to vector<16xi32>
      %add3A_608 = arith.addi %mul3A_159, %add3A_607 : vector<16xi32>
      %gather3A_609 = tpu.vector_load_idx %arg8[%add3A_608] : memref<2688xi32, #tpu.memory_space<vmem>>[vector<16xi32>], vector<16xi32>,
      %swap3A_610 = arith.constant 56 : i32
      %swap3A_611 = arith.index_cast %swap3A_610 : i32 to index
      %swap3A_612 = arith.index_cast %add3A_153 : i32 to index
      %swap3A_613 = tpu.vector_load %arg9[%swap3A_611, %swap3A_612] {strides = array<i32>} : memref<84x128xi32, #tpu.memory_space<vmem>>, vector<16xi32>,
      tpu.vector_store %arg9[%swap3A_611, %swap3A_612], %gather3A_609 {strides = array<i32>} : memref<84x128xi32, #tpu.memory_space<vmem>>, vector<16xi32>,
      %add3A_614 = arith.constant 57 : i32
      %add3A_615 = vector.broadcast %add3A_614 : i32 to vector<16xi32>
      %add3A_616 = arith.addi %mul3A_159, %add3A_615 : vector<16xi32>
      %gather3A_617 = tpu.vector_load_idx %arg8[%add3A_616] : memref<2688xi32, #tpu.memory_space<vmem>>[vector<16xi32>], vector<16xi32>,
      %swap3A_618 = arith.constant 57 : i32
      %swap3A_619 = arith.index_cast %swap3A_618 : i32 to index
      %swap3A_620 = arith.index_cast %add3A_153 : i32 to index
      %swap3A_621 = tpu.vector_load %arg9[%swap3A_619, %swap3A_620] {strides = array<i32>} : memref<84x128xi32, #tpu.memory_space<vmem>>, vector<16xi32>,
      tpu.vector_store %arg9[%swap3A_619, %swap3A_620], %gather3A_617 {strides = array<i32>} : memref<84x128xi32, #tpu.memory_space<vmem>>, vector<16xi32>,
      %add3A_622 = arith.constant 58 : i32
      %add3A_623 = vector.broadcast %add3A_622 : i32 to vector<16xi32>
      %add3A_624 = arith.addi %mul3A_159, %add3A_623 : vector<16xi32>
      %gather3A_625 = tpu.vector_load_idx %arg8[%add3A_624] : memref<2688xi32, #tpu.memory_space<vmem>>[vector<16xi32>], vector<16xi32>,
      %swap3A_626 = arith.constant 58 : i32
      %swap3A_627 = arith.index_cast %swap3A_626 : i32 to index
      %swap3A_628 = arith.index_cast %add3A_153 : i32 to index
      %swap3A_629 = tpu.vector_load %arg9[%swap3A_627, %swap3A_628] {strides = array<i32>} : memref<84x128xi32, #tpu.memory_space<vmem>>, vector<16xi32>,
      tpu.vector_store %arg9[%swap3A_627, %swap3A_628], %gather3A_625 {strides = array<i32>} : memref<84x128xi32, #tpu.memory_space<vmem>>, vector<16xi32>,
      %add3A_630 = arith.constant 59 : i32
      %add3A_631 = vector.broadcast %add3A_630 : i32 to vector<16xi32>
      %add3A_632 = arith.addi %mul3A_159, %add3A_631 : vector<16xi32>
      %gather3A_633 = tpu.vector_load_idx %arg8[%add3A_632] : memref<2688xi32, #tpu.memory_space<vmem>>[vector<16xi32>], vector<16xi32>,
      %swap3A_634 = arith.constant 59 : i32
      %swap3A_635 = arith.index_cast %swap3A_634 : i32 to index
      %swap3A_636 = arith.index_cast %add3A_153 : i32 to index
      %swap3A_637 = tpu.vector_load %arg9[%swap3A_635, %swap3A_636] {strides = array<i32>} : memref<84x128xi32, #tpu.memory_space<vmem>>, vector<16xi32>,
      tpu.vector_store %arg9[%swap3A_635, %swap3A_636], %gather3A_633 {strides = array<i32>} : memref<84x128xi32, #tpu.memory_space<vmem>>, vector<16xi32>,
      %add3A_638 = arith.constant 60 : i32
      %add3A_639 = vector.broadcast %add3A_638 : i32 to vector<16xi32>
      %add3A_640 = arith.addi %mul3A_159, %add3A_639 : vector<16xi32>
      %gather3A_641 = tpu.vector_load_idx %arg8[%add3A_640] : memref<2688xi32, #tpu.memory_space<vmem>>[vector<16xi32>], vector<16xi32>,
      %swap3A_642 = arith.constant 60 : i32
      %swap3A_643 = arith.index_cast %swap3A_642 : i32 to index
      %swap3A_644 = arith.index_cast %add3A_153 : i32 to index
      %swap3A_645 = tpu.vector_load %arg9[%swap3A_643, %swap3A_644] {strides = array<i32>} : memref<84x128xi32, #tpu.memory_space<vmem>>, vector<16xi32>,
      tpu.vector_store %arg9[%swap3A_643, %swap3A_644], %gather3A_641 {strides = array<i32>} : memref<84x128xi32, #tpu.memory_space<vmem>>, vector<16xi32>,
      %add3A_646 = arith.constant 61 : i32
      %add3A_647 = vector.broadcast %add3A_646 : i32 to vector<16xi32>
      %add3A_648 = arith.addi %mul3A_159, %add3A_647 : vector<16xi32>
      %gather3A_649 = tpu.vector_load_idx %arg8[%add3A_648] : memref<2688xi32, #tpu.memory_space<vmem>>[vector<16xi32>], vector<16xi32>,
      %swap3A_650 = arith.constant 61 : i32
      %swap3A_651 = arith.index_cast %swap3A_650 : i32 to index
      %swap3A_652 = arith.index_cast %add3A_153 : i32 to index
      %swap3A_653 = tpu.vector_load %arg9[%swap3A_651, %swap3A_652] {strides = array<i32>} : memref<84x128xi32, #tpu.memory_space<vmem>>, vector<16xi32>,
      tpu.vector_store %arg9[%swap3A_651, %swap3A_652], %gather3A_649 {strides = array<i32>} : memref<84x128xi32, #tpu.memory_space<vmem>>, vector<16xi32>,
      %add3A_654 = arith.constant 62 : i32
      %add3A_655 = vector.broadcast %add3A_654 : i32 to vector<16xi32>
      %add3A_656 = arith.addi %mul3A_159, %add3A_655 : vector<16xi32>
      %gather3A_657 = tpu.vector_load_idx %arg8[%add3A_656] : memref<2688xi32, #tpu.memory_space<vmem>>[vector<16xi32>], vector<16xi32>,
      %swap3A_658 = arith.constant 62 : i32
      %swap3A_659 = arith.index_cast %swap3A_658 : i32 to index
      %swap3A_660 = arith.index_cast %add3A_153 : i32 to index
      %swap3A_661 = tpu.vector_load %arg9[%swap3A_659, %swap3A_660] {strides = array<i32>} : memref<84x128xi32, #tpu.memory_space<vmem>>, vector<16xi32>,
      tpu.vector_store %arg9[%swap3A_659, %swap3A_660], %gather3A_657 {strides = array<i32>} : memref<84x128xi32, #tpu.memory_space<vmem>>, vector<16xi32>,
      %add3A_662 = arith.constant 63 : i32
      %add3A_663 = vector.broadcast %add3A_662 : i32 to vector<16xi32>
      %add3A_664 = arith.addi %mul3A_159, %add3A_663 : vector<16xi32>
      %gather3A_665 = tpu.vector_load_idx %arg8[%add3A_664] : memref<2688xi32, #tpu.memory_space<vmem>>[vector<16xi32>], vector<16xi32>,
      %swap3A_666 = arith.constant 63 : i32
      %swap3A_667 = arith.index_cast %swap3A_666 : i32 to index
      %swap3A_668 = arith.index_cast %add3A_153 : i32 to index
      %swap3A_669 = tpu.vector_load %arg9[%swap3A_667, %swap3A_668] {strides = array<i32>} : memref<84x128xi32, #tpu.memory_space<vmem>>, vector<16xi32>,
      tpu.vector_store %arg9[%swap3A_667, %swap3A_668], %gather3A_665 {strides = array<i32>} : memref<84x128xi32, #tpu.memory_space<vmem>>, vector<16xi32>,
      %add3A_670 = arith.constant 64 : i32
      %add3A_671 = vector.broadcast %add3A_670 : i32 to vector<16xi32>
      %add3A_672 = arith.addi %mul3A_159, %add3A_671 : vector<16xi32>
      %gather3A_673 = tpu.vector_load_idx %arg8[%add3A_672] : memref<2688xi32, #tpu.memory_space<vmem>>[vector<16xi32>], vector<16xi32>,
      %swap3A_674 = arith.constant 64 : i32
      %swap3A_675 = arith.index_cast %swap3A_674 : i32 to index
      %swap3A_676 = arith.index_cast %add3A_153 : i32 to index
      %swap3A_677 = tpu.vector_load %arg9[%swap3A_675, %swap3A_676] {strides = array<i32>} : memref<84x128xi32, #tpu.memory_space<vmem>>, vector<16xi32>,
      tpu.vector_store %arg9[%swap3A_675, %swap3A_676], %gather3A_673 {strides = array<i32>} : memref<84x128xi32, #tpu.memory_space<vmem>>, vector<16xi32>,
      %add3A_678 = arith.constant 65 : i32
      %add3A_679 = vector.broadcast %add3A_678 : i32 to vector<16xi32>
      %add3A_680 = arith.addi %mul3A_159, %add3A_679 : vector<16xi32>
      %gather3A_681 = tpu.vector_load_idx %arg8[%add3A_680] : memref<2688xi32, #tpu.memory_space<vmem>>[vector<16xi32>], vector<16xi32>,
      %swap3A_682 = arith.constant 65 : i32
      %swap3A_683 = arith.index_cast %swap3A_682 : i32 to index
      %swap3A_684 = arith.index_cast %add3A_153 : i32 to index
      %swap3A_685 = tpu.vector_load %arg9[%swap3A_683, %swap3A_684] {strides = array<i32>} : memref<84x128xi32, #tpu.memory_space<vmem>>, vector<16xi32>,
      tpu.vector_store %arg9[%swap3A_683, %swap3A_684], %gather3A_681 {strides = array<i32>} : memref<84x128xi32, #tpu.memory_space<vmem>>, vector<16xi32>,
      %add3A_686 = arith.constant 66 : i32
      %add3A_687 = vector.broadcast %add3A_686 : i32 to vector<16xi32>
      %add3A_688 = arith.addi %mul3A_159, %add3A_687 : vector<16xi32>
      %gather3A_689 = tpu.vector_load_idx %arg8[%add3A_688] : memref<2688xi32, #tpu.memory_space<vmem>>[vector<16xi32>], vector<16xi32>,
      %swap3A_690 = arith.constant 66 : i32
      %swap3A_691 = arith.index_cast %swap3A_690 : i32 to index
      %swap3A_692 = arith.index_cast %add3A_153 : i32 to index
      %swap3A_693 = tpu.vector_load %arg9[%swap3A_691, %swap3A_692] {strides = array<i32>} : memref<84x128xi32, #tpu.memory_space<vmem>>, vector<16xi32>,
      tpu.vector_store %arg9[%swap3A_691, %swap3A_692], %gather3A_689 {strides = array<i32>} : memref<84x128xi32, #tpu.memory_space<vmem>>, vector<16xi32>,
      %add3A_694 = arith.constant 67 : i32
      %add3A_695 = vector.broadcast %add3A_694 : i32 to vector<16xi32>
      %add3A_696 = arith.addi %mul3A_159, %add3A_695 : vector<16xi32>
      %gather3A_697 = tpu.vector_load_idx %arg8[%add3A_696] : memref<2688xi32, #tpu.memory_space<vmem>>[vector<16xi32>], vector<16xi32>,
      %swap3A_698 = arith.constant 67 : i32
      %swap3A_699 = arith.index_cast %swap3A_698 : i32 to index
      %swap3A_700 = arith.index_cast %add3A_153 : i32 to index
      %swap3A_701 = tpu.vector_load %arg9[%swap3A_699, %swap3A_700] {strides = array<i32>} : memref<84x128xi32, #tpu.memory_space<vmem>>, vector<16xi32>,
      tpu.vector_store %arg9[%swap3A_699, %swap3A_700], %gather3A_697 {strides = array<i32>} : memref<84x128xi32, #tpu.memory_space<vmem>>, vector<16xi32>,
      %add3A_702 = arith.constant 68 : i32
      %add3A_703 = vector.broadcast %add3A_702 : i32 to vector<16xi32>
      %add3A_704 = arith.addi %mul3A_159, %add3A_703 : vector<16xi32>
      %gather3A_705 = tpu.vector_load_idx %arg8[%add3A_704] : memref<2688xi32, #tpu.memory_space<vmem>>[vector<16xi32>], vector<16xi32>,
      %swap3A_706 = arith.constant 68 : i32
      %swap3A_707 = arith.index_cast %swap3A_706 : i32 to index
      %swap3A_708 = arith.index_cast %add3A_153 : i32 to index
      %swap3A_709 = tpu.vector_load %arg9[%swap3A_707, %swap3A_708] {strides = array<i32>} : memref<84x128xi32, #tpu.memory_space<vmem>>, vector<16xi32>,
      tpu.vector_store %arg9[%swap3A_707, %swap3A_708], %gather3A_705 {strides = array<i32>} : memref<84x128xi32, #tpu.memory_space<vmem>>, vector<16xi32>,
      %add3A_710 = arith.constant 69 : i32
      %add3A_711 = vector.broadcast %add3A_710 : i32 to vector<16xi32>
      %add3A_712 = arith.addi %mul3A_159, %add3A_711 : vector<16xi32>
      %gather3A_713 = tpu.vector_load_idx %arg8[%add3A_712] : memref<2688xi32, #tpu.memory_space<vmem>>[vector<16xi32>], vector<16xi32>,
      %swap3A_714 = arith.constant 69 : i32
      %swap3A_715 = arith.index_cast %swap3A_714 : i32 to index
      %swap3A_716 = arith.index_cast %add3A_153 : i32 to index
      %swap3A_717 = tpu.vector_load %arg9[%swap3A_715, %swap3A_716] {strides = array<i32>} : memref<84x128xi32, #tpu.memory_space<vmem>>, vector<16xi32>,
      tpu.vector_store %arg9[%swap3A_715, %swap3A_716], %gather3A_713 {strides = array<i32>} : memref<84x128xi32, #tpu.memory_space<vmem>>, vector<16xi32>,
      %add3A_718 = arith.constant 70 : i32
      %add3A_719 = vector.broadcast %add3A_718 : i32 to vector<16xi32>
      %add3A_720 = arith.addi %mul3A_159, %add3A_719 : vector<16xi32>
      %gather3A_721 = tpu.vector_load_idx %arg8[%add3A_720] : memref<2688xi32, #tpu.memory_space<vmem>>[vector<16xi32>], vector<16xi32>,
      %swap3A_722 = arith.constant 70 : i32
      %swap3A_723 = arith.index_cast %swap3A_722 : i32 to index
      %swap3A_724 = arith.index_cast %add3A_153 : i32 to index
      %swap3A_725 = tpu.vector_load %arg9[%swap3A_723, %swap3A_724] {strides = array<i32>} : memref<84x128xi32, #tpu.memory_space<vmem>>, vector<16xi32>,
      tpu.vector_store %arg9[%swap3A_723, %swap3A_724], %gather3A_721 {strides = array<i32>} : memref<84x128xi32, #tpu.memory_space<vmem>>, vector<16xi32>,
      %add3A_726 = arith.constant 71 : i32
      %add3A_727 = vector.broadcast %add3A_726 : i32 to vector<16xi32>
      %add3A_728 = arith.addi %mul3A_159, %add3A_727 : vector<16xi32>
      %gather3A_729 = tpu.vector_load_idx %arg8[%add3A_728] : memref<2688xi32, #tpu.memory_space<vmem>>[vector<16xi32>], vector<16xi32>,
      %swap3A_730 = arith.constant 71 : i32
      %swap3A_731 = arith.index_cast %swap3A_730 : i32 to index
      %swap3A_732 = arith.index_cast %add3A_153 : i32 to index
      %swap3A_733 = tpu.vector_load %arg9[%swap3A_731, %swap3A_732] {strides = array<i32>} : memref<84x128xi32, #tpu.memory_space<vmem>>, vector<16xi32>,
      tpu.vector_store %arg9[%swap3A_731, %swap3A_732], %gather3A_729 {strides = array<i32>} : memref<84x128xi32, #tpu.memory_space<vmem>>, vector<16xi32>,
      %add3A_734 = arith.constant 72 : i32
      %add3A_735 = vector.broadcast %add3A_734 : i32 to vector<16xi32>
      %add3A_736 = arith.addi %mul3A_159, %add3A_735 : vector<16xi32>
      %gather3A_737 = tpu.vector_load_idx %arg8[%add3A_736] : memref<2688xi32, #tpu.memory_space<vmem>>[vector<16xi32>], vector<16xi32>,
      %swap3A_738 = arith.constant 72 : i32
      %swap3A_739 = arith.index_cast %swap3A_738 : i32 to index
      %swap3A_740 = arith.index_cast %add3A_153 : i32 to index
      %swap3A_741 = tpu.vector_load %arg9[%swap3A_739, %swap3A_740] {strides = array<i32>} : memref<84x128xi32, #tpu.memory_space<vmem>>, vector<16xi32>,
      tpu.vector_store %arg9[%swap3A_739, %swap3A_740], %gather3A_737 {strides = array<i32>} : memref<84x128xi32, #tpu.memory_space<vmem>>, vector<16xi32>,
      %add3A_742 = arith.constant 73 : i32
      %add3A_743 = vector.broadcast %add3A_742 : i32 to vector<16xi32>
      %add3A_744 = arith.addi %mul3A_159, %add3A_743 : vector<16xi32>
      %gather3A_745 = tpu.vector_load_idx %arg8[%add3A_744] : memref<2688xi32, #tpu.memory_space<vmem>>[vector<16xi32>], vector<16xi32>,
      %swap3A_746 = arith.constant 73 : i32
      %swap3A_747 = arith.index_cast %swap3A_746 : i32 to index
      %swap3A_748 = arith.index_cast %add3A_153 : i32 to index
      %swap3A_749 = tpu.vector_load %arg9[%swap3A_747, %swap3A_748] {strides = array<i32>} : memref<84x128xi32, #tpu.memory_space<vmem>>, vector<16xi32>,
      tpu.vector_store %arg9[%swap3A_747, %swap3A_748], %gather3A_745 {strides = array<i32>} : memref<84x128xi32, #tpu.memory_space<vmem>>, vector<16xi32>,
      %add3A_750 = arith.constant 74 : i32
      %add3A_751 = vector.broadcast %add3A_750 : i32 to vector<16xi32>
      %add3A_752 = arith.addi %mul3A_159, %add3A_751 : vector<16xi32>
      %gather3A_753 = tpu.vector_load_idx %arg8[%add3A_752] : memref<2688xi32, #tpu.memory_space<vmem>>[vector<16xi32>], vector<16xi32>,
      %swap3A_754 = arith.constant 74 : i32
      %swap3A_755 = arith.index_cast %swap3A_754 : i32 to index
      %swap3A_756 = arith.index_cast %add3A_153 : i32 to index
      %swap3A_757 = tpu.vector_load %arg9[%swap3A_755, %swap3A_756] {strides = array<i32>} : memref<84x128xi32, #tpu.memory_space<vmem>>, vector<16xi32>,
      tpu.vector_store %arg9[%swap3A_755, %swap3A_756], %gather3A_753 {strides = array<i32>} : memref<84x128xi32, #tpu.memory_space<vmem>>, vector<16xi32>,
      %add3A_758 = arith.constant 75 : i32
      %add3A_759 = vector.broadcast %add3A_758 : i32 to vector<16xi32>
      %add3A_760 = arith.addi %mul3A_159, %add3A_759 : vector<16xi32>
      %gather3A_761 = tpu.vector_load_idx %arg8[%add3A_760] : memref<2688xi32, #tpu.memory_space<vmem>>[vector<16xi32>], vector<16xi32>,
      %swap3A_762 = arith.constant 75 : i32
      %swap3A_763 = arith.index_cast %swap3A_762 : i32 to index
      %swap3A_764 = arith.index_cast %add3A_153 : i32 to index
      %swap3A_765 = tpu.vector_load %arg9[%swap3A_763, %swap3A_764] {strides = array<i32>} : memref<84x128xi32, #tpu.memory_space<vmem>>, vector<16xi32>,
      tpu.vector_store %arg9[%swap3A_763, %swap3A_764], %gather3A_761 {strides = array<i32>} : memref<84x128xi32, #tpu.memory_space<vmem>>, vector<16xi32>,
      %add3A_766 = arith.constant 76 : i32
      %add3A_767 = vector.broadcast %add3A_766 : i32 to vector<16xi32>
      %add3A_768 = arith.addi %mul3A_159, %add3A_767 : vector<16xi32>
      %gather3A_769 = tpu.vector_load_idx %arg8[%add3A_768] : memref<2688xi32, #tpu.memory_space<vmem>>[vector<16xi32>], vector<16xi32>,
      %swap3A_770 = arith.constant 76 : i32
      %swap3A_771 = arith.index_cast %swap3A_770 : i32 to index
      %swap3A_772 = arith.index_cast %add3A_153 : i32 to index
      %swap3A_773 = tpu.vector_load %arg9[%swap3A_771, %swap3A_772] {strides = array<i32>} : memref<84x128xi32, #tpu.memory_space<vmem>>, vector<16xi32>,
      tpu.vector_store %arg9[%swap3A_771, %swap3A_772], %gather3A_769 {strides = array<i32>} : memref<84x128xi32, #tpu.memory_space<vmem>>, vector<16xi32>,
      %add3A_774 = arith.constant 77 : i32
      %add3A_775 = vector.broadcast %add3A_774 : i32 to vector<16xi32>
      %add3A_776 = arith.addi %mul3A_159, %add3A_775 : vector<16xi32>
      %gather3A_777 = tpu.vector_load_idx %arg8[%add3A_776] : memref<2688xi32, #tpu.memory_space<vmem>>[vector<16xi32>], vector<16xi32>,
      %swap3A_778 = arith.constant 77 : i32
      %swap3A_779 = arith.index_cast %swap3A_778 : i32 to index
      %swap3A_780 = arith.index_cast %add3A_153 : i32 to index
      %swap3A_781 = tpu.vector_load %arg9[%swap3A_779, %swap3A_780] {strides = array<i32>} : memref<84x128xi32, #tpu.memory_space<vmem>>, vector<16xi32>,
      tpu.vector_store %arg9[%swap3A_779, %swap3A_780], %gather3A_777 {strides = array<i32>} : memref<84x128xi32, #tpu.memory_space<vmem>>, vector<16xi32>,
      %add3A_782 = arith.constant 78 : i32
      %add3A_783 = vector.broadcast %add3A_782 : i32 to vector<16xi32>
      %add3A_784 = arith.addi %mul3A_159, %add3A_783 : vector<16xi32>
      %gather3A_785 = tpu.vector_load_idx %arg8[%add3A_784] : memref<2688xi32, #tpu.memory_space<vmem>>[vector<16xi32>], vector<16xi32>,
      %swap3A_786 = arith.constant 78 : i32
      %swap3A_787 = arith.index_cast %swap3A_786 : i32 to index
      %swap3A_788 = arith.index_cast %add3A_153 : i32 to index
      %swap3A_789 = tpu.vector_load %arg9[%swap3A_787, %swap3A_788] {strides = array<i32>} : memref<84x128xi32, #tpu.memory_space<vmem>>, vector<16xi32>,
      tpu.vector_store %arg9[%swap3A_787, %swap3A_788], %gather3A_785 {strides = array<i32>} : memref<84x128xi32, #tpu.memory_space<vmem>>, vector<16xi32>,
      %add3A_790 = arith.constant 79 : i32
      %add3A_791 = vector.broadcast %add3A_790 : i32 to vector<16xi32>
      %add3A_792 = arith.addi %mul3A_159, %add3A_791 : vector<16xi32>
      %gather3A_793 = tpu.vector_load_idx %arg8[%add3A_792] : memref<2688xi32, #tpu.memory_space<vmem>>[vector<16xi32>], vector<16xi32>,
      %swap3A_794 = arith.constant 79 : i32
      %swap3A_795 = arith.index_cast %swap3A_794 : i32 to index
      %swap3A_796 = arith.index_cast %add3A_153 : i32 to index
      %swap3A_797 = tpu.vector_load %arg9[%swap3A_795, %swap3A_796] {strides = array<i32>} : memref<84x128xi32, #tpu.memory_space<vmem>>, vector<16xi32>,
      tpu.vector_store %arg9[%swap3A_795, %swap3A_796], %gather3A_793 {strides = array<i32>} : memref<84x128xi32, #tpu.memory_space<vmem>>, vector<16xi32>,
      %add3A_798 = arith.constant 80 : i32
      %add3A_799 = vector.broadcast %add3A_798 : i32 to vector<16xi32>
      %add3A_800 = arith.addi %mul3A_159, %add3A_799 : vector<16xi32>
      %gather3A_801 = tpu.vector_load_idx %arg8[%add3A_800] : memref<2688xi32, #tpu.memory_space<vmem>>[vector<16xi32>], vector<16xi32>,
      %swap3A_802 = arith.constant 80 : i32
      %swap3A_803 = arith.index_cast %swap3A_802 : i32 to index
      %swap3A_804 = arith.index_cast %add3A_153 : i32 to index
      %swap3A_805 = tpu.vector_load %arg9[%swap3A_803, %swap3A_804] {strides = array<i32>} : memref<84x128xi32, #tpu.memory_space<vmem>>, vector<16xi32>,
      tpu.vector_store %arg9[%swap3A_803, %swap3A_804], %gather3A_801 {strides = array<i32>} : memref<84x128xi32, #tpu.memory_space<vmem>>, vector<16xi32>,
      %add3A_806 = arith.constant 81 : i32
      %add3A_807 = vector.broadcast %add3A_806 : i32 to vector<16xi32>
      %add3A_808 = arith.addi %mul3A_159, %add3A_807 : vector<16xi32>
      %gather3A_809 = tpu.vector_load_idx %arg8[%add3A_808] : memref<2688xi32, #tpu.memory_space<vmem>>[vector<16xi32>], vector<16xi32>,
      %swap3A_810 = arith.constant 81 : i32
      %swap3A_811 = arith.index_cast %swap3A_810 : i32 to index
      %swap3A_812 = arith.index_cast %add3A_153 : i32 to index
      %swap3A_813 = tpu.vector_load %arg9[%swap3A_811, %swap3A_812] {strides = array<i32>} : memref<84x128xi32, #tpu.memory_space<vmem>>, vector<16xi32>,
      tpu.vector_store %arg9[%swap3A_811, %swap3A_812], %gather3A_809 {strides = array<i32>} : memref<84x128xi32, #tpu.memory_space<vmem>>, vector<16xi32>,
      %add3A_814 = arith.constant 82 : i32
      %add3A_815 = vector.broadcast %add3A_814 : i32 to vector<16xi32>
      %add3A_816 = arith.addi %mul3A_159, %add3A_815 : vector<16xi32>
      %gather3A_817 = tpu.vector_load_idx %arg8[%add3A_816] : memref<2688xi32, #tpu.memory_space<vmem>>[vector<16xi32>], vector<16xi32>,
      %swap3A_818 = arith.constant 82 : i32
      %swap3A_819 = arith.index_cast %swap3A_818 : i32 to index
      %swap3A_820 = arith.index_cast %add3A_153 : i32 to index
      %swap3A_821 = tpu.vector_load %arg9[%swap3A_819, %swap3A_820] {strides = array<i32>} : memref<84x128xi32, #tpu.memory_space<vmem>>, vector<16xi32>,
      tpu.vector_store %arg9[%swap3A_819, %swap3A_820], %gather3A_817 {strides = array<i32>} : memref<84x128xi32, #tpu.memory_space<vmem>>, vector<16xi32>,
      %add3A_822 = arith.constant 83 : i32
      %add3A_823 = vector.broadcast %add3A_822 : i32 to vector<16xi32>
      %add3A_824 = arith.addi %mul3A_159, %add3A_823 : vector<16xi32>
      %gather3A_825 = tpu.vector_load_idx %arg8[%add3A_824] : memref<2688xi32, #tpu.memory_space<vmem>>[vector<16xi32>], vector<16xi32>,
      %swap3A_826 = arith.constant 83 : i32
      %swap3A_827 = arith.index_cast %swap3A_826 : i32 to index
      %swap3A_828 = arith.index_cast %add3A_153 : i32 to index
      %swap3A_829 = tpu.vector_load %arg9[%swap3A_827, %swap3A_828] {strides = array<i32>} : memref<84x128xi32, #tpu.memory_space<vmem>>, vector<16xi32>,
      tpu.vector_store %arg9[%swap3A_827, %swap3A_828], %gather3A_825 {strides = array<i32>} : memref<84x128xi32, #tpu.memory_space<vmem>>, vector<16xi32>,
      %mul3A_830 = arith.constant 2 : i32
      %mul3A_831 = arith.muli %add3A_137, %mul3A_830 : i32
      %mul3A_832 = arith.constant 16 : i32
      %mul3A_833 = arith.muli %mul3A_831, %mul3A_832 : i32
      %add3A_834 = arith.constant 16 : i32
      %add3A_835 = arith.addi %mul3A_833, %add3A_834 : i32
      %add3A_836 = arith.constant 16 : i32
      %add3A_837 = vector.broadcast %add3A_836 : i32 to vector<16xi32>
      %add3A_838 = arith.addi %add3A_837, %iota3A : vector<16xi32>
      %mul3A_839 = arith.constant 84 : i32
      %mul3A_840 = vector.broadcast %mul3A_839 : i32 to vector<16xi32>
      %mul3A_841 = arith.muli %add3A_838, %mul3A_840 : vector<16xi32>
      %add3A_842 = arith.constant 0 : i32
      %add3A_843 = vector.broadcast %add3A_842 : i32 to vector<16xi32>
      %add3A_844 = arith.addi %mul3A_841, %add3A_843 : vector<16xi32>
      %gather3A_845 = tpu.vector_load_idx %arg8[%add3A_844] : memref<2688xi32, #tpu.memory_space<vmem>>[vector<16xi32>], vector<16xi32>,
      %swap3A_846 = arith.constant 0 : i32
      %swap3A_847 = arith.index_cast %swap3A_846 : i32 to index
      %swap3A_848 = arith.index_cast %add3A_835 : i32 to index
      %swap3A_849 = tpu.vector_load %arg9[%swap3A_847, %swap3A_848] {strides = array<i32>} : memref<84x128xi32, #tpu.memory_space<vmem>>, vector<16xi32>,
      tpu.vector_store %arg9[%swap3A_847, %swap3A_848], %gather3A_845 {strides = array<i32>} : memref<84x128xi32, #tpu.memory_space<vmem>>, vector<16xi32>,
      %add3A_850 = arith.constant 1 : i32
      %add3A_851 = vector.broadcast %add3A_850 : i32 to vector<16xi32>
      %add3A_852 = arith.addi %mul3A_841, %add3A_851 : vector<16xi32>
      %gather3A_853 = tpu.vector_load_idx %arg8[%add3A_852] : memref<2688xi32, #tpu.memory_space<vmem>>[vector<16xi32>], vector<16xi32>,
      %swap3A_854 = arith.constant 1 : i32
      %swap3A_855 = arith.index_cast %swap3A_854 : i32 to index
      %swap3A_856 = arith.index_cast %add3A_835 : i32 to index
      %swap3A_857 = tpu.vector_load %arg9[%swap3A_855, %swap3A_856] {strides = array<i32>} : memref<84x128xi32, #tpu.memory_space<vmem>>, vector<16xi32>,
      tpu.vector_store %arg9[%swap3A_855, %swap3A_856], %gather3A_853 {strides = array<i32>} : memref<84x128xi32, #tpu.memory_space<vmem>>, vector<16xi32>,
      %add3A_858 = arith.constant 2 : i32
      %add3A_859 = vector.broadcast %add3A_858 : i32 to vector<16xi32>
      %add3A_860 = arith.addi %mul3A_841, %add3A_859 : vector<16xi32>
      %gather3A_861 = tpu.vector_load_idx %arg8[%add3A_860] : memref<2688xi32, #tpu.memory_space<vmem>>[vector<16xi32>], vector<16xi32>,
      %swap3A_862 = arith.constant 2 : i32
      %swap3A_863 = arith.index_cast %swap3A_862 : i32 to index
      %swap3A_864 = arith.index_cast %add3A_835 : i32 to index
      %swap3A_865 = tpu.vector_load %arg9[%swap3A_863, %swap3A_864] {strides = array<i32>} : memref<84x128xi32, #tpu.memory_space<vmem>>, vector<16xi32>,
      tpu.vector_store %arg9[%swap3A_863, %swap3A_864], %gather3A_861 {strides = array<i32>} : memref<84x128xi32, #tpu.memory_space<vmem>>, vector<16xi32>,
      %add3A_866 = arith.constant 3 : i32
      %add3A_867 = vector.broadcast %add3A_866 : i32 to vector<16xi32>
      %add3A_868 = arith.addi %mul3A_841, %add3A_867 : vector<16xi32>
      %gather3A_869 = tpu.vector_load_idx %arg8[%add3A_868] : memref<2688xi32, #tpu.memory_space<vmem>>[vector<16xi32>], vector<16xi32>,
      %swap3A_870 = arith.constant 3 : i32
      %swap3A_871 = arith.index_cast %swap3A_870 : i32 to index
      %swap3A_872 = arith.index_cast %add3A_835 : i32 to index
      %swap3A_873 = tpu.vector_load %arg9[%swap3A_871, %swap3A_872] {strides = array<i32>} : memref<84x128xi32, #tpu.memory_space<vmem>>, vector<16xi32>,
      tpu.vector_store %arg9[%swap3A_871, %swap3A_872], %gather3A_869 {strides = array<i32>} : memref<84x128xi32, #tpu.memory_space<vmem>>, vector<16xi32>,
      %add3A_874 = arith.constant 4 : i32
      %add3A_875 = vector.broadcast %add3A_874 : i32 to vector<16xi32>
      %add3A_876 = arith.addi %mul3A_841, %add3A_875 : vector<16xi32>
      %gather3A_877 = tpu.vector_load_idx %arg8[%add3A_876] : memref<2688xi32, #tpu.memory_space<vmem>>[vector<16xi32>], vector<16xi32>,
      %swap3A_878 = arith.constant 4 : i32
      %swap3A_879 = arith.index_cast %swap3A_878 : i32 to index
      %swap3A_880 = arith.index_cast %add3A_835 : i32 to index
      %swap3A_881 = tpu.vector_load %arg9[%swap3A_879, %swap3A_880] {strides = array<i32>} : memref<84x128xi32, #tpu.memory_space<vmem>>, vector<16xi32>,
      tpu.vector_store %arg9[%swap3A_879, %swap3A_880], %gather3A_877 {strides = array<i32>} : memref<84x128xi32, #tpu.memory_space<vmem>>, vector<16xi32>,
      %add3A_882 = arith.constant 5 : i32
      %add3A_883 = vector.broadcast %add3A_882 : i32 to vector<16xi32>
      %add3A_884 = arith.addi %mul3A_841, %add3A_883 : vector<16xi32>
      %gather3A_885 = tpu.vector_load_idx %arg8[%add3A_884] : memref<2688xi32, #tpu.memory_space<vmem>>[vector<16xi32>], vector<16xi32>,
      %swap3A_886 = arith.constant 5 : i32
      %swap3A_887 = arith.index_cast %swap3A_886 : i32 to index
      %swap3A_888 = arith.index_cast %add3A_835 : i32 to index
      %swap3A_889 = tpu.vector_load %arg9[%swap3A_887, %swap3A_888] {strides = array<i32>} : memref<84x128xi32, #tpu.memory_space<vmem>>, vector<16xi32>,
      tpu.vector_store %arg9[%swap3A_887, %swap3A_888], %gather3A_885 {strides = array<i32>} : memref<84x128xi32, #tpu.memory_space<vmem>>, vector<16xi32>,
      %add3A_890 = arith.constant 6 : i32
      %add3A_891 = vector.broadcast %add3A_890 : i32 to vector<16xi32>
      %add3A_892 = arith.addi %mul3A_841, %add3A_891 : vector<16xi32>
      %gather3A_893 = tpu.vector_load_idx %arg8[%add3A_892] : memref<2688xi32, #tpu.memory_space<vmem>>[vector<16xi32>], vector<16xi32>,
      %swap3A_894 = arith.constant 6 : i32
      %swap3A_895 = arith.index_cast %swap3A_894 : i32 to index
      %swap3A_896 = arith.index_cast %add3A_835 : i32 to index
      %swap3A_897 = tpu.vector_load %arg9[%swap3A_895, %swap3A_896] {strides = array<i32>} : memref<84x128xi32, #tpu.memory_space<vmem>>, vector<16xi32>,
      tpu.vector_store %arg9[%swap3A_895, %swap3A_896], %gather3A_893 {strides = array<i32>} : memref<84x128xi32, #tpu.memory_space<vmem>>, vector<16xi32>,
      %add3A_898 = arith.constant 7 : i32
      %add3A_899 = vector.broadcast %add3A_898 : i32 to vector<16xi32>
      %add3A_900 = arith.addi %mul3A_841, %add3A_899 : vector<16xi32>
      %gather3A_901 = tpu.vector_load_idx %arg8[%add3A_900] : memref<2688xi32, #tpu.memory_space<vmem>>[vector<16xi32>], vector<16xi32>,
      %swap3A_902 = arith.constant 7 : i32
      %swap3A_903 = arith.index_cast %swap3A_902 : i32 to index
      %swap3A_904 = arith.index_cast %add3A_835 : i32 to index
      %swap3A_905 = tpu.vector_load %arg9[%swap3A_903, %swap3A_904] {strides = array<i32>} : memref<84x128xi32, #tpu.memory_space<vmem>>, vector<16xi32>,
      tpu.vector_store %arg9[%swap3A_903, %swap3A_904], %gather3A_901 {strides = array<i32>} : memref<84x128xi32, #tpu.memory_space<vmem>>, vector<16xi32>,
      %add3A_906 = arith.constant 8 : i32
      %add3A_907 = vector.broadcast %add3A_906 : i32 to vector<16xi32>
      %add3A_908 = arith.addi %mul3A_841, %add3A_907 : vector<16xi32>
      %gather3A_909 = tpu.vector_load_idx %arg8[%add3A_908] : memref<2688xi32, #tpu.memory_space<vmem>>[vector<16xi32>], vector<16xi32>,
      %swap3A_910 = arith.constant 8 : i32
      %swap3A_911 = arith.index_cast %swap3A_910 : i32 to index
      %swap3A_912 = arith.index_cast %add3A_835 : i32 to index
      %swap3A_913 = tpu.vector_load %arg9[%swap3A_911, %swap3A_912] {strides = array<i32>} : memref<84x128xi32, #tpu.memory_space<vmem>>, vector<16xi32>,
      tpu.vector_store %arg9[%swap3A_911, %swap3A_912], %gather3A_909 {strides = array<i32>} : memref<84x128xi32, #tpu.memory_space<vmem>>, vector<16xi32>,
      %add3A_914 = arith.constant 9 : i32
      %add3A_915 = vector.broadcast %add3A_914 : i32 to vector<16xi32>
      %add3A_916 = arith.addi %mul3A_841, %add3A_915 : vector<16xi32>
      %gather3A_917 = tpu.vector_load_idx %arg8[%add3A_916] : memref<2688xi32, #tpu.memory_space<vmem>>[vector<16xi32>], vector<16xi32>,
      %swap3A_918 = arith.constant 9 : i32
      %swap3A_919 = arith.index_cast %swap3A_918 : i32 to index
      %swap3A_920 = arith.index_cast %add3A_835 : i32 to index
      %swap3A_921 = tpu.vector_load %arg9[%swap3A_919, %swap3A_920] {strides = array<i32>} : memref<84x128xi32, #tpu.memory_space<vmem>>, vector<16xi32>,
      tpu.vector_store %arg9[%swap3A_919, %swap3A_920], %gather3A_917 {strides = array<i32>} : memref<84x128xi32, #tpu.memory_space<vmem>>, vector<16xi32>,
      %add3A_922 = arith.constant 10 : i32
      %add3A_923 = vector.broadcast %add3A_922 : i32 to vector<16xi32>
      %add3A_924 = arith.addi %mul3A_841, %add3A_923 : vector<16xi32>
      %gather3A_925 = tpu.vector_load_idx %arg8[%add3A_924] : memref<2688xi32, #tpu.memory_space<vmem>>[vector<16xi32>], vector<16xi32>,
      %swap3A_926 = arith.constant 10 : i32
      %swap3A_927 = arith.index_cast %swap3A_926 : i32 to index
      %swap3A_928 = arith.index_cast %add3A_835 : i32 to index
      %swap3A_929 = tpu.vector_load %arg9[%swap3A_927, %swap3A_928] {strides = array<i32>} : memref<84x128xi32, #tpu.memory_space<vmem>>, vector<16xi32>,
      tpu.vector_store %arg9[%swap3A_927, %swap3A_928], %gather3A_925 {strides = array<i32>} : memref<84x128xi32, #tpu.memory_space<vmem>>, vector<16xi32>,
      %add3A_930 = arith.constant 11 : i32
      %add3A_931 = vector.broadcast %add3A_930 : i32 to vector<16xi32>
      %add3A_932 = arith.addi %mul3A_841, %add3A_931 : vector<16xi32>
      %gather3A_933 = tpu.vector_load_idx %arg8[%add3A_932] : memref<2688xi32, #tpu.memory_space<vmem>>[vector<16xi32>], vector<16xi32>,
      %swap3A_934 = arith.constant 11 : i32
      %swap3A_935 = arith.index_cast %swap3A_934 : i32 to index
      %swap3A_936 = arith.index_cast %add3A_835 : i32 to index
      %swap3A_937 = tpu.vector_load %arg9[%swap3A_935, %swap3A_936] {strides = array<i32>} : memref<84x128xi32, #tpu.memory_space<vmem>>, vector<16xi32>,
      tpu.vector_store %arg9[%swap3A_935, %swap3A_936], %gather3A_933 {strides = array<i32>} : memref<84x128xi32, #tpu.memory_space<vmem>>, vector<16xi32>,
      %add3A_938 = arith.constant 12 : i32
      %add3A_939 = vector.broadcast %add3A_938 : i32 to vector<16xi32>
      %add3A_940 = arith.addi %mul3A_841, %add3A_939 : vector<16xi32>
      %gather3A_941 = tpu.vector_load_idx %arg8[%add3A_940] : memref<2688xi32, #tpu.memory_space<vmem>>[vector<16xi32>], vector<16xi32>,
      %swap3A_942 = arith.constant 12 : i32
      %swap3A_943 = arith.index_cast %swap3A_942 : i32 to index
      %swap3A_944 = arith.index_cast %add3A_835 : i32 to index
      %swap3A_945 = tpu.vector_load %arg9[%swap3A_943, %swap3A_944] {strides = array<i32>} : memref<84x128xi32, #tpu.memory_space<vmem>>, vector<16xi32>,
      tpu.vector_store %arg9[%swap3A_943, %swap3A_944], %gather3A_941 {strides = array<i32>} : memref<84x128xi32, #tpu.memory_space<vmem>>, vector<16xi32>,
      %add3A_946 = arith.constant 13 : i32
      %add3A_947 = vector.broadcast %add3A_946 : i32 to vector<16xi32>
      %add3A_948 = arith.addi %mul3A_841, %add3A_947 : vector<16xi32>
      %gather3A_949 = tpu.vector_load_idx %arg8[%add3A_948] : memref<2688xi32, #tpu.memory_space<vmem>>[vector<16xi32>], vector<16xi32>,
      %swap3A_950 = arith.constant 13 : i32
      %swap3A_951 = arith.index_cast %swap3A_950 : i32 to index
      %swap3A_952 = arith.index_cast %add3A_835 : i32 to index
      %swap3A_953 = tpu.vector_load %arg9[%swap3A_951, %swap3A_952] {strides = array<i32>} : memref<84x128xi32, #tpu.memory_space<vmem>>, vector<16xi32>,
      tpu.vector_store %arg9[%swap3A_951, %swap3A_952], %gather3A_949 {strides = array<i32>} : memref<84x128xi32, #tpu.memory_space<vmem>>, vector<16xi32>,
      %add3A_954 = arith.constant 14 : i32
      %add3A_955 = vector.broadcast %add3A_954 : i32 to vector<16xi32>
      %add3A_956 = arith.addi %mul3A_841, %add3A_955 : vector<16xi32>
      %gather3A_957 = tpu.vector_load_idx %arg8[%add3A_956] : memref<2688xi32, #tpu.memory_space<vmem>>[vector<16xi32>], vector<16xi32>,
      %swap3A_958 = arith.constant 14 : i32
      %swap3A_959 = arith.index_cast %swap3A_958 : i32 to index
      %swap3A_960 = arith.index_cast %add3A_835 : i32 to index
      %swap3A_961 = tpu.vector_load %arg9[%swap3A_959, %swap3A_960] {strides = array<i32>} : memref<84x128xi32, #tpu.memory_space<vmem>>, vector<16xi32>,
      tpu.vector_store %arg9[%swap3A_959, %swap3A_960], %gather3A_957 {strides = array<i32>} : memref<84x128xi32, #tpu.memory_space<vmem>>, vector<16xi32>,
      %add3A_962 = arith.constant 15 : i32
      %add3A_963 = vector.broadcast %add3A_962 : i32 to vector<16xi32>
      %add3A_964 = arith.addi %mul3A_841, %add3A_963 : vector<16xi32>
      %gather3A_965 = tpu.vector_load_idx %arg8[%add3A_964] : memref<2688xi32, #tpu.memory_space<vmem>>[vector<16xi32>], vector<16xi32>,
      %swap3A_966 = arith.constant 15 : i32
      %swap3A_967 = arith.index_cast %swap3A_966 : i32 to index
      %swap3A_968 = arith.index_cast %add3A_835 : i32 to index
      %swap3A_969 = tpu.vector_load %arg9[%swap3A_967, %swap3A_968] {strides = array<i32>} : memref<84x128xi32, #tpu.memory_space<vmem>>, vector<16xi32>,
      tpu.vector_store %arg9[%swap3A_967, %swap3A_968], %gather3A_965 {strides = array<i32>} : memref<84x128xi32, #tpu.memory_space<vmem>>, vector<16xi32>,
      %add3A_970 = arith.constant 16 : i32
      %add3A_971 = vector.broadcast %add3A_970 : i32 to vector<16xi32>
      %add3A_972 = arith.addi %mul3A_841, %add3A_971 : vector<16xi32>
      %gather3A_973 = tpu.vector_load_idx %arg8[%add3A_972] : memref<2688xi32, #tpu.memory_space<vmem>>[vector<16xi32>], vector<16xi32>,
      %swap3A_974 = arith.constant 16 : i32
      %swap3A_975 = arith.index_cast %swap3A_974 : i32 to index
      %swap3A_976 = arith.index_cast %add3A_835 : i32 to index
      %swap3A_977 = tpu.vector_load %arg9[%swap3A_975, %swap3A_976] {strides = array<i32>} : memref<84x128xi32, #tpu.memory_space<vmem>>, vector<16xi32>,
      tpu.vector_store %arg9[%swap3A_975, %swap3A_976], %gather3A_973 {strides = array<i32>} : memref<84x128xi32, #tpu.memory_space<vmem>>, vector<16xi32>,
      %add3A_978 = arith.constant 17 : i32
      %add3A_979 = vector.broadcast %add3A_978 : i32 to vector<16xi32>
      %add3A_980 = arith.addi %mul3A_841, %add3A_979 : vector<16xi32>
      %gather3A_981 = tpu.vector_load_idx %arg8[%add3A_980] : memref<2688xi32, #tpu.memory_space<vmem>>[vector<16xi32>], vector<16xi32>,
      %swap3A_982 = arith.constant 17 : i32
      %swap3A_983 = arith.index_cast %swap3A_982 : i32 to index
      %swap3A_984 = arith.index_cast %add3A_835 : i32 to index
      %swap3A_985 = tpu.vector_load %arg9[%swap3A_983, %swap3A_984] {strides = array<i32>} : memref<84x128xi32, #tpu.memory_space<vmem>>, vector<16xi32>,
      tpu.vector_store %arg9[%swap3A_983, %swap3A_984], %gather3A_981 {strides = array<i32>} : memref<84x128xi32, #tpu.memory_space<vmem>>, vector<16xi32>,
      %add3A_986 = arith.constant 18 : i32
      %add3A_987 = vector.broadcast %add3A_986 : i32 to vector<16xi32>
      %add3A_988 = arith.addi %mul3A_841, %add3A_987 : vector<16xi32>
      %gather3A_989 = tpu.vector_load_idx %arg8[%add3A_988] : memref<2688xi32, #tpu.memory_space<vmem>>[vector<16xi32>], vector<16xi32>,
      %swap3A_990 = arith.constant 18 : i32
      %swap3A_991 = arith.index_cast %swap3A_990 : i32 to index
      %swap3A_992 = arith.index_cast %add3A_835 : i32 to index
      %swap3A_993 = tpu.vector_load %arg9[%swap3A_991, %swap3A_992] {strides = array<i32>} : memref<84x128xi32, #tpu.memory_space<vmem>>, vector<16xi32>,
      tpu.vector_store %arg9[%swap3A_991, %swap3A_992], %gather3A_989 {strides = array<i32>} : memref<84x128xi32, #tpu.memory_space<vmem>>, vector<16xi32>,
      %add3A_994 = arith.constant 19 : i32
      %add3A_995 = vector.broadcast %add3A_994 : i32 to vector<16xi32>
      %add3A_996 = arith.addi %mul3A_841, %add3A_995 : vector<16xi32>
      %gather3A_997 = tpu.vector_load_idx %arg8[%add3A_996] : memref<2688xi32, #tpu.memory_space<vmem>>[vector<16xi32>], vector<16xi32>,
      %swap3A_998 = arith.constant 19 : i32
      %swap3A_999 = arith.index_cast %swap3A_998 : i32 to index
      %swap3A_1000 = arith.index_cast %add3A_835 : i32 to index
      %swap3A_1001 = tpu.vector_load %arg9[%swap3A_999, %swap3A_1000] {strides = array<i32>} : memref<84x128xi32, #tpu.memory_space<vmem>>, vector<16xi32>,
      tpu.vector_store %arg9[%swap3A_999, %swap3A_1000], %gather3A_997 {strides = array<i32>} : memref<84x128xi32, #tpu.memory_space<vmem>>, vector<16xi32>,
      %add3A_1002 = arith.constant 20 : i32
      %add3A_1003 = vector.broadcast %add3A_1002 : i32 to vector<16xi32>
      %add3A_1004 = arith.addi %mul3A_841, %add3A_1003 : vector<16xi32>
      %gather3A_1005 = tpu.vector_load_idx %arg8[%add3A_1004] : memref<2688xi32, #tpu.memory_space<vmem>>[vector<16xi32>], vector<16xi32>,
      %swap3A_1006 = arith.constant 20 : i32
      %swap3A_1007 = arith.index_cast %swap3A_1006 : i32 to index
      %swap3A_1008 = arith.index_cast %add3A_835 : i32 to index
      %swap3A_1009 = tpu.vector_load %arg9[%swap3A_1007, %swap3A_1008] {strides = array<i32>} : memref<84x128xi32, #tpu.memory_space<vmem>>, vector<16xi32>,
      tpu.vector_store %arg9[%swap3A_1007, %swap3A_1008], %gather3A_1005 {strides = array<i32>} : memref<84x128xi32, #tpu.memory_space<vmem>>, vector<16xi32>,
      %add3A_1010 = arith.constant 21 : i32
      %add3A_1011 = vector.broadcast %add3A_1010 : i32 to vector<16xi32>
      %add3A_1012 = arith.addi %mul3A_841, %add3A_1011 : vector<16xi32>
      %gather3A_1013 = tpu.vector_load_idx %arg8[%add3A_1012] : memref<2688xi32, #tpu.memory_space<vmem>>[vector<16xi32>], vector<16xi32>,
      %swap3A_1014 = arith.constant 21 : i32
      %swap3A_1015 = arith.index_cast %swap3A_1014 : i32 to index
      %swap3A_1016 = arith.index_cast %add3A_835 : i32 to index
      %swap3A_1017 = tpu.vector_load %arg9[%swap3A_1015, %swap3A_1016] {strides = array<i32>} : memref<84x128xi32, #tpu.memory_space<vmem>>, vector<16xi32>,
      tpu.vector_store %arg9[%swap3A_1015, %swap3A_1016], %gather3A_1013 {strides = array<i32>} : memref<84x128xi32, #tpu.memory_space<vmem>>, vector<16xi32>,
      %add3A_1018 = arith.constant 22 : i32
      %add3A_1019 = vector.broadcast %add3A_1018 : i32 to vector<16xi32>
      %add3A_1020 = arith.addi %mul3A_841, %add3A_1019 : vector<16xi32>
      %gather3A_1021 = tpu.vector_load_idx %arg8[%add3A_1020] : memref<2688xi32, #tpu.memory_space<vmem>>[vector<16xi32>], vector<16xi32>,
      %swap3A_1022 = arith.constant 22 : i32
      %swap3A_1023 = arith.index_cast %swap3A_1022 : i32 to index
      %swap3A_1024 = arith.index_cast %add3A_835 : i32 to index
      %swap3A_1025 = tpu.vector_load %arg9[%swap3A_1023, %swap3A_1024] {strides = array<i32>} : memref<84x128xi32, #tpu.memory_space<vmem>>, vector<16xi32>,
      tpu.vector_store %arg9[%swap3A_1023, %swap3A_1024], %gather3A_1021 {strides = array<i32>} : memref<84x128xi32, #tpu.memory_space<vmem>>, vector<16xi32>,
      %add3A_1026 = arith.constant 23 : i32
      %add3A_1027 = vector.broadcast %add3A_1026 : i32 to vector<16xi32>
      %add3A_1028 = arith.addi %mul3A_841, %add3A_1027 : vector<16xi32>
      %gather3A_1029 = tpu.vector_load_idx %arg8[%add3A_1028] : memref<2688xi32, #tpu.memory_space<vmem>>[vector<16xi32>], vector<16xi32>,
      %swap3A_1030 = arith.constant 23 : i32
      %swap3A_1031 = arith.index_cast %swap3A_1030 : i32 to index
      %swap3A_1032 = arith.index_cast %add3A_835 : i32 to index
      %swap3A_1033 = tpu.vector_load %arg9[%swap3A_1031, %swap3A_1032] {strides = array<i32>} : memref<84x128xi32, #tpu.memory_space<vmem>>, vector<16xi32>,
      tpu.vector_store %arg9[%swap3A_1031, %swap3A_1032], %gather3A_1029 {strides = array<i32>} : memref<84x128xi32, #tpu.memory_space<vmem>>, vector<16xi32>,
      %add3A_1034 = arith.constant 24 : i32
      %add3A_1035 = vector.broadcast %add3A_1034 : i32 to vector<16xi32>
      %add3A_1036 = arith.addi %mul3A_841, %add3A_1035 : vector<16xi32>
      %gather3A_1037 = tpu.vector_load_idx %arg8[%add3A_1036] : memref<2688xi32, #tpu.memory_space<vmem>>[vector<16xi32>], vector<16xi32>,
      %swap3A_1038 = arith.constant 24 : i32
      %swap3A_1039 = arith.index_cast %swap3A_1038 : i32 to index
      %swap3A_1040 = arith.index_cast %add3A_835 : i32 to index
      %swap3A_1041 = tpu.vector_load %arg9[%swap3A_1039, %swap3A_1040] {strides = array<i32>} : memref<84x128xi32, #tpu.memory_space<vmem>>, vector<16xi32>,
      tpu.vector_store %arg9[%swap3A_1039, %swap3A_1040], %gather3A_1037 {strides = array<i32>} : memref<84x128xi32, #tpu.memory_space<vmem>>, vector<16xi32>,
      %add3A_1042 = arith.constant 25 : i32
      %add3A_1043 = vector.broadcast %add3A_1042 : i32 to vector<16xi32>
      %add3A_1044 = arith.addi %mul3A_841, %add3A_1043 : vector<16xi32>
      %gather3A_1045 = tpu.vector_load_idx %arg8[%add3A_1044] : memref<2688xi32, #tpu.memory_space<vmem>>[vector<16xi32>], vector<16xi32>,
      %swap3A_1046 = arith.constant 25 : i32
      %swap3A_1047 = arith.index_cast %swap3A_1046 : i32 to index
      %swap3A_1048 = arith.index_cast %add3A_835 : i32 to index
      %swap3A_1049 = tpu.vector_load %arg9[%swap3A_1047, %swap3A_1048] {strides = array<i32>} : memref<84x128xi32, #tpu.memory_space<vmem>>, vector<16xi32>,
      tpu.vector_store %arg9[%swap3A_1047, %swap3A_1048], %gather3A_1045 {strides = array<i32>} : memref<84x128xi32, #tpu.memory_space<vmem>>, vector<16xi32>,
      %add3A_1050 = arith.constant 26 : i32
      %add3A_1051 = vector.broadcast %add3A_1050 : i32 to vector<16xi32>
      %add3A_1052 = arith.addi %mul3A_841, %add3A_1051 : vector<16xi32>
      %gather3A_1053 = tpu.vector_load_idx %arg8[%add3A_1052] : memref<2688xi32, #tpu.memory_space<vmem>>[vector<16xi32>], vector<16xi32>,
      %swap3A_1054 = arith.constant 26 : i32
      %swap3A_1055 = arith.index_cast %swap3A_1054 : i32 to index
      %swap3A_1056 = arith.index_cast %add3A_835 : i32 to index
      %swap3A_1057 = tpu.vector_load %arg9[%swap3A_1055, %swap3A_1056] {strides = array<i32>} : memref<84x128xi32, #tpu.memory_space<vmem>>, vector<16xi32>,
      tpu.vector_store %arg9[%swap3A_1055, %swap3A_1056], %gather3A_1053 {strides = array<i32>} : memref<84x128xi32, #tpu.memory_space<vmem>>, vector<16xi32>,
      %add3A_1058 = arith.constant 27 : i32
      %add3A_1059 = vector.broadcast %add3A_1058 : i32 to vector<16xi32>
      %add3A_1060 = arith.addi %mul3A_841, %add3A_1059 : vector<16xi32>
      %gather3A_1061 = tpu.vector_load_idx %arg8[%add3A_1060] : memref<2688xi32, #tpu.memory_space<vmem>>[vector<16xi32>], vector<16xi32>,
      %swap3A_1062 = arith.constant 27 : i32
      %swap3A_1063 = arith.index_cast %swap3A_1062 : i32 to index
      %swap3A_1064 = arith.index_cast %add3A_835 : i32 to index
      %swap3A_1065 = tpu.vector_load %arg9[%swap3A_1063, %swap3A_1064] {strides = array<i32>} : memref<84x128xi32, #tpu.memory_space<vmem>>, vector<16xi32>,
      tpu.vector_store %arg9[%swap3A_1063, %swap3A_1064], %gather3A_1061 {strides = array<i32>} : memref<84x128xi32, #tpu.memory_space<vmem>>, vector<16xi32>,
      %add3A_1066 = arith.constant 28 : i32
      %add3A_1067 = vector.broadcast %add3A_1066 : i32 to vector<16xi32>
      %add3A_1068 = arith.addi %mul3A_841, %add3A_1067 : vector<16xi32>
      %gather3A_1069 = tpu.vector_load_idx %arg8[%add3A_1068] : memref<2688xi32, #tpu.memory_space<vmem>>[vector<16xi32>], vector<16xi32>,
      %swap3A_1070 = arith.constant 28 : i32
      %swap3A_1071 = arith.index_cast %swap3A_1070 : i32 to index
      %swap3A_1072 = arith.index_cast %add3A_835 : i32 to index
      %swap3A_1073 = tpu.vector_load %arg9[%swap3A_1071, %swap3A_1072] {strides = array<i32>} : memref<84x128xi32, #tpu.memory_space<vmem>>, vector<16xi32>,
      tpu.vector_store %arg9[%swap3A_1071, %swap3A_1072], %gather3A_1069 {strides = array<i32>} : memref<84x128xi32, #tpu.memory_space<vmem>>, vector<16xi32>,
      %add3A_1074 = arith.constant 29 : i32
      %add3A_1075 = vector.broadcast %add3A_1074 : i32 to vector<16xi32>
      %add3A_1076 = arith.addi %mul3A_841, %add3A_1075 : vector<16xi32>
      %gather3A_1077 = tpu.vector_load_idx %arg8[%add3A_1076] : memref<2688xi32, #tpu.memory_space<vmem>>[vector<16xi32>], vector<16xi32>,
      %swap3A_1078 = arith.constant 29 : i32
      %swap3A_1079 = arith.index_cast %swap3A_1078 : i32 to index
      %swap3A_1080 = arith.index_cast %add3A_835 : i32 to index
      %swap3A_1081 = tpu.vector_load %arg9[%swap3A_1079, %swap3A_1080] {strides = array<i32>} : memref<84x128xi32, #tpu.memory_space<vmem>>, vector<16xi32>,
      tpu.vector_store %arg9[%swap3A_1079, %swap3A_1080], %gather3A_1077 {strides = array<i32>} : memref<84x128xi32, #tpu.memory_space<vmem>>, vector<16xi32>,
      %add3A_1082 = arith.constant 30 : i32
      %add3A_1083 = vector.broadcast %add3A_1082 : i32 to vector<16xi32>
      %add3A_1084 = arith.addi %mul3A_841, %add3A_1083 : vector<16xi32>
      %gather3A_1085 = tpu.vector_load_idx %arg8[%add3A_1084] : memref<2688xi32, #tpu.memory_space<vmem>>[vector<16xi32>], vector<16xi32>,
      %swap3A_1086 = arith.constant 30 : i32
      %swap3A_1087 = arith.index_cast %swap3A_1086 : i32 to index
      %swap3A_1088 = arith.index_cast %add3A_835 : i32 to index
      %swap3A_1089 = tpu.vector_load %arg9[%swap3A_1087, %swap3A_1088] {strides = array<i32>} : memref<84x128xi32, #tpu.memory_space<vmem>>, vector<16xi32>,
      tpu.vector_store %arg9[%swap3A_1087, %swap3A_1088], %gather3A_1085 {strides = array<i32>} : memref<84x128xi32, #tpu.memory_space<vmem>>, vector<16xi32>,
      %add3A_1090 = arith.constant 31 : i32
      %add3A_1091 = vector.broadcast %add3A_1090 : i32 to vector<16xi32>
      %add3A_1092 = arith.addi %mul3A_841, %add3A_1091 : vector<16xi32>
      %gather3A_1093 = tpu.vector_load_idx %arg8[%add3A_1092] : memref<2688xi32, #tpu.memory_space<vmem>>[vector<16xi32>], vector<16xi32>,
      %swap3A_1094 = arith.constant 31 : i32
      %swap3A_1095 = arith.index_cast %swap3A_1094 : i32 to index
      %swap3A_1096 = arith.index_cast %add3A_835 : i32 to index
      %swap3A_1097 = tpu.vector_load %arg9[%swap3A_1095, %swap3A_1096] {strides = array<i32>} : memref<84x128xi32, #tpu.memory_space<vmem>>, vector<16xi32>,
      tpu.vector_store %arg9[%swap3A_1095, %swap3A_1096], %gather3A_1093 {strides = array<i32>} : memref<84x128xi32, #tpu.memory_space<vmem>>, vector<16xi32>,
      %add3A_1098 = arith.constant 32 : i32
      %add3A_1099 = vector.broadcast %add3A_1098 : i32 to vector<16xi32>
      %add3A_1100 = arith.addi %mul3A_841, %add3A_1099 : vector<16xi32>
      %gather3A_1101 = tpu.vector_load_idx %arg8[%add3A_1100] : memref<2688xi32, #tpu.memory_space<vmem>>[vector<16xi32>], vector<16xi32>,
      %swap3A_1102 = arith.constant 32 : i32
      %swap3A_1103 = arith.index_cast %swap3A_1102 : i32 to index
      %swap3A_1104 = arith.index_cast %add3A_835 : i32 to index
      %swap3A_1105 = tpu.vector_load %arg9[%swap3A_1103, %swap3A_1104] {strides = array<i32>} : memref<84x128xi32, #tpu.memory_space<vmem>>, vector<16xi32>,
      tpu.vector_store %arg9[%swap3A_1103, %swap3A_1104], %gather3A_1101 {strides = array<i32>} : memref<84x128xi32, #tpu.memory_space<vmem>>, vector<16xi32>,
      %add3A_1106 = arith.constant 33 : i32
      %add3A_1107 = vector.broadcast %add3A_1106 : i32 to vector<16xi32>
      %add3A_1108 = arith.addi %mul3A_841, %add3A_1107 : vector<16xi32>
      %gather3A_1109 = tpu.vector_load_idx %arg8[%add3A_1108] : memref<2688xi32, #tpu.memory_space<vmem>>[vector<16xi32>], vector<16xi32>,
      %swap3A_1110 = arith.constant 33 : i32
      %swap3A_1111 = arith.index_cast %swap3A_1110 : i32 to index
      %swap3A_1112 = arith.index_cast %add3A_835 : i32 to index
      %swap3A_1113 = tpu.vector_load %arg9[%swap3A_1111, %swap3A_1112] {strides = array<i32>} : memref<84x128xi32, #tpu.memory_space<vmem>>, vector<16xi32>,
      tpu.vector_store %arg9[%swap3A_1111, %swap3A_1112], %gather3A_1109 {strides = array<i32>} : memref<84x128xi32, #tpu.memory_space<vmem>>, vector<16xi32>,
      %add3A_1114 = arith.constant 34 : i32
      %add3A_1115 = vector.broadcast %add3A_1114 : i32 to vector<16xi32>
      %add3A_1116 = arith.addi %mul3A_841, %add3A_1115 : vector<16xi32>
      %gather3A_1117 = tpu.vector_load_idx %arg8[%add3A_1116] : memref<2688xi32, #tpu.memory_space<vmem>>[vector<16xi32>], vector<16xi32>,
      %swap3A_1118 = arith.constant 34 : i32
      %swap3A_1119 = arith.index_cast %swap3A_1118 : i32 to index
      %swap3A_1120 = arith.index_cast %add3A_835 : i32 to index
      %swap3A_1121 = tpu.vector_load %arg9[%swap3A_1119, %swap3A_1120] {strides = array<i32>} : memref<84x128xi32, #tpu.memory_space<vmem>>, vector<16xi32>,
      tpu.vector_store %arg9[%swap3A_1119, %swap3A_1120], %gather3A_1117 {strides = array<i32>} : memref<84x128xi32, #tpu.memory_space<vmem>>, vector<16xi32>,
      %add3A_1122 = arith.constant 35 : i32
      %add3A_1123 = vector.broadcast %add3A_1122 : i32 to vector<16xi32>
      %add3A_1124 = arith.addi %mul3A_841, %add3A_1123 : vector<16xi32>
      %gather3A_1125 = tpu.vector_load_idx %arg8[%add3A_1124] : memref<2688xi32, #tpu.memory_space<vmem>>[vector<16xi32>], vector<16xi32>,
      %swap3A_1126 = arith.constant 35 : i32
      %swap3A_1127 = arith.index_cast %swap3A_1126 : i32 to index
      %swap3A_1128 = arith.index_cast %add3A_835 : i32 to index
      %swap3A_1129 = tpu.vector_load %arg9[%swap3A_1127, %swap3A_1128] {strides = array<i32>} : memref<84x128xi32, #tpu.memory_space<vmem>>, vector<16xi32>,
      tpu.vector_store %arg9[%swap3A_1127, %swap3A_1128], %gather3A_1125 {strides = array<i32>} : memref<84x128xi32, #tpu.memory_space<vmem>>, vector<16xi32>,
      %add3A_1130 = arith.constant 36 : i32
      %add3A_1131 = vector.broadcast %add3A_1130 : i32 to vector<16xi32>
      %add3A_1132 = arith.addi %mul3A_841, %add3A_1131 : vector<16xi32>
      %gather3A_1133 = tpu.vector_load_idx %arg8[%add3A_1132] : memref<2688xi32, #tpu.memory_space<vmem>>[vector<16xi32>], vector<16xi32>,
      %swap3A_1134 = arith.constant 36 : i32
      %swap3A_1135 = arith.index_cast %swap3A_1134 : i32 to index
      %swap3A_1136 = arith.index_cast %add3A_835 : i32 to index
      %swap3A_1137 = tpu.vector_load %arg9[%swap3A_1135, %swap3A_1136] {strides = array<i32>} : memref<84x128xi32, #tpu.memory_space<vmem>>, vector<16xi32>,
      tpu.vector_store %arg9[%swap3A_1135, %swap3A_1136], %gather3A_1133 {strides = array<i32>} : memref<84x128xi32, #tpu.memory_space<vmem>>, vector<16xi32>,
      %add3A_1138 = arith.constant 37 : i32
      %add3A_1139 = vector.broadcast %add3A_1138 : i32 to vector<16xi32>
      %add3A_1140 = arith.addi %mul3A_841, %add3A_1139 : vector<16xi32>
      %gather3A_1141 = tpu.vector_load_idx %arg8[%add3A_1140] : memref<2688xi32, #tpu.memory_space<vmem>>[vector<16xi32>], vector<16xi32>,
      %swap3A_1142 = arith.constant 37 : i32
      %swap3A_1143 = arith.index_cast %swap3A_1142 : i32 to index
      %swap3A_1144 = arith.index_cast %add3A_835 : i32 to index
      %swap3A_1145 = tpu.vector_load %arg9[%swap3A_1143, %swap3A_1144] {strides = array<i32>} : memref<84x128xi32, #tpu.memory_space<vmem>>, vector<16xi32>,
      tpu.vector_store %arg9[%swap3A_1143, %swap3A_1144], %gather3A_1141 {strides = array<i32>} : memref<84x128xi32, #tpu.memory_space<vmem>>, vector<16xi32>,
      %add3A_1146 = arith.constant 38 : i32
      %add3A_1147 = vector.broadcast %add3A_1146 : i32 to vector<16xi32>
      %add3A_1148 = arith.addi %mul3A_841, %add3A_1147 : vector<16xi32>
      %gather3A_1149 = tpu.vector_load_idx %arg8[%add3A_1148] : memref<2688xi32, #tpu.memory_space<vmem>>[vector<16xi32>], vector<16xi32>,
      %swap3A_1150 = arith.constant 38 : i32
      %swap3A_1151 = arith.index_cast %swap3A_1150 : i32 to index
      %swap3A_1152 = arith.index_cast %add3A_835 : i32 to index
      %swap3A_1153 = tpu.vector_load %arg9[%swap3A_1151, %swap3A_1152] {strides = array<i32>} : memref<84x128xi32, #tpu.memory_space<vmem>>, vector<16xi32>,
      tpu.vector_store %arg9[%swap3A_1151, %swap3A_1152], %gather3A_1149 {strides = array<i32>} : memref<84x128xi32, #tpu.memory_space<vmem>>, vector<16xi32>,
      %add3A_1154 = arith.constant 39 : i32
      %add3A_1155 = vector.broadcast %add3A_1154 : i32 to vector<16xi32>
      %add3A_1156 = arith.addi %mul3A_841, %add3A_1155 : vector<16xi32>
      %gather3A_1157 = tpu.vector_load_idx %arg8[%add3A_1156] : memref<2688xi32, #tpu.memory_space<vmem>>[vector<16xi32>], vector<16xi32>,
      %swap3A_1158 = arith.constant 39 : i32
      %swap3A_1159 = arith.index_cast %swap3A_1158 : i32 to index
      %swap3A_1160 = arith.index_cast %add3A_835 : i32 to index
      %swap3A_1161 = tpu.vector_load %arg9[%swap3A_1159, %swap3A_1160] {strides = array<i32>} : memref<84x128xi32, #tpu.memory_space<vmem>>, vector<16xi32>,
      tpu.vector_store %arg9[%swap3A_1159, %swap3A_1160], %gather3A_1157 {strides = array<i32>} : memref<84x128xi32, #tpu.memory_space<vmem>>, vector<16xi32>,
      %add3A_1162 = arith.constant 40 : i32
      %add3A_1163 = vector.broadcast %add3A_1162 : i32 to vector<16xi32>
      %add3A_1164 = arith.addi %mul3A_841, %add3A_1163 : vector<16xi32>
      %gather3A_1165 = tpu.vector_load_idx %arg8[%add3A_1164] : memref<2688xi32, #tpu.memory_space<vmem>>[vector<16xi32>], vector<16xi32>,
      %swap3A_1166 = arith.constant 40 : i32
      %swap3A_1167 = arith.index_cast %swap3A_1166 : i32 to index
      %swap3A_1168 = arith.index_cast %add3A_835 : i32 to index
      %swap3A_1169 = tpu.vector_load %arg9[%swap3A_1167, %swap3A_1168] {strides = array<i32>} : memref<84x128xi32, #tpu.memory_space<vmem>>, vector<16xi32>,
      tpu.vector_store %arg9[%swap3A_1167, %swap3A_1168], %gather3A_1165 {strides = array<i32>} : memref<84x128xi32, #tpu.memory_space<vmem>>, vector<16xi32>,
      %add3A_1170 = arith.constant 41 : i32
      %add3A_1171 = vector.broadcast %add3A_1170 : i32 to vector<16xi32>
      %add3A_1172 = arith.addi %mul3A_841, %add3A_1171 : vector<16xi32>
      %gather3A_1173 = tpu.vector_load_idx %arg8[%add3A_1172] : memref<2688xi32, #tpu.memory_space<vmem>>[vector<16xi32>], vector<16xi32>,
      %swap3A_1174 = arith.constant 41 : i32
      %swap3A_1175 = arith.index_cast %swap3A_1174 : i32 to index
      %swap3A_1176 = arith.index_cast %add3A_835 : i32 to index
      %swap3A_1177 = tpu.vector_load %arg9[%swap3A_1175, %swap3A_1176] {strides = array<i32>} : memref<84x128xi32, #tpu.memory_space<vmem>>, vector<16xi32>,
      tpu.vector_store %arg9[%swap3A_1175, %swap3A_1176], %gather3A_1173 {strides = array<i32>} : memref<84x128xi32, #tpu.memory_space<vmem>>, vector<16xi32>,
      %add3A_1178 = arith.constant 42 : i32
      %add3A_1179 = vector.broadcast %add3A_1178 : i32 to vector<16xi32>
      %add3A_1180 = arith.addi %mul3A_841, %add3A_1179 : vector<16xi32>
      %gather3A_1181 = tpu.vector_load_idx %arg8[%add3A_1180] : memref<2688xi32, #tpu.memory_space<vmem>>[vector<16xi32>], vector<16xi32>,
      %swap3A_1182 = arith.constant 42 : i32
      %swap3A_1183 = arith.index_cast %swap3A_1182 : i32 to index
      %swap3A_1184 = arith.index_cast %add3A_835 : i32 to index
      %swap3A_1185 = tpu.vector_load %arg9[%swap3A_1183, %swap3A_1184] {strides = array<i32>} : memref<84x128xi32, #tpu.memory_space<vmem>>, vector<16xi32>,
      tpu.vector_store %arg9[%swap3A_1183, %swap3A_1184], %gather3A_1181 {strides = array<i32>} : memref<84x128xi32, #tpu.memory_space<vmem>>, vector<16xi32>,
      %add3A_1186 = arith.constant 43 : i32
      %add3A_1187 = vector.broadcast %add3A_1186 : i32 to vector<16xi32>
      %add3A_1188 = arith.addi %mul3A_841, %add3A_1187 : vector<16xi32>
      %gather3A_1189 = tpu.vector_load_idx %arg8[%add3A_1188] : memref<2688xi32, #tpu.memory_space<vmem>>[vector<16xi32>], vector<16xi32>,
      %swap3A_1190 = arith.constant 43 : i32
      %swap3A_1191 = arith.index_cast %swap3A_1190 : i32 to index
      %swap3A_1192 = arith.index_cast %add3A_835 : i32 to index
      %swap3A_1193 = tpu.vector_load %arg9[%swap3A_1191, %swap3A_1192] {strides = array<i32>} : memref<84x128xi32, #tpu.memory_space<vmem>>, vector<16xi32>,
      tpu.vector_store %arg9[%swap3A_1191, %swap3A_1192], %gather3A_1189 {strides = array<i32>} : memref<84x128xi32, #tpu.memory_space<vmem>>, vector<16xi32>,
      %add3A_1194 = arith.constant 44 : i32
      %add3A_1195 = vector.broadcast %add3A_1194 : i32 to vector<16xi32>
      %add3A_1196 = arith.addi %mul3A_841, %add3A_1195 : vector<16xi32>
      %gather3A_1197 = tpu.vector_load_idx %arg8[%add3A_1196] : memref<2688xi32, #tpu.memory_space<vmem>>[vector<16xi32>], vector<16xi32>,
      %swap3A_1198 = arith.constant 44 : i32
      %swap3A_1199 = arith.index_cast %swap3A_1198 : i32 to index
      %swap3A_1200 = arith.index_cast %add3A_835 : i32 to index
      %swap3A_1201 = tpu.vector_load %arg9[%swap3A_1199, %swap3A_1200] {strides = array<i32>} : memref<84x128xi32, #tpu.memory_space<vmem>>, vector<16xi32>,
      tpu.vector_store %arg9[%swap3A_1199, %swap3A_1200], %gather3A_1197 {strides = array<i32>} : memref<84x128xi32, #tpu.memory_space<vmem>>, vector<16xi32>,
      %add3A_1202 = arith.constant 45 : i32
      %add3A_1203 = vector.broadcast %add3A_1202 : i32 to vector<16xi32>
      %add3A_1204 = arith.addi %mul3A_841, %add3A_1203 : vector<16xi32>
      %gather3A_1205 = tpu.vector_load_idx %arg8[%add3A_1204] : memref<2688xi32, #tpu.memory_space<vmem>>[vector<16xi32>], vector<16xi32>,
      %swap3A_1206 = arith.constant 45 : i32
      %swap3A_1207 = arith.index_cast %swap3A_1206 : i32 to index
      %swap3A_1208 = arith.index_cast %add3A_835 : i32 to index
      %swap3A_1209 = tpu.vector_load %arg9[%swap3A_1207, %swap3A_1208] {strides = array<i32>} : memref<84x128xi32, #tpu.memory_space<vmem>>, vector<16xi32>,
      tpu.vector_store %arg9[%swap3A_1207, %swap3A_1208], %gather3A_1205 {strides = array<i32>} : memref<84x128xi32, #tpu.memory_space<vmem>>, vector<16xi32>,
      %add3A_1210 = arith.constant 46 : i32
      %add3A_1211 = vector.broadcast %add3A_1210 : i32 to vector<16xi32>
      %add3A_1212 = arith.addi %mul3A_841, %add3A_1211 : vector<16xi32>
      %gather3A_1213 = tpu.vector_load_idx %arg8[%add3A_1212] : memref<2688xi32, #tpu.memory_space<vmem>>[vector<16xi32>], vector<16xi32>,
      %swap3A_1214 = arith.constant 46 : i32
      %swap3A_1215 = arith.index_cast %swap3A_1214 : i32 to index
      %swap3A_1216 = arith.index_cast %add3A_835 : i32 to index
      %swap3A_1217 = tpu.vector_load %arg9[%swap3A_1215, %swap3A_1216] {strides = array<i32>} : memref<84x128xi32, #tpu.memory_space<vmem>>, vector<16xi32>,
      tpu.vector_store %arg9[%swap3A_1215, %swap3A_1216], %gather3A_1213 {strides = array<i32>} : memref<84x128xi32, #tpu.memory_space<vmem>>, vector<16xi32>,
      %add3A_1218 = arith.constant 47 : i32
      %add3A_1219 = vector.broadcast %add3A_1218 : i32 to vector<16xi32>
      %add3A_1220 = arith.addi %mul3A_841, %add3A_1219 : vector<16xi32>
      %gather3A_1221 = tpu.vector_load_idx %arg8[%add3A_1220] : memref<2688xi32, #tpu.memory_space<vmem>>[vector<16xi32>], vector<16xi32>,
      %swap3A_1222 = arith.constant 47 : i32
      %swap3A_1223 = arith.index_cast %swap3A_1222 : i32 to index
      %swap3A_1224 = arith.index_cast %add3A_835 : i32 to index
      %swap3A_1225 = tpu.vector_load %arg9[%swap3A_1223, %swap3A_1224] {strides = array<i32>} : memref<84x128xi32, #tpu.memory_space<vmem>>, vector<16xi32>,
      tpu.vector_store %arg9[%swap3A_1223, %swap3A_1224], %gather3A_1221 {strides = array<i32>} : memref<84x128xi32, #tpu.memory_space<vmem>>, vector<16xi32>,
      %add3A_1226 = arith.constant 48 : i32
      %add3A_1227 = vector.broadcast %add3A_1226 : i32 to vector<16xi32>
      %add3A_1228 = arith.addi %mul3A_841, %add3A_1227 : vector<16xi32>
      %gather3A_1229 = tpu.vector_load_idx %arg8[%add3A_1228] : memref<2688xi32, #tpu.memory_space<vmem>>[vector<16xi32>], vector<16xi32>,
      %swap3A_1230 = arith.constant 48 : i32
      %swap3A_1231 = arith.index_cast %swap3A_1230 : i32 to index
      %swap3A_1232 = arith.index_cast %add3A_835 : i32 to index
      %swap3A_1233 = tpu.vector_load %arg9[%swap3A_1231, %swap3A_1232] {strides = array<i32>} : memref<84x128xi32, #tpu.memory_space<vmem>>, vector<16xi32>,
      tpu.vector_store %arg9[%swap3A_1231, %swap3A_1232], %gather3A_1229 {strides = array<i32>} : memref<84x128xi32, #tpu.memory_space<vmem>>, vector<16xi32>,
      %add3A_1234 = arith.constant 49 : i32
      %add3A_1235 = vector.broadcast %add3A_1234 : i32 to vector<16xi32>
      %add3A_1236 = arith.addi %mul3A_841, %add3A_1235 : vector<16xi32>
      %gather3A_1237 = tpu.vector_load_idx %arg8[%add3A_1236] : memref<2688xi32, #tpu.memory_space<vmem>>[vector<16xi32>], vector<16xi32>,
      %swap3A_1238 = arith.constant 49 : i32
      %swap3A_1239 = arith.index_cast %swap3A_1238 : i32 to index
      %swap3A_1240 = arith.index_cast %add3A_835 : i32 to index
      %swap3A_1241 = tpu.vector_load %arg9[%swap3A_1239, %swap3A_1240] {strides = array<i32>} : memref<84x128xi32, #tpu.memory_space<vmem>>, vector<16xi32>,
      tpu.vector_store %arg9[%swap3A_1239, %swap3A_1240], %gather3A_1237 {strides = array<i32>} : memref<84x128xi32, #tpu.memory_space<vmem>>, vector<16xi32>,
      %add3A_1242 = arith.constant 50 : i32
      %add3A_1243 = vector.broadcast %add3A_1242 : i32 to vector<16xi32>
      %add3A_1244 = arith.addi %mul3A_841, %add3A_1243 : vector<16xi32>
      %gather3A_1245 = tpu.vector_load_idx %arg8[%add3A_1244] : memref<2688xi32, #tpu.memory_space<vmem>>[vector<16xi32>], vector<16xi32>,
      %swap3A_1246 = arith.constant 50 : i32
      %swap3A_1247 = arith.index_cast %swap3A_1246 : i32 to index
      %swap3A_1248 = arith.index_cast %add3A_835 : i32 to index
      %swap3A_1249 = tpu.vector_load %arg9[%swap3A_1247, %swap3A_1248] {strides = array<i32>} : memref<84x128xi32, #tpu.memory_space<vmem>>, vector<16xi32>,
      tpu.vector_store %arg9[%swap3A_1247, %swap3A_1248], %gather3A_1245 {strides = array<i32>} : memref<84x128xi32, #tpu.memory_space<vmem>>, vector<16xi32>,
      %add3A_1250 = arith.constant 51 : i32
      %add3A_1251 = vector.broadcast %add3A_1250 : i32 to vector<16xi32>
      %add3A_1252 = arith.addi %mul3A_841, %add3A_1251 : vector<16xi32>
      %gather3A_1253 = tpu.vector_load_idx %arg8[%add3A_1252] : memref<2688xi32, #tpu.memory_space<vmem>>[vector<16xi32>], vector<16xi32>,
      %swap3A_1254 = arith.constant 51 : i32
      %swap3A_1255 = arith.index_cast %swap3A_1254 : i32 to index
      %swap3A_1256 = arith.index_cast %add3A_835 : i32 to index
      %swap3A_1257 = tpu.vector_load %arg9[%swap3A_1255, %swap3A_1256] {strides = array<i32>} : memref<84x128xi32, #tpu.memory_space<vmem>>, vector<16xi32>,
      tpu.vector_store %arg9[%swap3A_1255, %swap3A_1256], %gather3A_1253 {strides = array<i32>} : memref<84x128xi32, #tpu.memory_space<vmem>>, vector<16xi32>,
      %add3A_1258 = arith.constant 52 : i32
      %add3A_1259 = vector.broadcast %add3A_1258 : i32 to vector<16xi32>
      %add3A_1260 = arith.addi %mul3A_841, %add3A_1259 : vector<16xi32>
      %gather3A_1261 = tpu.vector_load_idx %arg8[%add3A_1260] : memref<2688xi32, #tpu.memory_space<vmem>>[vector<16xi32>], vector<16xi32>,
      %swap3A_1262 = arith.constant 52 : i32
      %swap3A_1263 = arith.index_cast %swap3A_1262 : i32 to index
      %swap3A_1264 = arith.index_cast %add3A_835 : i32 to index
      %swap3A_1265 = tpu.vector_load %arg9[%swap3A_1263, %swap3A_1264] {strides = array<i32>} : memref<84x128xi32, #tpu.memory_space<vmem>>, vector<16xi32>,
      tpu.vector_store %arg9[%swap3A_1263, %swap3A_1264], %gather3A_1261 {strides = array<i32>} : memref<84x128xi32, #tpu.memory_space<vmem>>, vector<16xi32>,
      %add3A_1266 = arith.constant 53 : i32
      %add3A_1267 = vector.broadcast %add3A_1266 : i32 to vector<16xi32>
      %add3A_1268 = arith.addi %mul3A_841, %add3A_1267 : vector<16xi32>
      %gather3A_1269 = tpu.vector_load_idx %arg8[%add3A_1268] : memref<2688xi32, #tpu.memory_space<vmem>>[vector<16xi32>], vector<16xi32>,
      %swap3A_1270 = arith.constant 53 : i32
      %swap3A_1271 = arith.index_cast %swap3A_1270 : i32 to index
      %swap3A_1272 = arith.index_cast %add3A_835 : i32 to index
      %swap3A_1273 = tpu.vector_load %arg9[%swap3A_1271, %swap3A_1272] {strides = array<i32>} : memref<84x128xi32, #tpu.memory_space<vmem>>, vector<16xi32>,
      tpu.vector_store %arg9[%swap3A_1271, %swap3A_1272], %gather3A_1269 {strides = array<i32>} : memref<84x128xi32, #tpu.memory_space<vmem>>, vector<16xi32>,
      %add3A_1274 = arith.constant 54 : i32
      %add3A_1275 = vector.broadcast %add3A_1274 : i32 to vector<16xi32>
      %add3A_1276 = arith.addi %mul3A_841, %add3A_1275 : vector<16xi32>
      %gather3A_1277 = tpu.vector_load_idx %arg8[%add3A_1276] : memref<2688xi32, #tpu.memory_space<vmem>>[vector<16xi32>], vector<16xi32>,
      %swap3A_1278 = arith.constant 54 : i32
      %swap3A_1279 = arith.index_cast %swap3A_1278 : i32 to index
      %swap3A_1280 = arith.index_cast %add3A_835 : i32 to index
      %swap3A_1281 = tpu.vector_load %arg9[%swap3A_1279, %swap3A_1280] {strides = array<i32>} : memref<84x128xi32, #tpu.memory_space<vmem>>, vector<16xi32>,
      tpu.vector_store %arg9[%swap3A_1279, %swap3A_1280], %gather3A_1277 {strides = array<i32>} : memref<84x128xi32, #tpu.memory_space<vmem>>, vector<16xi32>,
      %add3A_1282 = arith.constant 55 : i32
      %add3A_1283 = vector.broadcast %add3A_1282 : i32 to vector<16xi32>
      %add3A_1284 = arith.addi %mul3A_841, %add3A_1283 : vector<16xi32>
      %gather3A_1285 = tpu.vector_load_idx %arg8[%add3A_1284] : memref<2688xi32, #tpu.memory_space<vmem>>[vector<16xi32>], vector<16xi32>,
      %swap3A_1286 = arith.constant 55 : i32
      %swap3A_1287 = arith.index_cast %swap3A_1286 : i32 to index
      %swap3A_1288 = arith.index_cast %add3A_835 : i32 to index
      %swap3A_1289 = tpu.vector_load %arg9[%swap3A_1287, %swap3A_1288] {strides = array<i32>} : memref<84x128xi32, #tpu.memory_space<vmem>>, vector<16xi32>,
      tpu.vector_store %arg9[%swap3A_1287, %swap3A_1288], %gather3A_1285 {strides = array<i32>} : memref<84x128xi32, #tpu.memory_space<vmem>>, vector<16xi32>,
      %add3A_1290 = arith.constant 56 : i32
      %add3A_1291 = vector.broadcast %add3A_1290 : i32 to vector<16xi32>
      %add3A_1292 = arith.addi %mul3A_841, %add3A_1291 : vector<16xi32>
      %gather3A_1293 = tpu.vector_load_idx %arg8[%add3A_1292] : memref<2688xi32, #tpu.memory_space<vmem>>[vector<16xi32>], vector<16xi32>,
      %swap3A_1294 = arith.constant 56 : i32
      %swap3A_1295 = arith.index_cast %swap3A_1294 : i32 to index
      %swap3A_1296 = arith.index_cast %add3A_835 : i32 to index
      %swap3A_1297 = tpu.vector_load %arg9[%swap3A_1295, %swap3A_1296] {strides = array<i32>} : memref<84x128xi32, #tpu.memory_space<vmem>>, vector<16xi32>,
      tpu.vector_store %arg9[%swap3A_1295, %swap3A_1296], %gather3A_1293 {strides = array<i32>} : memref<84x128xi32, #tpu.memory_space<vmem>>, vector<16xi32>,
      %add3A_1298 = arith.constant 57 : i32
      %add3A_1299 = vector.broadcast %add3A_1298 : i32 to vector<16xi32>
      %add3A_1300 = arith.addi %mul3A_841, %add3A_1299 : vector<16xi32>
      %gather3A_1301 = tpu.vector_load_idx %arg8[%add3A_1300] : memref<2688xi32, #tpu.memory_space<vmem>>[vector<16xi32>], vector<16xi32>,
      %swap3A_1302 = arith.constant 57 : i32
      %swap3A_1303 = arith.index_cast %swap3A_1302 : i32 to index
      %swap3A_1304 = arith.index_cast %add3A_835 : i32 to index
      %swap3A_1305 = tpu.vector_load %arg9[%swap3A_1303, %swap3A_1304] {strides = array<i32>} : memref<84x128xi32, #tpu.memory_space<vmem>>, vector<16xi32>,
      tpu.vector_store %arg9[%swap3A_1303, %swap3A_1304], %gather3A_1301 {strides = array<i32>} : memref<84x128xi32, #tpu.memory_space<vmem>>, vector<16xi32>,
      %add3A_1306 = arith.constant 58 : i32
      %add3A_1307 = vector.broadcast %add3A_1306 : i32 to vector<16xi32>
      %add3A_1308 = arith.addi %mul3A_841, %add3A_1307 : vector<16xi32>
      %gather3A_1309 = tpu.vector_load_idx %arg8[%add3A_1308] : memref<2688xi32, #tpu.memory_space<vmem>>[vector<16xi32>], vector<16xi32>,
      %swap3A_1310 = arith.constant 58 : i32
      %swap3A_1311 = arith.index_cast %swap3A_1310 : i32 to index
      %swap3A_1312 = arith.index_cast %add3A_835 : i32 to index
      %swap3A_1313 = tpu.vector_load %arg9[%swap3A_1311, %swap3A_1312] {strides = array<i32>} : memref<84x128xi32, #tpu.memory_space<vmem>>, vector<16xi32>,
      tpu.vector_store %arg9[%swap3A_1311, %swap3A_1312], %gather3A_1309 {strides = array<i32>} : memref<84x128xi32, #tpu.memory_space<vmem>>, vector<16xi32>,
      %add3A_1314 = arith.constant 59 : i32
      %add3A_1315 = vector.broadcast %add3A_1314 : i32 to vector<16xi32>
      %add3A_1316 = arith.addi %mul3A_841, %add3A_1315 : vector<16xi32>
      %gather3A_1317 = tpu.vector_load_idx %arg8[%add3A_1316] : memref<2688xi32, #tpu.memory_space<vmem>>[vector<16xi32>], vector<16xi32>,
      %swap3A_1318 = arith.constant 59 : i32
      %swap3A_1319 = arith.index_cast %swap3A_1318 : i32 to index
      %swap3A_1320 = arith.index_cast %add3A_835 : i32 to index
      %swap3A_1321 = tpu.vector_load %arg9[%swap3A_1319, %swap3A_1320] {strides = array<i32>} : memref<84x128xi32, #tpu.memory_space<vmem>>, vector<16xi32>,
      tpu.vector_store %arg9[%swap3A_1319, %swap3A_1320], %gather3A_1317 {strides = array<i32>} : memref<84x128xi32, #tpu.memory_space<vmem>>, vector<16xi32>,
      %add3A_1322 = arith.constant 60 : i32
      %add3A_1323 = vector.broadcast %add3A_1322 : i32 to vector<16xi32>
      %add3A_1324 = arith.addi %mul3A_841, %add3A_1323 : vector<16xi32>
      %gather3A_1325 = tpu.vector_load_idx %arg8[%add3A_1324] : memref<2688xi32, #tpu.memory_space<vmem>>[vector<16xi32>], vector<16xi32>,
      %swap3A_1326 = arith.constant 60 : i32
      %swap3A_1327 = arith.index_cast %swap3A_1326 : i32 to index
      %swap3A_1328 = arith.index_cast %add3A_835 : i32 to index
      %swap3A_1329 = tpu.vector_load %arg9[%swap3A_1327, %swap3A_1328] {strides = array<i32>} : memref<84x128xi32, #tpu.memory_space<vmem>>, vector<16xi32>,
      tpu.vector_store %arg9[%swap3A_1327, %swap3A_1328], %gather3A_1325 {strides = array<i32>} : memref<84x128xi32, #tpu.memory_space<vmem>>, vector<16xi32>,
      %add3A_1330 = arith.constant 61 : i32
      %add3A_1331 = vector.broadcast %add3A_1330 : i32 to vector<16xi32>
      %add3A_1332 = arith.addi %mul3A_841, %add3A_1331 : vector<16xi32>
      %gather3A_1333 = tpu.vector_load_idx %arg8[%add3A_1332] : memref<2688xi32, #tpu.memory_space<vmem>>[vector<16xi32>], vector<16xi32>,
      %swap3A_1334 = arith.constant 61 : i32
      %swap3A_1335 = arith.index_cast %swap3A_1334 : i32 to index
      %swap3A_1336 = arith.index_cast %add3A_835 : i32 to index
      %swap3A_1337 = tpu.vector_load %arg9[%swap3A_1335, %swap3A_1336] {strides = array<i32>} : memref<84x128xi32, #tpu.memory_space<vmem>>, vector<16xi32>,
      tpu.vector_store %arg9[%swap3A_1335, %swap3A_1336], %gather3A_1333 {strides = array<i32>} : memref<84x128xi32, #tpu.memory_space<vmem>>, vector<16xi32>,
      %add3A_1338 = arith.constant 62 : i32
      %add3A_1339 = vector.broadcast %add3A_1338 : i32 to vector<16xi32>
      %add3A_1340 = arith.addi %mul3A_841, %add3A_1339 : vector<16xi32>
      %gather3A_1341 = tpu.vector_load_idx %arg8[%add3A_1340] : memref<2688xi32, #tpu.memory_space<vmem>>[vector<16xi32>], vector<16xi32>,
      %swap3A_1342 = arith.constant 62 : i32
      %swap3A_1343 = arith.index_cast %swap3A_1342 : i32 to index
      %swap3A_1344 = arith.index_cast %add3A_835 : i32 to index
      %swap3A_1345 = tpu.vector_load %arg9[%swap3A_1343, %swap3A_1344] {strides = array<i32>} : memref<84x128xi32, #tpu.memory_space<vmem>>, vector<16xi32>,
      tpu.vector_store %arg9[%swap3A_1343, %swap3A_1344], %gather3A_1341 {strides = array<i32>} : memref<84x128xi32, #tpu.memory_space<vmem>>, vector<16xi32>,
      %add3A_1346 = arith.constant 63 : i32
      %add3A_1347 = vector.broadcast %add3A_1346 : i32 to vector<16xi32>
      %add3A_1348 = arith.addi %mul3A_841, %add3A_1347 : vector<16xi32>
      %gather3A_1349 = tpu.vector_load_idx %arg8[%add3A_1348] : memref<2688xi32, #tpu.memory_space<vmem>>[vector<16xi32>], vector<16xi32>,
      %swap3A_1350 = arith.constant 63 : i32
      %swap3A_1351 = arith.index_cast %swap3A_1350 : i32 to index
      %swap3A_1352 = arith.index_cast %add3A_835 : i32 to index
      %swap3A_1353 = tpu.vector_load %arg9[%swap3A_1351, %swap3A_1352] {strides = array<i32>} : memref<84x128xi32, #tpu.memory_space<vmem>>, vector<16xi32>,
      tpu.vector_store %arg9[%swap3A_1351, %swap3A_1352], %gather3A_1349 {strides = array<i32>} : memref<84x128xi32, #tpu.memory_space<vmem>>, vector<16xi32>,
      %add3A_1354 = arith.constant 64 : i32
      %add3A_1355 = vector.broadcast %add3A_1354 : i32 to vector<16xi32>
      %add3A_1356 = arith.addi %mul3A_841, %add3A_1355 : vector<16xi32>
      %gather3A_1357 = tpu.vector_load_idx %arg8[%add3A_1356] : memref<2688xi32, #tpu.memory_space<vmem>>[vector<16xi32>], vector<16xi32>,
      %swap3A_1358 = arith.constant 64 : i32
      %swap3A_1359 = arith.index_cast %swap3A_1358 : i32 to index
      %swap3A_1360 = arith.index_cast %add3A_835 : i32 to index
      %swap3A_1361 = tpu.vector_load %arg9[%swap3A_1359, %swap3A_1360] {strides = array<i32>} : memref<84x128xi32, #tpu.memory_space<vmem>>, vector<16xi32>,
      tpu.vector_store %arg9[%swap3A_1359, %swap3A_1360], %gather3A_1357 {strides = array<i32>} : memref<84x128xi32, #tpu.memory_space<vmem>>, vector<16xi32>,
      %add3A_1362 = arith.constant 65 : i32
      %add3A_1363 = vector.broadcast %add3A_1362 : i32 to vector<16xi32>
      %add3A_1364 = arith.addi %mul3A_841, %add3A_1363 : vector<16xi32>
      %gather3A_1365 = tpu.vector_load_idx %arg8[%add3A_1364] : memref<2688xi32, #tpu.memory_space<vmem>>[vector<16xi32>], vector<16xi32>,
      %swap3A_1366 = arith.constant 65 : i32
      %swap3A_1367 = arith.index_cast %swap3A_1366 : i32 to index
      %swap3A_1368 = arith.index_cast %add3A_835 : i32 to index
      %swap3A_1369 = tpu.vector_load %arg9[%swap3A_1367, %swap3A_1368] {strides = array<i32>} : memref<84x128xi32, #tpu.memory_space<vmem>>, vector<16xi32>,
      tpu.vector_store %arg9[%swap3A_1367, %swap3A_1368], %gather3A_1365 {strides = array<i32>} : memref<84x128xi32, #tpu.memory_space<vmem>>, vector<16xi32>,
      %add3A_1370 = arith.constant 66 : i32
      %add3A_1371 = vector.broadcast %add3A_1370 : i32 to vector<16xi32>
      %add3A_1372 = arith.addi %mul3A_841, %add3A_1371 : vector<16xi32>
      %gather3A_1373 = tpu.vector_load_idx %arg8[%add3A_1372] : memref<2688xi32, #tpu.memory_space<vmem>>[vector<16xi32>], vector<16xi32>,
      %swap3A_1374 = arith.constant 66 : i32
      %swap3A_1375 = arith.index_cast %swap3A_1374 : i32 to index
      %swap3A_1376 = arith.index_cast %add3A_835 : i32 to index
      %swap3A_1377 = tpu.vector_load %arg9[%swap3A_1375, %swap3A_1376] {strides = array<i32>} : memref<84x128xi32, #tpu.memory_space<vmem>>, vector<16xi32>,
      tpu.vector_store %arg9[%swap3A_1375, %swap3A_1376], %gather3A_1373 {strides = array<i32>} : memref<84x128xi32, #tpu.memory_space<vmem>>, vector<16xi32>,
      %add3A_1378 = arith.constant 67 : i32
      %add3A_1379 = vector.broadcast %add3A_1378 : i32 to vector<16xi32>
      %add3A_1380 = arith.addi %mul3A_841, %add3A_1379 : vector<16xi32>
      %gather3A_1381 = tpu.vector_load_idx %arg8[%add3A_1380] : memref<2688xi32, #tpu.memory_space<vmem>>[vector<16xi32>], vector<16xi32>,
      %swap3A_1382 = arith.constant 67 : i32
      %swap3A_1383 = arith.index_cast %swap3A_1382 : i32 to index
      %swap3A_1384 = arith.index_cast %add3A_835 : i32 to index
      %swap3A_1385 = tpu.vector_load %arg9[%swap3A_1383, %swap3A_1384] {strides = array<i32>} : memref<84x128xi32, #tpu.memory_space<vmem>>, vector<16xi32>,
      tpu.vector_store %arg9[%swap3A_1383, %swap3A_1384], %gather3A_1381 {strides = array<i32>} : memref<84x128xi32, #tpu.memory_space<vmem>>, vector<16xi32>,
      %add3A_1386 = arith.constant 68 : i32
      %add3A_1387 = vector.broadcast %add3A_1386 : i32 to vector<16xi32>
      %add3A_1388 = arith.addi %mul3A_841, %add3A_1387 : vector<16xi32>
      %gather3A_1389 = tpu.vector_load_idx %arg8[%add3A_1388] : memref<2688xi32, #tpu.memory_space<vmem>>[vector<16xi32>], vector<16xi32>,
      %swap3A_1390 = arith.constant 68 : i32
      %swap3A_1391 = arith.index_cast %swap3A_1390 : i32 to index
      %swap3A_1392 = arith.index_cast %add3A_835 : i32 to index
      %swap3A_1393 = tpu.vector_load %arg9[%swap3A_1391, %swap3A_1392] {strides = array<i32>} : memref<84x128xi32, #tpu.memory_space<vmem>>, vector<16xi32>,
      tpu.vector_store %arg9[%swap3A_1391, %swap3A_1392], %gather3A_1389 {strides = array<i32>} : memref<84x128xi32, #tpu.memory_space<vmem>>, vector<16xi32>,
      %add3A_1394 = arith.constant 69 : i32
      %add3A_1395 = vector.broadcast %add3A_1394 : i32 to vector<16xi32>
      %add3A_1396 = arith.addi %mul3A_841, %add3A_1395 : vector<16xi32>
      %gather3A_1397 = tpu.vector_load_idx %arg8[%add3A_1396] : memref<2688xi32, #tpu.memory_space<vmem>>[vector<16xi32>], vector<16xi32>,
      %swap3A_1398 = arith.constant 69 : i32
      %swap3A_1399 = arith.index_cast %swap3A_1398 : i32 to index
      %swap3A_1400 = arith.index_cast %add3A_835 : i32 to index
      %swap3A_1401 = tpu.vector_load %arg9[%swap3A_1399, %swap3A_1400] {strides = array<i32>} : memref<84x128xi32, #tpu.memory_space<vmem>>, vector<16xi32>,
      tpu.vector_store %arg9[%swap3A_1399, %swap3A_1400], %gather3A_1397 {strides = array<i32>} : memref<84x128xi32, #tpu.memory_space<vmem>>, vector<16xi32>,
      %add3A_1402 = arith.constant 70 : i32
      %add3A_1403 = vector.broadcast %add3A_1402 : i32 to vector<16xi32>
      %add3A_1404 = arith.addi %mul3A_841, %add3A_1403 : vector<16xi32>
      %gather3A_1405 = tpu.vector_load_idx %arg8[%add3A_1404] : memref<2688xi32, #tpu.memory_space<vmem>>[vector<16xi32>], vector<16xi32>,
      %swap3A_1406 = arith.constant 70 : i32
      %swap3A_1407 = arith.index_cast %swap3A_1406 : i32 to index
      %swap3A_1408 = arith.index_cast %add3A_835 : i32 to index
      %swap3A_1409 = tpu.vector_load %arg9[%swap3A_1407, %swap3A_1408] {strides = array<i32>} : memref<84x128xi32, #tpu.memory_space<vmem>>, vector<16xi32>,
      tpu.vector_store %arg9[%swap3A_1407, %swap3A_1408], %gather3A_1405 {strides = array<i32>} : memref<84x128xi32, #tpu.memory_space<vmem>>, vector<16xi32>,
      %add3A_1410 = arith.constant 71 : i32
      %add3A_1411 = vector.broadcast %add3A_1410 : i32 to vector<16xi32>
      %add3A_1412 = arith.addi %mul3A_841, %add3A_1411 : vector<16xi32>
      %gather3A_1413 = tpu.vector_load_idx %arg8[%add3A_1412] : memref<2688xi32, #tpu.memory_space<vmem>>[vector<16xi32>], vector<16xi32>,
      %swap3A_1414 = arith.constant 71 : i32
      %swap3A_1415 = arith.index_cast %swap3A_1414 : i32 to index
      %swap3A_1416 = arith.index_cast %add3A_835 : i32 to index
      %swap3A_1417 = tpu.vector_load %arg9[%swap3A_1415, %swap3A_1416] {strides = array<i32>} : memref<84x128xi32, #tpu.memory_space<vmem>>, vector<16xi32>,
      tpu.vector_store %arg9[%swap3A_1415, %swap3A_1416], %gather3A_1413 {strides = array<i32>} : memref<84x128xi32, #tpu.memory_space<vmem>>, vector<16xi32>,
      %add3A_1418 = arith.constant 72 : i32
      %add3A_1419 = vector.broadcast %add3A_1418 : i32 to vector<16xi32>
      %add3A_1420 = arith.addi %mul3A_841, %add3A_1419 : vector<16xi32>
      %gather3A_1421 = tpu.vector_load_idx %arg8[%add3A_1420] : memref<2688xi32, #tpu.memory_space<vmem>>[vector<16xi32>], vector<16xi32>,
      %swap3A_1422 = arith.constant 72 : i32
      %swap3A_1423 = arith.index_cast %swap3A_1422 : i32 to index
      %swap3A_1424 = arith.index_cast %add3A_835 : i32 to index
      %swap3A_1425 = tpu.vector_load %arg9[%swap3A_1423, %swap3A_1424] {strides = array<i32>} : memref<84x128xi32, #tpu.memory_space<vmem>>, vector<16xi32>,
      tpu.vector_store %arg9[%swap3A_1423, %swap3A_1424], %gather3A_1421 {strides = array<i32>} : memref<84x128xi32, #tpu.memory_space<vmem>>, vector<16xi32>,
      %add3A_1426 = arith.constant 73 : i32
      %add3A_1427 = vector.broadcast %add3A_1426 : i32 to vector<16xi32>
      %add3A_1428 = arith.addi %mul3A_841, %add3A_1427 : vector<16xi32>
      %gather3A_1429 = tpu.vector_load_idx %arg8[%add3A_1428] : memref<2688xi32, #tpu.memory_space<vmem>>[vector<16xi32>], vector<16xi32>,
      %swap3A_1430 = arith.constant 73 : i32
      %swap3A_1431 = arith.index_cast %swap3A_1430 : i32 to index
      %swap3A_1432 = arith.index_cast %add3A_835 : i32 to index
      %swap3A_1433 = tpu.vector_load %arg9[%swap3A_1431, %swap3A_1432] {strides = array<i32>} : memref<84x128xi32, #tpu.memory_space<vmem>>, vector<16xi32>,
      tpu.vector_store %arg9[%swap3A_1431, %swap3A_1432], %gather3A_1429 {strides = array<i32>} : memref<84x128xi32, #tpu.memory_space<vmem>>, vector<16xi32>,
      %add3A_1434 = arith.constant 74 : i32
      %add3A_1435 = vector.broadcast %add3A_1434 : i32 to vector<16xi32>
      %add3A_1436 = arith.addi %mul3A_841, %add3A_1435 : vector<16xi32>
      %gather3A_1437 = tpu.vector_load_idx %arg8[%add3A_1436] : memref<2688xi32, #tpu.memory_space<vmem>>[vector<16xi32>], vector<16xi32>,
      %swap3A_1438 = arith.constant 74 : i32
      %swap3A_1439 = arith.index_cast %swap3A_1438 : i32 to index
      %swap3A_1440 = arith.index_cast %add3A_835 : i32 to index
      %swap3A_1441 = tpu.vector_load %arg9[%swap3A_1439, %swap3A_1440] {strides = array<i32>} : memref<84x128xi32, #tpu.memory_space<vmem>>, vector<16xi32>,
      tpu.vector_store %arg9[%swap3A_1439, %swap3A_1440], %gather3A_1437 {strides = array<i32>} : memref<84x128xi32, #tpu.memory_space<vmem>>, vector<16xi32>,
      %add3A_1442 = arith.constant 75 : i32
      %add3A_1443 = vector.broadcast %add3A_1442 : i32 to vector<16xi32>
      %add3A_1444 = arith.addi %mul3A_841, %add3A_1443 : vector<16xi32>
      %gather3A_1445 = tpu.vector_load_idx %arg8[%add3A_1444] : memref<2688xi32, #tpu.memory_space<vmem>>[vector<16xi32>], vector<16xi32>,
      %swap3A_1446 = arith.constant 75 : i32
      %swap3A_1447 = arith.index_cast %swap3A_1446 : i32 to index
      %swap3A_1448 = arith.index_cast %add3A_835 : i32 to index
      %swap3A_1449 = tpu.vector_load %arg9[%swap3A_1447, %swap3A_1448] {strides = array<i32>} : memref<84x128xi32, #tpu.memory_space<vmem>>, vector<16xi32>,
      tpu.vector_store %arg9[%swap3A_1447, %swap3A_1448], %gather3A_1445 {strides = array<i32>} : memref<84x128xi32, #tpu.memory_space<vmem>>, vector<16xi32>,
      %add3A_1450 = arith.constant 76 : i32
      %add3A_1451 = vector.broadcast %add3A_1450 : i32 to vector<16xi32>
      %add3A_1452 = arith.addi %mul3A_841, %add3A_1451 : vector<16xi32>
      %gather3A_1453 = tpu.vector_load_idx %arg8[%add3A_1452] : memref<2688xi32, #tpu.memory_space<vmem>>[vector<16xi32>], vector<16xi32>,
      %swap3A_1454 = arith.constant 76 : i32
      %swap3A_1455 = arith.index_cast %swap3A_1454 : i32 to index
      %swap3A_1456 = arith.index_cast %add3A_835 : i32 to index
      %swap3A_1457 = tpu.vector_load %arg9[%swap3A_1455, %swap3A_1456] {strides = array<i32>} : memref<84x128xi32, #tpu.memory_space<vmem>>, vector<16xi32>,
      tpu.vector_store %arg9[%swap3A_1455, %swap3A_1456], %gather3A_1453 {strides = array<i32>} : memref<84x128xi32, #tpu.memory_space<vmem>>, vector<16xi32>,
      %add3A_1458 = arith.constant 77 : i32
      %add3A_1459 = vector.broadcast %add3A_1458 : i32 to vector<16xi32>
      %add3A_1460 = arith.addi %mul3A_841, %add3A_1459 : vector<16xi32>
      %gather3A_1461 = tpu.vector_load_idx %arg8[%add3A_1460] : memref<2688xi32, #tpu.memory_space<vmem>>[vector<16xi32>], vector<16xi32>,
      %swap3A_1462 = arith.constant 77 : i32
      %swap3A_1463 = arith.index_cast %swap3A_1462 : i32 to index
      %swap3A_1464 = arith.index_cast %add3A_835 : i32 to index
      %swap3A_1465 = tpu.vector_load %arg9[%swap3A_1463, %swap3A_1464] {strides = array<i32>} : memref<84x128xi32, #tpu.memory_space<vmem>>, vector<16xi32>,
      tpu.vector_store %arg9[%swap3A_1463, %swap3A_1464], %gather3A_1461 {strides = array<i32>} : memref<84x128xi32, #tpu.memory_space<vmem>>, vector<16xi32>,
      %add3A_1466 = arith.constant 78 : i32
      %add3A_1467 = vector.broadcast %add3A_1466 : i32 to vector<16xi32>
      %add3A_1468 = arith.addi %mul3A_841, %add3A_1467 : vector<16xi32>
      %gather3A_1469 = tpu.vector_load_idx %arg8[%add3A_1468] : memref<2688xi32, #tpu.memory_space<vmem>>[vector<16xi32>], vector<16xi32>,
      %swap3A_1470 = arith.constant 78 : i32
      %swap3A_1471 = arith.index_cast %swap3A_1470 : i32 to index
      %swap3A_1472 = arith.index_cast %add3A_835 : i32 to index
      %swap3A_1473 = tpu.vector_load %arg9[%swap3A_1471, %swap3A_1472] {strides = array<i32>} : memref<84x128xi32, #tpu.memory_space<vmem>>, vector<16xi32>,
      tpu.vector_store %arg9[%swap3A_1471, %swap3A_1472], %gather3A_1469 {strides = array<i32>} : memref<84x128xi32, #tpu.memory_space<vmem>>, vector<16xi32>,
      %add3A_1474 = arith.constant 79 : i32
      %add3A_1475 = vector.broadcast %add3A_1474 : i32 to vector<16xi32>
      %add3A_1476 = arith.addi %mul3A_841, %add3A_1475 : vector<16xi32>
      %gather3A_1477 = tpu.vector_load_idx %arg8[%add3A_1476] : memref<2688xi32, #tpu.memory_space<vmem>>[vector<16xi32>], vector<16xi32>,
      %swap3A_1478 = arith.constant 79 : i32
      %swap3A_1479 = arith.index_cast %swap3A_1478 : i32 to index
      %swap3A_1480 = arith.index_cast %add3A_835 : i32 to index
      %swap3A_1481 = tpu.vector_load %arg9[%swap3A_1479, %swap3A_1480] {strides = array<i32>} : memref<84x128xi32, #tpu.memory_space<vmem>>, vector<16xi32>,
      tpu.vector_store %arg9[%swap3A_1479, %swap3A_1480], %gather3A_1477 {strides = array<i32>} : memref<84x128xi32, #tpu.memory_space<vmem>>, vector<16xi32>,
      %add3A_1482 = arith.constant 80 : i32
      %add3A_1483 = vector.broadcast %add3A_1482 : i32 to vector<16xi32>
      %add3A_1484 = arith.addi %mul3A_841, %add3A_1483 : vector<16xi32>
      %gather3A_1485 = tpu.vector_load_idx %arg8[%add3A_1484] : memref<2688xi32, #tpu.memory_space<vmem>>[vector<16xi32>], vector<16xi32>,
      %swap3A_1486 = arith.constant 80 : i32
      %swap3A_1487 = arith.index_cast %swap3A_1486 : i32 to index
      %swap3A_1488 = arith.index_cast %add3A_835 : i32 to index
      %swap3A_1489 = tpu.vector_load %arg9[%swap3A_1487, %swap3A_1488] {strides = array<i32>} : memref<84x128xi32, #tpu.memory_space<vmem>>, vector<16xi32>,
      tpu.vector_store %arg9[%swap3A_1487, %swap3A_1488], %gather3A_1485 {strides = array<i32>} : memref<84x128xi32, #tpu.memory_space<vmem>>, vector<16xi32>,
      %add3A_1490 = arith.constant 81 : i32
      %add3A_1491 = vector.broadcast %add3A_1490 : i32 to vector<16xi32>
      %add3A_1492 = arith.addi %mul3A_841, %add3A_1491 : vector<16xi32>
      %gather3A_1493 = tpu.vector_load_idx %arg8[%add3A_1492] : memref<2688xi32, #tpu.memory_space<vmem>>[vector<16xi32>], vector<16xi32>,
      %swap3A_1494 = arith.constant 81 : i32
      %swap3A_1495 = arith.index_cast %swap3A_1494 : i32 to index
      %swap3A_1496 = arith.index_cast %add3A_835 : i32 to index
      %swap3A_1497 = tpu.vector_load %arg9[%swap3A_1495, %swap3A_1496] {strides = array<i32>} : memref<84x128xi32, #tpu.memory_space<vmem>>, vector<16xi32>,
      tpu.vector_store %arg9[%swap3A_1495, %swap3A_1496], %gather3A_1493 {strides = array<i32>} : memref<84x128xi32, #tpu.memory_space<vmem>>, vector<16xi32>,
      %add3A_1498 = arith.constant 82 : i32
      %add3A_1499 = vector.broadcast %add3A_1498 : i32 to vector<16xi32>
      %add3A_1500 = arith.addi %mul3A_841, %add3A_1499 : vector<16xi32>
      %gather3A_1501 = tpu.vector_load_idx %arg8[%add3A_1500] : memref<2688xi32, #tpu.memory_space<vmem>>[vector<16xi32>], vector<16xi32>,
      %swap3A_1502 = arith.constant 82 : i32
      %swap3A_1503 = arith.index_cast %swap3A_1502 : i32 to index
      %swap3A_1504 = arith.index_cast %add3A_835 : i32 to index
      %swap3A_1505 = tpu.vector_load %arg9[%swap3A_1503, %swap3A_1504] {strides = array<i32>} : memref<84x128xi32, #tpu.memory_space<vmem>>, vector<16xi32>,
      tpu.vector_store %arg9[%swap3A_1503, %swap3A_1504], %gather3A_1501 {strides = array<i32>} : memref<84x128xi32, #tpu.memory_space<vmem>>, vector<16xi32>,
      %add3A_1506 = arith.constant 83 : i32
      %add3A_1507 = vector.broadcast %add3A_1506 : i32 to vector<16xi32>
      %add3A_1508 = arith.addi %mul3A_841, %add3A_1507 : vector<16xi32>
      %gather3A_1509 = tpu.vector_load_idx %arg8[%add3A_1508] : memref<2688xi32, #tpu.memory_space<vmem>>[vector<16xi32>], vector<16xi32>,
      %swap3A_1510 = arith.constant 83 : i32
      %swap3A_1511 = arith.index_cast %swap3A_1510 : i32 to index
      %swap3A_1512 = arith.index_cast %add3A_835 : i32 to index
      %swap3A_1513 = tpu.vector_load %arg9[%swap3A_1511, %swap3A_1512] {strides = array<i32>} : memref<84x128xi32, #tpu.memory_space<vmem>>, vector<16xi32>,
      tpu.vector_store %arg9[%swap3A_1511, %swap3A_1512], %gather3A_1509 {strides = array<i32>} : memref<84x128xi32, #tpu.memory_space<vmem>>, vector<16xi32>,
    }
    %scan3A_11 = arith.constant 4 : i32
    %barrier3A = arith.constant 0 : index
    tpu.barrier barrier_id(%barrier3A)
    %dma_start3A = arith.constant 6 : i32
    %dma_start3A_12 = arith.constant 0 : i32
    %dma_start3A_13 = arith.constant 0 : i32
    %dma_start3A_14 = arith.constant 0 : i32
    %dma_start3A_15 = tpu.memref_slice %arg11[%dma_start3A_12, %dma_start3A_13, %dma_start3A_14] : memref<1x128x128xf32, #tpu.memory_space<vmem>> -> memref<1x128x128xf32, #tpu.memory_space<vmem>>
    %dma_start3A_16 = tpu.memref_squeeze %dma_start3A_15 : memref<1x128x128xf32, #tpu.memory_space<vmem>> -> memref<128x128xf32, #tpu.memory_space<vmem>>
    %dma_start3A_17 = arith.constant 0 : i32
    %dma_start3A_18 = tpu.memref_slice %arg9[%dma_start3A, %dma_start3A_17] : memref<84x128xi32, #tpu.memory_space<vmem>> -> memref<1x128xi32, #tpu.memory_space<vmem>>
    %dma_start3A_19 = tpu.memref_squeeze %dma_start3A_18 : memref<1x128xi32, #tpu.memory_space<vmem>> -> memref<128xi32, #tpu.memory_space<vmem>>
    %dma_start3A_20 = arith.constant 0 : i32
    %dma_start3A_21 = arith.constant 0 : i32
    %dma_start3A_22 = tpu.memref_slice %arg5[%dma_start3A_20, %dma_start3A_21] : memref<1024x128xf32, #tpu.memory_space<hbm>> -> memref<1024x128xf32, #tpu.memory_space<hbm>>
    tpu.enqueue_indirect_dma source(%dma_start3A_22 : memref<1024x128xf32, #tpu.memory_space<hbm>>) target(%dma_start3A_16 : memref<128x128xf32, #tpu.memory_space<vmem>>) offsets(%dma_start3A_19 : memref<128xi32, #tpu.memory_space<vmem>>) semaphore(%arg15 : memref<!tpu.dma_semaphore, #tpu.memory_space<semaphore_mem>>)
    %dma_start3A_23 = arith.constant 0 : i32
    %dma_start3A_24 = arith.constant 0 : i32
    %dma_start3A_25 = arith.constant 0 : i32
    %dma_start3A_26 = arith.constant 0 : i32
    %dma_start3A_27 = arith.constant 0 : i32
    %dma_start3A_28 = tpu.memref_slice %arg10[%dma_start3A_24, %dma_start3A_26, %dma_start3A_27] : memref<4x128x128xf32, #tpu.memory_space<vmem>> -> memref<1x128x128xf32, #tpu.memory_space<vmem>>
    %dma_start3A_29 = tpu.memref_squeeze %dma_start3A_28 : memref<1x128x128xf32, #tpu.memory_space<vmem>> -> memref<128x128xf32, #tpu.memory_space<vmem>>
    %dma_start3A_30 = arith.constant 0 : i32
    %dma_start3A_31 = tpu.memref_slice %arg9[%dma_start3A_23, %dma_start3A_30] : memref<84x128xi32, #tpu.memory_space<vmem>> -> memref<1x128xi32, #tpu.memory_space<vmem>>
    %dma_start3A_32 = tpu.memref_squeeze %dma_start3A_31 : memref<1x128xi32, #tpu.memory_space<vmem>> -> memref<128xi32, #tpu.memory_space<vmem>>
    %dma_start3A_33 = arith.constant 0 : i32
    %dma_start3A_34 = arith.constant 0 : i32
    %dma_start3A_35 = tpu.memref_slice %arg2[%dma_start3A_33, %dma_start3A_34] : memref<1024x128xf32, #tpu.memory_space<hbm>> -> memref<1024x128xf32, #tpu.memory_space<hbm>>
    %dma_start3A_36 = tpu.memref_slice %arg13[%dma_start3A_25] : memref<4x!tpu.dma_semaphore, #tpu.memory_space<semaphore_mem>> -> memref<1x!tpu.dma_semaphore, #tpu.memory_space<semaphore_mem>>
    %dma_start3A_37 = tpu.memref_squeeze %dma_start3A_36 : memref<1x!tpu.dma_semaphore, #tpu.memory_space<semaphore_mem>> -> memref<!tpu.dma_semaphore, #tpu.memory_space<semaphore_mem>>
    tpu.enqueue_indirect_dma source(%dma_start3A_35 : memref<1024x128xf32, #tpu.memory_space<hbm>>) target(%dma_start3A_29 : memref<128x128xf32, #tpu.memory_space<vmem>>) offsets(%dma_start3A_32 : memref<128xi32, #tpu.memory_space<vmem>>) semaphore(%dma_start3A_37 : memref<!tpu.dma_semaphore, #tpu.memory_space<semaphore_mem>>)
    %dma_start3A_38 = arith.constant 1 : i32
    %dma_start3A_39 = arith.constant 1 : i32
    %dma_start3A_40 = arith.constant 1 : i32
    %dma_start3A_41 = arith.constant 0 : i32
    %dma_start3A_42 = arith.constant 0 : i32
    %dma_start3A_43 = tpu.memref_slice %arg10[%dma_start3A_39, %dma_start3A_41, %dma_start3A_42] : memref<4x128x128xf32, #tpu.memory_space<vmem>> -> memref<1x128x128xf32, #tpu.memory_space<vmem>>
    %dma_start3A_44 = tpu.memref_squeeze %dma_start3A_43 : memref<1x128x128xf32, #tpu.memory_space<vmem>> -> memref<128x128xf32, #tpu.memory_space<vmem>>
    %dma_start3A_45 = arith.constant 0 : i32
    %dma_start3A_46 = tpu.memref_slice %arg9[%dma_start3A_38, %dma_start3A_45] : memref<84x128xi32, #tpu.memory_space<vmem>> -> memref<1x128xi32, #tpu.memory_space<vmem>>
    %dma_start3A_47 = tpu.memref_squeeze %dma_start3A_46 : memref<1x128xi32, #tpu.memory_space<vmem>> -> memref<128xi32, #tpu.memory_space<vmem>>
    %dma_start3A_48 = arith.constant 0 : i32
    %dma_start3A_49 = arith.constant 0 : i32
    %dma_start3A_50 = tpu.memref_slice %arg17[%dma_start3A_48, %dma_start3A_49] : memref<1024x128xf32, #tpu.memory_space<vmem_shared>> -> memref<1024x128xf32, #tpu.memory_space<vmem_shared>>
    %dma_start3A_51 = tpu.memref_slice %arg13[%dma_start3A_40] : memref<4x!tpu.dma_semaphore, #tpu.memory_space<semaphore_mem>> -> memref<1x!tpu.dma_semaphore, #tpu.memory_space<semaphore_mem>>
    %dma_start3A_52 = tpu.memref_squeeze %dma_start3A_51 : memref<1x!tpu.dma_semaphore, #tpu.memory_space<semaphore_mem>> -> memref<!tpu.dma_semaphore, #tpu.memory_space<semaphore_mem>>
    tpu.enqueue_indirect_dma source(%dma_start3A_50 : memref<1024x128xf32, #tpu.memory_space<vmem_shared>>) target(%dma_start3A_44 : memref<128x128xf32, #tpu.memory_space<vmem>>) offsets(%dma_start3A_47 : memref<128xi32, #tpu.memory_space<vmem>>) semaphore(%dma_start3A_52 : memref<!tpu.dma_semaphore, #tpu.memory_space<semaphore_mem>>)
    %scan3A_53 = arith.constant 0 : i32
    %scan3A_54 = arith.constant 12 : i32
    %scan3A_55 = arith.addi %scan3A_53, %scan3A_54 : i32
    %scan3A_56 = arith.constant 1 : i32
    scf.for %scan3A_133 = %scan3A_53 to %scan3A_55 step %scan3A_56  : i32 {
      %mul3A_134 = arith.constant 1 : i32
      %mul3A_135 = arith.muli %scan3A_133, %mul3A_134 : i32
      %add3A_136 = arith.constant 0 : i32
      %add3A_137 = arith.addi %add3A_136, %mul3A_135 : i32
      %mul3A_138 = arith.constant 6 : i32
      %mul3A_139 = arith.muli %add3A_137, %mul3A_138 : i32
      %add3A_140 = arith.constant 0 : i32
      %add3A_141 = arith.addi %mul3A_139, %add3A_140 : i32
      %rem3A = arith.constant 4 : i32
      %rem3A_142 = arith.remsi %add3A_141, %rem3A : i32
      %mul3A_143 = arith.constant 7 : i32
      %mul3A_144 = arith.muli %add3A_137, %mul3A_143 : i32
      %dma_wait3A_145 = arith.constant 0 : i32
      %dma_wait3A_146 = arith.constant 0 : i32
      %dma_wait3A_147 = tpu.memref_slice %arg10[%rem3A_142, %dma_wait3A_145, %dma_wait3A_146] : memref<4x128x128xf32, #tpu.memory_space<vmem>> -> memref<1x128x128xf32, #tpu.memory_space<vmem>>
      %dma_wait3A_148 = tpu.memref_squeeze %dma_wait3A_147 : memref<1x128x128xf32, #tpu.memory_space<vmem>> -> memref<128x128xf32, #tpu.memory_space<vmem>>
      %dma_wait3A_149 = arith.constant 0 : i32
      %dma_wait3A_150 = tpu.memref_slice %arg9[%mul3A_144, %dma_wait3A_149] : memref<84x128xi32, #tpu.memory_space<vmem>> -> memref<1x128xi32, #tpu.memory_space<vmem>>
      %dma_wait3A_151 = tpu.memref_squeeze %dma_wait3A_150 : memref<1x128xi32, #tpu.memory_space<vmem>> -> memref<128xi32, #tpu.memory_space<vmem>>
      %dma_wait3A_152 = arith.constant 0 : i32
      %dma_wait3A_153 = arith.constant 0 : i32
      %dma_wait3A_154 = tpu.memref_slice %arg2[%dma_wait3A_152, %dma_wait3A_153] : memref<1024x128xf32, #tpu.memory_space<hbm>> -> memref<1024x128xf32, #tpu.memory_space<hbm>>
      %dma_wait3A_155 = tpu.memref_slice %arg13[%rem3A_142] : memref<4x!tpu.dma_semaphore, #tpu.memory_space<semaphore_mem>> -> memref<1x!tpu.dma_semaphore, #tpu.memory_space<semaphore_mem>>
      %dma_wait3A_156 = tpu.memref_squeeze %dma_wait3A_155 : memref<1x!tpu.dma_semaphore, #tpu.memory_space<semaphore_mem>> -> memref<!tpu.dma_semaphore, #tpu.memory_space<semaphore_mem>>
      tpu.wait_indirect_dma semaphore(%dma_wait3A_156 : memref<!tpu.dma_semaphore, #tpu.memory_space<semaphore_mem>>) src(%dma_wait3A_154 : memref<1024x128xf32, #tpu.memory_space<hbm>>) dst(%dma_wait3A_148 : memref<128x128xf32, #tpu.memory_space<vmem>>)
      %dma_start3A_157 = arith.constant 0 : i32
      %dma_start3A_158 = arith.constant 0 : i32
      %dma_start3A_159 = tpu.memref_slice %arg10[%rem3A_142, %dma_start3A_157, %dma_start3A_158] : memref<4x128x128xf32, #tpu.memory_space<vmem>> -> memref<1x128x128xf32, #tpu.memory_space<vmem>>
      %dma_start3A_160 = tpu.memref_squeeze %dma_start3A_159 : memref<1x128x128xf32, #tpu.memory_space<vmem>> -> memref<128x128xf32, #tpu.memory_space<vmem>>
      %dma_start3A_161 = arith.constant 0 : i32
      %dma_start3A_162 = tpu.memref_slice %arg7[%add3A_137, %mul3A_2, %dma_start3A_161] : memref<12x4096x768xf32, #tpu.memory_space<hbm>> -> memref<1x128x128xf32, #tpu.memory_space<hbm>>
      %dma_start3A_163 = tpu.memref_squeeze %dma_start3A_162 : memref<1x128x128xf32, #tpu.memory_space<hbm>> -> memref<128x128xf32, #tpu.memory_space<hbm>>
      %dma_start3A_164 = tpu.memref_slice %arg14[%rem3A_142] : memref<4x!tpu.dma_semaphore, #tpu.memory_space<semaphore_mem>> -> memref<1x!tpu.dma_semaphore, #tpu.memory_space<semaphore_mem>>
      %dma_start3A_165 = tpu.memref_squeeze %dma_start3A_164 : memref<1x!tpu.dma_semaphore, #tpu.memory_space<semaphore_mem>> -> memref<!tpu.dma_semaphore, #tpu.memory_space<semaphore_mem>>
      %dma_start3A_166 = arith.constant 0 : i32
      %dma_start3A_167 = tpu.memref_slice %arg7[%add3A_137, %mul3A_2, %dma_start3A_166] : memref<12x4096x768xf32, #tpu.memory_space<hbm>> -> memref<1x128x128xf32, #tpu.memory_space<hbm>>
      %dma_start3A_168 = tpu.memref_squeeze %dma_start3A_167 : memref<1x128x128xf32, #tpu.memory_space<hbm>> -> memref<128x128xf32, #tpu.memory_space<hbm>>
      %dma_start3A_169 = arith.constant 0 : i32
      %dma_start3A_170 = arith.constant 0 : i32
      %dma_start3A_171 = tpu.memref_slice %arg10[%rem3A_142, %dma_start3A_169, %dma_start3A_170] : memref<4x128x128xf32, #tpu.memory_space<vmem>> -> memref<1x128x128xf32, #tpu.memory_space<vmem>>
      %dma_start3A_172 = tpu.memref_squeeze %dma_start3A_171 : memref<1x128x128xf32, #tpu.memory_space<vmem>> -> memref<128x128xf32, #tpu.memory_space<vmem>>
      tpu.enqueue_dma source(%dma_start3A_172 : memref<128x128xf32, #tpu.memory_space<vmem>>) target(%dma_start3A_168 : memref<128x128xf32, #tpu.memory_space<hbm>>) target_semaphore(%dma_start3A_165 : memref<!tpu.dma_semaphore, #tpu.memory_space<semaphore_mem>>)
      %add3A_173 = arith.constant 2 : i32
      %add3A_174 = arith.addi %add3A_141, %add3A_173 : i32
      %add3A_175 = arith.constant 0 : i32
      %add3A_176 = arith.addi %add3A_137, %add3A_175 : i32
      %lt3A = arith.constant 72 : i32
      %lt3A_177 = arith.cmpi slt, %add3A_174, %lt3A : i32
      %convert_element_type3A = arith.extui %lt3A_177 : i1 to i32
      %cond3A = arith.constant 0 : i32
      %cond3A_178 = arith.cmpi ne, %convert_element_type3A, %cond3A : i32
      scf.if %cond3A_178 {
        %rem3A_419 = arith.constant 4 : i32
        %rem3A_420 = arith.remsi %add3A_174, %rem3A_419 : i32
        %ge3A = arith.constant 4 : i32
        %ge3A_421 = arith.cmpi sge, %add3A_174, %ge3A : i32
        %convert_element_type3A_422 = arith.extui %ge3A_421 : i1 to i32
        %cond3A_423 = arith.constant 0 : i32
        %cond3A_424 = arith.cmpi ne, %convert_element_type3A_422, %cond3A_423 : i32
        scf.if %cond3A_424 {
          %sub3A = arith.constant 1 : i32
          %sub3A_441 = arith.subi %add3A_137, %sub3A : i32
          %dma_wait3A_442 = arith.constant 0 : i32
          %dma_wait3A_443 = arith.constant 0 : i32
          %dma_wait3A_444 = tpu.memref_slice %arg10[%rem3A_420, %dma_wait3A_442, %dma_wait3A_443] : memref<4x128x128xf32, #tpu.memory_space<vmem>> -> memref<1x128x128xf32, #tpu.memory_space<vmem>>
          %dma_wait3A_445 = tpu.memref_squeeze %dma_wait3A_444 : memref<1x128x128xf32, #tpu.memory_space<vmem>> -> memref<128x128xf32, #tpu.memory_space<vmem>>
          %dma_wait3A_446 = arith.constant 512 : i32
          %dma_wait3A_447 = tpu.memref_slice %arg7[%sub3A_441, %mul3A_2, %dma_wait3A_446] : memref<12x4096x768xf32, #tpu.memory_space<hbm>> -> memref<1x128x128xf32, #tpu.memory_space<hbm>>
          %dma_wait3A_448 = tpu.memref_squeeze %dma_wait3A_447 : memref<1x128x128xf32, #tpu.memory_space<hbm>> -> memref<128x128xf32, #tpu.memory_space<hbm>>
          %dma_wait3A_449 = tpu.memref_slice %arg14[%rem3A_420] : memref<4x!tpu.dma_semaphore, #tpu.memory_space<semaphore_mem>> -> memref<1x!tpu.dma_semaphore, #tpu.memory_space<semaphore_mem>>
          %dma_wait3A_450 = tpu.memref_squeeze %dma_wait3A_449 : memref<1x!tpu.dma_semaphore, #tpu.memory_space<semaphore_mem>> -> memref<!tpu.dma_semaphore, #tpu.memory_space<semaphore_mem>>
          %dma_wait3A_451 = arith.constant 512 : i32
          %dma_wait3A_452 = tpu.memref_slice %arg7[%sub3A_441, %mul3A_2, %dma_wait3A_451] : memref<12x4096x768xf32, #tpu.memory_space<hbm>> -> memref<1x128x128xf32, #tpu.memory_space<hbm>>
          %dma_wait3A_453 = tpu.memref_squeeze %dma_wait3A_452 : memref<1x128x128xf32, #tpu.memory_space<hbm>> -> memref<128x128xf32, #tpu.memory_space<hbm>>
          %dma_wait3A_454 = arith.constant 0 : i32
          %dma_wait3A_455 = arith.constant 0 : i32
          %dma_wait3A_456 = tpu.memref_slice %arg10[%rem3A_420, %dma_wait3A_454, %dma_wait3A_455] : memref<4x128x128xf32, #tpu.memory_space<vmem>> -> memref<1x128x128xf32, #tpu.memory_space<vmem>>
          %dma_wait3A_457 = tpu.memref_squeeze %dma_wait3A_456 : memref<1x128x128xf32, #tpu.memory_space<vmem>> -> memref<128x128xf32, #tpu.memory_space<vmem>>
          tpu.wait_dma2 semaphore(%dma_wait3A_450 : memref<!tpu.dma_semaphore, #tpu.memory_space<semaphore_mem>>) src(%dma_wait3A_457 : memref<128x128xf32, #tpu.memory_space<vmem>>) dst(%dma_wait3A_453 : memref<128x128xf32, #tpu.memory_space<hbm>>)
        } else {
        }
        %mul3A_425 = arith.constant 7 : i32
        %mul3A_426 = arith.muli %add3A_176, %mul3A_425 : i32
        %add3A_427 = arith.constant 2 : i32
        %add3A_428 = arith.addi %mul3A_426, %add3A_427 : i32
        %dma_start3A_429 = arith.constant 0 : i32
        %dma_start3A_430 = arith.constant 0 : i32
        %dma_start3A_431 = tpu.memref_slice %arg10[%rem3A_420, %dma_start3A_429, %dma_start3A_430] : memref<4x128x128xf32, #tpu.memory_space<vmem>> -> memref<1x128x128xf32, #tpu.memory_space<vmem>>
        %dma_start3A_432 = tpu.memref_squeeze %dma_start3A_431 : memref<1x128x128xf32, #tpu.memory_space<vmem>> -> memref<128x128xf32, #tpu.memory_space<vmem>>
        %dma_start3A_433 = arith.constant 0 : i32
        %dma_start3A_434 = tpu.memref_slice %arg9[%add3A_428, %dma_start3A_433] : memref<84x128xi32, #tpu.memory_space<vmem>> -> memref<1x128xi32, #tpu.memory_space<vmem>>
        %dma_start3A_435 = tpu.memref_squeeze %dma_start3A_434 : memref<1x128xi32, #tpu.memory_space<vmem>> -> memref<128xi32, #tpu.memory_space<vmem>>
        %dma_start3A_436 = arith.constant 0 : i32
        %dma_start3A_437 = arith.constant 0 : i32
        %dma_start3A_438 = tpu.memref_slice %arg17[%dma_start3A_436, %dma_start3A_437] : memref<1024x128xf32, #tpu.memory_space<vmem_shared>> -> memref<1024x128xf32, #tpu.memory_space<vmem_shared>>
        %dma_start3A_439 = tpu.memref_slice %arg13[%rem3A_420] : memref<4x!tpu.dma_semaphore, #tpu.memory_space<semaphore_mem>> -> memref<1x!tpu.dma_semaphore, #tpu.memory_space<semaphore_mem>>
        %dma_start3A_440 = tpu.memref_squeeze %dma_start3A_439 : memref<1x!tpu.dma_semaphore, #tpu.memory_space<semaphore_mem>> -> memref<!tpu.dma_semaphore, #tpu.memory_space<semaphore_mem>>
        tpu.enqueue_indirect_dma source(%dma_start3A_438 : memref<1024x128xf32, #tpu.memory_space<vmem_shared>>) target(%dma_start3A_432 : memref<128x128xf32, #tpu.memory_space<vmem>>) offsets(%dma_start3A_435 : memref<128xi32, #tpu.memory_space<vmem>>) semaphore(%dma_start3A_440 : memref<!tpu.dma_semaphore, #tpu.memory_space<semaphore_mem>>)
      } else {
      }
      %add3A_179 = arith.constant 1 : i32
      %add3A_180 = arith.addi %mul3A_139, %add3A_179 : i32
      %rem3A_181 = arith.constant 4 : i32
      %rem3A_182 = arith.remsi %add3A_180, %rem3A_181 : i32
      %mul3A_183 = arith.constant 7 : i32
      %mul3A_184 = arith.muli %add3A_137, %mul3A_183 : i32
      %add3A_185 = arith.constant 1 : i32
      %add3A_186 = arith.addi %mul3A_184, %add3A_185 : i32
      %dma_wait3A_187 = arith.constant 0 : i32
      %dma_wait3A_188 = arith.constant 0 : i32
      %dma_wait3A_189 = tpu.memref_slice %arg10[%rem3A_182, %dma_wait3A_187, %dma_wait3A_188] : memref<4x128x128xf32, #tpu.memory_space<vmem>> -> memref<1x128x128xf32, #tpu.memory_space<vmem>>
      %dma_wait3A_190 = tpu.memref_squeeze %dma_wait3A_189 : memref<1x128x128xf32, #tpu.memory_space<vmem>> -> memref<128x128xf32, #tpu.memory_space<vmem>>
      %dma_wait3A_191 = arith.constant 0 : i32
      %dma_wait3A_192 = tpu.memref_slice %arg9[%add3A_186, %dma_wait3A_191] : memref<84x128xi32, #tpu.memory_space<vmem>> -> memref<1x128xi32, #tpu.memory_space<vmem>>
      %dma_wait3A_193 = tpu.memref_squeeze %dma_wait3A_192 : memref<1x128xi32, #tpu.memory_space<vmem>> -> memref<128xi32, #tpu.memory_space<vmem>>
      %dma_wait3A_194 = arith.constant 0 : i32
      %dma_wait3A_195 = arith.constant 0 : i32
      %dma_wait3A_196 = tpu.memref_slice %arg17[%dma_wait3A_194, %dma_wait3A_195] : memref<1024x128xf32, #tpu.memory_space<vmem_shared>> -> memref<1024x128xf32, #tpu.memory_space<vmem_shared>>
      %dma_wait3A_197 = tpu.memref_slice %arg13[%rem3A_182] : memref<4x!tpu.dma_semaphore, #tpu.memory_space<semaphore_mem>> -> memref<1x!tpu.dma_semaphore, #tpu.memory_space<semaphore_mem>>
      %dma_wait3A_198 = tpu.memref_squeeze %dma_wait3A_197 : memref<1x!tpu.dma_semaphore, #tpu.memory_space<semaphore_mem>> -> memref<!tpu.dma_semaphore, #tpu.memory_space<semaphore_mem>>
      tpu.wait_indirect_dma semaphore(%dma_wait3A_198 : memref<!tpu.dma_semaphore, #tpu.memory_space<semaphore_mem>>) src(%dma_wait3A_196 : memref<1024x128xf32, #tpu.memory_space<vmem_shared>>) dst(%dma_wait3A_190 : memref<128x128xf32, #tpu.memory_space<vmem>>)
      %dma_start3A_199 = arith.constant 0 : i32
      %dma_start3A_200 = arith.constant 0 : i32
      %dma_start3A_201 = tpu.memref_slice %arg10[%rem3A_182, %dma_start3A_199, %dma_start3A_200] : memref<4x128x128xf32, #tpu.memory_space<vmem>> -> memref<1x128x128xf32, #tpu.memory_space<vmem>>
      %dma_start3A_202 = tpu.memref_squeeze %dma_start3A_201 : memref<1x128x128xf32, #tpu.memory_space<vmem>> -> memref<128x128xf32, #tpu.memory_space<vmem>>
      %dma_start3A_203 = arith.constant 128 : i32
      %dma_start3A_204 = tpu.memref_slice %arg7[%add3A_137, %mul3A_2, %dma_start3A_203] : memref<12x4096x768xf32, #tpu.memory_space<hbm>> -> memref<1x128x128xf32, #tpu.memory_space<hbm>>
      %dma_start3A_205 = tpu.memref_squeeze %dma_start3A_204 : memref<1x128x128xf32, #tpu.memory_space<hbm>> -> memref<128x128xf32, #tpu.memory_space<hbm>>
      %dma_start3A_206 = tpu.memref_slice %arg14[%rem3A_182] : memref<4x!tpu.dma_semaphore, #tpu.memory_space<semaphore_mem>> -> memref<1x!tpu.dma_semaphore, #tpu.memory_space<semaphore_mem>>
      %dma_start3A_207 = tpu.memref_squeeze %dma_start3A_206 : memref<1x!tpu.dma_semaphore, #tpu.memory_space<semaphore_mem>> -> memref<!tpu.dma_semaphore, #tpu.memory_space<semaphore_mem>>
      %dma_start3A_208 = arith.constant 128 : i32
      %dma_start3A_209 = tpu.memref_slice %arg7[%add3A_137, %mul3A_2, %dma_start3A_208] : memref<12x4096x768xf32, #tpu.memory_space<hbm>> -> memref<1x128x128xf32, #tpu.memory_space<hbm>>
      %dma_start3A_210 = tpu.memref_squeeze %dma_start3A_209 : memref<1x128x128xf32, #tpu.memory_space<hbm>> -> memref<128x128xf32, #tpu.memory_space<hbm>>
      %dma_start3A_211 = arith.constant 0 : i32
      %dma_start3A_212 = arith.constant 0 : i32
      %dma_start3A_213 = tpu.memref_slice %arg10[%rem3A_182, %dma_start3A_211, %dma_start3A_212] : memref<4x128x128xf32, #tpu.memory_space<vmem>> -> memref<1x128x128xf32, #tpu.memory_space<vmem>>
      %dma_start3A_214 = tpu.memref_squeeze %dma_start3A_213 : memref<1x128x128xf32, #tpu.memory_space<vmem>> -> memref<128x128xf32, #tpu.memory_space<vmem>>
      tpu.enqueue_dma source(%dma_start3A_214 : memref<128x128xf32, #tpu.memory_space<vmem>>) target(%dma_start3A_210 : memref<128x128xf32, #tpu.memory_space<hbm>>) target_semaphore(%dma_start3A_207 : memref<!tpu.dma_semaphore, #tpu.memory_space<semaphore_mem>>)
      %add3A_215 = arith.constant 2 : i32
      %add3A_216 = arith.addi %add3A_180, %add3A_215 : i32
      %add3A_217 = arith.constant 0 : i32
      %add3A_218 = arith.addi %add3A_137, %add3A_217 : i32
      %lt3A_219 = arith.constant 72 : i32
      %lt3A_220 = arith.cmpi slt, %add3A_216, %lt3A_219 : i32
      %convert_element_type3A_221 = arith.extui %lt3A_220 : i1 to i32
      %cond3A_222 = arith.constant 0 : i32
      %cond3A_223 = arith.cmpi ne, %convert_element_type3A_221, %cond3A_222 : i32
      scf.if %cond3A_223 {
        %rem3A_419 = arith.constant 4 : i32
        %rem3A_420 = arith.remsi %add3A_216, %rem3A_419 : i32
        %ge3A = arith.constant 4 : i32
        %ge3A_421 = arith.cmpi sge, %add3A_216, %ge3A : i32
        %convert_element_type3A_422 = arith.extui %ge3A_421 : i1 to i32
        %cond3A_423 = arith.constant 0 : i32
        %cond3A_424 = arith.cmpi ne, %convert_element_type3A_422, %cond3A_423 : i32
        scf.if %cond3A_424 {
          %sub3A = arith.constant 1 : i32
          %sub3A_441 = arith.subi %add3A_137, %sub3A : i32
          %dma_wait3A_442 = arith.constant 0 : i32
          %dma_wait3A_443 = arith.constant 0 : i32
          %dma_wait3A_444 = tpu.memref_slice %arg10[%rem3A_420, %dma_wait3A_442, %dma_wait3A_443] : memref<4x128x128xf32, #tpu.memory_space<vmem>> -> memref<1x128x128xf32, #tpu.memory_space<vmem>>
          %dma_wait3A_445 = tpu.memref_squeeze %dma_wait3A_444 : memref<1x128x128xf32, #tpu.memory_space<vmem>> -> memref<128x128xf32, #tpu.memory_space<vmem>>
          %dma_wait3A_446 = arith.constant 640 : i32
          %dma_wait3A_447 = tpu.memref_slice %arg7[%sub3A_441, %mul3A_2, %dma_wait3A_446] : memref<12x4096x768xf32, #tpu.memory_space<hbm>> -> memref<1x128x128xf32, #tpu.memory_space<hbm>>
          %dma_wait3A_448 = tpu.memref_squeeze %dma_wait3A_447 : memref<1x128x128xf32, #tpu.memory_space<hbm>> -> memref<128x128xf32, #tpu.memory_space<hbm>>
          %dma_wait3A_449 = tpu.memref_slice %arg14[%rem3A_420] : memref<4x!tpu.dma_semaphore, #tpu.memory_space<semaphore_mem>> -> memref<1x!tpu.dma_semaphore, #tpu.memory_space<semaphore_mem>>
          %dma_wait3A_450 = tpu.memref_squeeze %dma_wait3A_449 : memref<1x!tpu.dma_semaphore, #tpu.memory_space<semaphore_mem>> -> memref<!tpu.dma_semaphore, #tpu.memory_space<semaphore_mem>>
          %dma_wait3A_451 = arith.constant 640 : i32
          %dma_wait3A_452 = tpu.memref_slice %arg7[%sub3A_441, %mul3A_2, %dma_wait3A_451] : memref<12x4096x768xf32, #tpu.memory_space<hbm>> -> memref<1x128x128xf32, #tpu.memory_space<hbm>>
          %dma_wait3A_453 = tpu.memref_squeeze %dma_wait3A_452 : memref<1x128x128xf32, #tpu.memory_space<hbm>> -> memref<128x128xf32, #tpu.memory_space<hbm>>
          %dma_wait3A_454 = arith.constant 0 : i32
          %dma_wait3A_455 = arith.constant 0 : i32
          %dma_wait3A_456 = tpu.memref_slice %arg10[%rem3A_420, %dma_wait3A_454, %dma_wait3A_455] : memref<4x128x128xf32, #tpu.memory_space<vmem>> -> memref<1x128x128xf32, #tpu.memory_space<vmem>>
          %dma_wait3A_457 = tpu.memref_squeeze %dma_wait3A_456 : memref<1x128x128xf32, #tpu.memory_space<vmem>> -> memref<128x128xf32, #tpu.memory_space<vmem>>
          tpu.wait_dma2 semaphore(%dma_wait3A_450 : memref<!tpu.dma_semaphore, #tpu.memory_space<semaphore_mem>>) src(%dma_wait3A_457 : memref<128x128xf32, #tpu.memory_space<vmem>>) dst(%dma_wait3A_453 : memref<128x128xf32, #tpu.memory_space<hbm>>)
        } else {
        }
        %mul3A_425 = arith.constant 7 : i32
        %mul3A_426 = arith.muli %add3A_218, %mul3A_425 : i32
        %add3A_427 = arith.constant 3 : i32
        %add3A_428 = arith.addi %mul3A_426, %add3A_427 : i32
        %dma_start3A_429 = arith.constant 0 : i32
        %dma_start3A_430 = arith.constant 0 : i32
        %dma_start3A_431 = tpu.memref_slice %arg10[%rem3A_420, %dma_start3A_429, %dma_start3A_430] : memref<4x128x128xf32, #tpu.memory_space<vmem>> -> memref<1x128x128xf32, #tpu.memory_space<vmem>>
        %dma_start3A_432 = tpu.memref_squeeze %dma_start3A_431 : memref<1x128x128xf32, #tpu.memory_space<vmem>> -> memref<128x128xf32, #tpu.memory_space<vmem>>
        %dma_start3A_433 = arith.constant 0 : i32
        %dma_start3A_434 = tpu.memref_slice %arg9[%add3A_428, %dma_start3A_433] : memref<84x128xi32, #tpu.memory_space<vmem>> -> memref<1x128xi32, #tpu.memory_space<vmem>>
        %dma_start3A_435 = tpu.memref_squeeze %dma_start3A_434 : memref<1x128xi32, #tpu.memory_space<vmem>> -> memref<128xi32, #tpu.memory_space<vmem>>
        %dma_start3A_436 = arith.constant 0 : i32
        %dma_start3A_437 = arith.constant 0 : i32
        %dma_start3A_438 = tpu.memref_slice %arg17[%dma_start3A_436, %dma_start3A_437] : memref<1024x128xf32, #tpu.memory_space<vmem_shared>> -> memref<1024x128xf32, #tpu.memory_space<vmem_shared>>
        %dma_start3A_439 = tpu.memref_slice %arg13[%rem3A_420] : memref<4x!tpu.dma_semaphore, #tpu.memory_space<semaphore_mem>> -> memref<1x!tpu.dma_semaphore, #tpu.memory_space<semaphore_mem>>
        %dma_start3A_440 = tpu.memref_squeeze %dma_start3A_439 : memref<1x!tpu.dma_semaphore, #tpu.memory_space<semaphore_mem>> -> memref<!tpu.dma_semaphore, #tpu.memory_space<semaphore_mem>>
        tpu.enqueue_indirect_dma source(%dma_start3A_438 : memref<1024x128xf32, #tpu.memory_space<vmem_shared>>) target(%dma_start3A_432 : memref<128x128xf32, #tpu.memory_space<vmem>>) offsets(%dma_start3A_435 : memref<128xi32, #tpu.memory_space<vmem>>) semaphore(%dma_start3A_440 : memref<!tpu.dma_semaphore, #tpu.memory_space<semaphore_mem>>)
      } else {
      }
      %add3A_224 = arith.constant 2 : i32
      %add3A_225 = arith.addi %mul3A_139, %add3A_224 : i32
      %rem3A_226 = arith.constant 4 : i32
      %rem3A_227 = arith.remsi %add3A_225, %rem3A_226 : i32
      %mul3A_228 = arith.constant 7 : i32
      %mul3A_229 = arith.muli %add3A_137, %mul3A_228 : i32
      %add3A_230 = arith.constant 2 : i32
      %add3A_231 = arith.addi %mul3A_229, %add3A_230 : i32
      %dma_wait3A_232 = arith.constant 0 : i32
      %dma_wait3A_233 = arith.constant 0 : i32
      %dma_wait3A_234 = tpu.memref_slice %arg10[%rem3A_227, %dma_wait3A_232, %dma_wait3A_233] : memref<4x128x128xf32, #tpu.memory_space<vmem>> -> memref<1x128x128xf32, #tpu.memory_space<vmem>>
      %dma_wait3A_235 = tpu.memref_squeeze %dma_wait3A_234 : memref<1x128x128xf32, #tpu.memory_space<vmem>> -> memref<128x128xf32, #tpu.memory_space<vmem>>
      %dma_wait3A_236 = arith.constant 0 : i32
      %dma_wait3A_237 = tpu.memref_slice %arg9[%add3A_231, %dma_wait3A_236] : memref<84x128xi32, #tpu.memory_space<vmem>> -> memref<1x128xi32, #tpu.memory_space<vmem>>
      %dma_wait3A_238 = tpu.memref_squeeze %dma_wait3A_237 : memref<1x128xi32, #tpu.memory_space<vmem>> -> memref<128xi32, #tpu.memory_space<vmem>>
      %dma_wait3A_239 = arith.constant 0 : i32
      %dma_wait3A_240 = arith.constant 0 : i32
      %dma_wait3A_241 = tpu.memref_slice %arg17[%dma_wait3A_239, %dma_wait3A_240] : memref<1024x128xf32, #tpu.memory_space<vmem_shared>> -> memref<1024x128xf32, #tpu.memory_space<vmem_shared>>
      %dma_wait3A_242 = tpu.memref_slice %arg13[%rem3A_227] : memref<4x!tpu.dma_semaphore, #tpu.memory_space<semaphore_mem>> -> memref<1x!tpu.dma_semaphore, #tpu.memory_space<semaphore_mem>>
      %dma_wait3A_243 = tpu.memref_squeeze %dma_wait3A_242 : memref<1x!tpu.dma_semaphore, #tpu.memory_space<semaphore_mem>> -> memref<!tpu.dma_semaphore, #tpu.memory_space<semaphore_mem>>
      tpu.wait_indirect_dma semaphore(%dma_wait3A_243 : memref<!tpu.dma_semaphore, #tpu.memory_space<semaphore_mem>>) src(%dma_wait3A_241 : memref<1024x128xf32, #tpu.memory_space<vmem_shared>>) dst(%dma_wait3A_235 : memref<128x128xf32, #tpu.memory_space<vmem>>)
      %dma_start3A_244 = arith.constant 0 : i32
      %dma_start3A_245 = arith.constant 0 : i32
      %dma_start3A_246 = tpu.memref_slice %arg10[%rem3A_227, %dma_start3A_244, %dma_start3A_245] : memref<4x128x128xf32, #tpu.memory_space<vmem>> -> memref<1x128x128xf32, #tpu.memory_space<vmem>>
      %dma_start3A_247 = tpu.memref_squeeze %dma_start3A_246 : memref<1x128x128xf32, #tpu.memory_space<vmem>> -> memref<128x128xf32, #tpu.memory_space<vmem>>
      %dma_start3A_248 = arith.constant 256 : i32
      %dma_start3A_249 = tpu.memref_slice %arg7[%add3A_137, %mul3A_2, %dma_start3A_248] : memref<12x4096x768xf32, #tpu.memory_space<hbm>> -> memref<1x128x128xf32, #tpu.memory_space<hbm>>
      %dma_start3A_250 = tpu.memref_squeeze %dma_start3A_249 : memref<1x128x128xf32, #tpu.memory_space<hbm>> -> memref<128x128xf32, #tpu.memory_space<hbm>>
      %dma_start3A_251 = tpu.memref_slice %arg14[%rem3A_227] : memref<4x!tpu.dma_semaphore, #tpu.memory_space<semaphore_mem>> -> memref<1x!tpu.dma_semaphore, #tpu.memory_space<semaphore_mem>>
      %dma_start3A_252 = tpu.memref_squeeze %dma_start3A_251 : memref<1x!tpu.dma_semaphore, #tpu.memory_space<semaphore_mem>> -> memref<!tpu.dma_semaphore, #tpu.memory_space<semaphore_mem>>
      %dma_start3A_253 = arith.constant 256 : i32
      %dma_start3A_254 = tpu.memref_slice %arg7[%add3A_137, %mul3A_2, %dma_start3A_253] : memref<12x4096x768xf32, #tpu.memory_space<hbm>> -> memref<1x128x128xf32, #tpu.memory_space<hbm>>
      %dma_start3A_255 = tpu.memref_squeeze %dma_start3A_254 : memref<1x128x128xf32, #tpu.memory_space<hbm>> -> memref<128x128xf32, #tpu.memory_space<hbm>>
      %dma_start3A_256 = arith.constant 0 : i32
      %dma_start3A_257 = arith.constant 0 : i32
      %dma_start3A_258 = tpu.memref_slice %arg10[%rem3A_227, %dma_start3A_256, %dma_start3A_257] : memref<4x128x128xf32, #tpu.memory_space<vmem>> -> memref<1x128x128xf32, #tpu.memory_space<vmem>>
      %dma_start3A_259 = tpu.memref_squeeze %dma_start3A_258 : memref<1x128x128xf32, #tpu.memory_space<vmem>> -> memref<128x128xf32, #tpu.memory_space<vmem>>
      tpu.enqueue_dma source(%dma_start3A_259 : memref<128x128xf32, #tpu.memory_space<vmem>>) target(%dma_start3A_255 : memref<128x128xf32, #tpu.memory_space<hbm>>) target_semaphore(%dma_start3A_252 : memref<!tpu.dma_semaphore, #tpu.memory_space<semaphore_mem>>)
      %add3A_260 = arith.constant 2 : i32
      %add3A_261 = arith.addi %add3A_225, %add3A_260 : i32
      %add3A_262 = arith.constant 0 : i32
      %add3A_263 = arith.addi %add3A_137, %add3A_262 : i32
      %lt3A_264 = arith.constant 72 : i32
      %lt3A_265 = arith.cmpi slt, %add3A_261, %lt3A_264 : i32
      %convert_element_type3A_266 = arith.extui %lt3A_265 : i1 to i32
      %cond3A_267 = arith.constant 0 : i32
      %cond3A_268 = arith.cmpi ne, %convert_element_type3A_266, %cond3A_267 : i32
      scf.if %cond3A_268 {
        %rem3A_419 = arith.constant 4 : i32
        %rem3A_420 = arith.remsi %add3A_261, %rem3A_419 : i32
        %ge3A = arith.constant 4 : i32
        %ge3A_421 = arith.cmpi sge, %add3A_261, %ge3A : i32
        %convert_element_type3A_422 = arith.extui %ge3A_421 : i1 to i32
        %cond3A_423 = arith.constant 0 : i32
        %cond3A_424 = arith.cmpi ne, %convert_element_type3A_422, %cond3A_423 : i32
        scf.if %cond3A_424 {
          %dma_wait3A_441 = arith.constant 0 : i32
          %dma_wait3A_442 = arith.constant 0 : i32
          %dma_wait3A_443 = tpu.memref_slice %arg10[%rem3A_420, %dma_wait3A_441, %dma_wait3A_442] : memref<4x128x128xf32, #tpu.memory_space<vmem>> -> memref<1x128x128xf32, #tpu.memory_space<vmem>>
          %dma_wait3A_444 = tpu.memref_squeeze %dma_wait3A_443 : memref<1x128x128xf32, #tpu.memory_space<vmem>> -> memref<128x128xf32, #tpu.memory_space<vmem>>
          %dma_wait3A_445 = arith.constant 0 : i32
          %dma_wait3A_446 = tpu.memref_slice %arg7[%add3A_137, %mul3A_2, %dma_wait3A_445] : memref<12x4096x768xf32, #tpu.memory_space<hbm>> -> memref<1x128x128xf32, #tpu.memory_space<hbm>>
          %dma_wait3A_447 = tpu.memref_squeeze %dma_wait3A_446 : memref<1x128x128xf32, #tpu.memory_space<hbm>> -> memref<128x128xf32, #tpu.memory_space<hbm>>
          %dma_wait3A_448 = tpu.memref_slice %arg14[%rem3A_420] : memref<4x!tpu.dma_semaphore, #tpu.memory_space<semaphore_mem>> -> memref<1x!tpu.dma_semaphore, #tpu.memory_space<semaphore_mem>>
          %dma_wait3A_449 = tpu.memref_squeeze %dma_wait3A_448 : memref<1x!tpu.dma_semaphore, #tpu.memory_space<semaphore_mem>> -> memref<!tpu.dma_semaphore, #tpu.memory_space<semaphore_mem>>
          %dma_wait3A_450 = arith.constant 0 : i32
          %dma_wait3A_451 = tpu.memref_slice %arg7[%add3A_137, %mul3A_2, %dma_wait3A_450] : memref<12x4096x768xf32, #tpu.memory_space<hbm>> -> memref<1x128x128xf32, #tpu.memory_space<hbm>>
          %dma_wait3A_452 = tpu.memref_squeeze %dma_wait3A_451 : memref<1x128x128xf32, #tpu.memory_space<hbm>> -> memref<128x128xf32, #tpu.memory_space<hbm>>
          %dma_wait3A_453 = arith.constant 0 : i32
          %dma_wait3A_454 = arith.constant 0 : i32
          %dma_wait3A_455 = tpu.memref_slice %arg10[%rem3A_420, %dma_wait3A_453, %dma_wait3A_454] : memref<4x128x128xf32, #tpu.memory_space<vmem>> -> memref<1x128x128xf32, #tpu.memory_space<vmem>>
          %dma_wait3A_456 = tpu.memref_squeeze %dma_wait3A_455 : memref<1x128x128xf32, #tpu.memory_space<vmem>> -> memref<128x128xf32, #tpu.memory_space<vmem>>
          tpu.wait_dma2 semaphore(%dma_wait3A_449 : memref<!tpu.dma_semaphore, #tpu.memory_space<semaphore_mem>>) src(%dma_wait3A_456 : memref<128x128xf32, #tpu.memory_space<vmem>>) dst(%dma_wait3A_452 : memref<128x128xf32, #tpu.memory_space<hbm>>)
        } else {
        }
        %mul3A_425 = arith.constant 7 : i32
        %mul3A_426 = arith.muli %add3A_263, %mul3A_425 : i32
        %add3A_427 = arith.constant 4 : i32
        %add3A_428 = arith.addi %mul3A_426, %add3A_427 : i32
        %dma_start3A_429 = arith.constant 0 : i32
        %dma_start3A_430 = arith.constant 0 : i32
        %dma_start3A_431 = tpu.memref_slice %arg10[%rem3A_420, %dma_start3A_429, %dma_start3A_430] : memref<4x128x128xf32, #tpu.memory_space<vmem>> -> memref<1x128x128xf32, #tpu.memory_space<vmem>>
        %dma_start3A_432 = tpu.memref_squeeze %dma_start3A_431 : memref<1x128x128xf32, #tpu.memory_space<vmem>> -> memref<128x128xf32, #tpu.memory_space<vmem>>
        %dma_start3A_433 = arith.constant 0 : i32
        %dma_start3A_434 = tpu.memref_slice %arg9[%add3A_428, %dma_start3A_433] : memref<84x128xi32, #tpu.memory_space<vmem>> -> memref<1x128xi32, #tpu.memory_space<vmem>>
        %dma_start3A_435 = tpu.memref_squeeze %dma_start3A_434 : memref<1x128xi32, #tpu.memory_space<vmem>> -> memref<128xi32, #tpu.memory_space<vmem>>
        %dma_start3A_436 = arith.constant 0 : i32
        %dma_start3A_437 = arith.constant 0 : i32
        %dma_start3A_438 = tpu.memref_slice %arg17[%dma_start3A_436, %dma_start3A_437] : memref<1024x128xf32, #tpu.memory_space<vmem_shared>> -> memref<1024x128xf32, #tpu.memory_space<vmem_shared>>
        %dma_start3A_439 = tpu.memref_slice %arg13[%rem3A_420] : memref<4x!tpu.dma_semaphore, #tpu.memory_space<semaphore_mem>> -> memref<1x!tpu.dma_semaphore, #tpu.memory_space<semaphore_mem>>
        %dma_start3A_440 = tpu.memref_squeeze %dma_start3A_439 : memref<1x!tpu.dma_semaphore, #tpu.memory_space<semaphore_mem>> -> memref<!tpu.dma_semaphore, #tpu.memory_space<semaphore_mem>>
        tpu.enqueue_indirect_dma source(%dma_start3A_438 : memref<1024x128xf32, #tpu.memory_space<vmem_shared>>) target(%dma_start3A_432 : memref<128x128xf32, #tpu.memory_space<vmem>>) offsets(%dma_start3A_435 : memref<128xi32, #tpu.memory_space<vmem>>) semaphore(%dma_start3A_440 : memref<!tpu.dma_semaphore, #tpu.memory_space<semaphore_mem>>)
      } else {
      }
      %add3A_269 = arith.constant 3 : i32
      %add3A_270 = arith.addi %mul3A_139, %add3A_269 : i32
      %rem3A_271 = arith.constant 4 : i32
      %rem3A_272 = arith.remsi %add3A_270, %rem3A_271 : i32
      %mul3A_273 = arith.constant 7 : i32
      %mul3A_274 = arith.muli %add3A_137, %mul3A_273 : i32
      %add3A_275 = arith.constant 3 : i32
      %add3A_276 = arith.addi %mul3A_274, %add3A_275 : i32
      %dma_wait3A_277 = arith.constant 0 : i32
      %dma_wait3A_278 = arith.constant 0 : i32
      %dma_wait3A_279 = tpu.memref_slice %arg10[%rem3A_272, %dma_wait3A_277, %dma_wait3A_278] : memref<4x128x128xf32, #tpu.memory_space<vmem>> -> memref<1x128x128xf32, #tpu.memory_space<vmem>>
      %dma_wait3A_280 = tpu.memref_squeeze %dma_wait3A_279 : memref<1x128x128xf32, #tpu.memory_space<vmem>> -> memref<128x128xf32, #tpu.memory_space<vmem>>
      %dma_wait3A_281 = arith.constant 0 : i32
      %dma_wait3A_282 = tpu.memref_slice %arg9[%add3A_276, %dma_wait3A_281] : memref<84x128xi32, #tpu.memory_space<vmem>> -> memref<1x128xi32, #tpu.memory_space<vmem>>
      %dma_wait3A_283 = tpu.memref_squeeze %dma_wait3A_282 : memref<1x128xi32, #tpu.memory_space<vmem>> -> memref<128xi32, #tpu.memory_space<vmem>>
      %dma_wait3A_284 = arith.constant 0 : i32
      %dma_wait3A_285 = arith.constant 0 : i32
      %dma_wait3A_286 = tpu.memref_slice %arg17[%dma_wait3A_284, %dma_wait3A_285] : memref<1024x128xf32, #tpu.memory_space<vmem_shared>> -> memref<1024x128xf32, #tpu.memory_space<vmem_shared>>
      %dma_wait3A_287 = tpu.memref_slice %arg13[%rem3A_272] : memref<4x!tpu.dma_semaphore, #tpu.memory_space<semaphore_mem>> -> memref<1x!tpu.dma_semaphore, #tpu.memory_space<semaphore_mem>>
      %dma_wait3A_288 = tpu.memref_squeeze %dma_wait3A_287 : memref<1x!tpu.dma_semaphore, #tpu.memory_space<semaphore_mem>> -> memref<!tpu.dma_semaphore, #tpu.memory_space<semaphore_mem>>
      tpu.wait_indirect_dma semaphore(%dma_wait3A_288 : memref<!tpu.dma_semaphore, #tpu.memory_space<semaphore_mem>>) src(%dma_wait3A_286 : memref<1024x128xf32, #tpu.memory_space<vmem_shared>>) dst(%dma_wait3A_280 : memref<128x128xf32, #tpu.memory_space<vmem>>)
      %dma_start3A_289 = arith.constant 0 : i32
      %dma_start3A_290 = arith.constant 0 : i32
      %dma_start3A_291 = tpu.memref_slice %arg10[%rem3A_272, %dma_start3A_289, %dma_start3A_290] : memref<4x128x128xf32, #tpu.memory_space<vmem>> -> memref<1x128x128xf32, #tpu.memory_space<vmem>>
      %dma_start3A_292 = tpu.memref_squeeze %dma_start3A_291 : memref<1x128x128xf32, #tpu.memory_space<vmem>> -> memref<128x128xf32, #tpu.memory_space<vmem>>
      %dma_start3A_293 = arith.constant 384 : i32
      %dma_start3A_294 = tpu.memref_slice %arg7[%add3A_137, %mul3A_2, %dma_start3A_293] : memref<12x4096x768xf32, #tpu.memory_space<hbm>> -> memref<1x128x128xf32, #tpu.memory_space<hbm>>
      %dma_start3A_295 = tpu.memref_squeeze %dma_start3A_294 : memref<1x128x128xf32, #tpu.memory_space<hbm>> -> memref<128x128xf32, #tpu.memory_space<hbm>>
      %dma_start3A_296 = tpu.memref_slice %arg14[%rem3A_272] : memref<4x!tpu.dma_semaphore, #tpu.memory_space<semaphore_mem>> -> memref<1x!tpu.dma_semaphore, #tpu.memory_space<semaphore_mem>>
      %dma_start3A_297 = tpu.memref_squeeze %dma_start3A_296 : memref<1x!tpu.dma_semaphore, #tpu.memory_space<semaphore_mem>> -> memref<!tpu.dma_semaphore, #tpu.memory_space<semaphore_mem>>
      %dma_start3A_298 = arith.constant 384 : i32
      %dma_start3A_299 = tpu.memref_slice %arg7[%add3A_137, %mul3A_2, %dma_start3A_298] : memref<12x4096x768xf32, #tpu.memory_space<hbm>> -> memref<1x128x128xf32, #tpu.memory_space<hbm>>
      %dma_start3A_300 = tpu.memref_squeeze %dma_start3A_299 : memref<1x128x128xf32, #tpu.memory_space<hbm>> -> memref<128x128xf32, #tpu.memory_space<hbm>>
      %dma_start3A_301 = arith.constant 0 : i32
      %dma_start3A_302 = arith.constant 0 : i32
      %dma_start3A_303 = tpu.memref_slice %arg10[%rem3A_272, %dma_start3A_301, %dma_start3A_302] : memref<4x128x128xf32, #tpu.memory_space<vmem>> -> memref<1x128x128xf32, #tpu.memory_space<vmem>>
      %dma_start3A_304 = tpu.memref_squeeze %dma_start3A_303 : memref<1x128x128xf32, #tpu.memory_space<vmem>> -> memref<128x128xf32, #tpu.memory_space<vmem>>
      tpu.enqueue_dma source(%dma_start3A_304 : memref<128x128xf32, #tpu.memory_space<vmem>>) target(%dma_start3A_300 : memref<128x128xf32, #tpu.memory_space<hbm>>) target_semaphore(%dma_start3A_297 : memref<!tpu.dma_semaphore, #tpu.memory_space<semaphore_mem>>)
      %add3A_305 = arith.constant 2 : i32
      %add3A_306 = arith.addi %add3A_270, %add3A_305 : i32
      %add3A_307 = arith.constant 0 : i32
      %add3A_308 = arith.addi %add3A_137, %add3A_307 : i32
      %lt3A_309 = arith.constant 72 : i32
      %lt3A_310 = arith.cmpi slt, %add3A_306, %lt3A_309 : i32
      %convert_element_type3A_311 = arith.extui %lt3A_310 : i1 to i32
      %cond3A_312 = arith.constant 0 : i32
      %cond3A_313 = arith.cmpi ne, %convert_element_type3A_311, %cond3A_312 : i32
      scf.if %cond3A_313 {
        %rem3A_419 = arith.constant 4 : i32
        %rem3A_420 = arith.remsi %add3A_306, %rem3A_419 : i32
        %ge3A = arith.constant 4 : i32
        %ge3A_421 = arith.cmpi sge, %add3A_306, %ge3A : i32
        %convert_element_type3A_422 = arith.extui %ge3A_421 : i1 to i32
        %cond3A_423 = arith.constant 0 : i32
        %cond3A_424 = arith.cmpi ne, %convert_element_type3A_422, %cond3A_423 : i32
        scf.if %cond3A_424 {
          %dma_wait3A_425 = arith.constant 0 : i32
          %dma_wait3A_426 = arith.constant 0 : i32
          %dma_wait3A_427 = tpu.memref_slice %arg10[%rem3A_420, %dma_wait3A_425, %dma_wait3A_426] : memref<4x128x128xf32, #tpu.memory_space<vmem>> -> memref<1x128x128xf32, #tpu.memory_space<vmem>>
          %dma_wait3A_428 = tpu.memref_squeeze %dma_wait3A_427 : memref<1x128x128xf32, #tpu.memory_space<vmem>> -> memref<128x128xf32, #tpu.memory_space<vmem>>
          %dma_wait3A_429 = arith.constant 128 : i32
          %dma_wait3A_430 = tpu.memref_slice %arg7[%add3A_137, %mul3A_2, %dma_wait3A_429] : memref<12x4096x768xf32, #tpu.memory_space<hbm>> -> memref<1x128x128xf32, #tpu.memory_space<hbm>>
          %dma_wait3A_431 = tpu.memref_squeeze %dma_wait3A_430 : memref<1x128x128xf32, #tpu.memory_space<hbm>> -> memref<128x128xf32, #tpu.memory_space<hbm>>
          %dma_wait3A_432 = tpu.memref_slice %arg14[%rem3A_420] : memref<4x!tpu.dma_semaphore, #tpu.memory_space<semaphore_mem>> -> memref<1x!tpu.dma_semaphore, #tpu.memory_space<semaphore_mem>>
          %dma_wait3A_433 = tpu.memref_squeeze %dma_wait3A_432 : memref<1x!tpu.dma_semaphore, #tpu.memory_space<semaphore_mem>> -> memref<!tpu.dma_semaphore, #tpu.memory_space<semaphore_mem>>
          %dma_wait3A_434 = arith.constant 128 : i32
          %dma_wait3A_435 = tpu.memref_slice %arg7[%add3A_137, %mul3A_2, %dma_wait3A_434] : memref<12x4096x768xf32, #tpu.memory_space<hbm>> -> memref<1x128x128xf32, #tpu.memory_space<hbm>>
          %dma_wait3A_436 = tpu.memref_squeeze %dma_wait3A_435 : memref<1x128x128xf32, #tpu.memory_space<hbm>> -> memref<128x128xf32, #tpu.memory_space<hbm>>
          %dma_wait3A_437 = arith.constant 0 : i32
          %dma_wait3A_438 = arith.constant 0 : i32
          %dma_wait3A_439 = tpu.memref_slice %arg10[%rem3A_420, %dma_wait3A_437, %dma_wait3A_438] : memref<4x128x128xf32, #tpu.memory_space<vmem>> -> memref<1x128x128xf32, #tpu.memory_space<vmem>>
          %dma_wait3A_440 = tpu.memref_squeeze %dma_wait3A_439 : memref<1x128x128xf32, #tpu.memory_space<vmem>> -> memref<128x128xf32, #tpu.memory_space<vmem>>
          tpu.wait_dma2 semaphore(%dma_wait3A_433 : memref<!tpu.dma_semaphore, #tpu.memory_space<semaphore_mem>>) src(%dma_wait3A_440 : memref<128x128xf32, #tpu.memory_space<vmem>>) dst(%dma_wait3A_436 : memref<128x128xf32, #tpu.memory_space<hbm>>)
        } else {
        }
      } else {
      }
      %add3A_314 = arith.constant 4 : i32
      %add3A_315 = arith.addi %mul3A_139, %add3A_314 : i32
      %rem3A_316 = arith.constant 4 : i32
      %rem3A_317 = arith.remsi %add3A_315, %rem3A_316 : i32
      %mul3A_318 = arith.constant 7 : i32
      %mul3A_319 = arith.muli %add3A_137, %mul3A_318 : i32
      %add3A_320 = arith.constant 4 : i32
      %add3A_321 = arith.addi %mul3A_319, %add3A_320 : i32
      %dma_wait3A_322 = arith.constant 0 : i32
      %dma_wait3A_323 = arith.constant 0 : i32
      %dma_wait3A_324 = tpu.memref_slice %arg10[%rem3A_317, %dma_wait3A_322, %dma_wait3A_323] : memref<4x128x128xf32, #tpu.memory_space<vmem>> -> memref<1x128x128xf32, #tpu.memory_space<vmem>>
      %dma_wait3A_325 = tpu.memref_squeeze %dma_wait3A_324 : memref<1x128x128xf32, #tpu.memory_space<vmem>> -> memref<128x128xf32, #tpu.memory_space<vmem>>
      %dma_wait3A_326 = arith.constant 0 : i32
      %dma_wait3A_327 = tpu.memref_slice %arg9[%add3A_321, %dma_wait3A_326] : memref<84x128xi32, #tpu.memory_space<vmem>> -> memref<1x128xi32, #tpu.memory_space<vmem>>
      %dma_wait3A_328 = tpu.memref_squeeze %dma_wait3A_327 : memref<1x128xi32, #tpu.memory_space<vmem>> -> memref<128xi32, #tpu.memory_space<vmem>>
      %dma_wait3A_329 = arith.constant 0 : i32
      %dma_wait3A_330 = arith.constant 0 : i32
      %dma_wait3A_331 = tpu.memref_slice %arg17[%dma_wait3A_329, %dma_wait3A_330] : memref<1024x128xf32, #tpu.memory_space<vmem_shared>> -> memref<1024x128xf32, #tpu.memory_space<vmem_shared>>
      %dma_wait3A_332 = tpu.memref_slice %arg13[%rem3A_317] : memref<4x!tpu.dma_semaphore, #tpu.memory_space<semaphore_mem>> -> memref<1x!tpu.dma_semaphore, #tpu.memory_space<semaphore_mem>>
      %dma_wait3A_333 = tpu.memref_squeeze %dma_wait3A_332 : memref<1x!tpu.dma_semaphore, #tpu.memory_space<semaphore_mem>> -> memref<!tpu.dma_semaphore, #tpu.memory_space<semaphore_mem>>
      tpu.wait_indirect_dma semaphore(%dma_wait3A_333 : memref<!tpu.dma_semaphore, #tpu.memory_space<semaphore_mem>>) src(%dma_wait3A_331 : memref<1024x128xf32, #tpu.memory_space<vmem_shared>>) dst(%dma_wait3A_325 : memref<128x128xf32, #tpu.memory_space<vmem>>)
      %dma_start3A_334 = arith.constant 0 : i32
      %dma_start3A_335 = arith.constant 0 : i32
      %dma_start3A_336 = tpu.memref_slice %arg10[%rem3A_317, %dma_start3A_334, %dma_start3A_335] : memref<4x128x128xf32, #tpu.memory_space<vmem>> -> memref<1x128x128xf32, #tpu.memory_space<vmem>>
      %dma_start3A_337 = tpu.memref_squeeze %dma_start3A_336 : memref<1x128x128xf32, #tpu.memory_space<vmem>> -> memref<128x128xf32, #tpu.memory_space<vmem>>
      %dma_start3A_338 = arith.constant 512 : i32
      %dma_start3A_339 = tpu.memref_slice %arg7[%add3A_137, %mul3A_2, %dma_start3A_338] : memref<12x4096x768xf32, #tpu.memory_space<hbm>> -> memref<1x128x128xf32, #tpu.memory_space<hbm>>
      %dma_start3A_340 = tpu.memref_squeeze %dma_start3A_339 : memref<1x128x128xf32, #tpu.memory_space<hbm>> -> memref<128x128xf32, #tpu.memory_space<hbm>>
      %dma_start3A_341 = tpu.memref_slice %arg14[%rem3A_317] : memref<4x!tpu.dma_semaphore, #tpu.memory_space<semaphore_mem>> -> memref<1x!tpu.dma_semaphore, #tpu.memory_space<semaphore_mem>>
      %dma_start3A_342 = tpu.memref_squeeze %dma_start3A_341 : memref<1x!tpu.dma_semaphore, #tpu.memory_space<semaphore_mem>> -> memref<!tpu.dma_semaphore, #tpu.memory_space<semaphore_mem>>
      %dma_start3A_343 = arith.constant 512 : i32
      %dma_start3A_344 = tpu.memref_slice %arg7[%add3A_137, %mul3A_2, %dma_start3A_343] : memref<12x4096x768xf32, #tpu.memory_space<hbm>> -> memref<1x128x128xf32, #tpu.memory_space<hbm>>
      %dma_start3A_345 = tpu.memref_squeeze %dma_start3A_344 : memref<1x128x128xf32, #tpu.memory_space<hbm>> -> memref<128x128xf32, #tpu.memory_space<hbm>>
      %dma_start3A_346 = arith.constant 0 : i32
      %dma_start3A_347 = arith.constant 0 : i32
      %dma_start3A_348 = tpu.memref_slice %arg10[%rem3A_317, %dma_start3A_346, %dma_start3A_347] : memref<4x128x128xf32, #tpu.memory_space<vmem>> -> memref<1x128x128xf32, #tpu.memory_space<vmem>>
      %dma_start3A_349 = tpu.memref_squeeze %dma_start3A_348 : memref<1x128x128xf32, #tpu.memory_space<vmem>> -> memref<128x128xf32, #tpu.memory_space<vmem>>
      tpu.enqueue_dma source(%dma_start3A_349 : memref<128x128xf32, #tpu.memory_space<vmem>>) target(%dma_start3A_345 : memref<128x128xf32, #tpu.memory_space<hbm>>) target_semaphore(%dma_start3A_342 : memref<!tpu.dma_semaphore, #tpu.memory_space<semaphore_mem>>)
      %add3A_350 = arith.constant 2 : i32
      %add3A_351 = arith.addi %add3A_315, %add3A_350 : i32
      %add3A_352 = arith.constant 1 : i32
      %add3A_353 = arith.addi %add3A_137, %add3A_352 : i32
      %lt3A_354 = arith.constant 72 : i32
      %lt3A_355 = arith.cmpi slt, %add3A_351, %lt3A_354 : i32
      %convert_element_type3A_356 = arith.extui %lt3A_355 : i1 to i32
      %cond3A_357 = arith.constant 0 : i32
      %cond3A_358 = arith.cmpi ne, %convert_element_type3A_356, %cond3A_357 : i32
      scf.if %cond3A_358 {
        %rem3A_419 = arith.constant 4 : i32
        %rem3A_420 = arith.remsi %add3A_351, %rem3A_419 : i32
        %ge3A = arith.constant 4 : i32
        %ge3A_421 = arith.cmpi sge, %add3A_351, %ge3A : i32
        %convert_element_type3A_422 = arith.extui %ge3A_421 : i1 to i32
        %cond3A_423 = arith.constant 0 : i32
        %cond3A_424 = arith.cmpi ne, %convert_element_type3A_422, %cond3A_423 : i32
        scf.if %cond3A_424 {
          %dma_wait3A_439 = arith.constant 0 : i32
          %dma_wait3A_440 = arith.constant 0 : i32
          %dma_wait3A_441 = tpu.memref_slice %arg10[%rem3A_420, %dma_wait3A_439, %dma_wait3A_440] : memref<4x128x128xf32, #tpu.memory_space<vmem>> -> memref<1x128x128xf32, #tpu.memory_space<vmem>>
          %dma_wait3A_442 = tpu.memref_squeeze %dma_wait3A_441 : memref<1x128x128xf32, #tpu.memory_space<vmem>> -> memref<128x128xf32, #tpu.memory_space<vmem>>
          %dma_wait3A_443 = arith.constant 256 : i32
          %dma_wait3A_444 = tpu.memref_slice %arg7[%add3A_137, %mul3A_2, %dma_wait3A_443] : memref<12x4096x768xf32, #tpu.memory_space<hbm>> -> memref<1x128x128xf32, #tpu.memory_space<hbm>>
          %dma_wait3A_445 = tpu.memref_squeeze %dma_wait3A_444 : memref<1x128x128xf32, #tpu.memory_space<hbm>> -> memref<128x128xf32, #tpu.memory_space<hbm>>
          %dma_wait3A_446 = tpu.memref_slice %arg14[%rem3A_420] : memref<4x!tpu.dma_semaphore, #tpu.memory_space<semaphore_mem>> -> memref<1x!tpu.dma_semaphore, #tpu.memory_space<semaphore_mem>>
          %dma_wait3A_447 = tpu.memref_squeeze %dma_wait3A_446 : memref<1x!tpu.dma_semaphore, #tpu.memory_space<semaphore_mem>> -> memref<!tpu.dma_semaphore, #tpu.memory_space<semaphore_mem>>
          %dma_wait3A_448 = arith.constant 256 : i32
          %dma_wait3A_449 = tpu.memref_slice %arg7[%add3A_137, %mul3A_2, %dma_wait3A_448] : memref<12x4096x768xf32, #tpu.memory_space<hbm>> -> memref<1x128x128xf32, #tpu.memory_space<hbm>>
          %dma_wait3A_450 = tpu.memref_squeeze %dma_wait3A_449 : memref<1x128x128xf32, #tpu.memory_space<hbm>> -> memref<128x128xf32, #tpu.memory_space<hbm>>
          %dma_wait3A_451 = arith.constant 0 : i32
          %dma_wait3A_452 = arith.constant 0 : i32
          %dma_wait3A_453 = tpu.memref_slice %arg10[%rem3A_420, %dma_wait3A_451, %dma_wait3A_452] : memref<4x128x128xf32, #tpu.memory_space<vmem>> -> memref<1x128x128xf32, #tpu.memory_space<vmem>>
          %dma_wait3A_454 = tpu.memref_squeeze %dma_wait3A_453 : memref<1x128x128xf32, #tpu.memory_space<vmem>> -> memref<128x128xf32, #tpu.memory_space<vmem>>
          tpu.wait_dma2 semaphore(%dma_wait3A_447 : memref<!tpu.dma_semaphore, #tpu.memory_space<semaphore_mem>>) src(%dma_wait3A_454 : memref<128x128xf32, #tpu.memory_space<vmem>>) dst(%dma_wait3A_450 : memref<128x128xf32, #tpu.memory_space<hbm>>)
        } else {
        }
        %mul3A_425 = arith.constant 7 : i32
        %mul3A_426 = arith.muli %add3A_353, %mul3A_425 : i32
        %dma_start3A_427 = arith.constant 0 : i32
        %dma_start3A_428 = arith.constant 0 : i32
        %dma_start3A_429 = tpu.memref_slice %arg10[%rem3A_420, %dma_start3A_427, %dma_start3A_428] : memref<4x128x128xf32, #tpu.memory_space<vmem>> -> memref<1x128x128xf32, #tpu.memory_space<vmem>>
        %dma_start3A_430 = tpu.memref_squeeze %dma_start3A_429 : memref<1x128x128xf32, #tpu.memory_space<vmem>> -> memref<128x128xf32, #tpu.memory_space<vmem>>
        %dma_start3A_431 = arith.constant 0 : i32
        %dma_start3A_432 = tpu.memref_slice %arg9[%mul3A_426, %dma_start3A_431] : memref<84x128xi32, #tpu.memory_space<vmem>> -> memref<1x128xi32, #tpu.memory_space<vmem>>
        %dma_start3A_433 = tpu.memref_squeeze %dma_start3A_432 : memref<1x128xi32, #tpu.memory_space<vmem>> -> memref<128xi32, #tpu.memory_space<vmem>>
        %dma_start3A_434 = arith.constant 0 : i32
        %dma_start3A_435 = arith.constant 0 : i32
        %dma_start3A_436 = tpu.memref_slice %arg2[%dma_start3A_434, %dma_start3A_435] : memref<1024x128xf32, #tpu.memory_space<hbm>> -> memref<1024x128xf32, #tpu.memory_space<hbm>>
        %dma_start3A_437 = tpu.memref_slice %arg13[%rem3A_420] : memref<4x!tpu.dma_semaphore, #tpu.memory_space<semaphore_mem>> -> memref<1x!tpu.dma_semaphore, #tpu.memory_space<semaphore_mem>>
        %dma_start3A_438 = tpu.memref_squeeze %dma_start3A_437 : memref<1x!tpu.dma_semaphore, #tpu.memory_space<semaphore_mem>> -> memref<!tpu.dma_semaphore, #tpu.memory_space<semaphore_mem>>
        tpu.enqueue_indirect_dma source(%dma_start3A_436 : memref<1024x128xf32, #tpu.memory_space<hbm>>) target(%dma_start3A_430 : memref<128x128xf32, #tpu.memory_space<vmem>>) offsets(%dma_start3A_433 : memref<128xi32, #tpu.memory_space<vmem>>) semaphore(%dma_start3A_438 : memref<!tpu.dma_semaphore, #tpu.memory_space<semaphore_mem>>)
      } else {
      }
      %add3A_359 = arith.constant 5 : i32
      %add3A_360 = arith.addi %mul3A_139, %add3A_359 : i32
      %rem3A_361 = arith.constant 4 : i32
      %rem3A_362 = arith.remsi %add3A_360, %rem3A_361 : i32
      %mul3A_363 = arith.constant 7 : i32
      %mul3A_364 = arith.muli %add3A_137, %mul3A_363 : i32
      %add3A_365 = arith.constant 6 : i32
      %add3A_366 = arith.addi %mul3A_364, %add3A_365 : i32
      %dma_wait3A_367 = arith.constant 0 : i32
      %dma_wait3A_368 = arith.constant 0 : i32
      %dma_wait3A_369 = arith.constant 0 : i32
      %dma_wait3A_370 = tpu.memref_slice %arg11[%dma_wait3A_367, %dma_wait3A_368, %dma_wait3A_369] : memref<1x128x128xf32, #tpu.memory_space<vmem>> -> memref<1x128x128xf32, #tpu.memory_space<vmem>>
      %dma_wait3A_371 = tpu.memref_squeeze %dma_wait3A_370 : memref<1x128x128xf32, #tpu.memory_space<vmem>> -> memref<128x128xf32, #tpu.memory_space<vmem>>
      %dma_wait3A_372 = arith.constant 0 : i32
      %dma_wait3A_373 = tpu.memref_slice %arg9[%add3A_366, %dma_wait3A_372] : memref<84x128xi32, #tpu.memory_space<vmem>> -> memref<1x128xi32, #tpu.memory_space<vmem>>
      %dma_wait3A_374 = tpu.memref_squeeze %dma_wait3A_373 : memref<1x128xi32, #tpu.memory_space<vmem>> -> memref<128xi32, #tpu.memory_space<vmem>>
      %dma_wait3A_375 = arith.constant 0 : i32
      %dma_wait3A_376 = arith.constant 0 : i32
      %dma_wait3A_377 = tpu.memref_slice %arg5[%dma_wait3A_375, %dma_wait3A_376] : memref<1024x128xf32, #tpu.memory_space<hbm>> -> memref<1024x128xf32, #tpu.memory_space<hbm>>
      tpu.wait_indirect_dma semaphore(%arg15 : memref<!tpu.dma_semaphore, #tpu.memory_space<semaphore_mem>>) src(%dma_wait3A_377 : memref<1024x128xf32, #tpu.memory_space<hbm>>) dst(%dma_wait3A_371 : memref<128x128xf32, #tpu.memory_space<vmem>>)
      %mul3A_378 = arith.constant 7 : i32
      %mul3A_379 = arith.muli %add3A_137, %mul3A_378 : i32
      %add3A_380 = arith.constant 5 : i32
      %add3A_381 = arith.addi %mul3A_379, %add3A_380 : i32
      %scan3A_382 = arith.constant 0 : i32
      %scan3A_383 = arith.constant 8 : i32
      %scan3A_384 = arith.addi %scan3A_382, %scan3A_383 : i32
      %scan3A_385 = arith.constant 1 : i32
      scf.for %scan3A_419 = %scan3A_382 to %scan3A_384 step %scan3A_385  : i32 {
        %mul3A_420 = arith.constant 1 : i32
        %mul3A_421 = arith.muli %scan3A_419, %mul3A_420 : i32
        %add3A_422 = arith.constant 0 : i32
        %add3A_423 = arith.addi %add3A_422, %mul3A_421 : i32
        %mul3A_424 = arith.constant 16 : i32
        %mul3A_425 = arith.muli %add3A_423, %mul3A_424 : i32
        %get3A = arith.index_cast %add3A_381 : i32 to index
        %get3A_426 = arith.index_cast %mul3A_425 : i32 to index
        %get3A_427 = tpu.vector_load %arg9[%get3A, %get3A_426] {strides = array<i32>} : memref<84x128xi32, #tpu.memory_space<vmem>>, vector<16xi32>,
        %slice3A = vector.extract_strided_slice %get3A_427 {offsets = [0], sizes = [1], strides = [1]} : vector<16xi32> to vector<1xi32>
        %squeeze3A = vector.extract %slice3A[0] : i32 from vector<1xi32>
        %shift_right_logical3A = arith.constant 1 : i32
        %shift_right_logical3A_428 = arith.shrui %squeeze3A, %shift_right_logical3A : i32
        %and3A = arith.constant 1 : i32
        %and3A_429 = arith.andi %squeeze3A, %and3A : i32
        %mul3A_430 = arith.constant 64 : i32
        %mul3A_431 = arith.muli %and3A_429, %mul3A_430 : i32
        %add3A_432 = arith.constant 0 : i32
        %add3A_433 = arith.addi %mul3A_425, %add3A_432 : i32
        %add3A_434 = arith.constant 0 : i32
        %add3A_435 = arith.addi %mul3A_431, %add3A_434 : i32
        %get3A_436 = arith.index_cast %shift_right_logical3A_428 : i32 to index
        %get3A_437 = arith.index_cast %add3A_435 : i32 to index
        %get3A_438 = tpu.vector_load %arg12[%get3A_436, %get3A_437] {strides = array<i32>} : memref<176x128xf32, #tpu.memory_space<vmem>>, vector<16xf32>,
        %swap3A = arith.index_cast %rem3A_362 : i32 to index
        %swap3A_439 = arith.index_cast %add3A_433 : i32 to index
        %swap3A_440 = arith.constant 0 : index
        %swap3A_441 = tpu.vector_load %arg10[%swap3A, %swap3A_439, %swap3A_440] {strides = array<i32>} : memref<4x128x128xf32, #tpu.memory_space<vmem>>, vector<16xf32>,
        tpu.vector_store %arg10[%swap3A, %swap3A_439, %swap3A_440], %get3A_438 {strides = array<i32>} : memref<4x128x128xf32, #tpu.memory_space<vmem>>, vector<16xf32>,
        %get3A_442 = arith.constant 0 : i32
        %get3A_443 = arith.index_cast %get3A_442 : i32 to index
        %get3A_444 = arith.index_cast %add3A_433 : i32 to index
        %get3A_445 = arith.constant 64 : index
        %get3A_446 = tpu.vector_load %arg11[%get3A_443, %get3A_444, %get3A_445] {strides = array<i32>} : memref<1x128x128xf32, #tpu.memory_space<vmem>>, vector<16xf32>,
        %swap3A_447 = arith.index_cast %rem3A_362 : i32 to index
        %swap3A_448 = arith.index_cast %add3A_433 : i32 to index
        %swap3A_449 = arith.constant 64 : index
        %swap3A_450 = tpu.vector_load %arg10[%swap3A_447, %swap3A_448, %swap3A_449] {strides = array<i32>} : memref<4x128x128xf32, #tpu.memory_space<vmem>>, vector<16xf32>,
        tpu.vector_store %arg10[%swap3A_447, %swap3A_448, %swap3A_449], %get3A_446 {strides = array<i32>} : memref<4x128x128xf32, #tpu.memory_space<vmem>>, vector<16xf32>,
        %add3A_451 = arith.constant 16 : i32
        %add3A_452 = arith.addi %mul3A_431, %add3A_451 : i32
        %get3A_453 = arith.index_cast %shift_right_logical3A_428 : i32 to index
        %get3A_454 = arith.index_cast %add3A_452 : i32 to index
        %get3A_455 = tpu.vector_load %arg12[%get3A_453, %get3A_454] {strides = array<i32>} : memref<176x128xf32, #tpu.memory_space<vmem>>, vector<16xf32>,
        %swap3A_456 = arith.index_cast %rem3A_362 : i32 to index
        %swap3A_457 = arith.index_cast %add3A_433 : i32 to index
        %swap3A_458 = arith.constant 16 : index
        %swap3A_459 = tpu.vector_load %arg10[%swap3A_456, %swap3A_457, %swap3A_458] {strides = array<i32>} : memref<4x128x128xf32, #tpu.memory_space<vmem>>, vector<16xf32>,
        tpu.vector_store %arg10[%swap3A_456, %swap3A_457, %swap3A_458], %get3A_455 {strides = array<i32>} : memref<4x128x128xf32, #tpu.memory_space<vmem>>, vector<16xf32>,
        %get3A_460 = arith.constant 0 : i32
        %get3A_461 = arith.index_cast %get3A_460 : i32 to index
        %get3A_462 = arith.index_cast %add3A_433 : i32 to index
        %get3A_463 = arith.constant 80 : index
        %get3A_464 = tpu.vector_load %arg11[%get3A_461, %get3A_462, %get3A_463] {strides = array<i32>} : memref<1x128x128xf32, #tpu.memory_space<vmem>>, vector<16xf32>,
        %swap3A_465 = arith.index_cast %rem3A_362 : i32 to index
        %swap3A_466 = arith.index_cast %add3A_433 : i32 to index
        %swap3A_467 = arith.constant 80 : index
        %swap3A_468 = tpu.vector_load %arg10[%swap3A_465, %swap3A_466, %swap3A_467] {strides = array<i32>} : memref<4x128x128xf32, #tpu.memory_space<vmem>>, vector<16xf32>,
        tpu.vector_store %arg10[%swap3A_465, %swap3A_466, %swap3A_467], %get3A_464 {strides = array<i32>} : memref<4x128x128xf32, #tpu.memory_space<vmem>>, vector<16xf32>,
        %add3A_469 = arith.constant 32 : i32
        %add3A_470 = arith.addi %mul3A_431, %add3A_469 : i32
        %get3A_471 = arith.index_cast %shift_right_logical3A_428 : i32 to index
        %get3A_472 = arith.index_cast %add3A_470 : i32 to index
        %get3A_473 = tpu.vector_load %arg12[%get3A_471, %get3A_472] {strides = array<i32>} : memref<176x128xf32, #tpu.memory_space<vmem>>, vector<16xf32>,
        %swap3A_474 = arith.index_cast %rem3A_362 : i32 to index
        %swap3A_475 = arith.index_cast %add3A_433 : i32 to index
        %swap3A_476 = arith.constant 32 : index
        %swap3A_477 = tpu.vector_load %arg10[%swap3A_474, %swap3A_475, %swap3A_476] {strides = array<i32>} : memref<4x128x128xf32, #tpu.memory_space<vmem>>, vector<16xf32>,
        tpu.vector_store %arg10[%swap3A_474, %swap3A_475, %swap3A_476], %get3A_473 {strides = array<i32>} : memref<4x128x128xf32, #tpu.memory_space<vmem>>, vector<16xf32>,
        %get3A_478 = arith.constant 0 : i32
        %get3A_479 = arith.index_cast %get3A_478 : i32 to index
        %get3A_480 = arith.index_cast %add3A_433 : i32 to index
        %get3A_481 = arith.constant 96 : index
        %get3A_482 = tpu.vector_load %arg11[%get3A_479, %get3A_480, %get3A_481] {strides = array<i32>} : memref<1x128x128xf32, #tpu.memory_space<vmem>>, vector<16xf32>,
        %swap3A_483 = arith.index_cast %rem3A_362 : i32 to index
        %swap3A_484 = arith.index_cast %add3A_433 : i32 to index
        %swap3A_485 = arith.constant 96 : index
        %swap3A_486 = tpu.vector_load %arg10[%swap3A_483, %swap3A_484, %swap3A_485] {strides = array<i32>} : memref<4x128x128xf32, #tpu.memory_space<vmem>>, vector<16xf32>,
        tpu.vector_store %arg10[%swap3A_483, %swap3A_484, %swap3A_485], %get3A_482 {strides = array<i32>} : memref<4x128x128xf32, #tpu.memory_space<vmem>>, vector<16xf32>,
        %add3A_487 = arith.constant 48 : i32
        %add3A_488 = arith.addi %mul3A_431, %add3A_487 : i32
        %get3A_489 = arith.index_cast %shift_right_logical3A_428 : i32 to index
        %get3A_490 = arith.index_cast %add3A_488 : i32 to index
        %get3A_491 = tpu.vector_load %arg12[%get3A_489, %get3A_490] {strides = array<i32>} : memref<176x128xf32, #tpu.memory_space<vmem>>, vector<16xf32>,
        %swap3A_492 = arith.index_cast %rem3A_362 : i32 to index
        %swap3A_493 = arith.index_cast %add3A_433 : i32 to index
        %swap3A_494 = arith.constant 48 : index
        %swap3A_495 = tpu.vector_load %arg10[%swap3A_492, %swap3A_493, %swap3A_494] {strides = array<i32>} : memref<4x128x128xf32, #tpu.memory_space<vmem>>, vector<16xf32>,
        tpu.vector_store %arg10[%swap3A_492, %swap3A_493, %swap3A_494], %get3A_491 {strides = array<i32>} : memref<4x128x128xf32, #tpu.memory_space<vmem>>, vector<16xf32>,
        %get3A_496 = arith.constant 0 : i32
        %get3A_497 = arith.index_cast %get3A_496 : i32 to index
        %get3A_498 = arith.index_cast %add3A_433 : i32 to index
        %get3A_499 = arith.constant 112 : index
        %get3A_500 = tpu.vector_load %arg11[%get3A_497, %get3A_498, %get3A_499] {strides = array<i32>} : memref<1x128x128xf32, #tpu.memory_space<vmem>>, vector<16xf32>,
        %swap3A_501 = arith.index_cast %rem3A_362 : i32 to index
        %swap3A_502 = arith.index_cast %add3A_433 : i32 to index
        %swap3A_503 = arith.constant 112 : index
        %swap3A_504 = tpu.vector_load %arg10[%swap3A_501, %swap3A_502, %swap3A_503] {strides = array<i32>} : memref<4x128x128xf32, #tpu.memory_space<vmem>>, vector<16xf32>,
        tpu.vector_store %arg10[%swap3A_501, %swap3A_502, %swap3A_503], %get3A_500 {strides = array<i32>} : memref<4x128x128xf32, #tpu.memory_space<vmem>>, vector<16xf32>,
        %slice3A_505 = vector.extract_strided_slice %get3A_427 {offsets = [1], sizes = [1], strides = [1]} : vector<16xi32> to vector<1xi32>
        %squeeze3A_506 = vector.extract %slice3A_505[0] : i32 from vector<1xi32>
        %shift_right_logical3A_507 = arith.constant 1 : i32
        %shift_right_logical3A_508 = arith.shrui %squeeze3A_506, %shift_right_logical3A_507 : i32
        %and3A_509 = arith.constant 1 : i32
        %and3A_510 = arith.andi %squeeze3A_506, %and3A_509 : i32
        %mul3A_511 = arith.constant 64 : i32
        %mul3A_512 = arith.muli %and3A_510, %mul3A_511 : i32
        %add3A_513 = arith.constant 1 : i32
        %add3A_514 = arith.addi %mul3A_425, %add3A_513 : i32
        %add3A_515 = arith.constant 0 : i32
        %add3A_516 = arith.addi %mul3A_512, %add3A_515 : i32
        %get3A_517 = arith.index_cast %shift_right_logical3A_508 : i32 to index
        %get3A_518 = arith.index_cast %add3A_516 : i32 to index
        %get3A_519 = tpu.vector_load %arg12[%get3A_517, %get3A_518] {strides = array<i32>} : memref<176x128xf32, #tpu.memory_space<vmem>>, vector<16xf32>,
        %swap3A_520 = arith.index_cast %rem3A_362 : i32 to index
        %swap3A_521 = arith.index_cast %add3A_514 : i32 to index
        %swap3A_522 = arith.constant 0 : index
        %swap3A_523 = tpu.vector_load %arg10[%swap3A_520, %swap3A_521, %swap3A_522] {strides = array<i32>} : memref<4x128x128xf32, #tpu.memory_space<vmem>>, vector<16xf32>,
        tpu.vector_store %arg10[%swap3A_520, %swap3A_521, %swap3A_522], %get3A_519 {strides = array<i32>} : memref<4x128x128xf32, #tpu.memory_space<vmem>>, vector<16xf32>,
        %get3A_524 = arith.constant 0 : i32
        %get3A_525 = arith.index_cast %get3A_524 : i32 to index
        %get3A_526 = arith.index_cast %add3A_514 : i32 to index
        %get3A_527 = arith.constant 64 : index
        %get3A_528 = tpu.vector_load %arg11[%get3A_525, %get3A_526, %get3A_527] {strides = array<i32>} : memref<1x128x128xf32, #tpu.memory_space<vmem>>, vector<16xf32>,
        %swap3A_529 = arith.index_cast %rem3A_362 : i32 to index
        %swap3A_530 = arith.index_cast %add3A_514 : i32 to index
        %swap3A_531 = arith.constant 64 : index
        %swap3A_532 = tpu.vector_load %arg10[%swap3A_529, %swap3A_530, %swap3A_531] {strides = array<i32>} : memref<4x128x128xf32, #tpu.memory_space<vmem>>, vector<16xf32>,
        tpu.vector_store %arg10[%swap3A_529, %swap3A_530, %swap3A_531], %get3A_528 {strides = array<i32>} : memref<4x128x128xf32, #tpu.memory_space<vmem>>, vector<16xf32>,
        %add3A_533 = arith.constant 16 : i32
        %add3A_534 = arith.addi %mul3A_512, %add3A_533 : i32
        %get3A_535 = arith.index_cast %shift_right_logical3A_508 : i32 to index
        %get3A_536 = arith.index_cast %add3A_534 : i32 to index
        %get3A_537 = tpu.vector_load %arg12[%get3A_535, %get3A_536] {strides = array<i32>} : memref<176x128xf32, #tpu.memory_space<vmem>>, vector<16xf32>,
        %swap3A_538 = arith.index_cast %rem3A_362 : i32 to index
        %swap3A_539 = arith.index_cast %add3A_514 : i32 to index
        %swap3A_540 = arith.constant 16 : index
        %swap3A_541 = tpu.vector_load %arg10[%swap3A_538, %swap3A_539, %swap3A_540] {strides = array<i32>} : memref<4x128x128xf32, #tpu.memory_space<vmem>>, vector<16xf32>,
        tpu.vector_store %arg10[%swap3A_538, %swap3A_539, %swap3A_540], %get3A_537 {strides = array<i32>} : memref<4x128x128xf32, #tpu.memory_space<vmem>>, vector<16xf32>,
        %get3A_542 = arith.constant 0 : i32
        %get3A_543 = arith.index_cast %get3A_542 : i32 to index
        %get3A_544 = arith.index_cast %add3A_514 : i32 to index
        %get3A_545 = arith.constant 80 : index
        %get3A_546 = tpu.vector_load %arg11[%get3A_543, %get3A_544, %get3A_545] {strides = array<i32>} : memref<1x128x128xf32, #tpu.memory_space<vmem>>, vector<16xf32>,
        %swap3A_547 = arith.index_cast %rem3A_362 : i32 to index
        %swap3A_548 = arith.index_cast %add3A_514 : i32 to index
        %swap3A_549 = arith.constant 80 : index
        %swap3A_550 = tpu.vector_load %arg10[%swap3A_547, %swap3A_548, %swap3A_549] {strides = array<i32>} : memref<4x128x128xf32, #tpu.memory_space<vmem>>, vector<16xf32>,
        tpu.vector_store %arg10[%swap3A_547, %swap3A_548, %swap3A_549], %get3A_546 {strides = array<i32>} : memref<4x128x128xf32, #tpu.memory_space<vmem>>, vector<16xf32>,
        %add3A_551 = arith.constant 32 : i32
        %add3A_552 = arith.addi %mul3A_512, %add3A_551 : i32
        %get3A_553 = arith.index_cast %shift_right_logical3A_508 : i32 to index
        %get3A_554 = arith.index_cast %add3A_552 : i32 to index
        %get3A_555 = tpu.vector_load %arg12[%get3A_553, %get3A_554] {strides = array<i32>} : memref<176x128xf32, #tpu.memory_space<vmem>>, vector<16xf32>,
        %swap3A_556 = arith.index_cast %rem3A_362 : i32 to index
        %swap3A_557 = arith.index_cast %add3A_514 : i32 to index
        %swap3A_558 = arith.constant 32 : index
        %swap3A_559 = tpu.vector_load %arg10[%swap3A_556, %swap3A_557, %swap3A_558] {strides = array<i32>} : memref<4x128x128xf32, #tpu.memory_space<vmem>>, vector<16xf32>,
        tpu.vector_store %arg10[%swap3A_556, %swap3A_557, %swap3A_558], %get3A_555 {strides = array<i32>} : memref<4x128x128xf32, #tpu.memory_space<vmem>>, vector<16xf32>,
        %get3A_560 = arith.constant 0 : i32
        %get3A_561 = arith.index_cast %get3A_560 : i32 to index
        %get3A_562 = arith.index_cast %add3A_514 : i32 to index
        %get3A_563 = arith.constant 96 : index
        %get3A_564 = tpu.vector_load %arg11[%get3A_561, %get3A_562, %get3A_563] {strides = array<i32>} : memref<1x128x128xf32, #tpu.memory_space<vmem>>, vector<16xf32>,
        %swap3A_565 = arith.index_cast %rem3A_362 : i32 to index
        %swap3A_566 = arith.index_cast %add3A_514 : i32 to index
        %swap3A_567 = arith.constant 96 : index
        %swap3A_568 = tpu.vector_load %arg10[%swap3A_565, %swap3A_566, %swap3A_567] {strides = array<i32>} : memref<4x128x128xf32, #tpu.memory_space<vmem>>, vector<16xf32>,
        tpu.vector_store %arg10[%swap3A_565, %swap3A_566, %swap3A_567], %get3A_564 {strides = array<i32>} : memref<4x128x128xf32, #tpu.memory_space<vmem>>, vector<16xf32>,
        %add3A_569 = arith.constant 48 : i32
        %add3A_570 = arith.addi %mul3A_512, %add3A_569 : i32
        %get3A_571 = arith.index_cast %shift_right_logical3A_508 : i32 to index
        %get3A_572 = arith.index_cast %add3A_570 : i32 to index
        %get3A_573 = tpu.vector_load %arg12[%get3A_571, %get3A_572] {strides = array<i32>} : memref<176x128xf32, #tpu.memory_space<vmem>>, vector<16xf32>,
        %swap3A_574 = arith.index_cast %rem3A_362 : i32 to index
        %swap3A_575 = arith.index_cast %add3A_514 : i32 to index
        %swap3A_576 = arith.constant 48 : index
        %swap3A_577 = tpu.vector_load %arg10[%swap3A_574, %swap3A_575, %swap3A_576] {strides = array<i32>} : memref<4x128x128xf32, #tpu.memory_space<vmem>>, vector<16xf32>,
        tpu.vector_store %arg10[%swap3A_574, %swap3A_575, %swap3A_576], %get3A_573 {strides = array<i32>} : memref<4x128x128xf32, #tpu.memory_space<vmem>>, vector<16xf32>,
        %get3A_578 = arith.constant 0 : i32
        %get3A_579 = arith.index_cast %get3A_578 : i32 to index
        %get3A_580 = arith.index_cast %add3A_514 : i32 to index
        %get3A_581 = arith.constant 112 : index
        %get3A_582 = tpu.vector_load %arg11[%get3A_579, %get3A_580, %get3A_581] {strides = array<i32>} : memref<1x128x128xf32, #tpu.memory_space<vmem>>, vector<16xf32>,
        %swap3A_583 = arith.index_cast %rem3A_362 : i32 to index
        %swap3A_584 = arith.index_cast %add3A_514 : i32 to index
        %swap3A_585 = arith.constant 112 : index
        %swap3A_586 = tpu.vector_load %arg10[%swap3A_583, %swap3A_584, %swap3A_585] {strides = array<i32>} : memref<4x128x128xf32, #tpu.memory_space<vmem>>, vector<16xf32>,
        tpu.vector_store %arg10[%swap3A_583, %swap3A_584, %swap3A_585], %get3A_582 {strides = array<i32>} : memref<4x128x128xf32, #tpu.memory_space<vmem>>, vector<16xf32>,
        %slice3A_587 = vector.extract_strided_slice %get3A_427 {offsets = [2], sizes = [1], strides = [1]} : vector<16xi32> to vector<1xi32>
        %squeeze3A_588 = vector.extract %slice3A_587[0] : i32 from vector<1xi32>
        %shift_right_logical3A_589 = arith.constant 1 : i32
        %shift_right_logical3A_590 = arith.shrui %squeeze3A_588, %shift_right_logical3A_589 : i32
        %and3A_591 = arith.constant 1 : i32
        %and3A_592 = arith.andi %squeeze3A_588, %and3A_591 : i32
        %mul3A_593 = arith.constant 64 : i32
        %mul3A_594 = arith.muli %and3A_592, %mul3A_593 : i32
        %add3A_595 = arith.constant 2 : i32
        %add3A_596 = arith.addi %mul3A_425, %add3A_595 : i32
        %add3A_597 = arith.constant 0 : i32
        %add3A_598 = arith.addi %mul3A_594, %add3A_597 : i32
        %get3A_599 = arith.index_cast %shift_right_logical3A_590 : i32 to index
        %get3A_600 = arith.index_cast %add3A_598 : i32 to index
        %get3A_601 = tpu.vector_load %arg12[%get3A_599, %get3A_600] {strides = array<i32>} : memref<176x128xf32, #tpu.memory_space<vmem>>, vector<16xf32>,
        %swap3A_602 = arith.index_cast %rem3A_362 : i32 to index
        %swap3A_603 = arith.index_cast %add3A_596 : i32 to index
        %swap3A_604 = arith.constant 0 : index
        %swap3A_605 = tpu.vector_load %arg10[%swap3A_602, %swap3A_603, %swap3A_604] {strides = array<i32>} : memref<4x128x128xf32, #tpu.memory_space<vmem>>, vector<16xf32>,
        tpu.vector_store %arg10[%swap3A_602, %swap3A_603, %swap3A_604], %get3A_601 {strides = array<i32>} : memref<4x128x128xf32, #tpu.memory_space<vmem>>, vector<16xf32>,
        %get3A_606 = arith.constant 0 : i32
        %get3A_607 = arith.index_cast %get3A_606 : i32 to index
        %get3A_608 = arith.index_cast %add3A_596 : i32 to index
        %get3A_609 = arith.constant 64 : index
        %get3A_610 = tpu.vector_load %arg11[%get3A_607, %get3A_608, %get3A_609] {strides = array<i32>} : memref<1x128x128xf32, #tpu.memory_space<vmem>>, vector<16xf32>,
        %swap3A_611 = arith.index_cast %rem3A_362 : i32 to index
        %swap3A_612 = arith.index_cast %add3A_596 : i32 to index
        %swap3A_613 = arith.constant 64 : index
        %swap3A_614 = tpu.vector_load %arg10[%swap3A_611, %swap3A_612, %swap3A_613] {strides = array<i32>} : memref<4x128x128xf32, #tpu.memory_space<vmem>>, vector<16xf32>,
        tpu.vector_store %arg10[%swap3A_611, %swap3A_612, %swap3A_613], %get3A_610 {strides = array<i32>} : memref<4x128x128xf32, #tpu.memory_space<vmem>>, vector<16xf32>,
        %add3A_615 = arith.constant 16 : i32
        %add3A_616 = arith.addi %mul3A_594, %add3A_615 : i32
        %get3A_617 = arith.index_cast %shift_right_logical3A_590 : i32 to index
        %get3A_618 = arith.index_cast %add3A_616 : i32 to index
        %get3A_619 = tpu.vector_load %arg12[%get3A_617, %get3A_618] {strides = array<i32>} : memref<176x128xf32, #tpu.memory_space<vmem>>, vector<16xf32>,
        %swap3A_620 = arith.index_cast %rem3A_362 : i32 to index
        %swap3A_621 = arith.index_cast %add3A_596 : i32 to index
        %swap3A_622 = arith.constant 16 : index
        %swap3A_623 = tpu.vector_load %arg10[%swap3A_620, %swap3A_621, %swap3A_622] {strides = array<i32>} : memref<4x128x128xf32, #tpu.memory_space<vmem>>, vector<16xf32>,
        tpu.vector_store %arg10[%swap3A_620, %swap3A_621, %swap3A_622], %get3A_619 {strides = array<i32>} : memref<4x128x128xf32, #tpu.memory_space<vmem>>, vector<16xf32>,
        %get3A_624 = arith.constant 0 : i32
        %get3A_625 = arith.index_cast %get3A_624 : i32 to index
        %get3A_626 = arith.index_cast %add3A_596 : i32 to index
        %get3A_627 = arith.constant 80 : index
        %get3A_628 = tpu.vector_load %arg11[%get3A_625, %get3A_626, %get3A_627] {strides = array<i32>} : memref<1x128x128xf32, #tpu.memory_space<vmem>>, vector<16xf32>,
        %swap3A_629 = arith.index_cast %rem3A_362 : i32 to index
        %swap3A_630 = arith.index_cast %add3A_596 : i32 to index
        %swap3A_631 = arith.constant 80 : index
        %swap3A_632 = tpu.vector_load %arg10[%swap3A_629, %swap3A_630, %swap3A_631] {strides = array<i32>} : memref<4x128x128xf32, #tpu.memory_space<vmem>>, vector<16xf32>,
        tpu.vector_store %arg10[%swap3A_629, %swap3A_630, %swap3A_631], %get3A_628 {strides = array<i32>} : memref<4x128x128xf32, #tpu.memory_space<vmem>>, vector<16xf32>,
        %add3A_633 = arith.constant 32 : i32
        %add3A_634 = arith.addi %mul3A_594, %add3A_633 : i32
        %get3A_635 = arith.index_cast %shift_right_logical3A_590 : i32 to index
        %get3A_636 = arith.index_cast %add3A_634 : i32 to index
        %get3A_637 = tpu.vector_load %arg12[%get3A_635, %get3A_636] {strides = array<i32>} : memref<176x128xf32, #tpu.memory_space<vmem>>, vector<16xf32>,
        %swap3A_638 = arith.index_cast %rem3A_362 : i32 to index
        %swap3A_639 = arith.index_cast %add3A_596 : i32 to index
        %swap3A_640 = arith.constant 32 : index
        %swap3A_641 = tpu.vector_load %arg10[%swap3A_638, %swap3A_639, %swap3A_640] {strides = array<i32>} : memref<4x128x128xf32, #tpu.memory_space<vmem>>, vector<16xf32>,
        tpu.vector_store %arg10[%swap3A_638, %swap3A_639, %swap3A_640], %get3A_637 {strides = array<i32>} : memref<4x128x128xf32, #tpu.memory_space<vmem>>, vector<16xf32>,
        %get3A_642 = arith.constant 0 : i32
        %get3A_643 = arith.index_cast %get3A_642 : i32 to index
        %get3A_644 = arith.index_cast %add3A_596 : i32 to index
        %get3A_645 = arith.constant 96 : index
        %get3A_646 = tpu.vector_load %arg11[%get3A_643, %get3A_644, %get3A_645] {strides = array<i32>} : memref<1x128x128xf32, #tpu.memory_space<vmem>>, vector<16xf32>,
        %swap3A_647 = arith.index_cast %rem3A_362 : i32 to index
        %swap3A_648 = arith.index_cast %add3A_596 : i32 to index
        %swap3A_649 = arith.constant 96 : index
        %swap3A_650 = tpu.vector_load %arg10[%swap3A_647, %swap3A_648, %swap3A_649] {strides = array<i32>} : memref<4x128x128xf32, #tpu.memory_space<vmem>>, vector<16xf32>,
        tpu.vector_store %arg10[%swap3A_647, %swap3A_648, %swap3A_649], %get3A_646 {strides = array<i32>} : memref<4x128x128xf32, #tpu.memory_space<vmem>>, vector<16xf32>,
        %add3A_651 = arith.constant 48 : i32
        %add3A_652 = arith.addi %mul3A_594, %add3A_651 : i32
        %get3A_653 = arith.index_cast %shift_right_logical3A_590 : i32 to index
        %get3A_654 = arith.index_cast %add3A_652 : i32 to index
        %get3A_655 = tpu.vector_load %arg12[%get3A_653, %get3A_654] {strides = array<i32>} : memref<176x128xf32, #tpu.memory_space<vmem>>, vector<16xf32>,
        %swap3A_656 = arith.index_cast %rem3A_362 : i32 to index
        %swap3A_657 = arith.index_cast %add3A_596 : i32 to index
        %swap3A_658 = arith.constant 48 : index
        %swap3A_659 = tpu.vector_load %arg10[%swap3A_656, %swap3A_657, %swap3A_658] {strides = array<i32>} : memref<4x128x128xf32, #tpu.memory_space<vmem>>, vector<16xf32>,
        tpu.vector_store %arg10[%swap3A_656, %swap3A_657, %swap3A_658], %get3A_655 {strides = array<i32>} : memref<4x128x128xf32, #tpu.memory_space<vmem>>, vector<16xf32>,
        %get3A_660 = arith.constant 0 : i32
        %get3A_661 = arith.index_cast %get3A_660 : i32 to index
        %get3A_662 = arith.index_cast %add3A_596 : i32 to index
        %get3A_663 = arith.constant 112 : index
        %get3A_664 = tpu.vector_load %arg11[%get3A_661, %get3A_662, %get3A_663] {strides = array<i32>} : memref<1x128x128xf32, #tpu.memory_space<vmem>>, vector<16xf32>,
        %swap3A_665 = arith.index_cast %rem3A_362 : i32 to index
        %swap3A_666 = arith.index_cast %add3A_596 : i32 to index
        %swap3A_667 = arith.constant 112 : index
        %swap3A_668 = tpu.vector_load %arg10[%swap3A_665, %swap3A_666, %swap3A_667] {strides = array<i32>} : memref<4x128x128xf32, #tpu.memory_space<vmem>>, vector<16xf32>,
        tpu.vector_store %arg10[%swap3A_665, %swap3A_666, %swap3A_667], %get3A_664 {strides = array<i32>} : memref<4x128x128xf32, #tpu.memory_space<vmem>>, vector<16xf32>,
        %slice3A_669 = vector.extract_strided_slice %get3A_427 {offsets = [3], sizes = [1], strides = [1]} : vector<16xi32> to vector<1xi32>
        %squeeze3A_670 = vector.extract %slice3A_669[0] : i32 from vector<1xi32>
        %shift_right_logical3A_671 = arith.constant 1 : i32
        %shift_right_logical3A_672 = arith.shrui %squeeze3A_670, %shift_right_logical3A_671 : i32
        %and3A_673 = arith.constant 1 : i32
        %and3A_674 = arith.andi %squeeze3A_670, %and3A_673 : i32
        %mul3A_675 = arith.constant 64 : i32
        %mul3A_676 = arith.muli %and3A_674, %mul3A_675 : i32
        %add3A_677 = arith.constant 3 : i32
        %add3A_678 = arith.addi %mul3A_425, %add3A_677 : i32
        %add3A_679 = arith.constant 0 : i32
        %add3A_680 = arith.addi %mul3A_676, %add3A_679 : i32
        %get3A_681 = arith.index_cast %shift_right_logical3A_672 : i32 to index
        %get3A_682 = arith.index_cast %add3A_680 : i32 to index
        %get3A_683 = tpu.vector_load %arg12[%get3A_681, %get3A_682] {strides = array<i32>} : memref<176x128xf32, #tpu.memory_space<vmem>>, vector<16xf32>,
        %swap3A_684 = arith.index_cast %rem3A_362 : i32 to index
        %swap3A_685 = arith.index_cast %add3A_678 : i32 to index
        %swap3A_686 = arith.constant 0 : index
        %swap3A_687 = tpu.vector_load %arg10[%swap3A_684, %swap3A_685, %swap3A_686] {strides = array<i32>} : memref<4x128x128xf32, #tpu.memory_space<vmem>>, vector<16xf32>,
        tpu.vector_store %arg10[%swap3A_684, %swap3A_685, %swap3A_686], %get3A_683 {strides = array<i32>} : memref<4x128x128xf32, #tpu.memory_space<vmem>>, vector<16xf32>,
        %get3A_688 = arith.constant 0 : i32
        %get3A_689 = arith.index_cast %get3A_688 : i32 to index
        %get3A_690 = arith.index_cast %add3A_678 : i32 to index
        %get3A_691 = arith.constant 64 : index
        %get3A_692 = tpu.vector_load %arg11[%get3A_689, %get3A_690, %get3A_691] {strides = array<i32>} : memref<1x128x128xf32, #tpu.memory_space<vmem>>, vector<16xf32>,
        %swap3A_693 = arith.index_cast %rem3A_362 : i32 to index
        %swap3A_694 = arith.index_cast %add3A_678 : i32 to index
        %swap3A_695 = arith.constant 64 : index
        %swap3A_696 = tpu.vector_load %arg10[%swap3A_693, %swap3A_694, %swap3A_695] {strides = array<i32>} : memref<4x128x128xf32, #tpu.memory_space<vmem>>, vector<16xf32>,
        tpu.vector_store %arg10[%swap3A_693, %swap3A_694, %swap3A_695], %get3A_692 {strides = array<i32>} : memref<4x128x128xf32, #tpu.memory_space<vmem>>, vector<16xf32>,
        %add3A_697 = arith.constant 16 : i32
        %add3A_698 = arith.addi %mul3A_676, %add3A_697 : i32
        %get3A_699 = arith.index_cast %shift_right_logical3A_672 : i32 to index
        %get3A_700 = arith.index_cast %add3A_698 : i32 to index
        %get3A_701 = tpu.vector_load %arg12[%get3A_699, %get3A_700] {strides = array<i32>} : memref<176x128xf32, #tpu.memory_space<vmem>>, vector<16xf32>,
        %swap3A_702 = arith.index_cast %rem3A_362 : i32 to index
        %swap3A_703 = arith.index_cast %add3A_678 : i32 to index
        %swap3A_704 = arith.constant 16 : index
        %swap3A_705 = tpu.vector_load %arg10[%swap3A_702, %swap3A_703, %swap3A_704] {strides = array<i32>} : memref<4x128x128xf32, #tpu.memory_space<vmem>>, vector<16xf32>,
        tpu.vector_store %arg10[%swap3A_702, %swap3A_703, %swap3A_704], %get3A_701 {strides = array<i32>} : memref<4x128x128xf32, #tpu.memory_space<vmem>>, vector<16xf32>,
        %get3A_706 = arith.constant 0 : i32
        %get3A_707 = arith.index_cast %get3A_706 : i32 to index
        %get3A_708 = arith.index_cast %add3A_678 : i32 to index
        %get3A_709 = arith.constant 80 : index
        %get3A_710 = tpu.vector_load %arg11[%get3A_707, %get3A_708, %get3A_709] {strides = array<i32>} : memref<1x128x128xf32, #tpu.memory_space<vmem>>, vector<16xf32>,
        %swap3A_711 = arith.index_cast %rem3A_362 : i32 to index
        %swap3A_712 = arith.index_cast %add3A_678 : i32 to index
        %swap3A_713 = arith.constant 80 : index
        %swap3A_714 = tpu.vector_load %arg10[%swap3A_711, %swap3A_712, %swap3A_713] {strides = array<i32>} : memref<4x128x128xf32, #tpu.memory_space<vmem>>, vector<16xf32>,
        tpu.vector_store %arg10[%swap3A_711, %swap3A_712, %swap3A_713], %get3A_710 {strides = array<i32>} : memref<4x128x128xf32, #tpu.memory_space<vmem>>, vector<16xf32>,
        %add3A_715 = arith.constant 32 : i32
        %add3A_716 = arith.addi %mul3A_676, %add3A_715 : i32
        %get3A_717 = arith.index_cast %shift_right_logical3A_672 : i32 to index
        %get3A_718 = arith.index_cast %add3A_716 : i32 to index
        %get3A_719 = tpu.vector_load %arg12[%get3A_717, %get3A_718] {strides = array<i32>} : memref<176x128xf32, #tpu.memory_space<vmem>>, vector<16xf32>,
        %swap3A_720 = arith.index_cast %rem3A_362 : i32 to index
        %swap3A_721 = arith.index_cast %add3A_678 : i32 to index
        %swap3A_722 = arith.constant 32 : index
        %swap3A_723 = tpu.vector_load %arg10[%swap3A_720, %swap3A_721, %swap3A_722] {strides = array<i32>} : memref<4x128x128xf32, #tpu.memory_space<vmem>>, vector<16xf32>,
        tpu.vector_store %arg10[%swap3A_720, %swap3A_721, %swap3A_722], %get3A_719 {strides = array<i32>} : memref<4x128x128xf32, #tpu.memory_space<vmem>>, vector<16xf32>,
        %get3A_724 = arith.constant 0 : i32
        %get3A_725 = arith.index_cast %get3A_724 : i32 to index
        %get3A_726 = arith.index_cast %add3A_678 : i32 to index
        %get3A_727 = arith.constant 96 : index
        %get3A_728 = tpu.vector_load %arg11[%get3A_725, %get3A_726, %get3A_727] {strides = array<i32>} : memref<1x128x128xf32, #tpu.memory_space<vmem>>, vector<16xf32>,
        %swap3A_729 = arith.index_cast %rem3A_362 : i32 to index
        %swap3A_730 = arith.index_cast %add3A_678 : i32 to index
        %swap3A_731 = arith.constant 96 : index
        %swap3A_732 = tpu.vector_load %arg10[%swap3A_729, %swap3A_730, %swap3A_731] {strides = array<i32>} : memref<4x128x128xf32, #tpu.memory_space<vmem>>, vector<16xf32>,
        tpu.vector_store %arg10[%swap3A_729, %swap3A_730, %swap3A_731], %get3A_728 {strides = array<i32>} : memref<4x128x128xf32, #tpu.memory_space<vmem>>, vector<16xf32>,
        %add3A_733 = arith.constant 48 : i32
        %add3A_734 = arith.addi %mul3A_676, %add3A_733 : i32
        %get3A_735 = arith.index_cast %shift_right_logical3A_672 : i32 to index
        %get3A_736 = arith.index_cast %add3A_734 : i32 to index
        %get3A_737 = tpu.vector_load %arg12[%get3A_735, %get3A_736] {strides = array<i32>} : memref<176x128xf32, #tpu.memory_space<vmem>>, vector<16xf32>,
        %swap3A_738 = arith.index_cast %rem3A_362 : i32 to index
        %swap3A_739 = arith.index_cast %add3A_678 : i32 to index
        %swap3A_740 = arith.constant 48 : index
        %swap3A_741 = tpu.vector_load %arg10[%swap3A_738, %swap3A_739, %swap3A_740] {strides = array<i32>} : memref<4x128x128xf32, #tpu.memory_space<vmem>>, vector<16xf32>,
        tpu.vector_store %arg10[%swap3A_738, %swap3A_739, %swap3A_740], %get3A_737 {strides = array<i32>} : memref<4x128x128xf32, #tpu.memory_space<vmem>>, vector<16xf32>,
        %get3A_742 = arith.constant 0 : i32
        %get3A_743 = arith.index_cast %get3A_742 : i32 to index
        %get3A_744 = arith.index_cast %add3A_678 : i32 to index
        %get3A_745 = arith.constant 112 : index
        %get3A_746 = tpu.vector_load %arg11[%get3A_743, %get3A_744, %get3A_745] {strides = array<i32>} : memref<1x128x128xf32, #tpu.memory_space<vmem>>, vector<16xf32>,
        %swap3A_747 = arith.index_cast %rem3A_362 : i32 to index
        %swap3A_748 = arith.index_cast %add3A_678 : i32 to index
        %swap3A_749 = arith.constant 112 : index
        %swap3A_750 = tpu.vector_load %arg10[%swap3A_747, %swap3A_748, %swap3A_749] {strides = array<i32>} : memref<4x128x128xf32, #tpu.memory_space<vmem>>, vector<16xf32>,
        tpu.vector_store %arg10[%swap3A_747, %swap3A_748, %swap3A_749], %get3A_746 {strides = array<i32>} : memref<4x128x128xf32, #tpu.memory_space<vmem>>, vector<16xf32>,
        %slice3A_751 = vector.extract_strided_slice %get3A_427 {offsets = [4], sizes = [1], strides = [1]} : vector<16xi32> to vector<1xi32>
        %squeeze3A_752 = vector.extract %slice3A_751[0] : i32 from vector<1xi32>
        %shift_right_logical3A_753 = arith.constant 1 : i32
        %shift_right_logical3A_754 = arith.shrui %squeeze3A_752, %shift_right_logical3A_753 : i32
        %and3A_755 = arith.constant 1 : i32
        %and3A_756 = arith.andi %squeeze3A_752, %and3A_755 : i32
        %mul3A_757 = arith.constant 64 : i32
        %mul3A_758 = arith.muli %and3A_756, %mul3A_757 : i32
        %add3A_759 = arith.constant 4 : i32
        %add3A_760 = arith.addi %mul3A_425, %add3A_759 : i32
        %add3A_761 = arith.constant 0 : i32
        %add3A_762 = arith.addi %mul3A_758, %add3A_761 : i32
        %get3A_763 = arith.index_cast %shift_right_logical3A_754 : i32 to index
        %get3A_764 = arith.index_cast %add3A_762 : i32 to index
        %get3A_765 = tpu.vector_load %arg12[%get3A_763, %get3A_764] {strides = array<i32>} : memref<176x128xf32, #tpu.memory_space<vmem>>, vector<16xf32>,
        %swap3A_766 = arith.index_cast %rem3A_362 : i32 to index
        %swap3A_767 = arith.index_cast %add3A_760 : i32 to index
        %swap3A_768 = arith.constant 0 : index
        %swap3A_769 = tpu.vector_load %arg10[%swap3A_766, %swap3A_767, %swap3A_768] {strides = array<i32>} : memref<4x128x128xf32, #tpu.memory_space<vmem>>, vector<16xf32>,
        tpu.vector_store %arg10[%swap3A_766, %swap3A_767, %swap3A_768], %get3A_765 {strides = array<i32>} : memref<4x128x128xf32, #tpu.memory_space<vmem>>, vector<16xf32>,
        %get3A_770 = arith.constant 0 : i32
        %get3A_771 = arith.index_cast %get3A_770 : i32 to index
        %get3A_772 = arith.index_cast %add3A_760 : i32 to index
        %get3A_773 = arith.constant 64 : index
        %get3A_774 = tpu.vector_load %arg11[%get3A_771, %get3A_772, %get3A_773] {strides = array<i32>} : memref<1x128x128xf32, #tpu.memory_space<vmem>>, vector<16xf32>,
        %swap3A_775 = arith.index_cast %rem3A_362 : i32 to index
        %swap3A_776 = arith.index_cast %add3A_760 : i32 to index
        %swap3A_777 = arith.constant 64 : index
        %swap3A_778 = tpu.vector_load %arg10[%swap3A_775, %swap3A_776, %swap3A_777] {strides = array<i32>} : memref<4x128x128xf32, #tpu.memory_space<vmem>>, vector<16xf32>,
        tpu.vector_store %arg10[%swap3A_775, %swap3A_776, %swap3A_777], %get3A_774 {strides = array<i32>} : memref<4x128x128xf32, #tpu.memory_space<vmem>>, vector<16xf32>,
        %add3A_779 = arith.constant 16 : i32
        %add3A_780 = arith.addi %mul3A_758, %add3A_779 : i32
        %get3A_781 = arith.index_cast %shift_right_logical3A_754 : i32 to index
        %get3A_782 = arith.index_cast %add3A_780 : i32 to index
        %get3A_783 = tpu.vector_load %arg12[%get3A_781, %get3A_782] {strides = array<i32>} : memref<176x128xf32, #tpu.memory_space<vmem>>, vector<16xf32>,
        %swap3A_784 = arith.index_cast %rem3A_362 : i32 to index
        %swap3A_785 = arith.index_cast %add3A_760 : i32 to index
        %swap3A_786 = arith.constant 16 : index
        %swap3A_787 = tpu.vector_load %arg10[%swap3A_784, %swap3A_785, %swap3A_786] {strides = array<i32>} : memref<4x128x128xf32, #tpu.memory_space<vmem>>, vector<16xf32>,
        tpu.vector_store %arg10[%swap3A_784, %swap3A_785, %swap3A_786], %get3A_783 {strides = array<i32>} : memref<4x128x128xf32, #tpu.memory_space<vmem>>, vector<16xf32>,
        %get3A_788 = arith.constant 0 : i32
        %get3A_789 = arith.index_cast %get3A_788 : i32 to index
        %get3A_790 = arith.index_cast %add3A_760 : i32 to index
        %get3A_791 = arith.constant 80 : index
        %get3A_792 = tpu.vector_load %arg11[%get3A_789, %get3A_790, %get3A_791] {strides = array<i32>} : memref<1x128x128xf32, #tpu.memory_space<vmem>>, vector<16xf32>,
        %swap3A_793 = arith.index_cast %rem3A_362 : i32 to index
        %swap3A_794 = arith.index_cast %add3A_760 : i32 to index
        %swap3A_795 = arith.constant 80 : index
        %swap3A_796 = tpu.vector_load %arg10[%swap3A_793, %swap3A_794, %swap3A_795] {strides = array<i32>} : memref<4x128x128xf32, #tpu.memory_space<vmem>>, vector<16xf32>,
        tpu.vector_store %arg10[%swap3A_793, %swap3A_794, %swap3A_795], %get3A_792 {strides = array<i32>} : memref<4x128x128xf32, #tpu.memory_space<vmem>>, vector<16xf32>,
        %add3A_797 = arith.constant 32 : i32
        %add3A_798 = arith.addi %mul3A_758, %add3A_797 : i32
        %get3A_799 = arith.index_cast %shift_right_logical3A_754 : i32 to index
        %get3A_800 = arith.index_cast %add3A_798 : i32 to index
        %get3A_801 = tpu.vector_load %arg12[%get3A_799, %get3A_800] {strides = array<i32>} : memref<176x128xf32, #tpu.memory_space<vmem>>, vector<16xf32>,
        %swap3A_802 = arith.index_cast %rem3A_362 : i32 to index
        %swap3A_803 = arith.index_cast %add3A_760 : i32 to index
        %swap3A_804 = arith.constant 32 : index
        %swap3A_805 = tpu.vector_load %arg10[%swap3A_802, %swap3A_803, %swap3A_804] {strides = array<i32>} : memref<4x128x128xf32, #tpu.memory_space<vmem>>, vector<16xf32>,
        tpu.vector_store %arg10[%swap3A_802, %swap3A_803, %swap3A_804], %get3A_801 {strides = array<i32>} : memref<4x128x128xf32, #tpu.memory_space<vmem>>, vector<16xf32>,
        %get3A_806 = arith.constant 0 : i32
        %get3A_807 = arith.index_cast %get3A_806 : i32 to index
        %get3A_808 = arith.index_cast %add3A_760 : i32 to index
        %get3A_809 = arith.constant 96 : index
        %get3A_810 = tpu.vector_load %arg11[%get3A_807, %get3A_808, %get3A_809] {strides = array<i32>} : memref<1x128x128xf32, #tpu.memory_space<vmem>>, vector<16xf32>,
        %swap3A_811 = arith.index_cast %rem3A_362 : i32 to index
        %swap3A_812 = arith.index_cast %add3A_760 : i32 to index
        %swap3A_813 = arith.constant 96 : index
        %swap3A_814 = tpu.vector_load %arg10[%swap3A_811, %swap3A_812, %swap3A_813] {strides = array<i32>} : memref<4x128x128xf32, #tpu.memory_space<vmem>>, vector<16xf32>,
        tpu.vector_store %arg10[%swap3A_811, %swap3A_812, %swap3A_813], %get3A_810 {strides = array<i32>} : memref<4x128x128xf32, #tpu.memory_space<vmem>>, vector<16xf32>,
        %add3A_815 = arith.constant 48 : i32
        %add3A_816 = arith.addi %mul3A_758, %add3A_815 : i32
        %get3A_817 = arith.index_cast %shift_right_logical3A_754 : i32 to index
        %get3A_818 = arith.index_cast %add3A_816 : i32 to index
        %get3A_819 = tpu.vector_load %arg12[%get3A_817, %get3A_818] {strides = array<i32>} : memref<176x128xf32, #tpu.memory_space<vmem>>, vector<16xf32>,
        %swap3A_820 = arith.index_cast %rem3A_362 : i32 to index
        %swap3A_821 = arith.index_cast %add3A_760 : i32 to index
        %swap3A_822 = arith.constant 48 : index
        %swap3A_823 = tpu.vector_load %arg10[%swap3A_820, %swap3A_821, %swap3A_822] {strides = array<i32>} : memref<4x128x128xf32, #tpu.memory_space<vmem>>, vector<16xf32>,
        tpu.vector_store %arg10[%swap3A_820, %swap3A_821, %swap3A_822], %get3A_819 {strides = array<i32>} : memref<4x128x128xf32, #tpu.memory_space<vmem>>, vector<16xf32>,
        %get3A_824 = arith.constant 0 : i32
        %get3A_825 = arith.index_cast %get3A_824 : i32 to index
        %get3A_826 = arith.index_cast %add3A_760 : i32 to index
        %get3A_827 = arith.constant 112 : index
        %get3A_828 = tpu.vector_load %arg11[%get3A_825, %get3A_826, %get3A_827] {strides = array<i32>} : memref<1x128x128xf32, #tpu.memory_space<vmem>>, vector<16xf32>,
        %swap3A_829 = arith.index_cast %rem3A_362 : i32 to index
        %swap3A_830 = arith.index_cast %add3A_760 : i32 to index
        %swap3A_831 = arith.constant 112 : index
        %swap3A_832 = tpu.vector_load %arg10[%swap3A_829, %swap3A_830, %swap3A_831] {strides = array<i32>} : memref<4x128x128xf32, #tpu.memory_space<vmem>>, vector<16xf32>,
        tpu.vector_store %arg10[%swap3A_829, %swap3A_830, %swap3A_831], %get3A_828 {strides = array<i32>} : memref<4x128x128xf32, #tpu.memory_space<vmem>>, vector<16xf32>,
        %slice3A_833 = vector.extract_strided_slice %get3A_427 {offsets = [5], sizes = [1], strides = [1]} : vector<16xi32> to vector<1xi32>
        %squeeze3A_834 = vector.extract %slice3A_833[0] : i32 from vector<1xi32>
        %shift_right_logical3A_835 = arith.constant 1 : i32
        %shift_right_logical3A_836 = arith.shrui %squeeze3A_834, %shift_right_logical3A_835 : i32
        %and3A_837 = arith.constant 1 : i32
        %and3A_838 = arith.andi %squeeze3A_834, %and3A_837 : i32
        %mul3A_839 = arith.constant 64 : i32
        %mul3A_840 = arith.muli %and3A_838, %mul3A_839 : i32
        %add3A_841 = arith.constant 5 : i32
        %add3A_842 = arith.addi %mul3A_425, %add3A_841 : i32
        %add3A_843 = arith.constant 0 : i32
        %add3A_844 = arith.addi %mul3A_840, %add3A_843 : i32
        %get3A_845 = arith.index_cast %shift_right_logical3A_836 : i32 to index
        %get3A_846 = arith.index_cast %add3A_844 : i32 to index
        %get3A_847 = tpu.vector_load %arg12[%get3A_845, %get3A_846] {strides = array<i32>} : memref<176x128xf32, #tpu.memory_space<vmem>>, vector<16xf32>,
        %swap3A_848 = arith.index_cast %rem3A_362 : i32 to index
        %swap3A_849 = arith.index_cast %add3A_842 : i32 to index
        %swap3A_850 = arith.constant 0 : index
        %swap3A_851 = tpu.vector_load %arg10[%swap3A_848, %swap3A_849, %swap3A_850] {strides = array<i32>} : memref<4x128x128xf32, #tpu.memory_space<vmem>>, vector<16xf32>,
        tpu.vector_store %arg10[%swap3A_848, %swap3A_849, %swap3A_850], %get3A_847 {strides = array<i32>} : memref<4x128x128xf32, #tpu.memory_space<vmem>>, vector<16xf32>,
        %get3A_852 = arith.constant 0 : i32
        %get3A_853 = arith.index_cast %get3A_852 : i32 to index
        %get3A_854 = arith.index_cast %add3A_842 : i32 to index
        %get3A_855 = arith.constant 64 : index
        %get3A_856 = tpu.vector_load %arg11[%get3A_853, %get3A_854, %get3A_855] {strides = array<i32>} : memref<1x128x128xf32, #tpu.memory_space<vmem>>, vector<16xf32>,
        %swap3A_857 = arith.index_cast %rem3A_362 : i32 to index
        %swap3A_858 = arith.index_cast %add3A_842 : i32 to index
        %swap3A_859 = arith.constant 64 : index
        %swap3A_860 = tpu.vector_load %arg10[%swap3A_857, %swap3A_858, %swap3A_859] {strides = array<i32>} : memref<4x128x128xf32, #tpu.memory_space<vmem>>, vector<16xf32>,
        tpu.vector_store %arg10[%swap3A_857, %swap3A_858, %swap3A_859], %get3A_856 {strides = array<i32>} : memref<4x128x128xf32, #tpu.memory_space<vmem>>, vector<16xf32>,
        %add3A_861 = arith.constant 16 : i32
        %add3A_862 = arith.addi %mul3A_840, %add3A_861 : i32
        %get3A_863 = arith.index_cast %shift_right_logical3A_836 : i32 to index
        %get3A_864 = arith.index_cast %add3A_862 : i32 to index
        %get3A_865 = tpu.vector_load %arg12[%get3A_863, %get3A_864] {strides = array<i32>} : memref<176x128xf32, #tpu.memory_space<vmem>>, vector<16xf32>,
        %swap3A_866 = arith.index_cast %rem3A_362 : i32 to index
        %swap3A_867 = arith.index_cast %add3A_842 : i32 to index
        %swap3A_868 = arith.constant 16 : index
        %swap3A_869 = tpu.vector_load %arg10[%swap3A_866, %swap3A_867, %swap3A_868] {strides = array<i32>} : memref<4x128x128xf32, #tpu.memory_space<vmem>>, vector<16xf32>,
        tpu.vector_store %arg10[%swap3A_866, %swap3A_867, %swap3A_868], %get3A_865 {strides = array<i32>} : memref<4x128x128xf32, #tpu.memory_space<vmem>>, vector<16xf32>,
        %get3A_870 = arith.constant 0 : i32
        %get3A_871 = arith.index_cast %get3A_870 : i32 to index
        %get3A_872 = arith.index_cast %add3A_842 : i32 to index
        %get3A_873 = arith.constant 80 : index
        %get3A_874 = tpu.vector_load %arg11[%get3A_871, %get3A_872, %get3A_873] {strides = array<i32>} : memref<1x128x128xf32, #tpu.memory_space<vmem>>, vector<16xf32>,
        %swap3A_875 = arith.index_cast %rem3A_362 : i32 to index
        %swap3A_876 = arith.index_cast %add3A_842 : i32 to index
        %swap3A_877 = arith.constant 80 : index
        %swap3A_878 = tpu.vector_load %arg10[%swap3A_875, %swap3A_876, %swap3A_877] {strides = array<i32>} : memref<4x128x128xf32, #tpu.memory_space<vmem>>, vector<16xf32>,
        tpu.vector_store %arg10[%swap3A_875, %swap3A_876, %swap3A_877], %get3A_874 {strides = array<i32>} : memref<4x128x128xf32, #tpu.memory_space<vmem>>, vector<16xf32>,
        %add3A_879 = arith.constant 32 : i32
        %add3A_880 = arith.addi %mul3A_840, %add3A_879 : i32
        %get3A_881 = arith.index_cast %shift_right_logical3A_836 : i32 to index
        %get3A_882 = arith.index_cast %add3A_880 : i32 to index
        %get3A_883 = tpu.vector_load %arg12[%get3A_881, %get3A_882] {strides = array<i32>} : memref<176x128xf32, #tpu.memory_space<vmem>>, vector<16xf32>,
        %swap3A_884 = arith.index_cast %rem3A_362 : i32 to index
        %swap3A_885 = arith.index_cast %add3A_842 : i32 to index
        %swap3A_886 = arith.constant 32 : index
        %swap3A_887 = tpu.vector_load %arg10[%swap3A_884, %swap3A_885, %swap3A_886] {strides = array<i32>} : memref<4x128x128xf32, #tpu.memory_space<vmem>>, vector<16xf32>,
        tpu.vector_store %arg10[%swap3A_884, %swap3A_885, %swap3A_886], %get3A_883 {strides = array<i32>} : memref<4x128x128xf32, #tpu.memory_space<vmem>>, vector<16xf32>,
        %get3A_888 = arith.constant 0 : i32
        %get3A_889 = arith.index_cast %get3A_888 : i32 to index
        %get3A_890 = arith.index_cast %add3A_842 : i32 to index
        %get3A_891 = arith.constant 96 : index
        %get3A_892 = tpu.vector_load %arg11[%get3A_889, %get3A_890, %get3A_891] {strides = array<i32>} : memref<1x128x128xf32, #tpu.memory_space<vmem>>, vector<16xf32>,
        %swap3A_893 = arith.index_cast %rem3A_362 : i32 to index
        %swap3A_894 = arith.index_cast %add3A_842 : i32 to index
        %swap3A_895 = arith.constant 96 : index
        %swap3A_896 = tpu.vector_load %arg10[%swap3A_893, %swap3A_894, %swap3A_895] {strides = array<i32>} : memref<4x128x128xf32, #tpu.memory_space<vmem>>, vector<16xf32>,
        tpu.vector_store %arg10[%swap3A_893, %swap3A_894, %swap3A_895], %get3A_892 {strides = array<i32>} : memref<4x128x128xf32, #tpu.memory_space<vmem>>, vector<16xf32>,
        %add3A_897 = arith.constant 48 : i32
        %add3A_898 = arith.addi %mul3A_840, %add3A_897 : i32
        %get3A_899 = arith.index_cast %shift_right_logical3A_836 : i32 to index
        %get3A_900 = arith.index_cast %add3A_898 : i32 to index
        %get3A_901 = tpu.vector_load %arg12[%get3A_899, %get3A_900] {strides = array<i32>} : memref<176x128xf32, #tpu.memory_space<vmem>>, vector<16xf32>,
        %swap3A_902 = arith.index_cast %rem3A_362 : i32 to index
        %swap3A_903 = arith.index_cast %add3A_842 : i32 to index
        %swap3A_904 = arith.constant 48 : index
        %swap3A_905 = tpu.vector_load %arg10[%swap3A_902, %swap3A_903, %swap3A_904] {strides = array<i32>} : memref<4x128x128xf32, #tpu.memory_space<vmem>>, vector<16xf32>,
        tpu.vector_store %arg10[%swap3A_902, %swap3A_903, %swap3A_904], %get3A_901 {strides = array<i32>} : memref<4x128x128xf32, #tpu.memory_space<vmem>>, vector<16xf32>,
        %get3A_906 = arith.constant 0 : i32
        %get3A_907 = arith.index_cast %get3A_906 : i32 to index
        %get3A_908 = arith.index_cast %add3A_842 : i32 to index
        %get3A_909 = arith.constant 112 : index
        %get3A_910 = tpu.vector_load %arg11[%get3A_907, %get3A_908, %get3A_909] {strides = array<i32>} : memref<1x128x128xf32, #tpu.memory_space<vmem>>, vector<16xf32>,
        %swap3A_911 = arith.index_cast %rem3A_362 : i32 to index
        %swap3A_912 = arith.index_cast %add3A_842 : i32 to index
        %swap3A_913 = arith.constant 112 : index
        %swap3A_914 = tpu.vector_load %arg10[%swap3A_911, %swap3A_912, %swap3A_913] {strides = array<i32>} : memref<4x128x128xf32, #tpu.memory_space<vmem>>, vector<16xf32>,
        tpu.vector_store %arg10[%swap3A_911, %swap3A_912, %swap3A_913], %get3A_910 {strides = array<i32>} : memref<4x128x128xf32, #tpu.memory_space<vmem>>, vector<16xf32>,
        %slice3A_915 = vector.extract_strided_slice %get3A_427 {offsets = [6], sizes = [1], strides = [1]} : vector<16xi32> to vector<1xi32>
        %squeeze3A_916 = vector.extract %slice3A_915[0] : i32 from vector<1xi32>
        %shift_right_logical3A_917 = arith.constant 1 : i32
        %shift_right_logical3A_918 = arith.shrui %squeeze3A_916, %shift_right_logical3A_917 : i32
        %and3A_919 = arith.constant 1 : i32
        %and3A_920 = arith.andi %squeeze3A_916, %and3A_919 : i32
        %mul3A_921 = arith.constant 64 : i32
        %mul3A_922 = arith.muli %and3A_920, %mul3A_921 : i32
        %add3A_923 = arith.constant 6 : i32
        %add3A_924 = arith.addi %mul3A_425, %add3A_923 : i32
        %add3A_925 = arith.constant 0 : i32
        %add3A_926 = arith.addi %mul3A_922, %add3A_925 : i32
        %get3A_927 = arith.index_cast %shift_right_logical3A_918 : i32 to index
        %get3A_928 = arith.index_cast %add3A_926 : i32 to index
        %get3A_929 = tpu.vector_load %arg12[%get3A_927, %get3A_928] {strides = array<i32>} : memref<176x128xf32, #tpu.memory_space<vmem>>, vector<16xf32>,
        %swap3A_930 = arith.index_cast %rem3A_362 : i32 to index
        %swap3A_931 = arith.index_cast %add3A_924 : i32 to index
        %swap3A_932 = arith.constant 0 : index
        %swap3A_933 = tpu.vector_load %arg10[%swap3A_930, %swap3A_931, %swap3A_932] {strides = array<i32>} : memref<4x128x128xf32, #tpu.memory_space<vmem>>, vector<16xf32>,
        tpu.vector_store %arg10[%swap3A_930, %swap3A_931, %swap3A_932], %get3A_929 {strides = array<i32>} : memref<4x128x128xf32, #tpu.memory_space<vmem>>, vector<16xf32>,
        %get3A_934 = arith.constant 0 : i32
        %get3A_935 = arith.index_cast %get3A_934 : i32 to index
        %get3A_936 = arith.index_cast %add3A_924 : i32 to index
        %get3A_937 = arith.constant 64 : index
        %get3A_938 = tpu.vector_load %arg11[%get3A_935, %get3A_936, %get3A_937] {strides = array<i32>} : memref<1x128x128xf32, #tpu.memory_space<vmem>>, vector<16xf32>,
        %swap3A_939 = arith.index_cast %rem3A_362 : i32 to index
        %swap3A_940 = arith.index_cast %add3A_924 : i32 to index
        %swap3A_941 = arith.constant 64 : index
        %swap3A_942 = tpu.vector_load %arg10[%swap3A_939, %swap3A_940, %swap3A_941] {strides = array<i32>} : memref<4x128x128xf32, #tpu.memory_space<vmem>>, vector<16xf32>,
        tpu.vector_store %arg10[%swap3A_939, %swap3A_940, %swap3A_941], %get3A_938 {strides = array<i32>} : memref<4x128x128xf32, #tpu.memory_space<vmem>>, vector<16xf32>,
        %add3A_943 = arith.constant 16 : i32
        %add3A_944 = arith.addi %mul3A_922, %add3A_943 : i32
        %get3A_945 = arith.index_cast %shift_right_logical3A_918 : i32 to index
        %get3A_946 = arith.index_cast %add3A_944 : i32 to index
        %get3A_947 = tpu.vector_load %arg12[%get3A_945, %get3A_946] {strides = array<i32>} : memref<176x128xf32, #tpu.memory_space<vmem>>, vector<16xf32>,
        %swap3A_948 = arith.index_cast %rem3A_362 : i32 to index
        %swap3A_949 = arith.index_cast %add3A_924 : i32 to index
        %swap3A_950 = arith.constant 16 : index
        %swap3A_951 = tpu.vector_load %arg10[%swap3A_948, %swap3A_949, %swap3A_950] {strides = array<i32>} : memref<4x128x128xf32, #tpu.memory_space<vmem>>, vector<16xf32>,
        tpu.vector_store %arg10[%swap3A_948, %swap3A_949, %swap3A_950], %get3A_947 {strides = array<i32>} : memref<4x128x128xf32, #tpu.memory_space<vmem>>, vector<16xf32>,
        %get3A_952 = arith.constant 0 : i32
        %get3A_953 = arith.index_cast %get3A_952 : i32 to index
        %get3A_954 = arith.index_cast %add3A_924 : i32 to index
        %get3A_955 = arith.constant 80 : index
        %get3A_956 = tpu.vector_load %arg11[%get3A_953, %get3A_954, %get3A_955] {strides = array<i32>} : memref<1x128x128xf32, #tpu.memory_space<vmem>>, vector<16xf32>,
        %swap3A_957 = arith.index_cast %rem3A_362 : i32 to index
        %swap3A_958 = arith.index_cast %add3A_924 : i32 to index
        %swap3A_959 = arith.constant 80 : index
        %swap3A_960 = tpu.vector_load %arg10[%swap3A_957, %swap3A_958, %swap3A_959] {strides = array<i32>} : memref<4x128x128xf32, #tpu.memory_space<vmem>>, vector<16xf32>,
        tpu.vector_store %arg10[%swap3A_957, %swap3A_958, %swap3A_959], %get3A_956 {strides = array<i32>} : memref<4x128x128xf32, #tpu.memory_space<vmem>>, vector<16xf32>,
        %add3A_961 = arith.constant 32 : i32
        %add3A_962 = arith.addi %mul3A_922, %add3A_961 : i32
        %get3A_963 = arith.index_cast %shift_right_logical3A_918 : i32 to index
        %get3A_964 = arith.index_cast %add3A_962 : i32 to index
        %get3A_965 = tpu.vector_load %arg12[%get3A_963, %get3A_964] {strides = array<i32>} : memref<176x128xf32, #tpu.memory_space<vmem>>, vector<16xf32>,
        %swap3A_966 = arith.index_cast %rem3A_362 : i32 to index
        %swap3A_967 = arith.index_cast %add3A_924 : i32 to index
        %swap3A_968 = arith.constant 32 : index
        %swap3A_969 = tpu.vector_load %arg10[%swap3A_966, %swap3A_967, %swap3A_968] {strides = array<i32>} : memref<4x128x128xf32, #tpu.memory_space<vmem>>, vector<16xf32>,
        tpu.vector_store %arg10[%swap3A_966, %swap3A_967, %swap3A_968], %get3A_965 {strides = array<i32>} : memref<4x128x128xf32, #tpu.memory_space<vmem>>, vector<16xf32>,
        %get3A_970 = arith.constant 0 : i32
        %get3A_971 = arith.index_cast %get3A_970 : i32 to index
        %get3A_972 = arith.index_cast %add3A_924 : i32 to index
        %get3A_973 = arith.constant 96 : index
        %get3A_974 = tpu.vector_load %arg11[%get3A_971, %get3A_972, %get3A_973] {strides = array<i32>} : memref<1x128x128xf32, #tpu.memory_space<vmem>>, vector<16xf32>,
        %swap3A_975 = arith.index_cast %rem3A_362 : i32 to index
        %swap3A_976 = arith.index_cast %add3A_924 : i32 to index
        %swap3A_977 = arith.constant 96 : index
        %swap3A_978 = tpu.vector_load %arg10[%swap3A_975, %swap3A_976, %swap3A_977] {strides = array<i32>} : memref<4x128x128xf32, #tpu.memory_space<vmem>>, vector<16xf32>,
        tpu.vector_store %arg10[%swap3A_975, %swap3A_976, %swap3A_977], %get3A_974 {strides = array<i32>} : memref<4x128x128xf32, #tpu.memory_space<vmem>>, vector<16xf32>,
        %add3A_979 = arith.constant 48 : i32
        %add3A_980 = arith.addi %mul3A_922, %add3A_979 : i32
        %get3A_981 = arith.index_cast %shift_right_logical3A_918 : i32 to index
        %get3A_982 = arith.index_cast %add3A_980 : i32 to index
        %get3A_983 = tpu.vector_load %arg12[%get3A_981, %get3A_982] {strides = array<i32>} : memref<176x128xf32, #tpu.memory_space<vmem>>, vector<16xf32>,
        %swap3A_984 = arith.index_cast %rem3A_362 : i32 to index
        %swap3A_985 = arith.index_cast %add3A_924 : i32 to index
        %swap3A_986 = arith.constant 48 : index
        %swap3A_987 = tpu.vector_load %arg10[%swap3A_984, %swap3A_985, %swap3A_986] {strides = array<i32>} : memref<4x128x128xf32, #tpu.memory_space<vmem>>, vector<16xf32>,
        tpu.vector_store %arg10[%swap3A_984, %swap3A_985, %swap3A_986], %get3A_983 {strides = array<i32>} : memref<4x128x128xf32, #tpu.memory_space<vmem>>, vector<16xf32>,
        %get3A_988 = arith.constant 0 : i32
        %get3A_989 = arith.index_cast %get3A_988 : i32 to index
        %get3A_990 = arith.index_cast %add3A_924 : i32 to index
        %get3A_991 = arith.constant 112 : index
        %get3A_992 = tpu.vector_load %arg11[%get3A_989, %get3A_990, %get3A_991] {strides = array<i32>} : memref<1x128x128xf32, #tpu.memory_space<vmem>>, vector<16xf32>,
        %swap3A_993 = arith.index_cast %rem3A_362 : i32 to index
        %swap3A_994 = arith.index_cast %add3A_924 : i32 to index
        %swap3A_995 = arith.constant 112 : index
        %swap3A_996 = tpu.vector_load %arg10[%swap3A_993, %swap3A_994, %swap3A_995] {strides = array<i32>} : memref<4x128x128xf32, #tpu.memory_space<vmem>>, vector<16xf32>,
        tpu.vector_store %arg10[%swap3A_993, %swap3A_994, %swap3A_995], %get3A_992 {strides = array<i32>} : memref<4x128x128xf32, #tpu.memory_space<vmem>>, vector<16xf32>,
        %slice3A_997 = vector.extract_strided_slice %get3A_427 {offsets = [7], sizes = [1], strides = [1]} : vector<16xi32> to vector<1xi32>
        %squeeze3A_998 = vector.extract %slice3A_997[0] : i32 from vector<1xi32>
        %shift_right_logical3A_999 = arith.constant 1 : i32
        %shift_right_logical3A_1000 = arith.shrui %squeeze3A_998, %shift_right_logical3A_999 : i32
        %and3A_1001 = arith.constant 1 : i32
        %and3A_1002 = arith.andi %squeeze3A_998, %and3A_1001 : i32
        %mul3A_1003 = arith.constant 64 : i32
        %mul3A_1004 = arith.muli %and3A_1002, %mul3A_1003 : i32
        %add3A_1005 = arith.constant 7 : i32
        %add3A_1006 = arith.addi %mul3A_425, %add3A_1005 : i32
        %add3A_1007 = arith.constant 0 : i32
        %add3A_1008 = arith.addi %mul3A_1004, %add3A_1007 : i32
        %get3A_1009 = arith.index_cast %shift_right_logical3A_1000 : i32 to index
        %get3A_1010 = arith.index_cast %add3A_1008 : i32 to index
        %get3A_1011 = tpu.vector_load %arg12[%get3A_1009, %get3A_1010] {strides = array<i32>} : memref<176x128xf32, #tpu.memory_space<vmem>>, vector<16xf32>,
        %swap3A_1012 = arith.index_cast %rem3A_362 : i32 to index
        %swap3A_1013 = arith.index_cast %add3A_1006 : i32 to index
        %swap3A_1014 = arith.constant 0 : index
        %swap3A_1015 = tpu.vector_load %arg10[%swap3A_1012, %swap3A_1013, %swap3A_1014] {strides = array<i32>} : memref<4x128x128xf32, #tpu.memory_space<vmem>>, vector<16xf32>,
        tpu.vector_store %arg10[%swap3A_1012, %swap3A_1013, %swap3A_1014], %get3A_1011 {strides = array<i32>} : memref<4x128x128xf32, #tpu.memory_space<vmem>>, vector<16xf32>,
        %get3A_1016 = arith.constant 0 : i32
        %get3A_1017 = arith.index_cast %get3A_1016 : i32 to index
        %get3A_1018 = arith.index_cast %add3A_1006 : i32 to index
        %get3A_1019 = arith.constant 64 : index
        %get3A_1020 = tpu.vector_load %arg11[%get3A_1017, %get3A_1018, %get3A_1019] {strides = array<i32>} : memref<1x128x128xf32, #tpu.memory_space<vmem>>, vector<16xf32>,
        %swap3A_1021 = arith.index_cast %rem3A_362 : i32 to index
        %swap3A_1022 = arith.index_cast %add3A_1006 : i32 to index
        %swap3A_1023 = arith.constant 64 : index
        %swap3A_1024 = tpu.vector_load %arg10[%swap3A_1021, %swap3A_1022, %swap3A_1023] {strides = array<i32>} : memref<4x128x128xf32, #tpu.memory_space<vmem>>, vector<16xf32>,
        tpu.vector_store %arg10[%swap3A_1021, %swap3A_1022, %swap3A_1023], %get3A_1020 {strides = array<i32>} : memref<4x128x128xf32, #tpu.memory_space<vmem>>, vector<16xf32>,
        %add3A_1025 = arith.constant 16 : i32
        %add3A_1026 = arith.addi %mul3A_1004, %add3A_1025 : i32
        %get3A_1027 = arith.index_cast %shift_right_logical3A_1000 : i32 to index
        %get3A_1028 = arith.index_cast %add3A_1026 : i32 to index
        %get3A_1029 = tpu.vector_load %arg12[%get3A_1027, %get3A_1028] {strides = array<i32>} : memref<176x128xf32, #tpu.memory_space<vmem>>, vector<16xf32>,
        %swap3A_1030 = arith.index_cast %rem3A_362 : i32 to index
        %swap3A_1031 = arith.index_cast %add3A_1006 : i32 to index
        %swap3A_1032 = arith.constant 16 : index
        %swap3A_1033 = tpu.vector_load %arg10[%swap3A_1030, %swap3A_1031, %swap3A_1032] {strides = array<i32>} : memref<4x128x128xf32, #tpu.memory_space<vmem>>, vector<16xf32>,
        tpu.vector_store %arg10[%swap3A_1030, %swap3A_1031, %swap3A_1032], %get3A_1029 {strides = array<i32>} : memref<4x128x128xf32, #tpu.memory_space<vmem>>, vector<16xf32>,
        %get3A_1034 = arith.constant 0 : i32
        %get3A_1035 = arith.index_cast %get3A_1034 : i32 to index
        %get3A_1036 = arith.index_cast %add3A_1006 : i32 to index
        %get3A_1037 = arith.constant 80 : index
        %get3A_1038 = tpu.vector_load %arg11[%get3A_1035, %get3A_1036, %get3A_1037] {strides = array<i32>} : memref<1x128x128xf32, #tpu.memory_space<vmem>>, vector<16xf32>,
        %swap3A_1039 = arith.index_cast %rem3A_362 : i32 to index
        %swap3A_1040 = arith.index_cast %add3A_1006 : i32 to index
        %swap3A_1041 = arith.constant 80 : index
        %swap3A_1042 = tpu.vector_load %arg10[%swap3A_1039, %swap3A_1040, %swap3A_1041] {strides = array<i32>} : memref<4x128x128xf32, #tpu.memory_space<vmem>>, vector<16xf32>,
        tpu.vector_store %arg10[%swap3A_1039, %swap3A_1040, %swap3A_1041], %get3A_1038 {strides = array<i32>} : memref<4x128x128xf32, #tpu.memory_space<vmem>>, vector<16xf32>,
        %add3A_1043 = arith.constant 32 : i32
        %add3A_1044 = arith.addi %mul3A_1004, %add3A_1043 : i32
        %get3A_1045 = arith.index_cast %shift_right_logical3A_1000 : i32 to index
        %get3A_1046 = arith.index_cast %add3A_1044 : i32 to index
        %get3A_1047 = tpu.vector_load %arg12[%get3A_1045, %get3A_1046] {strides = array<i32>} : memref<176x128xf32, #tpu.memory_space<vmem>>, vector<16xf32>,
        %swap3A_1048 = arith.index_cast %rem3A_362 : i32 to index
        %swap3A_1049 = arith.index_cast %add3A_1006 : i32 to index
        %swap3A_1050 = arith.constant 32 : index
        %swap3A_1051 = tpu.vector_load %arg10[%swap3A_1048, %swap3A_1049, %swap3A_1050] {strides = array<i32>} : memref<4x128x128xf32, #tpu.memory_space<vmem>>, vector<16xf32>,
        tpu.vector_store %arg10[%swap3A_1048, %swap3A_1049, %swap3A_1050], %get3A_1047 {strides = array<i32>} : memref<4x128x128xf32, #tpu.memory_space<vmem>>, vector<16xf32>,
        %get3A_1052 = arith.constant 0 : i32
        %get3A_1053 = arith.index_cast %get3A_1052 : i32 to index
        %get3A_1054 = arith.index_cast %add3A_1006 : i32 to index
        %get3A_1055 = arith.constant 96 : index
        %get3A_1056 = tpu.vector_load %arg11[%get3A_1053, %get3A_1054, %get3A_1055] {strides = array<i32>} : memref<1x128x128xf32, #tpu.memory_space<vmem>>, vector<16xf32>,
        %swap3A_1057 = arith.index_cast %rem3A_362 : i32 to index
        %swap3A_1058 = arith.index_cast %add3A_1006 : i32 to index
        %swap3A_1059 = arith.constant 96 : index
        %swap3A_1060 = tpu.vector_load %arg10[%swap3A_1057, %swap3A_1058, %swap3A_1059] {strides = array<i32>} : memref<4x128x128xf32, #tpu.memory_space<vmem>>, vector<16xf32>,
        tpu.vector_store %arg10[%swap3A_1057, %swap3A_1058, %swap3A_1059], %get3A_1056 {strides = array<i32>} : memref<4x128x128xf32, #tpu.memory_space<vmem>>, vector<16xf32>,
        %add3A_1061 = arith.constant 48 : i32
        %add3A_1062 = arith.addi %mul3A_1004, %add3A_1061 : i32
        %get3A_1063 = arith.index_cast %shift_right_logical3A_1000 : i32 to index
        %get3A_1064 = arith.index_cast %add3A_1062 : i32 to index
        %get3A_1065 = tpu.vector_load %arg12[%get3A_1063, %get3A_1064] {strides = array<i32>} : memref<176x128xf32, #tpu.memory_space<vmem>>, vector<16xf32>,
        %swap3A_1066 = arith.index_cast %rem3A_362 : i32 to index
        %swap3A_1067 = arith.index_cast %add3A_1006 : i32 to index
        %swap3A_1068 = arith.constant 48 : index
        %swap3A_1069 = tpu.vector_load %arg10[%swap3A_1066, %swap3A_1067, %swap3A_1068] {strides = array<i32>} : memref<4x128x128xf32, #tpu.memory_space<vmem>>, vector<16xf32>,
        tpu.vector_store %arg10[%swap3A_1066, %swap3A_1067, %swap3A_1068], %get3A_1065 {strides = array<i32>} : memref<4x128x128xf32, #tpu.memory_space<vmem>>, vector<16xf32>,
        %get3A_1070 = arith.constant 0 : i32
        %get3A_1071 = arith.index_cast %get3A_1070 : i32 to index
        %get3A_1072 = arith.index_cast %add3A_1006 : i32 to index
        %get3A_1073 = arith.constant 112 : index
        %get3A_1074 = tpu.vector_load %arg11[%get3A_1071, %get3A_1072, %get3A_1073] {strides = array<i32>} : memref<1x128x128xf32, #tpu.memory_space<vmem>>, vector<16xf32>,
        %swap3A_1075 = arith.index_cast %rem3A_362 : i32 to index
        %swap3A_1076 = arith.index_cast %add3A_1006 : i32 to index
        %swap3A_1077 = arith.constant 112 : index
        %swap3A_1078 = tpu.vector_load %arg10[%swap3A_1075, %swap3A_1076, %swap3A_1077] {strides = array<i32>} : memref<4x128x128xf32, #tpu.memory_space<vmem>>, vector<16xf32>,
        tpu.vector_store %arg10[%swap3A_1075, %swap3A_1076, %swap3A_1077], %get3A_1074 {strides = array<i32>} : memref<4x128x128xf32, #tpu.memory_space<vmem>>, vector<16xf32>,
        %slice3A_1079 = vector.extract_strided_slice %get3A_427 {offsets = [8], sizes = [1], strides = [1]} : vector<16xi32> to vector<1xi32>
        %squeeze3A_1080 = vector.extract %slice3A_1079[0] : i32 from vector<1xi32>
        %shift_right_logical3A_1081 = arith.constant 1 : i32
        %shift_right_logical3A_1082 = arith.shrui %squeeze3A_1080, %shift_right_logical3A_1081 : i32
        %and3A_1083 = arith.constant 1 : i32
        %and3A_1084 = arith.andi %squeeze3A_1080, %and3A_1083 : i32
        %mul3A_1085 = arith.constant 64 : i32
        %mul3A_1086 = arith.muli %and3A_1084, %mul3A_1085 : i32
        %add3A_1087 = arith.constant 8 : i32
        %add3A_1088 = arith.addi %mul3A_425, %add3A_1087 : i32
        %add3A_1089 = arith.constant 0 : i32
        %add3A_1090 = arith.addi %mul3A_1086, %add3A_1089 : i32
        %get3A_1091 = arith.index_cast %shift_right_logical3A_1082 : i32 to index
        %get3A_1092 = arith.index_cast %add3A_1090 : i32 to index
        %get3A_1093 = tpu.vector_load %arg12[%get3A_1091, %get3A_1092] {strides = array<i32>} : memref<176x128xf32, #tpu.memory_space<vmem>>, vector<16xf32>,
        %swap3A_1094 = arith.index_cast %rem3A_362 : i32 to index
        %swap3A_1095 = arith.index_cast %add3A_1088 : i32 to index
        %swap3A_1096 = arith.constant 0 : index
        %swap3A_1097 = tpu.vector_load %arg10[%swap3A_1094, %swap3A_1095, %swap3A_1096] {strides = array<i32>} : memref<4x128x128xf32, #tpu.memory_space<vmem>>, vector<16xf32>,
        tpu.vector_store %arg10[%swap3A_1094, %swap3A_1095, %swap3A_1096], %get3A_1093 {strides = array<i32>} : memref<4x128x128xf32, #tpu.memory_space<vmem>>, vector<16xf32>,
        %get3A_1098 = arith.constant 0 : i32
        %get3A_1099 = arith.index_cast %get3A_1098 : i32 to index
        %get3A_1100 = arith.index_cast %add3A_1088 : i32 to index
        %get3A_1101 = arith.constant 64 : index
        %get3A_1102 = tpu.vector_load %arg11[%get3A_1099, %get3A_1100, %get3A_1101] {strides = array<i32>} : memref<1x128x128xf32, #tpu.memory_space<vmem>>, vector<16xf32>,
        %swap3A_1103 = arith.index_cast %rem3A_362 : i32 to index
        %swap3A_1104 = arith.index_cast %add3A_1088 : i32 to index
        %swap3A_1105 = arith.constant 64 : index
        %swap3A_1106 = tpu.vector_load %arg10[%swap3A_1103, %swap3A_1104, %swap3A_1105] {strides = array<i32>} : memref<4x128x128xf32, #tpu.memory_space<vmem>>, vector<16xf32>,
        tpu.vector_store %arg10[%swap3A_1103, %swap3A_1104, %swap3A_1105], %get3A_1102 {strides = array<i32>} : memref<4x128x128xf32, #tpu.memory_space<vmem>>, vector<16xf32>,
        %add3A_1107 = arith.constant 16 : i32
        %add3A_1108 = arith.addi %mul3A_1086, %add3A_1107 : i32
        %get3A_1109 = arith.index_cast %shift_right_logical3A_1082 : i32 to index
        %get3A_1110 = arith.index_cast %add3A_1108 : i32 to index
        %get3A_1111 = tpu.vector_load %arg12[%get3A_1109, %get3A_1110] {strides = array<i32>} : memref<176x128xf32, #tpu.memory_space<vmem>>, vector<16xf32>,
        %swap3A_1112 = arith.index_cast %rem3A_362 : i32 to index
        %swap3A_1113 = arith.index_cast %add3A_1088 : i32 to index
        %swap3A_1114 = arith.constant 16 : index
        %swap3A_1115 = tpu.vector_load %arg10[%swap3A_1112, %swap3A_1113, %swap3A_1114] {strides = array<i32>} : memref<4x128x128xf32, #tpu.memory_space<vmem>>, vector<16xf32>,
        tpu.vector_store %arg10[%swap3A_1112, %swap3A_1113, %swap3A_1114], %get3A_1111 {strides = array<i32>} : memref<4x128x128xf32, #tpu.memory_space<vmem>>, vector<16xf32>,
        %get3A_1116 = arith.constant 0 : i32
        %get3A_1117 = arith.index_cast %get3A_1116 : i32 to index
        %get3A_1118 = arith.index_cast %add3A_1088 : i32 to index
        %get3A_1119 = arith.constant 80 : index
        %get3A_1120 = tpu.vector_load %arg11[%get3A_1117, %get3A_1118, %get3A_1119] {strides = array<i32>} : memref<1x128x128xf32, #tpu.memory_space<vmem>>, vector<16xf32>,
        %swap3A_1121 = arith.index_cast %rem3A_362 : i32 to index
        %swap3A_1122 = arith.index_cast %add3A_1088 : i32 to index
        %swap3A_1123 = arith.constant 80 : index
        %swap3A_1124 = tpu.vector_load %arg10[%swap3A_1121, %swap3A_1122, %swap3A_1123] {strides = array<i32>} : memref<4x128x128xf32, #tpu.memory_space<vmem>>, vector<16xf32>,
        tpu.vector_store %arg10[%swap3A_1121, %swap3A_1122, %swap3A_1123], %get3A_1120 {strides = array<i32>} : memref<4x128x128xf32, #tpu.memory_space<vmem>>, vector<16xf32>,
        %add3A_1125 = arith.constant 32 : i32
        %add3A_1126 = arith.addi %mul3A_1086, %add3A_1125 : i32
        %get3A_1127 = arith.index_cast %shift_right_logical3A_1082 : i32 to index
        %get3A_1128 = arith.index_cast %add3A_1126 : i32 to index
        %get3A_1129 = tpu.vector_load %arg12[%get3A_1127, %get3A_1128] {strides = array<i32>} : memref<176x128xf32, #tpu.memory_space<vmem>>, vector<16xf32>,
        %swap3A_1130 = arith.index_cast %rem3A_362 : i32 to index
        %swap3A_1131 = arith.index_cast %add3A_1088 : i32 to index
        %swap3A_1132 = arith.constant 32 : index
        %swap3A_1133 = tpu.vector_load %arg10[%swap3A_1130, %swap3A_1131, %swap3A_1132] {strides = array<i32>} : memref<4x128x128xf32, #tpu.memory_space<vmem>>, vector<16xf32>,
        tpu.vector_store %arg10[%swap3A_1130, %swap3A_1131, %swap3A_1132], %get3A_1129 {strides = array<i32>} : memref<4x128x128xf32, #tpu.memory_space<vmem>>, vector<16xf32>,
        %get3A_1134 = arith.constant 0 : i32
        %get3A_1135 = arith.index_cast %get3A_1134 : i32 to index
        %get3A_1136 = arith.index_cast %add3A_1088 : i32 to index
        %get3A_1137 = arith.constant 96 : index
        %get3A_1138 = tpu.vector_load %arg11[%get3A_1135, %get3A_1136, %get3A_1137] {strides = array<i32>} : memref<1x128x128xf32, #tpu.memory_space<vmem>>, vector<16xf32>,
        %swap3A_1139 = arith.index_cast %rem3A_362 : i32 to index
        %swap3A_1140 = arith.index_cast %add3A_1088 : i32 to index
        %swap3A_1141 = arith.constant 96 : index
        %swap3A_1142 = tpu.vector_load %arg10[%swap3A_1139, %swap3A_1140, %swap3A_1141] {strides = array<i32>} : memref<4x128x128xf32, #tpu.memory_space<vmem>>, vector<16xf32>,
        tpu.vector_store %arg10[%swap3A_1139, %swap3A_1140, %swap3A_1141], %get3A_1138 {strides = array<i32>} : memref<4x128x128xf32, #tpu.memory_space<vmem>>, vector<16xf32>,
        %add3A_1143 = arith.constant 48 : i32
        %add3A_1144 = arith.addi %mul3A_1086, %add3A_1143 : i32
        %get3A_1145 = arith.index_cast %shift_right_logical3A_1082 : i32 to index
        %get3A_1146 = arith.index_cast %add3A_1144 : i32 to index
        %get3A_1147 = tpu.vector_load %arg12[%get3A_1145, %get3A_1146] {strides = array<i32>} : memref<176x128xf32, #tpu.memory_space<vmem>>, vector<16xf32>,
        %swap3A_1148 = arith.index_cast %rem3A_362 : i32 to index
        %swap3A_1149 = arith.index_cast %add3A_1088 : i32 to index
        %swap3A_1150 = arith.constant 48 : index
        %swap3A_1151 = tpu.vector_load %arg10[%swap3A_1148, %swap3A_1149, %swap3A_1150] {strides = array<i32>} : memref<4x128x128xf32, #tpu.memory_space<vmem>>, vector<16xf32>,
        tpu.vector_store %arg10[%swap3A_1148, %swap3A_1149, %swap3A_1150], %get3A_1147 {strides = array<i32>} : memref<4x128x128xf32, #tpu.memory_space<vmem>>, vector<16xf32>,
        %get3A_1152 = arith.constant 0 : i32
        %get3A_1153 = arith.index_cast %get3A_1152 : i32 to index
        %get3A_1154 = arith.index_cast %add3A_1088 : i32 to index
        %get3A_1155 = arith.constant 112 : index
        %get3A_1156 = tpu.vector_load %arg11[%get3A_1153, %get3A_1154, %get3A_1155] {strides = array<i32>} : memref<1x128x128xf32, #tpu.memory_space<vmem>>, vector<16xf32>,
        %swap3A_1157 = arith.index_cast %rem3A_362 : i32 to index
        %swap3A_1158 = arith.index_cast %add3A_1088 : i32 to index
        %swap3A_1159 = arith.constant 112 : index
        %swap3A_1160 = tpu.vector_load %arg10[%swap3A_1157, %swap3A_1158, %swap3A_1159] {strides = array<i32>} : memref<4x128x128xf32, #tpu.memory_space<vmem>>, vector<16xf32>,
        tpu.vector_store %arg10[%swap3A_1157, %swap3A_1158, %swap3A_1159], %get3A_1156 {strides = array<i32>} : memref<4x128x128xf32, #tpu.memory_space<vmem>>, vector<16xf32>,
        %slice3A_1161 = vector.extract_strided_slice %get3A_427 {offsets = [9], sizes = [1], strides = [1]} : vector<16xi32> to vector<1xi32>
        %squeeze3A_1162 = vector.extract %slice3A_1161[0] : i32 from vector<1xi32>
        %shift_right_logical3A_1163 = arith.constant 1 : i32
        %shift_right_logical3A_1164 = arith.shrui %squeeze3A_1162, %shift_right_logical3A_1163 : i32
        %and3A_1165 = arith.constant 1 : i32
        %and3A_1166 = arith.andi %squeeze3A_1162, %and3A_1165 : i32
        %mul3A_1167 = arith.constant 64 : i32
        %mul3A_1168 = arith.muli %and3A_1166, %mul3A_1167 : i32
        %add3A_1169 = arith.constant 9 : i32
        %add3A_1170 = arith.addi %mul3A_425, %add3A_1169 : i32
        %add3A_1171 = arith.constant 0 : i32
        %add3A_1172 = arith.addi %mul3A_1168, %add3A_1171 : i32
        %get3A_1173 = arith.index_cast %shift_right_logical3A_1164 : i32 to index
        %get3A_1174 = arith.index_cast %add3A_1172 : i32 to index
        %get3A_1175 = tpu.vector_load %arg12[%get3A_1173, %get3A_1174] {strides = array<i32>} : memref<176x128xf32, #tpu.memory_space<vmem>>, vector<16xf32>,
        %swap3A_1176 = arith.index_cast %rem3A_362 : i32 to index
        %swap3A_1177 = arith.index_cast %add3A_1170 : i32 to index
        %swap3A_1178 = arith.constant 0 : index
        %swap3A_1179 = tpu.vector_load %arg10[%swap3A_1176, %swap3A_1177, %swap3A_1178] {strides = array<i32>} : memref<4x128x128xf32, #tpu.memory_space<vmem>>, vector<16xf32>,
        tpu.vector_store %arg10[%swap3A_1176, %swap3A_1177, %swap3A_1178], %get3A_1175 {strides = array<i32>} : memref<4x128x128xf32, #tpu.memory_space<vmem>>, vector<16xf32>,
        %get3A_1180 = arith.constant 0 : i32
        %get3A_1181 = arith.index_cast %get3A_1180 : i32 to index
        %get3A_1182 = arith.index_cast %add3A_1170 : i32 to index
        %get3A_1183 = arith.constant 64 : index
        %get3A_1184 = tpu.vector_load %arg11[%get3A_1181, %get3A_1182, %get3A_1183] {strides = array<i32>} : memref<1x128x128xf32, #tpu.memory_space<vmem>>, vector<16xf32>,
        %swap3A_1185 = arith.index_cast %rem3A_362 : i32 to index
        %swap3A_1186 = arith.index_cast %add3A_1170 : i32 to index
        %swap3A_1187 = arith.constant 64 : index
        %swap3A_1188 = tpu.vector_load %arg10[%swap3A_1185, %swap3A_1186, %swap3A_1187] {strides = array<i32>} : memref<4x128x128xf32, #tpu.memory_space<vmem>>, vector<16xf32>,
        tpu.vector_store %arg10[%swap3A_1185, %swap3A_1186, %swap3A_1187], %get3A_1184 {strides = array<i32>} : memref<4x128x128xf32, #tpu.memory_space<vmem>>, vector<16xf32>,
        %add3A_1189 = arith.constant 16 : i32
        %add3A_1190 = arith.addi %mul3A_1168, %add3A_1189 : i32
        %get3A_1191 = arith.index_cast %shift_right_logical3A_1164 : i32 to index
        %get3A_1192 = arith.index_cast %add3A_1190 : i32 to index
        %get3A_1193 = tpu.vector_load %arg12[%get3A_1191, %get3A_1192] {strides = array<i32>} : memref<176x128xf32, #tpu.memory_space<vmem>>, vector<16xf32>,
        %swap3A_1194 = arith.index_cast %rem3A_362 : i32 to index
        %swap3A_1195 = arith.index_cast %add3A_1170 : i32 to index
        %swap3A_1196 = arith.constant 16 : index
        %swap3A_1197 = tpu.vector_load %arg10[%swap3A_1194, %swap3A_1195, %swap3A_1196] {strides = array<i32>} : memref<4x128x128xf32, #tpu.memory_space<vmem>>, vector<16xf32>,
        tpu.vector_store %arg10[%swap3A_1194, %swap3A_1195, %swap3A_1196], %get3A_1193 {strides = array<i32>} : memref<4x128x128xf32, #tpu.memory_space<vmem>>, vector<16xf32>,
        %get3A_1198 = arith.constant 0 : i32
        %get3A_1199 = arith.index_cast %get3A_1198 : i32 to index
        %get3A_1200 = arith.index_cast %add3A_1170 : i32 to index
        %get3A_1201 = arith.constant 80 : index
        %get3A_1202 = tpu.vector_load %arg11[%get3A_1199, %get3A_1200, %get3A_1201] {strides = array<i32>} : memref<1x128x128xf32, #tpu.memory_space<vmem>>, vector<16xf32>,
        %swap3A_1203 = arith.index_cast %rem3A_362 : i32 to index
        %swap3A_1204 = arith.index_cast %add3A_1170 : i32 to index
        %swap3A_1205 = arith.constant 80 : index
        %swap3A_1206 = tpu.vector_load %arg10[%swap3A_1203, %swap3A_1204, %swap3A_1205] {strides = array<i32>} : memref<4x128x128xf32, #tpu.memory_space<vmem>>, vector<16xf32>,
        tpu.vector_store %arg10[%swap3A_1203, %swap3A_1204, %swap3A_1205], %get3A_1202 {strides = array<i32>} : memref<4x128x128xf32, #tpu.memory_space<vmem>>, vector<16xf32>,
        %add3A_1207 = arith.constant 32 : i32
        %add3A_1208 = arith.addi %mul3A_1168, %add3A_1207 : i32
        %get3A_1209 = arith.index_cast %shift_right_logical3A_1164 : i32 to index
        %get3A_1210 = arith.index_cast %add3A_1208 : i32 to index
        %get3A_1211 = tpu.vector_load %arg12[%get3A_1209, %get3A_1210] {strides = array<i32>} : memref<176x128xf32, #tpu.memory_space<vmem>>, vector<16xf32>,
        %swap3A_1212 = arith.index_cast %rem3A_362 : i32 to index
        %swap3A_1213 = arith.index_cast %add3A_1170 : i32 to index
        %swap3A_1214 = arith.constant 32 : index
        %swap3A_1215 = tpu.vector_load %arg10[%swap3A_1212, %swap3A_1213, %swap3A_1214] {strides = array<i32>} : memref<4x128x128xf32, #tpu.memory_space<vmem>>, vector<16xf32>,
        tpu.vector_store %arg10[%swap3A_1212, %swap3A_1213, %swap3A_1214], %get3A_1211 {strides = array<i32>} : memref<4x128x128xf32, #tpu.memory_space<vmem>>, vector<16xf32>,
        %get3A_1216 = arith.constant 0 : i32
        %get3A_1217 = arith.index_cast %get3A_1216 : i32 to index
        %get3A_1218 = arith.index_cast %add3A_1170 : i32 to index
        %get3A_1219 = arith.constant 96 : index
        %get3A_1220 = tpu.vector_load %arg11[%get3A_1217, %get3A_1218, %get3A_1219] {strides = array<i32>} : memref<1x128x128xf32, #tpu.memory_space<vmem>>, vector<16xf32>,
        %swap3A_1221 = arith.index_cast %rem3A_362 : i32 to index
        %swap3A_1222 = arith.index_cast %add3A_1170 : i32 to index
        %swap3A_1223 = arith.constant 96 : index
        %swap3A_1224 = tpu.vector_load %arg10[%swap3A_1221, %swap3A_1222, %swap3A_1223] {strides = array<i32>} : memref<4x128x128xf32, #tpu.memory_space<vmem>>, vector<16xf32>,
        tpu.vector_store %arg10[%swap3A_1221, %swap3A_1222, %swap3A_1223], %get3A_1220 {strides = array<i32>} : memref<4x128x128xf32, #tpu.memory_space<vmem>>, vector<16xf32>,
        %add3A_1225 = arith.constant 48 : i32
        %add3A_1226 = arith.addi %mul3A_1168, %add3A_1225 : i32
        %get3A_1227 = arith.index_cast %shift_right_logical3A_1164 : i32 to index
        %get3A_1228 = arith.index_cast %add3A_1226 : i32 to index
        %get3A_1229 = tpu.vector_load %arg12[%get3A_1227, %get3A_1228] {strides = array<i32>} : memref<176x128xf32, #tpu.memory_space<vmem>>, vector<16xf32>,
        %swap3A_1230 = arith.index_cast %rem3A_362 : i32 to index
        %swap3A_1231 = arith.index_cast %add3A_1170 : i32 to index
        %swap3A_1232 = arith.constant 48 : index
        %swap3A_1233 = tpu.vector_load %arg10[%swap3A_1230, %swap3A_1231, %swap3A_1232] {strides = array<i32>} : memref<4x128x128xf32, #tpu.memory_space<vmem>>, vector<16xf32>,
        tpu.vector_store %arg10[%swap3A_1230, %swap3A_1231, %swap3A_1232], %get3A_1229 {strides = array<i32>} : memref<4x128x128xf32, #tpu.memory_space<vmem>>, vector<16xf32>,
        %get3A_1234 = arith.constant 0 : i32
        %get3A_1235 = arith.index_cast %get3A_1234 : i32 to index
        %get3A_1236 = arith.index_cast %add3A_1170 : i32 to index
        %get3A_1237 = arith.constant 112 : index
        %get3A_1238 = tpu.vector_load %arg11[%get3A_1235, %get3A_1236, %get3A_1237] {strides = array<i32>} : memref<1x128x128xf32, #tpu.memory_space<vmem>>, vector<16xf32>,
        %swap3A_1239 = arith.index_cast %rem3A_362 : i32 to index
        %swap3A_1240 = arith.index_cast %add3A_1170 : i32 to index
        %swap3A_1241 = arith.constant 112 : index
        %swap3A_1242 = tpu.vector_load %arg10[%swap3A_1239, %swap3A_1240, %swap3A_1241] {strides = array<i32>} : memref<4x128x128xf32, #tpu.memory_space<vmem>>, vector<16xf32>,
        tpu.vector_store %arg10[%swap3A_1239, %swap3A_1240, %swap3A_1241], %get3A_1238 {strides = array<i32>} : memref<4x128x128xf32, #tpu.memory_space<vmem>>, vector<16xf32>,
        %slice3A_1243 = vector.extract_strided_slice %get3A_427 {offsets = [10], sizes = [1], strides = [1]} : vector<16xi32> to vector<1xi32>
        %squeeze3A_1244 = vector.extract %slice3A_1243[0] : i32 from vector<1xi32>
        %shift_right_logical3A_1245 = arith.constant 1 : i32
        %shift_right_logical3A_1246 = arith.shrui %squeeze3A_1244, %shift_right_logical3A_1245 : i32
        %and3A_1247 = arith.constant 1 : i32
        %and3A_1248 = arith.andi %squeeze3A_1244, %and3A_1247 : i32
        %mul3A_1249 = arith.constant 64 : i32
        %mul3A_1250 = arith.muli %and3A_1248, %mul3A_1249 : i32
        %add3A_1251 = arith.constant 10 : i32
        %add3A_1252 = arith.addi %mul3A_425, %add3A_1251 : i32
        %add3A_1253 = arith.constant 0 : i32
        %add3A_1254 = arith.addi %mul3A_1250, %add3A_1253 : i32
        %get3A_1255 = arith.index_cast %shift_right_logical3A_1246 : i32 to index
        %get3A_1256 = arith.index_cast %add3A_1254 : i32 to index
        %get3A_1257 = tpu.vector_load %arg12[%get3A_1255, %get3A_1256] {strides = array<i32>} : memref<176x128xf32, #tpu.memory_space<vmem>>, vector<16xf32>,
        %swap3A_1258 = arith.index_cast %rem3A_362 : i32 to index
        %swap3A_1259 = arith.index_cast %add3A_1252 : i32 to index
        %swap3A_1260 = arith.constant 0 : index
        %swap3A_1261 = tpu.vector_load %arg10[%swap3A_1258, %swap3A_1259, %swap3A_1260] {strides = array<i32>} : memref<4x128x128xf32, #tpu.memory_space<vmem>>, vector<16xf32>,
        tpu.vector_store %arg10[%swap3A_1258, %swap3A_1259, %swap3A_1260], %get3A_1257 {strides = array<i32>} : memref<4x128x128xf32, #tpu.memory_space<vmem>>, vector<16xf32>,
        %get3A_1262 = arith.constant 0 : i32
        %get3A_1263 = arith.index_cast %get3A_1262 : i32 to index
        %get3A_1264 = arith.index_cast %add3A_1252 : i32 to index
        %get3A_1265 = arith.constant 64 : index
        %get3A_1266 = tpu.vector_load %arg11[%get3A_1263, %get3A_1264, %get3A_1265] {strides = array<i32>} : memref<1x128x128xf32, #tpu.memory_space<vmem>>, vector<16xf32>,
        %swap3A_1267 = arith.index_cast %rem3A_362 : i32 to index
        %swap3A_1268 = arith.index_cast %add3A_1252 : i32 to index
        %swap3A_1269 = arith.constant 64 : index
        %swap3A_1270 = tpu.vector_load %arg10[%swap3A_1267, %swap3A_1268, %swap3A_1269] {strides = array<i32>} : memref<4x128x128xf32, #tpu.memory_space<vmem>>, vector<16xf32>,
        tpu.vector_store %arg10[%swap3A_1267, %swap3A_1268, %swap3A_1269], %get3A_1266 {strides = array<i32>} : memref<4x128x128xf32, #tpu.memory_space<vmem>>, vector<16xf32>,
        %add3A_1271 = arith.constant 16 : i32
        %add3A_1272 = arith.addi %mul3A_1250, %add3A_1271 : i32
        %get3A_1273 = arith.index_cast %shift_right_logical3A_1246 : i32 to index
        %get3A_1274 = arith.index_cast %add3A_1272 : i32 to index
        %get3A_1275 = tpu.vector_load %arg12[%get3A_1273, %get3A_1274] {strides = array<i32>} : memref<176x128xf32, #tpu.memory_space<vmem>>, vector<16xf32>,
        %swap3A_1276 = arith.index_cast %rem3A_362 : i32 to index
        %swap3A_1277 = arith.index_cast %add3A_1252 : i32 to index
        %swap3A_1278 = arith.constant 16 : index
        %swap3A_1279 = tpu.vector_load %arg10[%swap3A_1276, %swap3A_1277, %swap3A_1278] {strides = array<i32>} : memref<4x128x128xf32, #tpu.memory_space<vmem>>, vector<16xf32>,
        tpu.vector_store %arg10[%swap3A_1276, %swap3A_1277, %swap3A_1278], %get3A_1275 {strides = array<i32>} : memref<4x128x128xf32, #tpu.memory_space<vmem>>, vector<16xf32>,
        %get3A_1280 = arith.constant 0 : i32
        %get3A_1281 = arith.index_cast %get3A_1280 : i32 to index
        %get3A_1282 = arith.index_cast %add3A_1252 : i32 to index
        %get3A_1283 = arith.constant 80 : index
        %get3A_1284 = tpu.vector_load %arg11[%get3A_1281, %get3A_1282, %get3A_1283] {strides = array<i32>} : memref<1x128x128xf32, #tpu.memory_space<vmem>>, vector<16xf32>,
        %swap3A_1285 = arith.index_cast %rem3A_362 : i32 to index
        %swap3A_1286 = arith.index_cast %add3A_1252 : i32 to index
        %swap3A_1287 = arith.constant 80 : index
        %swap3A_1288 = tpu.vector_load %arg10[%swap3A_1285, %swap3A_1286, %swap3A_1287] {strides = array<i32>} : memref<4x128x128xf32, #tpu.memory_space<vmem>>, vector<16xf32>,
        tpu.vector_store %arg10[%swap3A_1285, %swap3A_1286, %swap3A_1287], %get3A_1284 {strides = array<i32>} : memref<4x128x128xf32, #tpu.memory_space<vmem>>, vector<16xf32>,
        %add3A_1289 = arith.constant 32 : i32
        %add3A_1290 = arith.addi %mul3A_1250, %add3A_1289 : i32
        %get3A_1291 = arith.index_cast %shift_right_logical3A_1246 : i32 to index
        %get3A_1292 = arith.index_cast %add3A_1290 : i32 to index
        %get3A_1293 = tpu.vector_load %arg12[%get3A_1291, %get3A_1292] {strides = array<i32>} : memref<176x128xf32, #tpu.memory_space<vmem>>, vector<16xf32>,
        %swap3A_1294 = arith.index_cast %rem3A_362 : i32 to index
        %swap3A_1295 = arith.index_cast %add3A_1252 : i32 to index
        %swap3A_1296 = arith.constant 32 : index
        %swap3A_1297 = tpu.vector_load %arg10[%swap3A_1294, %swap3A_1295, %swap3A_1296] {strides = array<i32>} : memref<4x128x128xf32, #tpu.memory_space<vmem>>, vector<16xf32>,
        tpu.vector_store %arg10[%swap3A_1294, %swap3A_1295, %swap3A_1296], %get3A_1293 {strides = array<i32>} : memref<4x128x128xf32, #tpu.memory_space<vmem>>, vector<16xf32>,
        %get3A_1298 = arith.constant 0 : i32
        %get3A_1299 = arith.index_cast %get3A_1298 : i32 to index
        %get3A_1300 = arith.index_cast %add3A_1252 : i32 to index
        %get3A_1301 = arith.constant 96 : index
        %get3A_1302 = tpu.vector_load %arg11[%get3A_1299, %get3A_1300, %get3A_1301] {strides = array<i32>} : memref<1x128x128xf32, #tpu.memory_space<vmem>>, vector<16xf32>,
        %swap3A_1303 = arith.index_cast %rem3A_362 : i32 to index
        %swap3A_1304 = arith.index_cast %add3A_1252 : i32 to index
        %swap3A_1305 = arith.constant 96 : index
        %swap3A_1306 = tpu.vector_load %arg10[%swap3A_1303, %swap3A_1304, %swap3A_1305] {strides = array<i32>} : memref<4x128x128xf32, #tpu.memory_space<vmem>>, vector<16xf32>,
        tpu.vector_store %arg10[%swap3A_1303, %swap3A_1304, %swap3A_1305], %get3A_1302 {strides = array<i32>} : memref<4x128x128xf32, #tpu.memory_space<vmem>>, vector<16xf32>,
        %add3A_1307 = arith.constant 48 : i32
        %add3A_1308 = arith.addi %mul3A_1250, %add3A_1307 : i32
        %get3A_1309 = arith.index_cast %shift_right_logical3A_1246 : i32 to index
        %get3A_1310 = arith.index_cast %add3A_1308 : i32 to index
        %get3A_1311 = tpu.vector_load %arg12[%get3A_1309, %get3A_1310] {strides = array<i32>} : memref<176x128xf32, #tpu.memory_space<vmem>>, vector<16xf32>,
        %swap3A_1312 = arith.index_cast %rem3A_362 : i32 to index
        %swap3A_1313 = arith.index_cast %add3A_1252 : i32 to index
        %swap3A_1314 = arith.constant 48 : index
        %swap3A_1315 = tpu.vector_load %arg10[%swap3A_1312, %swap3A_1313, %swap3A_1314] {strides = array<i32>} : memref<4x128x128xf32, #tpu.memory_space<vmem>>, vector<16xf32>,
        tpu.vector_store %arg10[%swap3A_1312, %swap3A_1313, %swap3A_1314], %get3A_1311 {strides = array<i32>} : memref<4x128x128xf32, #tpu.memory_space<vmem>>, vector<16xf32>,
        %get3A_1316 = arith.constant 0 : i32
        %get3A_1317 = arith.index_cast %get3A_1316 : i32 to index
        %get3A_1318 = arith.index_cast %add3A_1252 : i32 to index
        %get3A_1319 = arith.constant 112 : index
        %get3A_1320 = tpu.vector_load %arg11[%get3A_1317, %get3A_1318, %get3A_1319] {strides = array<i32>} : memref<1x128x128xf32, #tpu.memory_space<vmem>>, vector<16xf32>,
        %swap3A_1321 = arith.index_cast %rem3A_362 : i32 to index
        %swap3A_1322 = arith.index_cast %add3A_1252 : i32 to index
        %swap3A_1323 = arith.constant 112 : index
        %swap3A_1324 = tpu.vector_load %arg10[%swap3A_1321, %swap3A_1322, %swap3A_1323] {strides = array<i32>} : memref<4x128x128xf32, #tpu.memory_space<vmem>>, vector<16xf32>,
        tpu.vector_store %arg10[%swap3A_1321, %swap3A_1322, %swap3A_1323], %get3A_1320 {strides = array<i32>} : memref<4x128x128xf32, #tpu.memory_space<vmem>>, vector<16xf32>,
        %slice3A_1325 = vector.extract_strided_slice %get3A_427 {offsets = [11], sizes = [1], strides = [1]} : vector<16xi32> to vector<1xi32>
        %squeeze3A_1326 = vector.extract %slice3A_1325[0] : i32 from vector<1xi32>
        %shift_right_logical3A_1327 = arith.constant 1 : i32
        %shift_right_logical3A_1328 = arith.shrui %squeeze3A_1326, %shift_right_logical3A_1327 : i32
        %and3A_1329 = arith.constant 1 : i32
        %and3A_1330 = arith.andi %squeeze3A_1326, %and3A_1329 : i32
        %mul3A_1331 = arith.constant 64 : i32
        %mul3A_1332 = arith.muli %and3A_1330, %mul3A_1331 : i32
        %add3A_1333 = arith.constant 11 : i32
        %add3A_1334 = arith.addi %mul3A_425, %add3A_1333 : i32
        %add3A_1335 = arith.constant 0 : i32
        %add3A_1336 = arith.addi %mul3A_1332, %add3A_1335 : i32
        %get3A_1337 = arith.index_cast %shift_right_logical3A_1328 : i32 to index
        %get3A_1338 = arith.index_cast %add3A_1336 : i32 to index
        %get3A_1339 = tpu.vector_load %arg12[%get3A_1337, %get3A_1338] {strides = array<i32>} : memref<176x128xf32, #tpu.memory_space<vmem>>, vector<16xf32>,
        %swap3A_1340 = arith.index_cast %rem3A_362 : i32 to index
        %swap3A_1341 = arith.index_cast %add3A_1334 : i32 to index
        %swap3A_1342 = arith.constant 0 : index
        %swap3A_1343 = tpu.vector_load %arg10[%swap3A_1340, %swap3A_1341, %swap3A_1342] {strides = array<i32>} : memref<4x128x128xf32, #tpu.memory_space<vmem>>, vector<16xf32>,
        tpu.vector_store %arg10[%swap3A_1340, %swap3A_1341, %swap3A_1342], %get3A_1339 {strides = array<i32>} : memref<4x128x128xf32, #tpu.memory_space<vmem>>, vector<16xf32>,
        %get3A_1344 = arith.constant 0 : i32
        %get3A_1345 = arith.index_cast %get3A_1344 : i32 to index
        %get3A_1346 = arith.index_cast %add3A_1334 : i32 to index
        %get3A_1347 = arith.constant 64 : index
        %get3A_1348 = tpu.vector_load %arg11[%get3A_1345, %get3A_1346, %get3A_1347] {strides = array<i32>} : memref<1x128x128xf32, #tpu.memory_space<vmem>>, vector<16xf32>,
        %swap3A_1349 = arith.index_cast %rem3A_362 : i32 to index
        %swap3A_1350 = arith.index_cast %add3A_1334 : i32 to index
        %swap3A_1351 = arith.constant 64 : index
        %swap3A_1352 = tpu.vector_load %arg10[%swap3A_1349, %swap3A_1350, %swap3A_1351] {strides = array<i32>} : memref<4x128x128xf32, #tpu.memory_space<vmem>>, vector<16xf32>,
        tpu.vector_store %arg10[%swap3A_1349, %swap3A_1350, %swap3A_1351], %get3A_1348 {strides = array<i32>} : memref<4x128x128xf32, #tpu.memory_space<vmem>>, vector<16xf32>,
        %add3A_1353 = arith.constant 16 : i32
        %add3A_1354 = arith.addi %mul3A_1332, %add3A_1353 : i32
        %get3A_1355 = arith.index_cast %shift_right_logical3A_1328 : i32 to index
        %get3A_1356 = arith.index_cast %add3A_1354 : i32 to index
        %get3A_1357 = tpu.vector_load %arg12[%get3A_1355, %get3A_1356] {strides = array<i32>} : memref<176x128xf32, #tpu.memory_space<vmem>>, vector<16xf32>,
        %swap3A_1358 = arith.index_cast %rem3A_362 : i32 to index
        %swap3A_1359 = arith.index_cast %add3A_1334 : i32 to index
        %swap3A_1360 = arith.constant 16 : index
        %swap3A_1361 = tpu.vector_load %arg10[%swap3A_1358, %swap3A_1359, %swap3A_1360] {strides = array<i32>} : memref<4x128x128xf32, #tpu.memory_space<vmem>>, vector<16xf32>,
        tpu.vector_store %arg10[%swap3A_1358, %swap3A_1359, %swap3A_1360], %get3A_1357 {strides = array<i32>} : memref<4x128x128xf32, #tpu.memory_space<vmem>>, vector<16xf32>,
        %get3A_1362 = arith.constant 0 : i32
        %get3A_1363 = arith.index_cast %get3A_1362 : i32 to index
        %get3A_1364 = arith.index_cast %add3A_1334 : i32 to index
        %get3A_1365 = arith.constant 80 : index
        %get3A_1366 = tpu.vector_load %arg11[%get3A_1363, %get3A_1364, %get3A_1365] {strides = array<i32>} : memref<1x128x128xf32, #tpu.memory_space<vmem>>, vector<16xf32>,
        %swap3A_1367 = arith.index_cast %rem3A_362 : i32 to index
        %swap3A_1368 = arith.index_cast %add3A_1334 : i32 to index
        %swap3A_1369 = arith.constant 80 : index
        %swap3A_1370 = tpu.vector_load %arg10[%swap3A_1367, %swap3A_1368, %swap3A_1369] {strides = array<i32>} : memref<4x128x128xf32, #tpu.memory_space<vmem>>, vector<16xf32>,
        tpu.vector_store %arg10[%swap3A_1367, %swap3A_1368, %swap3A_1369], %get3A_1366 {strides = array<i32>} : memref<4x128x128xf32, #tpu.memory_space<vmem>>, vector<16xf32>,
        %add3A_1371 = arith.constant 32 : i32
        %add3A_1372 = arith.addi %mul3A_1332, %add3A_1371 : i32
        %get3A_1373 = arith.index_cast %shift_right_logical3A_1328 : i32 to index
        %get3A_1374 = arith.index_cast %add3A_1372 : i32 to index
        %get3A_1375 = tpu.vector_load %arg12[%get3A_1373, %get3A_1374] {strides = array<i32>} : memref<176x128xf32, #tpu.memory_space<vmem>>, vector<16xf32>,
        %swap3A_1376 = arith.index_cast %rem3A_362 : i32 to index
        %swap3A_1377 = arith.index_cast %add3A_1334 : i32 to index
        %swap3A_1378 = arith.constant 32 : index
        %swap3A_1379 = tpu.vector_load %arg10[%swap3A_1376, %swap3A_1377, %swap3A_1378] {strides = array<i32>} : memref<4x128x128xf32, #tpu.memory_space<vmem>>, vector<16xf32>,
        tpu.vector_store %arg10[%swap3A_1376, %swap3A_1377, %swap3A_1378], %get3A_1375 {strides = array<i32>} : memref<4x128x128xf32, #tpu.memory_space<vmem>>, vector<16xf32>,
        %get3A_1380 = arith.constant 0 : i32
        %get3A_1381 = arith.index_cast %get3A_1380 : i32 to index
        %get3A_1382 = arith.index_cast %add3A_1334 : i32 to index
        %get3A_1383 = arith.constant 96 : index
        %get3A_1384 = tpu.vector_load %arg11[%get3A_1381, %get3A_1382, %get3A_1383] {strides = array<i32>} : memref<1x128x128xf32, #tpu.memory_space<vmem>>, vector<16xf32>,
        %swap3A_1385 = arith.index_cast %rem3A_362 : i32 to index
        %swap3A_1386 = arith.index_cast %add3A_1334 : i32 to index
        %swap3A_1387 = arith.constant 96 : index
        %swap3A_1388 = tpu.vector_load %arg10[%swap3A_1385, %swap3A_1386, %swap3A_1387] {strides = array<i32>} : memref<4x128x128xf32, #tpu.memory_space<vmem>>, vector<16xf32>,
        tpu.vector_store %arg10[%swap3A_1385, %swap3A_1386, %swap3A_1387], %get3A_1384 {strides = array<i32>} : memref<4x128x128xf32, #tpu.memory_space<vmem>>, vector<16xf32>,
        %add3A_1389 = arith.constant 48 : i32
        %add3A_1390 = arith.addi %mul3A_1332, %add3A_1389 : i32
        %get3A_1391 = arith.index_cast %shift_right_logical3A_1328 : i32 to index
        %get3A_1392 = arith.index_cast %add3A_1390 : i32 to index
        %get3A_1393 = tpu.vector_load %arg12[%get3A_1391, %get3A_1392] {strides = array<i32>} : memref<176x128xf32, #tpu.memory_space<vmem>>, vector<16xf32>,
        %swap3A_1394 = arith.index_cast %rem3A_362 : i32 to index
        %swap3A_1395 = arith.index_cast %add3A_1334 : i32 to index
        %swap3A_1396 = arith.constant 48 : index
        %swap3A_1397 = tpu.vector_load %arg10[%swap3A_1394, %swap3A_1395, %swap3A_1396] {strides = array<i32>} : memref<4x128x128xf32, #tpu.memory_space<vmem>>, vector<16xf32>,
        tpu.vector_store %arg10[%swap3A_1394, %swap3A_1395, %swap3A_1396], %get3A_1393 {strides = array<i32>} : memref<4x128x128xf32, #tpu.memory_space<vmem>>, vector<16xf32>,
        %get3A_1398 = arith.constant 0 : i32
        %get3A_1399 = arith.index_cast %get3A_1398 : i32 to index
        %get3A_1400 = arith.index_cast %add3A_1334 : i32 to index
        %get3A_1401 = arith.constant 112 : index
        %get3A_1402 = tpu.vector_load %arg11[%get3A_1399, %get3A_1400, %get3A_1401] {strides = array<i32>} : memref<1x128x128xf32, #tpu.memory_space<vmem>>, vector<16xf32>,
        %swap3A_1403 = arith.index_cast %rem3A_362 : i32 to index
        %swap3A_1404 = arith.index_cast %add3A_1334 : i32 to index
        %swap3A_1405 = arith.constant 112 : index
        %swap3A_1406 = tpu.vector_load %arg10[%swap3A_1403, %swap3A_1404, %swap3A_1405] {strides = array<i32>} : memref<4x128x128xf32, #tpu.memory_space<vmem>>, vector<16xf32>,
        tpu.vector_store %arg10[%swap3A_1403, %swap3A_1404, %swap3A_1405], %get3A_1402 {strides = array<i32>} : memref<4x128x128xf32, #tpu.memory_space<vmem>>, vector<16xf32>,
        %slice3A_1407 = vector.extract_strided_slice %get3A_427 {offsets = [12], sizes = [1], strides = [1]} : vector<16xi32> to vector<1xi32>
        %squeeze3A_1408 = vector.extract %slice3A_1407[0] : i32 from vector<1xi32>
        %shift_right_logical3A_1409 = arith.constant 1 : i32
        %shift_right_logical3A_1410 = arith.shrui %squeeze3A_1408, %shift_right_logical3A_1409 : i32
        %and3A_1411 = arith.constant 1 : i32
        %and3A_1412 = arith.andi %squeeze3A_1408, %and3A_1411 : i32
        %mul3A_1413 = arith.constant 64 : i32
        %mul3A_1414 = arith.muli %and3A_1412, %mul3A_1413 : i32
        %add3A_1415 = arith.constant 12 : i32
        %add3A_1416 = arith.addi %mul3A_425, %add3A_1415 : i32
        %add3A_1417 = arith.constant 0 : i32
        %add3A_1418 = arith.addi %mul3A_1414, %add3A_1417 : i32
        %get3A_1419 = arith.index_cast %shift_right_logical3A_1410 : i32 to index
        %get3A_1420 = arith.index_cast %add3A_1418 : i32 to index
        %get3A_1421 = tpu.vector_load %arg12[%get3A_1419, %get3A_1420] {strides = array<i32>} : memref<176x128xf32, #tpu.memory_space<vmem>>, vector<16xf32>,
        %swap3A_1422 = arith.index_cast %rem3A_362 : i32 to index
        %swap3A_1423 = arith.index_cast %add3A_1416 : i32 to index
        %swap3A_1424 = arith.constant 0 : index
        %swap3A_1425 = tpu.vector_load %arg10[%swap3A_1422, %swap3A_1423, %swap3A_1424] {strides = array<i32>} : memref<4x128x128xf32, #tpu.memory_space<vmem>>, vector<16xf32>,
        tpu.vector_store %arg10[%swap3A_1422, %swap3A_1423, %swap3A_1424], %get3A_1421 {strides = array<i32>} : memref<4x128x128xf32, #tpu.memory_space<vmem>>, vector<16xf32>,
        %get3A_1426 = arith.constant 0 : i32
        %get3A_1427 = arith.index_cast %get3A_1426 : i32 to index
        %get3A_1428 = arith.index_cast %add3A_1416 : i32 to index
        %get3A_1429 = arith.constant 64 : index
        %get3A_1430 = tpu.vector_load %arg11[%get3A_1427, %get3A_1428, %get3A_1429] {strides = array<i32>} : memref<1x128x128xf32, #tpu.memory_space<vmem>>, vector<16xf32>,
        %swap3A_1431 = arith.index_cast %rem3A_362 : i32 to index
        %swap3A_1432 = arith.index_cast %add3A_1416 : i32 to index
        %swap3A_1433 = arith.constant 64 : index
        %swap3A_1434 = tpu.vector_load %arg10[%swap3A_1431, %swap3A_1432, %swap3A_1433] {strides = array<i32>} : memref<4x128x128xf32, #tpu.memory_space<vmem>>, vector<16xf32>,
        tpu.vector_store %arg10[%swap3A_1431, %swap3A_1432, %swap3A_1433], %get3A_1430 {strides = array<i32>} : memref<4x128x128xf32, #tpu.memory_space<vmem>>, vector<16xf32>,
        %add3A_1435 = arith.constant 16 : i32
        %add3A_1436 = arith.addi %mul3A_1414, %add3A_1435 : i32
        %get3A_1437 = arith.index_cast %shift_right_logical3A_1410 : i32 to index
        %get3A_1438 = arith.index_cast %add3A_1436 : i32 to index
        %get3A_1439 = tpu.vector_load %arg12[%get3A_1437, %get3A_1438] {strides = array<i32>} : memref<176x128xf32, #tpu.memory_space<vmem>>, vector<16xf32>,
        %swap3A_1440 = arith.index_cast %rem3A_362 : i32 to index
        %swap3A_1441 = arith.index_cast %add3A_1416 : i32 to index
        %swap3A_1442 = arith.constant 16 : index
        %swap3A_1443 = tpu.vector_load %arg10[%swap3A_1440, %swap3A_1441, %swap3A_1442] {strides = array<i32>} : memref<4x128x128xf32, #tpu.memory_space<vmem>>, vector<16xf32>,
        tpu.vector_store %arg10[%swap3A_1440, %swap3A_1441, %swap3A_1442], %get3A_1439 {strides = array<i32>} : memref<4x128x128xf32, #tpu.memory_space<vmem>>, vector<16xf32>,
        %get3A_1444 = arith.constant 0 : i32
        %get3A_1445 = arith.index_cast %get3A_1444 : i32 to index
        %get3A_1446 = arith.index_cast %add3A_1416 : i32 to index
        %get3A_1447 = arith.constant 80 : index
        %get3A_1448 = tpu.vector_load %arg11[%get3A_1445, %get3A_1446, %get3A_1447] {strides = array<i32>} : memref<1x128x128xf32, #tpu.memory_space<vmem>>, vector<16xf32>,
        %swap3A_1449 = arith.index_cast %rem3A_362 : i32 to index
        %swap3A_1450 = arith.index_cast %add3A_1416 : i32 to index
        %swap3A_1451 = arith.constant 80 : index
        %swap3A_1452 = tpu.vector_load %arg10[%swap3A_1449, %swap3A_1450, %swap3A_1451] {strides = array<i32>} : memref<4x128x128xf32, #tpu.memory_space<vmem>>, vector<16xf32>,
        tpu.vector_store %arg10[%swap3A_1449, %swap3A_1450, %swap3A_1451], %get3A_1448 {strides = array<i32>} : memref<4x128x128xf32, #tpu.memory_space<vmem>>, vector<16xf32>,
        %add3A_1453 = arith.constant 32 : i32
        %add3A_1454 = arith.addi %mul3A_1414, %add3A_1453 : i32
        %get3A_1455 = arith.index_cast %shift_right_logical3A_1410 : i32 to index
        %get3A_1456 = arith.index_cast %add3A_1454 : i32 to index
        %get3A_1457 = tpu.vector_load %arg12[%get3A_1455, %get3A_1456] {strides = array<i32>} : memref<176x128xf32, #tpu.memory_space<vmem>>, vector<16xf32>,
        %swap3A_1458 = arith.index_cast %rem3A_362 : i32 to index
        %swap3A_1459 = arith.index_cast %add3A_1416 : i32 to index
        %swap3A_1460 = arith.constant 32 : index
        %swap3A_1461 = tpu.vector_load %arg10[%swap3A_1458, %swap3A_1459, %swap3A_1460] {strides = array<i32>} : memref<4x128x128xf32, #tpu.memory_space<vmem>>, vector<16xf32>,
        tpu.vector_store %arg10[%swap3A_1458, %swap3A_1459, %swap3A_1460], %get3A_1457 {strides = array<i32>} : memref<4x128x128xf32, #tpu.memory_space<vmem>>, vector<16xf32>,
        %get3A_1462 = arith.constant 0 : i32
        %get3A_1463 = arith.index_cast %get3A_1462 : i32 to index
        %get3A_1464 = arith.index_cast %add3A_1416 : i32 to index
        %get3A_1465 = arith.constant 96 : index
        %get3A_1466 = tpu.vector_load %arg11[%get3A_1463, %get3A_1464, %get3A_1465] {strides = array<i32>} : memref<1x128x128xf32, #tpu.memory_space<vmem>>, vector<16xf32>,
        %swap3A_1467 = arith.index_cast %rem3A_362 : i32 to index
        %swap3A_1468 = arith.index_cast %add3A_1416 : i32 to index
        %swap3A_1469 = arith.constant 96 : index
        %swap3A_1470 = tpu.vector_load %arg10[%swap3A_1467, %swap3A_1468, %swap3A_1469] {strides = array<i32>} : memref<4x128x128xf32, #tpu.memory_space<vmem>>, vector<16xf32>,
        tpu.vector_store %arg10[%swap3A_1467, %swap3A_1468, %swap3A_1469], %get3A_1466 {strides = array<i32>} : memref<4x128x128xf32, #tpu.memory_space<vmem>>, vector<16xf32>,
        %add3A_1471 = arith.constant 48 : i32
        %add3A_1472 = arith.addi %mul3A_1414, %add3A_1471 : i32
        %get3A_1473 = arith.index_cast %shift_right_logical3A_1410 : i32 to index
        %get3A_1474 = arith.index_cast %add3A_1472 : i32 to index
        %get3A_1475 = tpu.vector_load %arg12[%get3A_1473, %get3A_1474] {strides = array<i32>} : memref<176x128xf32, #tpu.memory_space<vmem>>, vector<16xf32>,
        %swap3A_1476 = arith.index_cast %rem3A_362 : i32 to index
        %swap3A_1477 = arith.index_cast %add3A_1416 : i32 to index
        %swap3A_1478 = arith.constant 48 : index
        %swap3A_1479 = tpu.vector_load %arg10[%swap3A_1476, %swap3A_1477, %swap3A_1478] {strides = array<i32>} : memref<4x128x128xf32, #tpu.memory_space<vmem>>, vector<16xf32>,
        tpu.vector_store %arg10[%swap3A_1476, %swap3A_1477, %swap3A_1478], %get3A_1475 {strides = array<i32>} : memref<4x128x128xf32, #tpu.memory_space<vmem>>, vector<16xf32>,
        %get3A_1480 = arith.constant 0 : i32
        %get3A_1481 = arith.index_cast %get3A_1480 : i32 to index
        %get3A_1482 = arith.index_cast %add3A_1416 : i32 to index
        %get3A_1483 = arith.constant 112 : index
        %get3A_1484 = tpu.vector_load %arg11[%get3A_1481, %get3A_1482, %get3A_1483] {strides = array<i32>} : memref<1x128x128xf32, #tpu.memory_space<vmem>>, vector<16xf32>,
        %swap3A_1485 = arith.index_cast %rem3A_362 : i32 to index
        %swap3A_1486 = arith.index_cast %add3A_1416 : i32 to index
        %swap3A_1487 = arith.constant 112 : index
        %swap3A_1488 = tpu.vector_load %arg10[%swap3A_1485, %swap3A_1486, %swap3A_1487] {strides = array<i32>} : memref<4x128x128xf32, #tpu.memory_space<vmem>>, vector<16xf32>,
        tpu.vector_store %arg10[%swap3A_1485, %swap3A_1486, %swap3A_1487], %get3A_1484 {strides = array<i32>} : memref<4x128x128xf32, #tpu.memory_space<vmem>>, vector<16xf32>,
        %slice3A_1489 = vector.extract_strided_slice %get3A_427 {offsets = [13], sizes = [1], strides = [1]} : vector<16xi32> to vector<1xi32>
        %squeeze3A_1490 = vector.extract %slice3A_1489[0] : i32 from vector<1xi32>
        %shift_right_logical3A_1491 = arith.constant 1 : i32
        %shift_right_logical3A_1492 = arith.shrui %squeeze3A_1490, %shift_right_logical3A_1491 : i32
        %and3A_1493 = arith.constant 1 : i32
        %and3A_1494 = arith.andi %squeeze3A_1490, %and3A_1493 : i32
        %mul3A_1495 = arith.constant 64 : i32
        %mul3A_1496 = arith.muli %and3A_1494, %mul3A_1495 : i32
        %add3A_1497 = arith.constant 13 : i32
        %add3A_1498 = arith.addi %mul3A_425, %add3A_1497 : i32
        %add3A_1499 = arith.constant 0 : i32
        %add3A_1500 = arith.addi %mul3A_1496, %add3A_1499 : i32
        %get3A_1501 = arith.index_cast %shift_right_logical3A_1492 : i32 to index
        %get3A_1502 = arith.index_cast %add3A_1500 : i32 to index
        %get3A_1503 = tpu.vector_load %arg12[%get3A_1501, %get3A_1502] {strides = array<i32>} : memref<176x128xf32, #tpu.memory_space<vmem>>, vector<16xf32>,
        %swap3A_1504 = arith.index_cast %rem3A_362 : i32 to index
        %swap3A_1505 = arith.index_cast %add3A_1498 : i32 to index
        %swap3A_1506 = arith.constant 0 : index
        %swap3A_1507 = tpu.vector_load %arg10[%swap3A_1504, %swap3A_1505, %swap3A_1506] {strides = array<i32>} : memref<4x128x128xf32, #tpu.memory_space<vmem>>, vector<16xf32>,
        tpu.vector_store %arg10[%swap3A_1504, %swap3A_1505, %swap3A_1506], %get3A_1503 {strides = array<i32>} : memref<4x128x128xf32, #tpu.memory_space<vmem>>, vector<16xf32>,
        %get3A_1508 = arith.constant 0 : i32
        %get3A_1509 = arith.index_cast %get3A_1508 : i32 to index
        %get3A_1510 = arith.index_cast %add3A_1498 : i32 to index
        %get3A_1511 = arith.constant 64 : index
        %get3A_1512 = tpu.vector_load %arg11[%get3A_1509, %get3A_1510, %get3A_1511] {strides = array<i32>} : memref<1x128x128xf32, #tpu.memory_space<vmem>>, vector<16xf32>,
        %swap3A_1513 = arith.index_cast %rem3A_362 : i32 to index
        %swap3A_1514 = arith.index_cast %add3A_1498 : i32 to index
        %swap3A_1515 = arith.constant 64 : index
        %swap3A_1516 = tpu.vector_load %arg10[%swap3A_1513, %swap3A_1514, %swap3A_1515] {strides = array<i32>} : memref<4x128x128xf32, #tpu.memory_space<vmem>>, vector<16xf32>,
        tpu.vector_store %arg10[%swap3A_1513, %swap3A_1514, %swap3A_1515], %get3A_1512 {strides = array<i32>} : memref<4x128x128xf32, #tpu.memory_space<vmem>>, vector<16xf32>,
        %add3A_1517 = arith.constant 16 : i32
        %add3A_1518 = arith.addi %mul3A_1496, %add3A_1517 : i32
        %get3A_1519 = arith.index_cast %shift_right_logical3A_1492 : i32 to index
        %get3A_1520 = arith.index_cast %add3A_1518 : i32 to index
        %get3A_1521 = tpu.vector_load %arg12[%get3A_1519, %get3A_1520] {strides = array<i32>} : memref<176x128xf32, #tpu.memory_space<vmem>>, vector<16xf32>,
        %swap3A_1522 = arith.index_cast %rem3A_362 : i32 to index
        %swap3A_1523 = arith.index_cast %add3A_1498 : i32 to index
        %swap3A_1524 = arith.constant 16 : index
        %swap3A_1525 = tpu.vector_load %arg10[%swap3A_1522, %swap3A_1523, %swap3A_1524] {strides = array<i32>} : memref<4x128x128xf32, #tpu.memory_space<vmem>>, vector<16xf32>,
        tpu.vector_store %arg10[%swap3A_1522, %swap3A_1523, %swap3A_1524], %get3A_1521 {strides = array<i32>} : memref<4x128x128xf32, #tpu.memory_space<vmem>>, vector<16xf32>,
        %get3A_1526 = arith.constant 0 : i32
        %get3A_1527 = arith.index_cast %get3A_1526 : i32 to index
        %get3A_1528 = arith.index_cast %add3A_1498 : i32 to index
        %get3A_1529 = arith.constant 80 : index
        %get3A_1530 = tpu.vector_load %arg11[%get3A_1527, %get3A_1528, %get3A_1529] {strides = array<i32>} : memref<1x128x128xf32, #tpu.memory_space<vmem>>, vector<16xf32>,
        %swap3A_1531 = arith.index_cast %rem3A_362 : i32 to index
        %swap3A_1532 = arith.index_cast %add3A_1498 : i32 to index
        %swap3A_1533 = arith.constant 80 : index
        %swap3A_1534 = tpu.vector_load %arg10[%swap3A_1531, %swap3A_1532, %swap3A_1533] {strides = array<i32>} : memref<4x128x128xf32, #tpu.memory_space<vmem>>, vector<16xf32>,
        tpu.vector_store %arg10[%swap3A_1531, %swap3A_1532, %swap3A_1533], %get3A_1530 {strides = array<i32>} : memref<4x128x128xf32, #tpu.memory_space<vmem>>, vector<16xf32>,
        %add3A_1535 = arith.constant 32 : i32
        %add3A_1536 = arith.addi %mul3A_1496, %add3A_1535 : i32
        %get3A_1537 = arith.index_cast %shift_right_logical3A_1492 : i32 to index
        %get3A_1538 = arith.index_cast %add3A_1536 : i32 to index
        %get3A_1539 = tpu.vector_load %arg12[%get3A_1537, %get3A_1538] {strides = array<i32>} : memref<176x128xf32, #tpu.memory_space<vmem>>, vector<16xf32>,
        %swap3A_1540 = arith.index_cast %rem3A_362 : i32 to index
        %swap3A_1541 = arith.index_cast %add3A_1498 : i32 to index
        %swap3A_1542 = arith.constant 32 : index
        %swap3A_1543 = tpu.vector_load %arg10[%swap3A_1540, %swap3A_1541, %swap3A_1542] {strides = array<i32>} : memref<4x128x128xf32, #tpu.memory_space<vmem>>, vector<16xf32>,
        tpu.vector_store %arg10[%swap3A_1540, %swap3A_1541, %swap3A_1542], %get3A_1539 {strides = array<i32>} : memref<4x128x128xf32, #tpu.memory_space<vmem>>, vector<16xf32>,
        %get3A_1544 = arith.constant 0 : i32
        %get3A_1545 = arith.index_cast %get3A_1544 : i32 to index
        %get3A_1546 = arith.index_cast %add3A_1498 : i32 to index
        %get3A_1547 = arith.constant 96 : index
        %get3A_1548 = tpu.vector_load %arg11[%get3A_1545, %get3A_1546, %get3A_1547] {strides = array<i32>} : memref<1x128x128xf32, #tpu.memory_space<vmem>>, vector<16xf32>,
        %swap3A_1549 = arith.index_cast %rem3A_362 : i32 to index
        %swap3A_1550 = arith.index_cast %add3A_1498 : i32 to index
        %swap3A_1551 = arith.constant 96 : index
        %swap3A_1552 = tpu.vector_load %arg10[%swap3A_1549, %swap3A_1550, %swap3A_1551] {strides = array<i32>} : memref<4x128x128xf32, #tpu.memory_space<vmem>>, vector<16xf32>,
        tpu.vector_store %arg10[%swap3A_1549, %swap3A_1550, %swap3A_1551], %get3A_1548 {strides = array<i32>} : memref<4x128x128xf32, #tpu.memory_space<vmem>>, vector<16xf32>,
        %add3A_1553 = arith.constant 48 : i32
        %add3A_1554 = arith.addi %mul3A_1496, %add3A_1553 : i32
        %get3A_1555 = arith.index_cast %shift_right_logical3A_1492 : i32 to index
        %get3A_1556 = arith.index_cast %add3A_1554 : i32 to index
        %get3A_1557 = tpu.vector_load %arg12[%get3A_1555, %get3A_1556] {strides = array<i32>} : memref<176x128xf32, #tpu.memory_space<vmem>>, vector<16xf32>,
        %swap3A_1558 = arith.index_cast %rem3A_362 : i32 to index
        %swap3A_1559 = arith.index_cast %add3A_1498 : i32 to index
        %swap3A_1560 = arith.constant 48 : index
        %swap3A_1561 = tpu.vector_load %arg10[%swap3A_1558, %swap3A_1559, %swap3A_1560] {strides = array<i32>} : memref<4x128x128xf32, #tpu.memory_space<vmem>>, vector<16xf32>,
        tpu.vector_store %arg10[%swap3A_1558, %swap3A_1559, %swap3A_1560], %get3A_1557 {strides = array<i32>} : memref<4x128x128xf32, #tpu.memory_space<vmem>>, vector<16xf32>,
        %get3A_1562 = arith.constant 0 : i32
        %get3A_1563 = arith.index_cast %get3A_1562 : i32 to index
        %get3A_1564 = arith.index_cast %add3A_1498 : i32 to index
        %get3A_1565 = arith.constant 112 : index
        %get3A_1566 = tpu.vector_load %arg11[%get3A_1563, %get3A_1564, %get3A_1565] {strides = array<i32>} : memref<1x128x128xf32, #tpu.memory_space<vmem>>, vector<16xf32>,
        %swap3A_1567 = arith.index_cast %rem3A_362 : i32 to index
        %swap3A_1568 = arith.index_cast %add3A_1498 : i32 to index
        %swap3A_1569 = arith.constant 112 : index
        %swap3A_1570 = tpu.vector_load %arg10[%swap3A_1567, %swap3A_1568, %swap3A_1569] {strides = array<i32>} : memref<4x128x128xf32, #tpu.memory_space<vmem>>, vector<16xf32>,
        tpu.vector_store %arg10[%swap3A_1567, %swap3A_1568, %swap3A_1569], %get3A_1566 {strides = array<i32>} : memref<4x128x128xf32, #tpu.memory_space<vmem>>, vector<16xf32>,
        %slice3A_1571 = vector.extract_strided_slice %get3A_427 {offsets = [14], sizes = [1], strides = [1]} : vector<16xi32> to vector<1xi32>
        %squeeze3A_1572 = vector.extract %slice3A_1571[0] : i32 from vector<1xi32>
        %shift_right_logical3A_1573 = arith.constant 1 : i32
        %shift_right_logical3A_1574 = arith.shrui %squeeze3A_1572, %shift_right_logical3A_1573 : i32
        %and3A_1575 = arith.constant 1 : i32
        %and3A_1576 = arith.andi %squeeze3A_1572, %and3A_1575 : i32
        %mul3A_1577 = arith.constant 64 : i32
        %mul3A_1578 = arith.muli %and3A_1576, %mul3A_1577 : i32
        %add3A_1579 = arith.constant 14 : i32
        %add3A_1580 = arith.addi %mul3A_425, %add3A_1579 : i32
        %add3A_1581 = arith.constant 0 : i32
        %add3A_1582 = arith.addi %mul3A_1578, %add3A_1581 : i32
        %get3A_1583 = arith.index_cast %shift_right_logical3A_1574 : i32 to index
        %get3A_1584 = arith.index_cast %add3A_1582 : i32 to index
        %get3A_1585 = tpu.vector_load %arg12[%get3A_1583, %get3A_1584] {strides = array<i32>} : memref<176x128xf32, #tpu.memory_space<vmem>>, vector<16xf32>,
        %swap3A_1586 = arith.index_cast %rem3A_362 : i32 to index
        %swap3A_1587 = arith.index_cast %add3A_1580 : i32 to index
        %swap3A_1588 = arith.constant 0 : index
        %swap3A_1589 = tpu.vector_load %arg10[%swap3A_1586, %swap3A_1587, %swap3A_1588] {strides = array<i32>} : memref<4x128x128xf32, #tpu.memory_space<vmem>>, vector<16xf32>,
        tpu.vector_store %arg10[%swap3A_1586, %swap3A_1587, %swap3A_1588], %get3A_1585 {strides = array<i32>} : memref<4x128x128xf32, #tpu.memory_space<vmem>>, vector<16xf32>,
        %get3A_1590 = arith.constant 0 : i32
        %get3A_1591 = arith.index_cast %get3A_1590 : i32 to index
        %get3A_1592 = arith.index_cast %add3A_1580 : i32 to index
        %get3A_1593 = arith.constant 64 : index
        %get3A_1594 = tpu.vector_load %arg11[%get3A_1591, %get3A_1592, %get3A_1593] {strides = array<i32>} : memref<1x128x128xf32, #tpu.memory_space<vmem>>, vector<16xf32>,
        %swap3A_1595 = arith.index_cast %rem3A_362 : i32 to index
        %swap3A_1596 = arith.index_cast %add3A_1580 : i32 to index
        %swap3A_1597 = arith.constant 64 : index
        %swap3A_1598 = tpu.vector_load %arg10[%swap3A_1595, %swap3A_1596, %swap3A_1597] {strides = array<i32>} : memref<4x128x128xf32, #tpu.memory_space<vmem>>, vector<16xf32>,
        tpu.vector_store %arg10[%swap3A_1595, %swap3A_1596, %swap3A_1597], %get3A_1594 {strides = array<i32>} : memref<4x128x128xf32, #tpu.memory_space<vmem>>, vector<16xf32>,
        %add3A_1599 = arith.constant 16 : i32
        %add3A_1600 = arith.addi %mul3A_1578, %add3A_1599 : i32
        %get3A_1601 = arith.index_cast %shift_right_logical3A_1574 : i32 to index
        %get3A_1602 = arith.index_cast %add3A_1600 : i32 to index
        %get3A_1603 = tpu.vector_load %arg12[%get3A_1601, %get3A_1602] {strides = array<i32>} : memref<176x128xf32, #tpu.memory_space<vmem>>, vector<16xf32>,
        %swap3A_1604 = arith.index_cast %rem3A_362 : i32 to index
        %swap3A_1605 = arith.index_cast %add3A_1580 : i32 to index
        %swap3A_1606 = arith.constant 16 : index
        %swap3A_1607 = tpu.vector_load %arg10[%swap3A_1604, %swap3A_1605, %swap3A_1606] {strides = array<i32>} : memref<4x128x128xf32, #tpu.memory_space<vmem>>, vector<16xf32>,
        tpu.vector_store %arg10[%swap3A_1604, %swap3A_1605, %swap3A_1606], %get3A_1603 {strides = array<i32>} : memref<4x128x128xf32, #tpu.memory_space<vmem>>, vector<16xf32>,
        %get3A_1608 = arith.constant 0 : i32
        %get3A_1609 = arith.index_cast %get3A_1608 : i32 to index
        %get3A_1610 = arith.index_cast %add3A_1580 : i32 to index
        %get3A_1611 = arith.constant 80 : index
        %get3A_1612 = tpu.vector_load %arg11[%get3A_1609, %get3A_1610, %get3A_1611] {strides = array<i32>} : memref<1x128x128xf32, #tpu.memory_space<vmem>>, vector<16xf32>,
        %swap3A_1613 = arith.index_cast %rem3A_362 : i32 to index
        %swap3A_1614 = arith.index_cast %add3A_1580 : i32 to index
        %swap3A_1615 = arith.constant 80 : index
        %swap3A_1616 = tpu.vector_load %arg10[%swap3A_1613, %swap3A_1614, %swap3A_1615] {strides = array<i32>} : memref<4x128x128xf32, #tpu.memory_space<vmem>>, vector<16xf32>,
        tpu.vector_store %arg10[%swap3A_1613, %swap3A_1614, %swap3A_1615], %get3A_1612 {strides = array<i32>} : memref<4x128x128xf32, #tpu.memory_space<vmem>>, vector<16xf32>,
        %add3A_1617 = arith.constant 32 : i32
        %add3A_1618 = arith.addi %mul3A_1578, %add3A_1617 : i32
        %get3A_1619 = arith.index_cast %shift_right_logical3A_1574 : i32 to index
        %get3A_1620 = arith.index_cast %add3A_1618 : i32 to index
        %get3A_1621 = tpu.vector_load %arg12[%get3A_1619, %get3A_1620] {strides = array<i32>} : memref<176x128xf32, #tpu.memory_space<vmem>>, vector<16xf32>,
        %swap3A_1622 = arith.index_cast %rem3A_362 : i32 to index
        %swap3A_1623 = arith.index_cast %add3A_1580 : i32 to index
        %swap3A_1624 = arith.constant 32 : index
        %swap3A_1625 = tpu.vector_load %arg10[%swap3A_1622, %swap3A_1623, %swap3A_1624] {strides = array<i32>} : memref<4x128x128xf32, #tpu.memory_space<vmem>>, vector<16xf32>,
        tpu.vector_store %arg10[%swap3A_1622, %swap3A_1623, %swap3A_1624], %get3A_1621 {strides = array<i32>} : memref<4x128x128xf32, #tpu.memory_space<vmem>>, vector<16xf32>,
        %get3A_1626 = arith.constant 0 : i32
        %get3A_1627 = arith.index_cast %get3A_1626 : i32 to index
        %get3A_1628 = arith.index_cast %add3A_1580 : i32 to index
        %get3A_1629 = arith.constant 96 : index
        %get3A_1630 = tpu.vector_load %arg11[%get3A_1627, %get3A_1628, %get3A_1629] {strides = array<i32>} : memref<1x128x128xf32, #tpu.memory_space<vmem>>, vector<16xf32>,
        %swap3A_1631 = arith.index_cast %rem3A_362 : i32 to index
        %swap3A_1632 = arith.index_cast %add3A_1580 : i32 to index
        %swap3A_1633 = arith.constant 96 : index
        %swap3A_1634 = tpu.vector_load %arg10[%swap3A_1631, %swap3A_1632, %swap3A_1633] {strides = array<i32>} : memref<4x128x128xf32, #tpu.memory_space<vmem>>, vector<16xf32>,
        tpu.vector_store %arg10[%swap3A_1631, %swap3A_1632, %swap3A_1633], %get3A_1630 {strides = array<i32>} : memref<4x128x128xf32, #tpu.memory_space<vmem>>, vector<16xf32>,
        %add3A_1635 = arith.constant 48 : i32
        %add3A_1636 = arith.addi %mul3A_1578, %add3A_1635 : i32
        %get3A_1637 = arith.index_cast %shift_right_logical3A_1574 : i32 to index
        %get3A_1638 = arith.index_cast %add3A_1636 : i32 to index
        %get3A_1639 = tpu.vector_load %arg12[%get3A_1637, %get3A_1638] {strides = array<i32>} : memref<176x128xf32, #tpu.memory_space<vmem>>, vector<16xf32>,
        %swap3A_1640 = arith.index_cast %rem3A_362 : i32 to index
        %swap3A_1641 = arith.index_cast %add3A_1580 : i32 to index
        %swap3A_1642 = arith.constant 48 : index
        %swap3A_1643 = tpu.vector_load %arg10[%swap3A_1640, %swap3A_1641, %swap3A_1642] {strides = array<i32>} : memref<4x128x128xf32, #tpu.memory_space<vmem>>, vector<16xf32>,
        tpu.vector_store %arg10[%swap3A_1640, %swap3A_1641, %swap3A_1642], %get3A_1639 {strides = array<i32>} : memref<4x128x128xf32, #tpu.memory_space<vmem>>, vector<16xf32>,
        %get3A_1644 = arith.constant 0 : i32
        %get3A_1645 = arith.index_cast %get3A_1644 : i32 to index
        %get3A_1646 = arith.index_cast %add3A_1580 : i32 to index
        %get3A_1647 = arith.constant 112 : index
        %get3A_1648 = tpu.vector_load %arg11[%get3A_1645, %get3A_1646, %get3A_1647] {strides = array<i32>} : memref<1x128x128xf32, #tpu.memory_space<vmem>>, vector<16xf32>,
        %swap3A_1649 = arith.index_cast %rem3A_362 : i32 to index
        %swap3A_1650 = arith.index_cast %add3A_1580 : i32 to index
        %swap3A_1651 = arith.constant 112 : index
        %swap3A_1652 = tpu.vector_load %arg10[%swap3A_1649, %swap3A_1650, %swap3A_1651] {strides = array<i32>} : memref<4x128x128xf32, #tpu.memory_space<vmem>>, vector<16xf32>,
        tpu.vector_store %arg10[%swap3A_1649, %swap3A_1650, %swap3A_1651], %get3A_1648 {strides = array<i32>} : memref<4x128x128xf32, #tpu.memory_space<vmem>>, vector<16xf32>,
        %slice3A_1653 = vector.extract_strided_slice %get3A_427 {offsets = [15], sizes = [1], strides = [1]} : vector<16xi32> to vector<1xi32>
        %squeeze3A_1654 = vector.extract %slice3A_1653[0] : i32 from vector<1xi32>
        %shift_right_logical3A_1655 = arith.constant 1 : i32
        %shift_right_logical3A_1656 = arith.shrui %squeeze3A_1654, %shift_right_logical3A_1655 : i32
        %and3A_1657 = arith.constant 1 : i32
        %and3A_1658 = arith.andi %squeeze3A_1654, %and3A_1657 : i32
        %mul3A_1659 = arith.constant 64 : i32
        %mul3A_1660 = arith.muli %and3A_1658, %mul3A_1659 : i32
        %add3A_1661 = arith.constant 15 : i32
        %add3A_1662 = arith.addi %mul3A_425, %add3A_1661 : i32
        %add3A_1663 = arith.constant 0 : i32
        %add3A_1664 = arith.addi %mul3A_1660, %add3A_1663 : i32
        %get3A_1665 = arith.index_cast %shift_right_logical3A_1656 : i32 to index
        %get3A_1666 = arith.index_cast %add3A_1664 : i32 to index
        %get3A_1667 = tpu.vector_load %arg12[%get3A_1665, %get3A_1666] {strides = array<i32>} : memref<176x128xf32, #tpu.memory_space<vmem>>, vector<16xf32>,
        %swap3A_1668 = arith.index_cast %rem3A_362 : i32 to index
        %swap3A_1669 = arith.index_cast %add3A_1662 : i32 to index
        %swap3A_1670 = arith.constant 0 : index
        %swap3A_1671 = tpu.vector_load %arg10[%swap3A_1668, %swap3A_1669, %swap3A_1670] {strides = array<i32>} : memref<4x128x128xf32, #tpu.memory_space<vmem>>, vector<16xf32>,
        tpu.vector_store %arg10[%swap3A_1668, %swap3A_1669, %swap3A_1670], %get3A_1667 {strides = array<i32>} : memref<4x128x128xf32, #tpu.memory_space<vmem>>, vector<16xf32>,
        %get3A_1672 = arith.constant 0 : i32
        %get3A_1673 = arith.index_cast %get3A_1672 : i32 to index
        %get3A_1674 = arith.index_cast %add3A_1662 : i32 to index
        %get3A_1675 = arith.constant 64 : index
        %get3A_1676 = tpu.vector_load %arg11[%get3A_1673, %get3A_1674, %get3A_1675] {strides = array<i32>} : memref<1x128x128xf32, #tpu.memory_space<vmem>>, vector<16xf32>,
        %swap3A_1677 = arith.index_cast %rem3A_362 : i32 to index
        %swap3A_1678 = arith.index_cast %add3A_1662 : i32 to index
        %swap3A_1679 = arith.constant 64 : index
        %swap3A_1680 = tpu.vector_load %arg10[%swap3A_1677, %swap3A_1678, %swap3A_1679] {strides = array<i32>} : memref<4x128x128xf32, #tpu.memory_space<vmem>>, vector<16xf32>,
        tpu.vector_store %arg10[%swap3A_1677, %swap3A_1678, %swap3A_1679], %get3A_1676 {strides = array<i32>} : memref<4x128x128xf32, #tpu.memory_space<vmem>>, vector<16xf32>,
        %add3A_1681 = arith.constant 16 : i32
        %add3A_1682 = arith.addi %mul3A_1660, %add3A_1681 : i32
        %get3A_1683 = arith.index_cast %shift_right_logical3A_1656 : i32 to index
        %get3A_1684 = arith.index_cast %add3A_1682 : i32 to index
        %get3A_1685 = tpu.vector_load %arg12[%get3A_1683, %get3A_1684] {strides = array<i32>} : memref<176x128xf32, #tpu.memory_space<vmem>>, vector<16xf32>,
        %swap3A_1686 = arith.index_cast %rem3A_362 : i32 to index
        %swap3A_1687 = arith.index_cast %add3A_1662 : i32 to index
        %swap3A_1688 = arith.constant 16 : index
        %swap3A_1689 = tpu.vector_load %arg10[%swap3A_1686, %swap3A_1687, %swap3A_1688] {strides = array<i32>} : memref<4x128x128xf32, #tpu.memory_space<vmem>>, vector<16xf32>,
        tpu.vector_store %arg10[%swap3A_1686, %swap3A_1687, %swap3A_1688], %get3A_1685 {strides = array<i32>} : memref<4x128x128xf32, #tpu.memory_space<vmem>>, vector<16xf32>,
        %get3A_1690 = arith.constant 0 : i32
        %get3A_1691 = arith.index_cast %get3A_1690 : i32 to index
        %get3A_1692 = arith.index_cast %add3A_1662 : i32 to index
        %get3A_1693 = arith.constant 80 : index
        %get3A_1694 = tpu.vector_load %arg11[%get3A_1691, %get3A_1692, %get3A_1693] {strides = array<i32>} : memref<1x128x128xf32, #tpu.memory_space<vmem>>, vector<16xf32>,
        %swap3A_1695 = arith.index_cast %rem3A_362 : i32 to index
        %swap3A_1696 = arith.index_cast %add3A_1662 : i32 to index
        %swap3A_1697 = arith.constant 80 : index
        %swap3A_1698 = tpu.vector_load %arg10[%swap3A_1695, %swap3A_1696, %swap3A_1697] {strides = array<i32>} : memref<4x128x128xf32, #tpu.memory_space<vmem>>, vector<16xf32>,
        tpu.vector_store %arg10[%swap3A_1695, %swap3A_1696, %swap3A_1697], %get3A_1694 {strides = array<i32>} : memref<4x128x128xf32, #tpu.memory_space<vmem>>, vector<16xf32>,
        %add3A_1699 = arith.constant 32 : i32
        %add3A_1700 = arith.addi %mul3A_1660, %add3A_1699 : i32
        %get3A_1701 = arith.index_cast %shift_right_logical3A_1656 : i32 to index
        %get3A_1702 = arith.index_cast %add3A_1700 : i32 to index
        %get3A_1703 = tpu.vector_load %arg12[%get3A_1701, %get3A_1702] {strides = array<i32>} : memref<176x128xf32, #tpu.memory_space<vmem>>, vector<16xf32>,
        %swap3A_1704 = arith.index_cast %rem3A_362 : i32 to index
        %swap3A_1705 = arith.index_cast %add3A_1662 : i32 to index
        %swap3A_1706 = arith.constant 32 : index
        %swap3A_1707 = tpu.vector_load %arg10[%swap3A_1704, %swap3A_1705, %swap3A_1706] {strides = array<i32>} : memref<4x128x128xf32, #tpu.memory_space<vmem>>, vector<16xf32>,
        tpu.vector_store %arg10[%swap3A_1704, %swap3A_1705, %swap3A_1706], %get3A_1703 {strides = array<i32>} : memref<4x128x128xf32, #tpu.memory_space<vmem>>, vector<16xf32>,
        %get3A_1708 = arith.constant 0 : i32
        %get3A_1709 = arith.index_cast %get3A_1708 : i32 to index
        %get3A_1710 = arith.index_cast %add3A_1662 : i32 to index
        %get3A_1711 = arith.constant 96 : index
        %get3A_1712 = tpu.vector_load %arg11[%get3A_1709, %get3A_1710, %get3A_1711] {strides = array<i32>} : memref<1x128x128xf32, #tpu.memory_space<vmem>>, vector<16xf32>,
        %swap3A_1713 = arith.index_cast %rem3A_362 : i32 to index
        %swap3A_1714 = arith.index_cast %add3A_1662 : i32 to index
        %swap3A_1715 = arith.constant 96 : index
        %swap3A_1716 = tpu.vector_load %arg10[%swap3A_1713, %swap3A_1714, %swap3A_1715] {strides = array<i32>} : memref<4x128x128xf32, #tpu.memory_space<vmem>>, vector<16xf32>,
        tpu.vector_store %arg10[%swap3A_1713, %swap3A_1714, %swap3A_1715], %get3A_1712 {strides = array<i32>} : memref<4x128x128xf32, #tpu.memory_space<vmem>>, vector<16xf32>,
        %add3A_1717 = arith.constant 48 : i32
        %add3A_1718 = arith.addi %mul3A_1660, %add3A_1717 : i32
        %get3A_1719 = arith.index_cast %shift_right_logical3A_1656 : i32 to index
        %get3A_1720 = arith.index_cast %add3A_1718 : i32 to index
        %get3A_1721 = tpu.vector_load %arg12[%get3A_1719, %get3A_1720] {strides = array<i32>} : memref<176x128xf32, #tpu.memory_space<vmem>>, vector<16xf32>,
        %swap3A_1722 = arith.index_cast %rem3A_362 : i32 to index
        %swap3A_1723 = arith.index_cast %add3A_1662 : i32 to index
        %swap3A_1724 = arith.constant 48 : index
        %swap3A_1725 = tpu.vector_load %arg10[%swap3A_1722, %swap3A_1723, %swap3A_1724] {strides = array<i32>} : memref<4x128x128xf32, #tpu.memory_space<vmem>>, vector<16xf32>,
        tpu.vector_store %arg10[%swap3A_1722, %swap3A_1723, %swap3A_1724], %get3A_1721 {strides = array<i32>} : memref<4x128x128xf32, #tpu.memory_space<vmem>>, vector<16xf32>,
        %get3A_1726 = arith.constant 0 : i32
        %get3A_1727 = arith.index_cast %get3A_1726 : i32 to index
        %get3A_1728 = arith.index_cast %add3A_1662 : i32 to index
        %get3A_1729 = arith.constant 112 : index
        %get3A_1730 = tpu.vector_load %arg11[%get3A_1727, %get3A_1728, %get3A_1729] {strides = array<i32>} : memref<1x128x128xf32, #tpu.memory_space<vmem>>, vector<16xf32>,
        %swap3A_1731 = arith.index_cast %rem3A_362 : i32 to index
        %swap3A_1732 = arith.index_cast %add3A_1662 : i32 to index
        %swap3A_1733 = arith.constant 112 : index
        %swap3A_1734 = tpu.vector_load %arg10[%swap3A_1731, %swap3A_1732, %swap3A_1733] {strides = array<i32>} : memref<4x128x128xf32, #tpu.memory_space<vmem>>, vector<16xf32>,
        tpu.vector_store %arg10[%swap3A_1731, %swap3A_1732, %swap3A_1733], %get3A_1730 {strides = array<i32>} : memref<4x128x128xf32, #tpu.memory_space<vmem>>, vector<16xf32>,
      }
      %scan3A_386 = arith.constant 8 : i32
      %add3A_387 = arith.constant 1 : i32
      %add3A_388 = arith.addi %add3A_137, %add3A_387 : i32
      %lt3A_389 = arith.constant 12 : i32
      %lt3A_390 = arith.cmpi slt, %add3A_388, %lt3A_389 : i32
      %convert_element_type3A_391 = arith.extui %lt3A_390 : i1 to i32
      %cond3A_392 = arith.constant 0 : i32
      %cond3A_393 = arith.cmpi ne, %convert_element_type3A_391, %cond3A_392 : i32
      scf.if %cond3A_393 {
        %add3A_419 = arith.constant 1 : i32
        %add3A_420 = arith.addi %add3A_137, %add3A_419 : i32
        %mul3A_421 = arith.constant 7 : i32
        %mul3A_422 = arith.muli %add3A_420, %mul3A_421 : i32
        %add3A_423 = arith.constant 6 : i32
        %add3A_424 = arith.addi %mul3A_422, %add3A_423 : i32
        %dma_start3A_425 = arith.constant 0 : i32
        %dma_start3A_426 = arith.constant 0 : i32
        %dma_start3A_427 = arith.constant 0 : i32
        %dma_start3A_428 = tpu.memref_slice %arg11[%dma_start3A_425, %dma_start3A_426, %dma_start3A_427] : memref<1x128x128xf32, #tpu.memory_space<vmem>> -> memref<1x128x128xf32, #tpu.memory_space<vmem>>
        %dma_start3A_429 = tpu.memref_squeeze %dma_start3A_428 : memref<1x128x128xf32, #tpu.memory_space<vmem>> -> memref<128x128xf32, #tpu.memory_space<vmem>>
        %dma_start3A_430 = arith.constant 0 : i32
        %dma_start3A_431 = tpu.memref_slice %arg9[%add3A_424, %dma_start3A_430] : memref<84x128xi32, #tpu.memory_space<vmem>> -> memref<1x128xi32, #tpu.memory_space<vmem>>
        %dma_start3A_432 = tpu.memref_squeeze %dma_start3A_431 : memref<1x128xi32, #tpu.memory_space<vmem>> -> memref<128xi32, #tpu.memory_space<vmem>>
        %dma_start3A_433 = arith.constant 0 : i32
        %dma_start3A_434 = arith.constant 0 : i32
        %dma_start3A_435 = tpu.memref_slice %arg5[%dma_start3A_433, %dma_start3A_434] : memref<1024x128xf32, #tpu.memory_space<hbm>> -> memref<1024x128xf32, #tpu.memory_space<hbm>>
        tpu.enqueue_indirect_dma source(%dma_start3A_435 : memref<1024x128xf32, #tpu.memory_space<hbm>>) target(%dma_start3A_429 : memref<128x128xf32, #tpu.memory_space<vmem>>) offsets(%dma_start3A_432 : memref<128xi32, #tpu.memory_space<vmem>>) semaphore(%arg15 : memref<!tpu.dma_semaphore, #tpu.memory_space<semaphore_mem>>)
      } else {
      }
      %dma_start3A_394 = arith.constant 0 : i32
      %dma_start3A_395 = arith.constant 0 : i32
      %dma_start3A_396 = tpu.memref_slice %arg10[%rem3A_362, %dma_start3A_394, %dma_start3A_395] : memref<4x128x128xf32, #tpu.memory_space<vmem>> -> memref<1x128x128xf32, #tpu.memory_space<vmem>>
      %dma_start3A_397 = tpu.memref_squeeze %dma_start3A_396 : memref<1x128x128xf32, #tpu.memory_space<vmem>> -> memref<128x128xf32, #tpu.memory_space<vmem>>
      %dma_start3A_398 = arith.constant 640 : i32
      %dma_start3A_399 = tpu.memref_slice %arg7[%add3A_137, %mul3A_2, %dma_start3A_398] : memref<12x4096x768xf32, #tpu.memory_space<hbm>> -> memref<1x128x128xf32, #tpu.memory_space<hbm>>
      %dma_start3A_400 = tpu.memref_squeeze %dma_start3A_399 : memref<1x128x128xf32, #tpu.memory_space<hbm>> -> memref<128x128xf32, #tpu.memory_space<hbm>>
      %dma_start3A_401 = tpu.memref_slice %arg14[%rem3A_362] : memref<4x!tpu.dma_semaphore, #tpu.memory_space<semaphore_mem>> -> memref<1x!tpu.dma_semaphore, #tpu.memory_space<semaphore_mem>>
      %dma_start3A_402 = tpu.memref_squeeze %dma_start3A_401 : memref<1x!tpu.dma_semaphore, #tpu.memory_space<semaphore_mem>> -> memref<!tpu.dma_semaphore, #tpu.memory_space<semaphore_mem>>
      %dma_start3A_403 = arith.constant 640 : i32
      %dma_start3A_404 = tpu.memref_slice %arg7[%add3A_137, %mul3A_2, %dma_start3A_403] : memref<12x4096x768xf32, #tpu.memory_space<hbm>> -> memref<1x128x128xf32, #tpu.memory_space<hbm>>
      %dma_start3A_405 = tpu.memref_squeeze %dma_start3A_404 : memref<1x128x128xf32, #tpu.memory_space<hbm>> -> memref<128x128xf32, #tpu.memory_space<hbm>>
      %dma_start3A_406 = arith.constant 0 : i32
      %dma_start3A_407 = arith.constant 0 : i32
      %dma_start3A_408 = tpu.memref_slice %arg10[%rem3A_362, %dma_start3A_406, %dma_start3A_407] : memref<4x128x128xf32, #tpu.memory_space<vmem>> -> memref<1x128x128xf32, #tpu.memory_space<vmem>>
      %dma_start3A_409 = tpu.memref_squeeze %dma_start3A_408 : memref<1x128x128xf32, #tpu.memory_space<vmem>> -> memref<128x128xf32, #tpu.memory_space<vmem>>
      tpu.enqueue_dma source(%dma_start3A_409 : memref<128x128xf32, #tpu.memory_space<vmem>>) target(%dma_start3A_405 : memref<128x128xf32, #tpu.memory_space<hbm>>) target_semaphore(%dma_start3A_402 : memref<!tpu.dma_semaphore, #tpu.memory_space<semaphore_mem>>)
      %add3A_410 = arith.constant 2 : i32
      %add3A_411 = arith.addi %add3A_360, %add3A_410 : i32
      %add3A_412 = arith.constant 1 : i32
      %add3A_413 = arith.addi %add3A_137, %add3A_412 : i32
      %lt3A_414 = arith.constant 72 : i32
      %lt3A_415 = arith.cmpi slt, %add3A_411, %lt3A_414 : i32
      %convert_element_type3A_416 = arith.extui %lt3A_415 : i1 to i32
      %cond3A_417 = arith.constant 0 : i32
      %cond3A_418 = arith.cmpi ne, %convert_element_type3A_416, %cond3A_417 : i32
      scf.if %cond3A_418 {
        %rem3A_419 = arith.constant 4 : i32
        %rem3A_420 = arith.remsi %add3A_411, %rem3A_419 : i32
        %ge3A = arith.constant 4 : i32
        %ge3A_421 = arith.cmpi sge, %add3A_411, %ge3A : i32
        %convert_element_type3A_422 = arith.extui %ge3A_421 : i1 to i32
        %cond3A_423 = arith.constant 0 : i32
        %cond3A_424 = arith.cmpi ne, %convert_element_type3A_422, %cond3A_423 : i32
        scf.if %cond3A_424 {
          %dma_wait3A_441 = arith.constant 0 : i32
          %dma_wait3A_442 = arith.constant 0 : i32
          %dma_wait3A_443 = tpu.memref_slice %arg10[%rem3A_420, %dma_wait3A_441, %dma_wait3A_442] : memref<4x128x128xf32, #tpu.memory_space<vmem>> -> memref<1x128x128xf32, #tpu.memory_space<vmem>>
          %dma_wait3A_444 = tpu.memref_squeeze %dma_wait3A_443 : memref<1x128x128xf32, #tpu.memory_space<vmem>> -> memref<128x128xf32, #tpu.memory_space<vmem>>
          %dma_wait3A_445 = arith.constant 384 : i32
          %dma_wait3A_446 = tpu.memref_slice %arg7[%add3A_137, %mul3A_2, %dma_wait3A_445] : memref<12x4096x768xf32, #tpu.memory_space<hbm>> -> memref<1x128x128xf32, #tpu.memory_space<hbm>>
          %dma_wait3A_447 = tpu.memref_squeeze %dma_wait3A_446 : memref<1x128x128xf32, #tpu.memory_space<hbm>> -> memref<128x128xf32, #tpu.memory_space<hbm>>
          %dma_wait3A_448 = tpu.memref_slice %arg14[%rem3A_420] : memref<4x!tpu.dma_semaphore, #tpu.memory_space<semaphore_mem>> -> memref<1x!tpu.dma_semaphore, #tpu.memory_space<semaphore_mem>>
          %dma_wait3A_449 = tpu.memref_squeeze %dma_wait3A_448 : memref<1x!tpu.dma_semaphore, #tpu.memory_space<semaphore_mem>> -> memref<!tpu.dma_semaphore, #tpu.memory_space<semaphore_mem>>
          %dma_wait3A_450 = arith.constant 384 : i32
          %dma_wait3A_451 = tpu.memref_slice %arg7[%add3A_137, %mul3A_2, %dma_wait3A_450] : memref<12x4096x768xf32, #tpu.memory_space<hbm>> -> memref<1x128x128xf32, #tpu.memory_space<hbm>>
          %dma_wait3A_452 = tpu.memref_squeeze %dma_wait3A_451 : memref<1x128x128xf32, #tpu.memory_space<hbm>> -> memref<128x128xf32, #tpu.memory_space<hbm>>
          %dma_wait3A_453 = arith.constant 0 : i32
          %dma_wait3A_454 = arith.constant 0 : i32
          %dma_wait3A_455 = tpu.memref_slice %arg10[%rem3A_420, %dma_wait3A_453, %dma_wait3A_454] : memref<4x128x128xf32, #tpu.memory_space<vmem>> -> memref<1x128x128xf32, #tpu.memory_space<vmem>>
          %dma_wait3A_456 = tpu.memref_squeeze %dma_wait3A_455 : memref<1x128x128xf32, #tpu.memory_space<vmem>> -> memref<128x128xf32, #tpu.memory_space<vmem>>
          tpu.wait_dma2 semaphore(%dma_wait3A_449 : memref<!tpu.dma_semaphore, #tpu.memory_space<semaphore_mem>>) src(%dma_wait3A_456 : memref<128x128xf32, #tpu.memory_space<vmem>>) dst(%dma_wait3A_452 : memref<128x128xf32, #tpu.memory_space<hbm>>)
        } else {
        }
        %mul3A_425 = arith.constant 7 : i32
        %mul3A_426 = arith.muli %add3A_413, %mul3A_425 : i32
        %add3A_427 = arith.constant 1 : i32
        %add3A_428 = arith.addi %mul3A_426, %add3A_427 : i32
        %dma_start3A_429 = arith.constant 0 : i32
        %dma_start3A_430 = arith.constant 0 : i32
        %dma_start3A_431 = tpu.memref_slice %arg10[%rem3A_420, %dma_start3A_429, %dma_start3A_430] : memref<4x128x128xf32, #tpu.memory_space<vmem>> -> memref<1x128x128xf32, #tpu.memory_space<vmem>>
        %dma_start3A_432 = tpu.memref_squeeze %dma_start3A_431 : memref<1x128x128xf32, #tpu.memory_space<vmem>> -> memref<128x128xf32, #tpu.memory_space<vmem>>
        %dma_start3A_433 = arith.constant 0 : i32
        %dma_start3A_434 = tpu.memref_slice %arg9[%add3A_428, %dma_start3A_433] : memref<84x128xi32, #tpu.memory_space<vmem>> -> memref<1x128xi32, #tpu.memory_space<vmem>>
        %dma_start3A_435 = tpu.memref_squeeze %dma_start3A_434 : memref<1x128xi32, #tpu.memory_space<vmem>> -> memref<128xi32, #tpu.memory_space<vmem>>
        %dma_start3A_436 = arith.constant 0 : i32
        %dma_start3A_437 = arith.constant 0 : i32
        %dma_start3A_438 = tpu.memref_slice %arg17[%dma_start3A_436, %dma_start3A_437] : memref<1024x128xf32, #tpu.memory_space<vmem_shared>> -> memref<1024x128xf32, #tpu.memory_space<vmem_shared>>
        %dma_start3A_439 = tpu.memref_slice %arg13[%rem3A_420] : memref<4x!tpu.dma_semaphore, #tpu.memory_space<semaphore_mem>> -> memref<1x!tpu.dma_semaphore, #tpu.memory_space<semaphore_mem>>
        %dma_start3A_440 = tpu.memref_squeeze %dma_start3A_439 : memref<1x!tpu.dma_semaphore, #tpu.memory_space<semaphore_mem>> -> memref<!tpu.dma_semaphore, #tpu.memory_space<semaphore_mem>>
        tpu.enqueue_indirect_dma source(%dma_start3A_438 : memref<1024x128xf32, #tpu.memory_space<vmem_shared>>) target(%dma_start3A_432 : memref<128x128xf32, #tpu.memory_space<vmem>>) offsets(%dma_start3A_435 : memref<128xi32, #tpu.memory_space<vmem>>) semaphore(%dma_start3A_440 : memref<!tpu.dma_semaphore, #tpu.memory_space<semaphore_mem>>)
      } else {
      }
    }
    %scan3A_57 = arith.constant 12 : i32
    %dma_wait3A = arith.constant 0 : i32
    %dma_wait3A_58 = arith.constant 11 : i32
    %dma_wait3A_59 = arith.constant 0 : i32
    %dma_wait3A_60 = arith.constant 0 : i32
    %dma_wait3A_61 = arith.constant 0 : i32
    %dma_wait3A_62 = tpu.memref_slice %arg10[%dma_wait3A, %dma_wait3A_60, %dma_wait3A_61] : memref<4x128x128xf32, #tpu.memory_space<vmem>> -> memref<1x128x128xf32, #tpu.memory_space<vmem>>
    %dma_wait3A_63 = tpu.memref_squeeze %dma_wait3A_62 : memref<1x128x128xf32, #tpu.memory_space<vmem>> -> memref<128x128xf32, #tpu.memory_space<vmem>>
    %dma_wait3A_64 = arith.constant 256 : i32
    %dma_wait3A_65 = tpu.memref_slice %arg7[%dma_wait3A_58, %mul3A_2, %dma_wait3A_64] : memref<12x4096x768xf32, #tpu.memory_space<hbm>> -> memref<1x128x128xf32, #tpu.memory_space<hbm>>
    %dma_wait3A_66 = tpu.memref_squeeze %dma_wait3A_65 : memref<1x128x128xf32, #tpu.memory_space<hbm>> -> memref<128x128xf32, #tpu.memory_space<hbm>>
    %dma_wait3A_67 = tpu.memref_slice %arg14[%dma_wait3A_59] : memref<4x!tpu.dma_semaphore, #tpu.memory_space<semaphore_mem>> -> memref<1x!tpu.dma_semaphore, #tpu.memory_space<semaphore_mem>>
    %dma_wait3A_68 = tpu.memref_squeeze %dma_wait3A_67 : memref<1x!tpu.dma_semaphore, #tpu.memory_space<semaphore_mem>> -> memref<!tpu.dma_semaphore, #tpu.memory_space<semaphore_mem>>
    %dma_wait3A_69 = arith.constant 256 : i32
    %dma_wait3A_70 = tpu.memref_slice %arg7[%dma_wait3A_58, %mul3A_2, %dma_wait3A_69] : memref<12x4096x768xf32, #tpu.memory_space<hbm>> -> memref<1x128x128xf32, #tpu.memory_space<hbm>>
    %dma_wait3A_71 = tpu.memref_squeeze %dma_wait3A_70 : memref<1x128x128xf32, #tpu.memory_space<hbm>> -> memref<128x128xf32, #tpu.memory_space<hbm>>
    %dma_wait3A_72 = arith.constant 0 : i32
    %dma_wait3A_73 = arith.constant 0 : i32
    %dma_wait3A_74 = tpu.memref_slice %arg10[%dma_wait3A, %dma_wait3A_72, %dma_wait3A_73] : memref<4x128x128xf32, #tpu.memory_space<vmem>> -> memref<1x128x128xf32, #tpu.memory_space<vmem>>
    %dma_wait3A_75 = tpu.memref_squeeze %dma_wait3A_74 : memref<1x128x128xf32, #tpu.memory_space<vmem>> -> memref<128x128xf32, #tpu.memory_space<vmem>>
    tpu.wait_dma2 semaphore(%dma_wait3A_68 : memref<!tpu.dma_semaphore, #tpu.memory_space<semaphore_mem>>) src(%dma_wait3A_75 : memref<128x128xf32, #tpu.memory_space<vmem>>) dst(%dma_wait3A_71 : memref<128x128xf32, #tpu.memory_space<hbm>>)
    %dma_wait3A_76 = arith.constant 1 : i32
    %dma_wait3A_77 = arith.constant 11 : i32
    %dma_wait3A_78 = arith.constant 1 : i32
    %dma_wait3A_79 = arith.constant 0 : i32
    %dma_wait3A_80 = arith.constant 0 : i32
    %dma_wait3A_81 = tpu.memref_slice %arg10[%dma_wait3A_76, %dma_wait3A_79, %dma_wait3A_80] : memref<4x128x128xf32, #tpu.memory_space<vmem>> -> memref<1x128x128xf32, #tpu.memory_space<vmem>>
    %dma_wait3A_82 = tpu.memref_squeeze %dma_wait3A_81 : memref<1x128x128xf32, #tpu.memory_space<vmem>> -> memref<128x128xf32, #tpu.memory_space<vmem>>
    %dma_wait3A_83 = arith.constant 384 : i32
    %dma_wait3A_84 = tpu.memref_slice %arg7[%dma_wait3A_77, %mul3A_2, %dma_wait3A_83] : memref<12x4096x768xf32, #tpu.memory_space<hbm>> -> memref<1x128x128xf32, #tpu.memory_space<hbm>>
    %dma_wait3A_85 = tpu.memref_squeeze %dma_wait3A_84 : memref<1x128x128xf32, #tpu.memory_space<hbm>> -> memref<128x128xf32, #tpu.memory_space<hbm>>
    %dma_wait3A_86 = tpu.memref_slice %arg14[%dma_wait3A_78] : memref<4x!tpu.dma_semaphore, #tpu.memory_space<semaphore_mem>> -> memref<1x!tpu.dma_semaphore, #tpu.memory_space<semaphore_mem>>
    %dma_wait3A_87 = tpu.memref_squeeze %dma_wait3A_86 : memref<1x!tpu.dma_semaphore, #tpu.memory_space<semaphore_mem>> -> memref<!tpu.dma_semaphore, #tpu.memory_space<semaphore_mem>>
    %dma_wait3A_88 = arith.constant 384 : i32
    %dma_wait3A_89 = tpu.memref_slice %arg7[%dma_wait3A_77, %mul3A_2, %dma_wait3A_88] : memref<12x4096x768xf32, #tpu.memory_space<hbm>> -> memref<1x128x128xf32, #tpu.memory_space<hbm>>
    %dma_wait3A_90 = tpu.memref_squeeze %dma_wait3A_89 : memref<1x128x128xf32, #tpu.memory_space<hbm>> -> memref<128x128xf32, #tpu.memory_space<hbm>>
    %dma_wait3A_91 = arith.constant 0 : i32
    %dma_wait3A_92 = arith.constant 0 : i32
    %dma_wait3A_93 = tpu.memref_slice %arg10[%dma_wait3A_76, %dma_wait3A_91, %dma_wait3A_92] : memref<4x128x128xf32, #tpu.memory_space<vmem>> -> memref<1x128x128xf32, #tpu.memory_space<vmem>>
    %dma_wait3A_94 = tpu.memref_squeeze %dma_wait3A_93 : memref<1x128x128xf32, #tpu.memory_space<vmem>> -> memref<128x128xf32, #tpu.memory_space<vmem>>
    tpu.wait_dma2 semaphore(%dma_wait3A_87 : memref<!tpu.dma_semaphore, #tpu.memory_space<semaphore_mem>>) src(%dma_wait3A_94 : memref<128x128xf32, #tpu.memory_space<vmem>>) dst(%dma_wait3A_90 : memref<128x128xf32, #tpu.memory_space<hbm>>)
    %dma_wait3A_95 = arith.constant 2 : i32
    %dma_wait3A_96 = arith.constant 11 : i32
    %dma_wait3A_97 = arith.constant 2 : i32
    %dma_wait3A_98 = arith.constant 0 : i32
    %dma_wait3A_99 = arith.constant 0 : i32
    %dma_wait3A_100 = tpu.memref_slice %arg10[%dma_wait3A_95, %dma_wait3A_98, %dma_wait3A_99] : memref<4x128x128xf32, #tpu.memory_space<vmem>> -> memref<1x128x128xf32, #tpu.memory_space<vmem>>
    %dma_wait3A_101 = tpu.memref_squeeze %dma_wait3A_100 : memref<1x128x128xf32, #tpu.memory_space<vmem>> -> memref<128x128xf32, #tpu.memory_space<vmem>>
    %dma_wait3A_102 = arith.constant 512 : i32
    %dma_wait3A_103 = tpu.memref_slice %arg7[%dma_wait3A_96, %mul3A_2, %dma_wait3A_102] : memref<12x4096x768xf32, #tpu.memory_space<hbm>> -> memref<1x128x128xf32, #tpu.memory_space<hbm>>
    %dma_wait3A_104 = tpu.memref_squeeze %dma_wait3A_103 : memref<1x128x128xf32, #tpu.memory_space<hbm>> -> memref<128x128xf32, #tpu.memory_space<hbm>>
    %dma_wait3A_105 = tpu.memref_slice %arg14[%dma_wait3A_97] : memref<4x!tpu.dma_semaphore, #tpu.memory_space<semaphore_mem>> -> memref<1x!tpu.dma_semaphore, #tpu.memory_space<semaphore_mem>>
    %dma_wait3A_106 = tpu.memref_squeeze %dma_wait3A_105 : memref<1x!tpu.dma_semaphore, #tpu.memory_space<semaphore_mem>> -> memref<!tpu.dma_semaphore, #tpu.memory_space<semaphore_mem>>
    %dma_wait3A_107 = arith.constant 512 : i32
    %dma_wait3A_108 = tpu.memref_slice %arg7[%dma_wait3A_96, %mul3A_2, %dma_wait3A_107] : memref<12x4096x768xf32, #tpu.memory_space<hbm>> -> memref<1x128x128xf32, #tpu.memory_space<hbm>>
    %dma_wait3A_109 = tpu.memref_squeeze %dma_wait3A_108 : memref<1x128x128xf32, #tpu.memory_space<hbm>> -> memref<128x128xf32, #tpu.memory_space<hbm>>
    %dma_wait3A_110 = arith.constant 0 : i32
    %dma_wait3A_111 = arith.constant 0 : i32
    %dma_wait3A_112 = tpu.memref_slice %arg10[%dma_wait3A_95, %dma_wait3A_110, %dma_wait3A_111] : memref<4x128x128xf32, #tpu.memory_space<vmem>> -> memref<1x128x128xf32, #tpu.memory_space<vmem>>
    %dma_wait3A_113 = tpu.memref_squeeze %dma_wait3A_112 : memref<1x128x128xf32, #tpu.memory_space<vmem>> -> memref<128x128xf32, #tpu.memory_space<vmem>>
    tpu.wait_dma2 semaphore(%dma_wait3A_106 : memref<!tpu.dma_semaphore, #tpu.memory_space<semaphore_mem>>) src(%dma_wait3A_113 : memref<128x128xf32, #tpu.memory_space<vmem>>) dst(%dma_wait3A_109 : memref<128x128xf32, #tpu.memory_space<hbm>>)
    %dma_wait3A_114 = arith.constant 3 : i32
    %dma_wait3A_115 = arith.constant 11 : i32
    %dma_wait3A_116 = arith.constant 3 : i32
    %dma_wait3A_117 = arith.constant 0 : i32
    %dma_wait3A_118 = arith.constant 0 : i32
    %dma_wait3A_119 = tpu.memref_slice %arg10[%dma_wait3A_114, %dma_wait3A_117, %dma_wait3A_118] : memref<4x128x128xf32, #tpu.memory_space<vmem>> -> memref<1x128x128xf32, #tpu.memory_space<vmem>>
    %dma_wait3A_120 = tpu.memref_squeeze %dma_wait3A_119 : memref<1x128x128xf32, #tpu.memory_space<vmem>> -> memref<128x128xf32, #tpu.memory_space<vmem>>
    %dma_wait3A_121 = arith.constant 640 : i32
    %dma_wait3A_122 = tpu.memref_slice %arg7[%dma_wait3A_115, %mul3A_2, %dma_wait3A_121] : memref<12x4096x768xf32, #tpu.memory_space<hbm>> -> memref<1x128x128xf32, #tpu.memory_space<hbm>>
    %dma_wait3A_123 = tpu.memref_squeeze %dma_wait3A_122 : memref<1x128x128xf32, #tpu.memory_space<hbm>> -> memref<128x128xf32, #tpu.memory_space<hbm>>
    %dma_wait3A_124 = tpu.memref_slice %arg14[%dma_wait3A_116] : memref<4x!tpu.dma_semaphore, #tpu.memory_space<semaphore_mem>> -> memref<1x!tpu.dma_semaphore, #tpu.memory_space<semaphore_mem>>
    %dma_wait3A_125 = tpu.memref_squeeze %dma_wait3A_124 : memref<1x!tpu.dma_semaphore, #tpu.memory_space<semaphore_mem>> -> memref<!tpu.dma_semaphore, #tpu.memory_space<semaphore_mem>>
    %dma_wait3A_126 = arith.constant 640 : i32
    %dma_wait3A_127 = tpu.memref_slice %arg7[%dma_wait3A_115, %mul3A_2, %dma_wait3A_126] : memref<12x4096x768xf32, #tpu.memory_space<hbm>> -> memref<1x128x128xf32, #tpu.memory_space<hbm>>
    %dma_wait3A_128 = tpu.memref_squeeze %dma_wait3A_127 : memref<1x128x128xf32, #tpu.memory_space<hbm>> -> memref<128x128xf32, #tpu.memory_space<hbm>>
    %dma_wait3A_129 = arith.constant 0 : i32
    %dma_wait3A_130 = arith.constant 0 : i32
    %dma_wait3A_131 = tpu.memref_slice %arg10[%dma_wait3A_114, %dma_wait3A_129, %dma_wait3A_130] : memref<4x128x128xf32, #tpu.memory_space<vmem>> -> memref<1x128x128xf32, #tpu.memory_space<vmem>>
    %dma_wait3A_132 = tpu.memref_squeeze %dma_wait3A_131 : memref<1x128x128xf32, #tpu.memory_space<vmem>> -> memref<128x128xf32, #tpu.memory_space<vmem>>
    tpu.wait_dma2 semaphore(%dma_wait3A_125 : memref<!tpu.dma_semaphore, #tpu.memory_space<semaphore_mem>>) src(%dma_wait3A_132 : memref<128x128xf32, #tpu.memory_space<vmem>>) dst(%dma_wait3A_128 : memref<128x128xf32, #tpu.memory_space<hbm>>)
    return
  }
}

</mosaic_0001>

<sc_bundles>
// kernel: kernel.3.cloned.1.call-start
scs
__scs_entry_jumppad:
0x0: {  	(pc) =	sbr.rel $0x88, $3  }
0x1: {  	(tag) =	ssettag $0x0;
	lr =	simm.s32 $0x1  }
0x2: {  	[smem:$0x3F9C] =	sst lr;
	_ =	strace $0xD0000000  }
0x3: {  	_ = 	snop  }
0x4: {  	_ = 	snop  }
0x5: {  	_ = 	snop  }
0x6: {  	_ = 	snop  }
0x7: {  	_ = 	snop  }
__scs_overlays_trampoline_lowered:
0x8: {  	[smem:$0x3FAB] =	sst s0  }
0x9: {  	[smem:$0x3FAC] =	sst s1  }
0xa: {  	[smem:$0x3FAD] =	sst s2  }
0xb: {  	[smem:$0x3FAE] =	sst s3  }
0xc: {  	[smem:$0x3FAF] =	sst s4  }
0xd: {  	[smem:$0x3FB0] =	sst s5  }
0xe: {  	[smem:$0x3FB1] =	sst s6  }
0xf: {  	[smem:$0x3FB2] =	sst s7  }
0x10: {  	[smem:$0x3FB3] =	sst s8  }
0x11: {  	[smem:$0x3FB4] =	sst s9;
	s0 =	simm.s32 @!p0 $0x0  }
0x12: {  	s1 =	sld [smem:$0x3F9A];
	s0 =	simm.s32 @p0 $0x1  }
0x13: {  	[smem:$0x3FB5] =	sst s0;
	s0 =	simm.s32 @!p1 $0x0  }
0x14: {  	s2 =	sld [smem:$0x3F99];
	s0 =	simm.s32 @p1 $0x1  }
0x15: {  	[smem:$0x3FB6] =	sst s0;
	s0 =	simm.s32 @!p2 $0x0  }
0x16: {  	s3 =	sld [smem:$0x3FDB];
	s0 =	simm.s32 @p2 $0x1  }
0x17: {  	s4 =	simm.s32 $0x1BF5;
	[smem:$0x3FB8] =	sst s0  }
0x18: {  	s0 =	sld [smem:$0x3F9B];
	_ =	swait.ge [sflag:s4], $0x0  }
0x19: {  	s7 =	sld [smem:$0x3F9C]  }
0x1a: {  	s8 =	sadd.s32 $0xFFFFE003, lr  }
0x1b: {  	s9 =	sadd.s32 $0xFFFFFEF7, lr;
	s5 =	simm.s32 $0xFFFFFFFF;
	p2 =	slt.u32 s8, $0xFFFFF086  }
0x1c: {  	p1 =	slt.u32 s9, $0xF7A;
	s5 =	simm.s32 @!p2 $0x0  }
0x1d: {  	s5 =	simm.s32 @p1 $0x1;
	p0 =	seq.s32 s7, s2  }
0x1e: {  	s7 =	smul.u32 @!p0 $0xF7A, s2;
	p2 =	seq.s32 @!p0 s5, $0x0  }
0x1f: {  	s9 =	smul.u32 $0xF7A, s1;
	s8 =	simm.s32 @!p0 $0x1BF5;
	p2 =	por !p2, p0  }
0x20: {  	[sflag:s8] =	ssyncset.s32 @!p0 $0xFFFFF086;
	s6 =	sadd.s32 @!p0 s3, s7;
	s7 =	simm.s32 @!p0 $0x108  }
0x21: {  	s3 =	sadd.s32 s3, s9;
	s6 =	sadd.s32 @!p0 $0x88, s6;
	s7 =	simm.s32 @p2 $0x1082  }
0x22: {  	[simem:s7], [sflag:s8] =	dma.local @!p0 [hbm:s6], $0xF7A  }
0x23: {  	s9 =	sor.u32 $0xD0000000, s2;
	s6 =	simm.s32 $0x108;
	_ =	swait.ge @!p0 [sflag:s8], $0x0  }
0x24: {  	s3 =	sadd.s32 $0x88, s3;
	s6 =	simm.s32 @!p1 $0x1082;
	[sflag:s4] =	ssyncset.s32 $0xFFFFF086  }
0x25: {  	[simem:s6], [sflag:s4] =	dma.local [hbm:s3], $0xF7A  }
0x26: {  	[smem:$0x3F9C] =	sst s1;
	(tag) =	ssettag s2;
	_ =	strace s9  }
0x27: {  	s1 =	sld [smem:$0x3FAC]  }
0x28: {  	s2 =	sld [smem:$0x3FAD]  }
0x29: {  	s4 =	sld [smem:$0x3FAF]  }
0x2a: {  	p0 =	seq.s32 s5, $0x0;
	s5 =	sld [smem:$0x3FB0]  }
0x2b: {  	s6 =	sld [smem:$0x3FB1]  }
0x2c: {  	s7 =	sld [smem:$0x3FB2]  }
0x2d: {  	s3 =	simm.s32 $0x108;
	s8 =	sld [smem:$0x3FB3]  }
0x2e: {  	s3 =	simm.s32 @!p0 $0x1082;
	s9 =	sld [smem:$0x3FB4]  }
0x2f: {  	lr =	sadd.s32 s0, s3;
	s0 =	sld [smem:$0x3FAB]  }
0x30: {  	s3 =	sld [smem:$0x3FAE]  }
0x31: {  	[smem:$0x3FB7] =	sst s10  }
0x32: {  	s10 =	sld [smem:$0x3FB5];
	_ =	sdelay $0x3  }
0x33: {  	p0 =	seq.s32 s10, $0x1;
	s10 =	sld [smem:$0x3FB7];
	_ =	sdelay $0x3  }
0x34: {  	[smem:$0x3FB7] =	sst s10  }
0x35: {  	s10 =	sld [smem:$0x3FB6];
	_ =	sdelay $0x3  }
0x36: {  	p1 =	seq.s32 s10, $0x1;
	s10 =	sld [smem:$0x3FB7];
	_ =	sdelay $0x3  }
0x37: {  	[smem:$0x3FB7] =	sst s10  }
0x38: {  	s10 =	sld [smem:$0x3FB8]  }
0x39: {  	_ = 	snop;
	(pc) =	sbr.ind lr, $3  }
0x3a: {  	_ = 	snop  }
0x3b: {  	_ = 	snop  }
0x3c: {  	p2 =	seq.s32 s10, $0x1;
	s10 =	sld [smem:$0x3FB7]  }
0x3d: {  	_ =	shalt  }
0x3e: {  	_ =	shalt  }
0x3f: {  	_ =	shalt  }
0x40: {  	_ =	shalt  }
0x41: {  	_ =	shalt  }
0x42: {  	_ =	shalt  }
0x43: {  	_ =	shalt  }
0x44: {  	_ =	shalt  }
0x45: {  	_ =	shalt  }
0x46: {  	_ =	shalt  }
0x47: {  	_ =	shalt  }
0x48: {  	_ =	shalt  }
0x49: {  	_ =	shalt  }
0x4a: {  	_ =	shalt  }
0x4b: {  	_ =	shalt  }
0x4c: {  	_ =	shalt  }
0x4d: {  	_ =	shalt  }
0x4e: {  	_ =	shalt  }
0x4f: {  	_ =	shalt  }
0x50: {  	_ =	shalt  }
0x51: {  	_ =	shalt  }
0x52: {  	_ =	shalt  }
0x53: {  	_ =	shalt  }
0x54: {  	_ =	shalt  }
0x55: {  	_ =	shalt  }
0x56: {  	_ =	shalt  }
0x57: {  	_ =	shalt  }
0x58: {  	_ =	shalt  }
0x59: {  	_ =	shalt  }
0x5a: {  	_ =	shalt  }
0x5b: {  	_ =	shalt  }
0x5c: {  	_ =	shalt  }
0x5d: {  	_ =	shalt  }
0x5e: {  	_ =	shalt  }
0x5f: {  	_ =	shalt  }
0x60: {  	_ =	shalt  }
0x61: {  	_ =	shalt  }
0x62: {  	_ =	shalt  }
0x63: {  	_ =	shalt  }
0x64: {  	_ =	shalt  }
0x65: {  	_ =	shalt  }
0x66: {  	_ =	shalt  }
0x67: {  	_ =	shalt  }
0x68: {  	_ =	shalt  }
0x69: {  	_ =	shalt  }
0x6a: {  	_ =	shalt  }
0x6b: {  	_ =	shalt  }
0x6c: {  	_ =	shalt  }
0x6d: {  	_ =	shalt  }
0x6e: {  	_ =	shalt  }
0x6f: {  	_ =	shalt  }
0x70: {  	_ =	shalt  }
0x71: {  	_ =	shalt  }
0x72: {  	_ =	shalt  }
0x73: {  	_ =	shalt  }
0x74: {  	_ =	shalt  }
0x75: {  	_ =	shalt  }
0x76: {  	_ =	shalt  }
0x77: {  	_ =	shalt  }
0x78: {  	_ =	shalt  }
0x79: {  	_ =	shalt  }
0x7a: {  	_ =	shalt  }
0x7b: {  	_ =	shalt  }
0x7c: {  	_ =	shalt  }
0x7d: {  	_ =	shalt  }
0x7e: {  	_ =	shalt  }
0x7f: {  	_ =	shalt  }
0x80: {  	_ =	shalt  }
0x81: {  	_ =	shalt  }
0x82: {  	_ =	shalt  }
0x83: {  	_ =	shalt  }
0x84: {  	_ =	shalt  }
0x85: {  	_ =	shalt  }
0x86: {  	_ =	shalt  }
0x87: {  	_ =	shalt  }
.Lfunc_end0:
.L_simem_size_0:
called_computation_lowered:
.L_overlay_start_0:
0x88: {  	s2 =	sld [smem:$0x3FD9]  }
0x89: {  	s3 =	sld [smem:$0x3FFE];
	_ =	sdelay $0x1  }
0x8a: {  	s1 =	srdreg.scid  }
0x8b: {  	s0 =	sand.u32 $0x1, s1  }
0x8c: {  	s17 =	sshll.u32 s0, $0xA;
	s2 =	sadd.s32 s3, s2  }
0x8d: {  	s2 =	sadd.s32 s2, s17  }
0x8e: {  	[smem:$0x3FC3] =	sst s2  }
0x8f: {  	_ = 	snop  }
0x90: {  	s2 =	sld [smem:$0x3FC8]  }
0x91: {  	s18 =	sld [smem:$0x3FD0];
	(tm) =	ssettm $0x1  }
0x92: {  	s4 =	sld [smem:$0x3FFB];
	_ =	sdelay $0x3  }
0x93: {  	_ =	strace s4  }
0x94: {  	s4 =	sld [smem:$0x3FFC];
	_ =	sdelay $0x3  }
0x95: {  	_ =	strace s4  }
0x96: {  	s4 =	sld [smem:$0x3FFD];
	_ =	sdelay $0x3  }
0x97: {  	_ =	strace s4  }
0x98: {  	_ =	strace $0x8FFFFFFF  }
0x99: {  	s19 =	sld [smem:$0x3FDB];
	_ =	sdelay $0x1  }
0x9a: {  	s5 =	simm.s32 $_scs_section_size  }
0x9b: {  	s6 =	simm.s32 $_size__tile_overlayer_lowered;
	s7 =	simm.s32 $_tile_overlayer_lowered  }
0x9c: {  	s22 =	simm.s32 $0x1BFF;
	s21 =	sshll.u32 s7, $0x1;
	s4 =	sadd.s32 s5, s19  }
0x9d: {  	s8 =	simm.s32 $0x0;
	s20 =	sshll.u32 s6, $0x1;
	s6 =	sadd.s32 s21, s4  }
0x9e: {  	[timem:s8], [sflag:s22] =	dma.local [hbm:s6], s20  }
0x9f: {  	_ =	swait.ge [sflag:s22], s20  }
0xa0: {  	s5 =	ssub.s32 $0x0, s20;
	[sflag:s22] =	ssyncset.done $0x0  }
0xa1: {  	[sflag:s22] =	ssyncadd.s32 s5;
	_ =	sdelay $0x1  }
0xa2: {  	s23 =	simm.s32 $0x1B8B  }
0xa3: {  	_ =	swait.ge [sflag:s23], $0x1  }
0xa4: {  	[sflag:s23] =	ssyncset.done $0x0  }
0xa5: {  	s25 =	simm.s32 $0x1B8E;
	s24 =	sld [smem:$0x3FFE];
	[sflag:s23] =	ssyncadd.s32 $0xFFFFFFFF  }
0xa6: {  	s26 =	simm.s32 $execute0_lowered;
	[smem:$0x3FD2] =	sst s25  }
0xa7: {  	s6 =	sshll.u32 s26, $0x1;
	_ =	strace $0x80000046;
	[dreg:$0x1] =	wrdreg $0xFFFFFFFF  }
0xa8: {  	s28 =	simm.s32 $_size_execute0_lowered;
	s4 =	sadd.s32 s4, s6;
	[dreg:$0x0] =	wrdreg $0x0  }
0xa9: {  	s6 =	sshll.u32 s28, $0x1;
	[dreg:$0x2] =	wrdreg s4  }
0xaa: {  	[dreg:$0x3] =	wrdreg s6  }
0xab: {  	[dreg:$0x4] =	wrdreg $0xC0  }
0xac: {  	_ =	task [dreg:s8], $0x5FFFF  }
0xad: {  	[dreg:$0x1] =	wrdreg $0xFFFFFFFF  }
0xae: {  	[dreg:$0x0] =	wrdreg $0x60  }
0xaf: {  	[dreg:$0x2] =	wrdreg s2  }
0xb0: {  	[dreg:$0x3] =	wrdreg s24  }
0xb1: {  	[dreg:$0x4] =	wrdreg s18  }
0xb2: {  	[dreg:$0x5] =	wrdreg $0x1CE800  }
0xb3: {  	[dreg:$0x6] =	wrdreg $0x9  }
0xb4: {  	_ =	task.clear_ibuf [dreg:s8], $0x7FFFF;
	_ =	strace $0x90000046  }
0xb5: {  	s29 =	simm.s32 $0x9;
	_ =	strace $0x80000048  }
0xb6: {  	_ =	swait.ge [sflag:s29], $0x1  }
0xb7: {  	[sflag:s29] =	ssyncadd.s32 $0xFFFFFFFF  }
0xb8: {  	_ =	strace $0x90000048  }
0xb9: {  	_ =	sfence  }
0xba: {  	s30 =	sld [smem:$0x0];
	_ =	sdelay $0x2  }
0xbb: {  	s31 =	sshll.u32 s1, $0xD;
	s1 =	sshrl.u32 s1, $0x2  }
0xbc: {  	s3 =	sand.u32 $0x4000, s31;
	s1 =	sadd.s32 s1, s30  }
0xbd: {  	s0 =	sor.u32 s3, s0;
	s1 =	sshll.u32 s1, $0x11  }
0xbe: {  	s0 =	sor.u32 s1, s0  }
0xbf: {  	s0 =	sadd.s32 $0x8F2B, s0  }
0xc0: {  	[sflag:s0] =	ssyncadd.remote.s32 $0x1  }
0xc1: {  	_ =	sfence.sel $0xFFFF  }
0xc2: {  	[dreg:$0x0] =	wrdreg $0xFFFFFFFF;
	(pc) =	sbr.abs _section_cstart, $3  }
0xc3: {  	[dreg:$0x1] =	wrdreg $0xFFFFFFFF  }
0xc4: {  	_ =	task.clear_ibuf [dreg:s8], $0x2FFFF;
	_ =	strace $0x9FFFFFFF  }
0xc5: {  	(tm) =	ssettm $0x7FFFFFFF  }
tec
execute0_lowered:
.L_overlay_start_1:
0x0: {  	(tag) =	ssettag $0x1  }
0x1: {  	v0 =	vlaneseq.u32  }
0x2: {  	v0 =	vmul.u32 $0x54, v0;
	_ =	sdelay $0x1  }
0x3: {  	v3 =	vor.u32 $0x1, v0;
	v1 =	vor.u32 $0x2, v0;
	v60 =	vor.u32 $0x3, v0  }
0x4: {  	v5 =	vadd.s32 $0x4, v0;
	v6 =	vadd.s32 $0x5, v0;
	v7 =	vadd.s32 $0x6, v0  }
0x5: {  	s2 =	rddreg [dreg:$0x1];
	v8 =	vadd.s32 $0x7, v0;
	v9 =	vadd.s32 $0x8, v0;
	v10 =	vadd.s32 $0x9, v0  }
0x6: {  	s0 =	rddreg [dreg:$0x2];
	v11 =	vadd.s32 $0xA, v0;
	v12 =	vadd.s32 $0xB, v0;
	v13 =	vadd.s32 $0xC, v0  }
0x7: {  	s3 =	rddreg [dreg:$0x3];
	s4 =	srdreg.scid;
	v14 =	vadd.s32 $0xD, v0;
	v15 =	vadd.s32 $0xE, v0;
	v16 =	vadd.s32 $0xF, v0  }
0x8: {  	s1 =	stileid.u32;
	s5 =	simm.s32 $0x0;
	s30 =	simm.s32 $0x1800;
	v17 =	vadd.s32 $0x10, v0;
	v18 =	vadd.s32 $0x11, v0;
	v19 =	vadd.s32 $0x12, v0  }
0x9: {  	s31 =	simm.s32 $0x9;
	s4 =	sand.u32 $0x1, s4;
	s6 =	sshrl.u32 s1, $0x2;
	v20 =	vadd.s32 $0x13, v0;
	v21 =	vadd.s32 $0x14, v0;
	v22 =	vadd.s32 $0x15, v0  }
0xa: {  	s7 =	sshll.u32 s1, $0x8;
	[smem:$0x7FF] =	sst s5;
	s21 =	sshll.u32 s1, $0xA;
	v23 =	vadd.s32 $0x16, v0;
	v24 =	vadd.s32 $0x17, v0;
	v25 =	vadd.s32 $0x18, v0  }
0xb: {  	s22 =	sadd.s32 $0x400, s2;
	s24 =	sshll.u32 s1, $0x1;
	s10 =	sshll.u32 s1, $0xD;
	v26 =	vadd.s32 $0x19, v0;
	v27 =	vadd.s32 $0x1A, v0;
	v28 =	vadd.s32 $0x1B, v0  }
0xc: {  	s11 =	sadd.s32 $0x80, s0;
	s12 =	sadd.s32 $0x100, s0;
	s13 =	sadd.s32 $0x180, s0;
	v29 =	vadd.s32 $0x1C, v0;
	v30 =	vadd.s32 $0x1D, v0;
	v31 =	vadd.s32 $0x1E, v0  }
0xd: {  	s14 =	sadd.s32 $0x200, s0;
	s15 =	sadd.s32 $0x280, s0;
	s1 =	simm.s32 $0x3680;
	v32 =	vadd.s32 $0x1F, v0;
	v33 =	vadd.s32 $0x20, v0;
	v34 =	vadd.s32 $0x21, v0  }
0xe: {  	s8 =	sshll.u32 s4, $0x7;
	s6 =	smul.u32 $0x15000, s6;
	s9 =	ssub.s32 $0x2, s4;
	v35 =	vadd.s32 $0x22, v0;
	v36 =	vadd.s32 $0x23, v0;
	v37 =	vadd.s32 $0x24, v0  }
0xf: {  	s4 =	sor.u32 s4, s24;
	s26 =	sadd.s32 s10, s3;
	s7 =	sor.u32 s8, s7;
	v38 =	vadd.s32 $0x25, v0;
	v39 =	vadd.s32 $0x26, v0;
	v40 =	vadd.s32 $0x27, v0  }
0x10: {  	s8 =	sadd.s32 s21, s2;
	s23 =	sshrl.u32 s9, $0x1;
	s10 =	smul.u32 $0x18000, s4;
	v41 =	vadd.s32 $0x28, v0;
	v42 =	vadd.s32 $0x29, v0;
	v43 =	vadd.s32 $0x2A, v0  }
0x11: {  	v44 =	vadd.s32 $0x2B, v0;
	v45 =	vadd.s32 $0x2C, v0;
	v46 =	vadd.s32 $0x2D, v0;
	s21 =	simm.s32 $0x80;
	[tilespmem:$0x1FFC0] =	vst v1;
	s7 =	sand.u32 $0x380, s7;
	s25 =	sadd.s32 $0x5000, s8  }
0x12: {  	v47 =	vadd.s32 $0x2E, v0;
	v48 =	vadd.s32 $0x2F, v0;
	v49 =	vadd.s32 $0x30, v0;
	_ =	strace $0x80000047;
	s6 =	sor.u32 s7, s6;
	[dreg:$0x5] =	wrdreg s22  }
.Ltmp0:
0x13: {  	v50 =	vadd.s32 $0x31, v0;
	v51 =	vadd.s32 $0x32, v0;
	v52 =	vadd.s32 $0x33, v0;
	s7 =	sadd.s32 $0x1000, s2;
	s6 =	sshrl.u32 s6, $0x3;
	(pc) =	sbr.rel .LBB2_1-.Ltmp0, $4  }
0x14: {  	v53 =	vadd.s32 $0x34, v0;
	v54 =	vadd.s32 $0x35, v0;
	v1 =	vadd.s32 $0x3F, v0;
	[dreg:$0x6] =	wrdreg s25;
	s2 =	sadd.s32 s6, s2;
	s6 =	ssub.s32 s9, s23  }
0x15: {  	v55 =	vadd.s32 $0x36, v0;
	v56 =	vadd.s32 $0x37, v0;
	v57 =	vadd.s32 $0x38, v0;
	[dreg:$0x7] =	wrdreg s26;
	s22 =	simm.s32 $0x400;
	[tilespmem:$0x1FFD0] =	vst v1;
	s28 =	smax.u32 s6, $0x1  }
0x16: {  	v58 =	vadd.s32 $0x39, v0;
	v59 =	vadd.s32 $0x3A, v0;
	v61 =	vadd.s32 $0x3B, v0;
	s25 =	simm.s32 $0x13680;
	[tilespmem:$0x1FFE0] =	vst v3;
	s29 =	sadd.s32 $0x9000, s2;
	[dreg:$0x8] =	wrdreg s28  }
0x17: {  	v62 =	vadd.s32 $0x3C, v0;
	v63 =	vadd.s32 $0x3D, v0;
	v4 =	vadd.s32 $0x3E, v0;
	[tilespmem:$0x1FFF0] =	vst v60;
	s23 =	simm.s32 $0xA;
	s2 =	simm.s32 $0x0;
	[dreg:$0x9] =	wrdreg s29  }
.LBB2_7:
0x18: {  	s0 =	sadd.s32 s29, s15;
	s1 =	simm.s32 $0xF680  }
0x19: {  	[hbm4b:s0+s22] =	stream.strided.scatter [tilespmem:s1], [sflag:s8], $0x4000, s30, s22, $0x38;
	[tilespmem:$0x1EE80] =	vst v63  }
.LBB2_9:
0x1a: {  	s0 =	simm.s32 $0x5  }
0x1b: {  	_ =	swait.ge [sflag:s0], $0x4000  }
0x1c: {  	[sflag:s0] =	ssyncset.done $0x0  }
0x1d: {  	s26 =	simm.s32 $0x6;
	[sflag:s0] =	ssyncadd.s32 $0xFFFFC000  }
0x1e: {  	_ =	swait.ge [sflag:s26], $0x4000  }
0x1f: {  	[sflag:s26] =	ssyncset.done $0x0  }
0x20: {  	s28 =	simm.s32 $0x7;
	[sflag:s26] =	ssyncadd.s32 $0xFFFFC000  }
0x21: {  	_ =	swait.ge [sflag:s28], $0x4000  }
0x22: {  	[sflag:s28] =	ssyncset.done $0x0  }
0x23: {  	s1 =	simm.s32 $0x8;
	[sflag:s28] =	ssyncadd.s32 $0xFFFFC000  }
0x24: {  	_ =	swait.ge [sflag:s1], $0x4000  }
0x25: {  	s2 =	rddreg [dreg:$0xa]  }
0x26: {  	s29 =	rddreg [dreg:$0x8];
	s2 =	sadd.s32 $0x1, s2  }
0x27: {  	p0 =	sne.s32 s2, s29  }
.Ltmp1:
0x28: {  	_ = 	snop;
	(pc) =	sbr.rel @!p0 .LBB2_10-.Ltmp1, $3  }
0x29: {  	_ =	sdelay $0x1  }
0x2a: {  	[sflag:s1] =	ssyncset.done $0x0  }
0x2b: {  	v3 =	vld [tilespmem:$0x1FFE0];
	[sflag:s1] =	ssyncadd.s32 $0xFFFFC000;
	s1 =	simm.s32 $0x3680  }
.LBB2_1:
0x2c: {  	[dreg:$0xa] =	wrdreg s2  }
0x2d: {  	s0 =	rddreg [dreg:$0x6];
	s24 =	simm.s32 $0xB  }
0x2e: {  	[tilespmem:s1], [sflag:$0xB] =	stream.linear.gather [hbm4b:s0+s5], $0x2000, $0x38;
	[tilespmem:$0x1EE80] =	vst v63  }
0x2f: {  	_ =	swait.ge [sflag:s24], $0x2000  }
0x30: {  	[sflag:s24] =	ssyncset.done $0x0  }
0x31: {  	s26 =	rddreg [dreg:$0x7];
	[sflag:s24] =	ssyncadd.s32 $0xFFFFE000  }
0x32: {  	[spmem:s26] =	stream.linear.scatter [tilespmem:s1], [sflag:$0xB], $0x2000, $0x38;
	[tilespmem:$0x1EE80] =	vst v63  }
0x33: {  	_ =	swait.ge [sflag:s24], $0x2000  }
0x34: {  	[sflag:s24] =	ssyncset.done $0x0  }
0x35: {  	s4 =	simm.s32 $0x17680;
	s28 =	rddreg [dreg:$0x5];
	[sflag:s24] =	ssyncadd.s32 $0xFFFFE000  }
0x36: {  	[tilespmem:s4], [sflag:$0xB] =	stream.linear.gather [hbm4b:s28+s5], $0x5800, $0x38;
	[tilespmem:$0x1EE80] =	vst v63  }
0x37: {  	_ =	swait.ge [sflag:s24], $0x5800  }
0x38: {  	[sflag:s24] =	ssyncset.done $0x0  }
0x39: {  	s29 =	simm.s32 $0x0;
	s17 =	rddreg [dreg:$0x9];
	v60 =	vld [tilespmem:$0x1FFD0];
	[sflag:s24] =	ssyncadd.s32 $0xFFFFA800  }
.LBB2_2:
0x3a: {  	[tilespmem:s5], [sflag:$0xA] =	stream.strided.gather [hbm4b:s17+s21], $0xA80, s22, s21, $0x38;
	[tilespmem:$0x1EE80] =	vst v63  }
0x3b: {  	_ =	swait.ge [sflag:s23], $0xA80  }
0x3c: {  	[sflag:s23] =	ssyncset.done $0x0  }
0x3d: {  	[sflag:s23] =	ssyncadd.s32 $0xFFFFF580  }
0x3e: {  	v1 =	vld.idx.msk [tilespmem:v0+s5+$0x0], $0xffff;
	_ =	sdelay $0x3  }
0x3f: {  	s6 =	sshra.s32 s29, $0x2  }
0x40: {  	[tilespmem:s6+$0xA80] =	vst v1  }
0x41: {  	v1 =	vld.idx.msk [tilespmem:v3+s5+$0x0], $0xffff;
	_ =	sdelay $0x4  }
0x42: {  	[tilespmem:s6+$0xB00] =	vst v1;
	v1 =	vld [tilespmem:$0x1FFC0];
	_ =	sdelay $0x7  }
0x43: {  	v1 =	vld.idx.msk [tilespmem:v1+s5+$0x0], $0xffff;
	_ =	sdelay $0x4  }
0x44: {  	[tilespmem:s6+$0xB80] =	vst v1;
	v1 =	vld [tilespmem:$0x1FFF0];
	_ =	sdelay $0x7  }
0x45: {  	v1 =	vld.idx.msk [tilespmem:v1+s5+$0x0], $0xffff;
	_ =	sdelay $0x4  }
0x46: {  	[tilespmem:s6+$0xC00] =	vst v1  }
0x47: {  	v1 =	vld.idx.msk [tilespmem:v5+s5+$0x0], $0xffff;
	_ =	sdelay $0x4  }
0x48: {  	[tilespmem:s6+$0xC80] =	vst v1  }
0x49: {  	v1 =	vld.idx.msk [tilespmem:v6+s5+$0x0], $0xffff;
	_ =	sdelay $0x4  }
0x4a: {  	[tilespmem:s6+$0xD00] =	vst v1  }
0x4b: {  	v1 =	vld.idx.msk [tilespmem:v7+s5+$0x0], $0xffff;
	_ =	sdelay $0x4  }
0x4c: {  	[tilespmem:s6+$0xD80] =	vst v1  }
0x4d: {  	v1 =	vld.idx.msk [tilespmem:v8+s5+$0x0], $0xffff;
	_ =	sdelay $0x4  }
0x4e: {  	[tilespmem:s6+$0xE00] =	vst v1  }
0x4f: {  	v1 =	vld.idx.msk [tilespmem:v9+s5+$0x0], $0xffff;
	_ =	sdelay $0x4  }
0x50: {  	[tilespmem:s6+$0xE80] =	vst v1  }
0x51: {  	v1 =	vld.idx.msk [tilespmem:v10+s5+$0x0], $0xffff;
	_ =	sdelay $0x4  }
0x52: {  	[tilespmem:s6+$0xF00] =	vst v1  }
0x53: {  	v1 =	vld.idx.msk [tilespmem:v11+s5+$0x0], $0xffff;
	_ =	sdelay $0x4  }
0x54: {  	[tilespmem:s6+$0xF80] =	vst v1  }
0x55: {  	v1 =	vld.idx.msk [tilespmem:v12+s5+$0x0], $0xffff;
	_ =	sdelay $0x4  }
0x56: {  	[tilespmem:s6+$0x1000] =	vst v1  }
0x57: {  	v1 =	vld.idx.msk [tilespmem:v13+s5+$0x0], $0xffff;
	_ =	sdelay $0x4  }
0x58: {  	[tilespmem:s6+$0x1080] =	vst v1  }
0x59: {  	v1 =	vld.idx.msk [tilespmem:v14+s5+$0x0], $0xffff;
	_ =	sdelay $0x4  }
0x5a: {  	[tilespmem:s6+$0x1100] =	vst v1  }
0x5b: {  	v1 =	vld.idx.msk [tilespmem:v15+s5+$0x0], $0xffff;
	_ =	sdelay $0x4  }
0x5c: {  	[tilespmem:s6+$0x1180] =	vst v1  }
0x5d: {  	v1 =	vld.idx.msk [tilespmem:v16+s5+$0x0], $0xffff;
	_ =	sdelay $0x4  }
0x5e: {  	[tilespmem:s6+$0x1200] =	vst v1  }
0x5f: {  	v1 =	vld.idx.msk [tilespmem:v17+s5+$0x0], $0xffff;
	_ =	sdelay $0x4  }
0x60: {  	[tilespmem:s6+$0x1280] =	vst v1  }
0x61: {  	v1 =	vld.idx.msk [tilespmem:v18+s5+$0x0], $0xffff;
	_ =	sdelay $0x4  }
0x62: {  	[tilespmem:s6+$0x1300] =	vst v1  }
0x63: {  	v1 =	vld.idx.msk [tilespmem:v19+s5+$0x0], $0xffff;
	_ =	sdelay $0x4  }
0x64: {  	[tilespmem:s6+$0x1380] =	vst v1  }
0x65: {  	v1 =	vld.idx.msk [tilespmem:v20+s5+$0x0], $0xffff;
	_ =	sdelay $0x4  }
0x66: {  	[tilespmem:s6+$0x1400] =	vst v1  }
0x67: {  	v1 =	vld.idx.msk [tilespmem:v21+s5+$0x0], $0xffff;
	_ =	sdelay $0x4  }
0x68: {  	[tilespmem:s6+$0x1480] =	vst v1  }
0x69: {  	v1 =	vld.idx.msk [tilespmem:v22+s5+$0x0], $0xffff;
	_ =	sdelay $0x4  }
0x6a: {  	[tilespmem:s6+$0x1500] =	vst v1  }
0x6b: {  	v1 =	vld.idx.msk [tilespmem:v23+s5+$0x0], $0xffff;
	_ =	sdelay $0x4  }
0x6c: {  	[tilespmem:s6+$0x1580] =	vst v1  }
0x6d: {  	v1 =	vld.idx.msk [tilespmem:v24+s5+$0x0], $0xffff;
	_ =	sdelay $0x4  }
0x6e: {  	[tilespmem:s6+$0x1600] =	vst v1  }
0x6f: {  	v1 =	vld.idx.msk [tilespmem:v25+s5+$0x0], $0xffff;
	_ =	sdelay $0x4  }
0x70: {  	[tilespmem:s6+$0x1680] =	vst v1  }
0x71: {  	v1 =	vld.idx.msk [tilespmem:v26+s5+$0x0], $0xffff;
	_ =	sdelay $0x4  }
0x72: {  	[tilespmem:s6+$0x1700] =	vst v1  }
0x73: {  	v1 =	vld.idx.msk [tilespmem:v27+s5+$0x0], $0xffff;
	_ =	sdelay $0x4  }
0x74: {  	[tilespmem:s6+$0x1780] =	vst v1  }
0x75: {  	v1 =	vld.idx.msk [tilespmem:v28+s5+$0x0], $0xffff;
	_ =	sdelay $0x4  }
0x76: {  	[tilespmem:s6+$0x1800] =	vst v1  }
0x77: {  	v1 =	vld.idx.msk [tilespmem:v29+s5+$0x0], $0xffff;
	_ =	sdelay $0x4  }
0x78: {  	[tilespmem:s6+$0x1880] =	vst v1  }
0x79: {  	v1 =	vld.idx.msk [tilespmem:v30+s5+$0x0], $0xffff;
	_ =	sdelay $0x4  }
0x7a: {  	[tilespmem:s6+$0x1900] =	vst v1  }
0x7b: {  	v1 =	vld.idx.msk [tilespmem:v31+s5+$0x0], $0xffff;
	_ =	sdelay $0x4  }
0x7c: {  	[tilespmem:s6+$0x1980] =	vst v1  }
0x7d: {  	v1 =	vld.idx.msk [tilespmem:v32+s5+$0x0], $0xffff;
	_ =	sdelay $0x4  }
0x7e: {  	[tilespmem:s6+$0x1A00] =	vst v1  }
0x7f: {  	v1 =	vld.idx.msk [tilespmem:v33+s5+$0x0], $0xffff;
	_ =	sdelay $0x4  }
0x80: {  	[tilespmem:s6+$0x1A80] =	vst v1  }
0x81: {  	v1 =	vld.idx.msk [tilespmem:v34+s5+$0x0], $0xffff;
	_ =	sdelay $0x4  }
0x82: {  	[tilespmem:s6+$0x1B00] =	vst v1  }
0x83: {  	v1 =	vld.idx.msk [tilespmem:v35+s5+$0x0], $0xffff;
	_ =	sdelay $0x4  }
0x84: {  	[tilespmem:s6+$0x1B80] =	vst v1  }
0x85: {  	v1 =	vld.idx.msk [tilespmem:v36+s5+$0x0], $0xffff;
	_ =	sdelay $0x4  }
0x86: {  	[tilespmem:s6+$0x1C00] =	vst v1  }
0x87: {  	v1 =	vld.idx.msk [tilespmem:v37+s5+$0x0], $0xffff;
	_ =	sdelay $0x4  }
0x88: {  	[tilespmem:s6+$0x1C80] =	vst v1  }
0x89: {  	v1 =	vld.idx.msk [tilespmem:v38+s5+$0x0], $0xffff;
	_ =	sdelay $0x4  }
0x8a: {  	[tilespmem:s6+$0x1D00] =	vst v1  }
0x8b: {  	v1 =	vld.idx.msk [tilespmem:v39+s5+$0x0], $0xffff;
	_ =	sdelay $0x4  }
0x8c: {  	[tilespmem:s6+$0x1D80] =	vst v1  }
0x8d: {  	v1 =	vld.idx.msk [tilespmem:v40+s5+$0x0], $0xffff;
	_ =	sdelay $0x4  }
0x8e: {  	[tilespmem:s6+$0x1E00] =	vst v1  }
0x8f: {  	v1 =	vld.idx.msk [tilespmem:v41+s5+$0x0], $0xffff;
	_ =	sdelay $0x4  }
0x90: {  	[tilespmem:s6+$0x1E80] =	vst v1  }
0x91: {  	v1 =	vld.idx.msk [tilespmem:v42+s5+$0x0], $0xffff;
	_ =	sdelay $0x4  }
0x92: {  	[tilespmem:s6+$0x1F00] =	vst v1  }
0x93: {  	v1 =	vld.idx.msk [tilespmem:v43+s5+$0x0], $0xffff;
	_ =	sdelay $0x4  }
0x94: {  	[tilespmem:s6+$0x1F80] =	vst v1  }
0x95: {  	v1 =	vld.idx.msk [tilespmem:v44+s5+$0x0], $0xffff;
	_ =	sdelay $0x4  }
0x96: {  	[tilespmem:s6+$0x2000] =	vst v1  }
0x97: {  	v1 =	vld.idx.msk [tilespmem:v45+s5+$0x0], $0xffff;
	_ =	sdelay $0x4  }
0x98: {  	[tilespmem:s6+$0x2080] =	vst v1  }
0x99: {  	v1 =	vld.idx.msk [tilespmem:v46+s5+$0x0], $0xffff;
	_ =	sdelay $0x4  }
0x9a: {  	[tilespmem:s6+$0x2100] =	vst v1  }
0x9b: {  	v1 =	vld.idx.msk [tilespmem:v47+s5+$0x0], $0xffff;
	_ =	sdelay $0x4  }
0x9c: {  	[tilespmem:s6+$0x2180] =	vst v1  }
0x9d: {  	v1 =	vld.idx.msk [tilespmem:v48+s5+$0x0], $0xffff;
	_ =	sdelay $0x4  }
0x9e: {  	[tilespmem:s6+$0x2200] =	vst v1  }
0x9f: {  	v1 =	vld.idx.msk [tilespmem:v49+s5+$0x0], $0xffff;
	_ =	sdelay $0x4  }
0xa0: {  	[tilespmem:s6+$0x2280] =	vst v1  }
0xa1: {  	v1 =	vld.idx.msk [tilespmem:v50+s5+$0x0], $0xffff;
	_ =	sdelay $0x4  }
0xa2: {  	[tilespmem:s6+$0x2300] =	vst v1  }
0xa3: {  	v1 =	vld.idx.msk [tilespmem:v51+s5+$0x0], $0xffff;
	_ =	sdelay $0x4  }
0xa4: {  	[tilespmem:s6+$0x2380] =	vst v1  }
0xa5: {  	v1 =	vld.idx.msk [tilespmem:v52+s5+$0x0], $0xffff;
	_ =	sdelay $0x4  }
0xa6: {  	[tilespmem:s6+$0x2400] =	vst v1  }
0xa7: {  	v1 =	vld.idx.msk [tilespmem:v53+s5+$0x0], $0xffff;
	_ =	sdelay $0x4  }
0xa8: {  	[tilespmem:s6+$0x2480] =	vst v1  }
0xa9: {  	v1 =	vld.idx.msk [tilespmem:v54+s5+$0x0], $0xffff;
	_ =	sdelay $0x4  }
0xaa: {  	[tilespmem:s6+$0x2500] =	vst v1  }
0xab: {  	v1 =	vld.idx.msk [tilespmem:v55+s5+$0x0], $0xffff;
	_ =	sdelay $0x4  }
0xac: {  	[tilespmem:s6+$0x2580] =	vst v1  }
0xad: {  	v1 =	vld.idx.msk [tilespmem:v56+s5+$0x0], $0xffff;
	_ =	sdelay $0x4  }
0xae: {  	[tilespmem:s6+$0x2600] =	vst v1  }
0xaf: {  	v1 =	vld.idx.msk [tilespmem:v57+s5+$0x0], $0xffff;
	_ =	sdelay $0x4  }
0xb0: {  	[tilespmem:s6+$0x2680] =	vst v1  }
0xb1: {  	v1 =	vld.idx.msk [tilespmem:v58+s5+$0x0], $0xffff;
	_ =	sdelay $0x4  }
0xb2: {  	[tilespmem:s6+$0x2700] =	vst v1  }
0xb3: {  	v1 =	vld.idx.msk [tilespmem:v59+s5+$0x0], $0xffff;
	_ =	sdelay $0x4  }
0xb4: {  	[tilespmem:s6+$0x2780] =	vst v1  }
0xb5: {  	v1 =	vld.idx.msk [tilespmem:v61+s5+$0x0], $0xffff;
	_ =	sdelay $0x4  }
0xb6: {  	[tilespmem:s6+$0x2800] =	vst v1  }
0xb7: {  	v1 =	vld.idx.msk [tilespmem:v62+s5+$0x0], $0xffff;
	_ =	sdelay $0x4  }
0xb8: {  	[tilespmem:s6+$0x2880] =	vst v1  }
0xb9: {  	v1 =	vld.idx.msk [tilespmem:v63+s5+$0x0], $0xffff;
	_ =	sdelay $0x4  }
0xba: {  	[tilespmem:s6+$0x2900] =	vst v1  }
0xbb: {  	v1 =	vld.idx.msk [tilespmem:v4+s5+$0x0], $0xffff;
	_ =	sdelay $0x4  }
0xbc: {  	[tilespmem:s6+$0x2980] =	vst v1  }
0xbd: {  	v1 =	vld.idx.msk [tilespmem:v60+s5+$0x0], $0xffff  }
0xbe: {  	v2 =	vadd.s32 $0x40, v0;
	_ =	sdelay $0x3  }
0xbf: {  	[tilespmem:s6+$0x2A00] =	vst v1  }
0xc0: {  	v1 =	vld.idx.msk [tilespmem:v2+s5+$0x0], $0xffff  }
0xc1: {  	v2 =	vadd.s32 $0x41, v0;
	_ =	sdelay $0x3  }
0xc2: {  	[tilespmem:s6+$0x2A80] =	vst v1  }
0xc3: {  	v1 =	vld.idx.msk [tilespmem:v2+s5+$0x0], $0xffff  }
0xc4: {  	v2 =	vadd.s32 $0x42, v0;
	_ =	sdelay $0x3  }
0xc5: {  	[tilespmem:s6+$0x2B00] =	vst v1  }
0xc6: {  	v1 =	vld.idx.msk [tilespmem:v2+s5+$0x0], $0xffff  }
0xc7: {  	v2 =	vadd.s32 $0x43, v0;
	_ =	sdelay $0x3  }
0xc8: {  	[tilespmem:s6+$0x2B80] =	vst v1  }
0xc9: {  	v1 =	vld.idx.msk [tilespmem:v2+s5+$0x0], $0xffff  }
0xca: {  	v2 =	vadd.s32 $0x44, v0;
	_ =	sdelay $0x3  }
0xcb: {  	[tilespmem:s6+$0x2C00] =	vst v1  }
0xcc: {  	v1 =	vld.idx.msk [tilespmem:v2+s5+$0x0], $0xffff  }
0xcd: {  	v2 =	vadd.s32 $0x45, v0;
	_ =	sdelay $0x3  }
0xce: {  	[tilespmem:s6+$0x2C80] =	vst v1  }
0xcf: {  	v1 =	vld.idx.msk [tilespmem:v2+s5+$0x0], $0xffff  }
0xd0: {  	v2 =	vadd.s32 $0x46, v0;
	_ =	sdelay $0x3  }
0xd1: {  	[tilespmem:s6+$0x2D00] =	vst v1  }
0xd2: {  	v1 =	vld.idx.msk [tilespmem:v2+s5+$0x0], $0xffff  }
0xd3: {  	v2 =	vadd.s32 $0x47, v0;
	_ =	sdelay $0x3  }
0xd4: {  	[tilespmem:s6+$0x2D80] =	vst v1  }
0xd5: {  	v1 =	vld.idx.msk [tilespmem:v2+s5+$0x0], $0xffff  }
0xd6: {  	v2 =	vadd.s32 $0x48, v0;
	_ =	sdelay $0x3  }
0xd7: {  	[tilespmem:s6+$0x2E00] =	vst v1  }
0xd8: {  	v1 =	vld.idx.msk [tilespmem:v2+s5+$0x0], $0xffff  }
0xd9: {  	v2 =	vadd.s32 $0x49, v0;
	_ =	sdelay $0x3  }
0xda: {  	[tilespmem:s6+$0x2E80] =	vst v1  }
0xdb: {  	v1 =	vld.idx.msk [tilespmem:v2+s5+$0x0], $0xffff  }
0xdc: {  	v2 =	vadd.s32 $0x4A, v0;
	_ =	sdelay $0x3  }
0xdd: {  	[tilespmem:s6+$0x2F00] =	vst v1  }
0xde: {  	v1 =	vld.idx.msk [tilespmem:v2+s5+$0x0], $0xffff  }
0xdf: {  	v2 =	vadd.s32 $0x4B, v0;
	_ =	sdelay $0x3  }
0xe0: {  	[tilespmem:s6+$0x2F80] =	vst v1  }
0xe1: {  	v1 =	vld.idx.msk [tilespmem:v2+s5+$0x0], $0xffff  }
0xe2: {  	v2 =	vadd.s32 $0x4C, v0;
	_ =	sdelay $0x3  }
0xe3: {  	[tilespmem:s6+$0x3000] =	vst v1  }
0xe4: {  	v1 =	vld.idx.msk [tilespmem:v2+s5+$0x0], $0xffff  }
0xe5: {  	v2 =	vadd.s32 $0x4D, v0;
	_ =	sdelay $0x3  }
0xe6: {  	[tilespmem:s6+$0x3080] =	vst v1  }
0xe7: {  	v1 =	vld.idx.msk [tilespmem:v2+s5+$0x0], $0xffff  }
0xe8: {  	v2 =	vadd.s32 $0x4E, v0;
	_ =	sdelay $0x3  }
0xe9: {  	[tilespmem:s6+$0x3100] =	vst v1  }
0xea: {  	v1 =	vld.idx.msk [tilespmem:v2+s5+$0x0], $0xffff  }
0xeb: {  	v2 =	vadd.s32 $0x4F, v0;
	_ =	sdelay $0x3  }
0xec: {  	[tilespmem:s6+$0x3180] =	vst v1  }
0xed: {  	v1 =	vld.idx.msk [tilespmem:v2+s5+$0x0], $0xffff  }
0xee: {  	v2 =	vadd.s32 $0x50, v0;
	_ =	sdelay $0x3  }
0xef: {  	[tilespmem:s6+$0x3200] =	vst v1  }
0xf0: {  	v1 =	vld.idx.msk [tilespmem:v2+s5+$0x0], $0xffff  }
0xf1: {  	v2 =	vadd.s32 $0x51, v0;
	_ =	sdelay $0x3  }
0xf2: {  	[tilespmem:s6+$0x3280] =	vst v1  }
0xf3: {  	v1 =	vld.idx.msk [tilespmem:v2+s5+$0x0], $0xffff  }
0xf4: {  	v2 =	vadd.s32 $0x52, v0;
	_ =	sdelay $0x3  }
0xf5: {  	[tilespmem:s6+$0x3300] =	vst v1  }
0xf6: {  	v1 =	vld.idx.msk [tilespmem:v2+s5+$0x0], $0xffff  }
0xf7: {  	v2 =	vadd.s32 $0x53, v0;
	_ =	sdelay $0x3  }
0xf8: {  	[tilespmem:s6+$0x3380] =	vst v1  }
0xf9: {  	v1 =	vld.idx.msk [tilespmem:v2+s5+$0x0], $0xffff  }
0xfa: {  	v2 =	vadd.s32 $0x540, v0;
	_ =	sdelay $0x3  }
0xfb: {  	[tilespmem:s6+$0x3400] =	vst v1  }
0xfc: {  	v1 =	vld.idx.msk [tilespmem:v2+s5+$0x0], $0xffff  }
0xfd: {  	v2 =	vadd.s32 $0x541, v0;
	_ =	sdelay $0x3  }
0xfe: {  	[tilespmem:s6+$0xA90] =	vst v1  }
0xff: {  	v1 =	vld.idx.msk [tilespmem:v2+s5+$0x0], $0xffff  }
0x100: {  	v2 =	vadd.s32 $0x542, v0;
	_ =	sdelay $0x3  }
0x101: {  	[tilespmem:s6+$0xB10] =	vst v1  }
0x102: {  	v1 =	vld.idx.msk [tilespmem:v2+s5+$0x0], $0xffff  }
0x103: {  	v2 =	vadd.s32 $0x543, v0;
	_ =	sdelay $0x3  }
0x104: {  	[tilespmem:s6+$0xB90] =	vst v1  }
0x105: {  	v1 =	vld.idx.msk [tilespmem:v2+s5+$0x0], $0xffff  }
0x106: {  	v2 =	vadd.s32 $0x544, v0;
	_ =	sdelay $0x3  }
0x107: {  	[tilespmem:s6+$0xC10] =	vst v1  }
0x108: {  	v1 =	vld.idx.msk [tilespmem:v2+s5+$0x0], $0xffff  }
0x109: {  	v2 =	vadd.s32 $0x545, v0;
	_ =	sdelay $0x3  }
0x10a: {  	[tilespmem:s6+$0xC90] =	vst v1  }
0x10b: {  	v1 =	vld.idx.msk [tilespmem:v2+s5+$0x0], $0xffff  }
0x10c: {  	v2 =	vadd.s32 $0x546, v0;
	_ =	sdelay $0x3  }
0x10d: {  	[tilespmem:s6+$0xD10] =	vst v1  }
0x10e: {  	v1 =	vld.idx.msk [tilespmem:v2+s5+$0x0], $0xffff  }
0x10f: {  	v2 =	vadd.s32 $0x547, v0;
	_ =	sdelay $0x3  }
0x110: {  	[tilespmem:s6+$0xD90] =	vst v1  }
0x111: {  	v1 =	vld.idx.msk [tilespmem:v2+s5+$0x0], $0xffff  }
0x112: {  	v2 =	vadd.s32 $0x548, v0;
	_ =	sdelay $0x3  }
0x113: {  	[tilespmem:s6+$0xE10] =	vst v1  }
0x114: {  	v1 =	vld.idx.msk [tilespmem:v2+s5+$0x0], $0xffff  }
0x115: {  	v2 =	vadd.s32 $0x549, v0;
	_ =	sdelay $0x3  }
0x116: {  	[tilespmem:s6+$0xE90] =	vst v1  }
0x117: {  	v1 =	vld.idx.msk [tilespmem:v2+s5+$0x0], $0xffff  }
0x118: {  	v2 =	vadd.s32 $0x54A, v0;
	_ =	sdelay $0x3  }
0x119: {  	[tilespmem:s6+$0xF10] =	vst v1  }
0x11a: {  	v1 =	vld.idx.msk [tilespmem:v2+s5+$0x0], $0xffff  }
0x11b: {  	v2 =	vadd.s32 $0x54B, v0;
	_ =	sdelay $0x3  }
0x11c: {  	[tilespmem:s6+$0xF90] =	vst v1  }
0x11d: {  	v1 =	vld.idx.msk [tilespmem:v2+s5+$0x0], $0xffff  }
0x11e: {  	v2 =	vadd.s32 $0x54C, v0;
	_ =	sdelay $0x3  }
0x11f: {  	[tilespmem:s6+$0x1010] =	vst v1  }
0x120: {  	v1 =	vld.idx.msk [tilespmem:v2+s5+$0x0], $0xffff  }
0x121: {  	v2 =	vadd.s32 $0x54D, v0;
	_ =	sdelay $0x3  }
0x122: {  	[tilespmem:s6+$0x1090] =	vst v1  }
0x123: {  	v1 =	vld.idx.msk [tilespmem:v2+s5+$0x0], $0xffff  }
0x124: {  	v2 =	vadd.s32 $0x54E, v0;
	_ =	sdelay $0x3  }
0x125: {  	[tilespmem:s6+$0x1110] =	vst v1  }
0x126: {  	v1 =	vld.idx.msk [tilespmem:v2+s5+$0x0], $0xffff  }
0x127: {  	v2 =	vadd.s32 $0x54F, v0;
	_ =	sdelay $0x3  }
0x128: {  	[tilespmem:s6+$0x1190] =	vst v1  }
0x129: {  	v1 =	vld.idx.msk [tilespmem:v2+s5+$0x0], $0xffff  }
0x12a: {  	v2 =	vadd.s32 $0x550, v0;
	_ =	sdelay $0x3  }
0x12b: {  	[tilespmem:s6+$0x1210] =	vst v1  }
0x12c: {  	v1 =	vld.idx.msk [tilespmem:v2+s5+$0x0], $0xffff  }
0x12d: {  	v2 =	vadd.s32 $0x551, v0;
	_ =	sdelay $0x3  }
0x12e: {  	[tilespmem:s6+$0x1290] =	vst v1  }
0x12f: {  	v1 =	vld.idx.msk [tilespmem:v2+s5+$0x0], $0xffff  }
0x130: {  	v2 =	vadd.s32 $0x552, v0;
	_ =	sdelay $0x3  }
0x131: {  	[tilespmem:s6+$0x1310] =	vst v1  }
0x132: {  	v1 =	vld.idx.msk [tilespmem:v2+s5+$0x0], $0xffff  }
0x133: {  	v2 =	vadd.s32 $0x553, v0;
	_ =	sdelay $0x3  }
0x134: {  	[tilespmem:s6+$0x1390] =	vst v1  }
0x135: {  	v1 =	vld.idx.msk [tilespmem:v2+s5+$0x0], $0xffff  }
0x136: {  	v2 =	vadd.s32 $0x554, v0;
	_ =	sdelay $0x3  }
0x137: {  	[tilespmem:s6+$0x1410] =	vst v1  }
0x138: {  	v1 =	vld.idx.msk [tilespmem:v2+s5+$0x0], $0xffff  }
0x139: {  	v2 =	vadd.s32 $0x555, v0;
	_ =	sdelay $0x3  }
0x13a: {  	[tilespmem:s6+$0x1490] =	vst v1  }
0x13b: {  	v1 =	vld.idx.msk [tilespmem:v2+s5+$0x0], $0xffff  }
0x13c: {  	v2 =	vadd.s32 $0x556, v0;
	_ =	sdelay $0x3  }
0x13d: {  	[tilespmem:s6+$0x1510] =	vst v1  }
0x13e: {  	v1 =	vld.idx.msk [tilespmem:v2+s5+$0x0], $0xffff  }
0x13f: {  	v2 =	vadd.s32 $0x557, v0;
	_ =	sdelay $0x3  }
0x140: {  	[tilespmem:s6+$0x1590] =	vst v1  }
0x141: {  	v1 =	vld.idx.msk [tilespmem:v2+s5+$0x0], $0xffff  }
0x142: {  	v2 =	vadd.s32 $0x558, v0;
	_ =	sdelay $0x3  }
0x143: {  	[tilespmem:s6+$0x1610] =	vst v1  }
0x144: {  	v1 =	vld.idx.msk [tilespmem:v2+s5+$0x0], $0xffff  }
0x145: {  	v2 =	vadd.s32 $0x559, v0;
	_ =	sdelay $0x3  }
0x146: {  	[tilespmem:s6+$0x1690] =	vst v1  }
0x147: {  	v1 =	vld.idx.msk [tilespmem:v2+s5+$0x0], $0xffff  }
0x148: {  	v2 =	vadd.s32 $0x55A, v0;
	_ =	sdelay $0x3  }
0x149: {  	[tilespmem:s6+$0x1710] =	vst v1  }
0x14a: {  	v1 =	vld.idx.msk [tilespmem:v2+s5+$0x0], $0xffff  }
0x14b: {  	v2 =	vadd.s32 $0x55B, v0;
	_ =	sdelay $0x3  }
0x14c: {  	[tilespmem:s6+$0x1790] =	vst v1  }
0x14d: {  	v1 =	vld.idx.msk [tilespmem:v2+s5+$0x0], $0xffff  }
0x14e: {  	v2 =	vadd.s32 $0x55C, v0;
	_ =	sdelay $0x3  }
0x14f: {  	[tilespmem:s6+$0x1810] =	vst v1  }
0x150: {  	v1 =	vld.idx.msk [tilespmem:v2+s5+$0x0], $0xffff  }
0x151: {  	v2 =	vadd.s32 $0x55D, v0;
	_ =	sdelay $0x3  }
0x152: {  	[tilespmem:s6+$0x1890] =	vst v1  }
0x153: {  	v1 =	vld.idx.msk [tilespmem:v2+s5+$0x0], $0xffff  }
0x154: {  	v2 =	vadd.s32 $0x55E, v0;
	_ =	sdelay $0x3  }
0x155: {  	[tilespmem:s6+$0x1910] =	vst v1  }
0x156: {  	v1 =	vld.idx.msk [tilespmem:v2+s5+$0x0], $0xffff  }
0x157: {  	v2 =	vadd.s32 $0x55F, v0;
	_ =	sdelay $0x3  }
0x158: {  	[tilespmem:s6+$0x1990] =	vst v1  }
0x159: {  	v1 =	vld.idx.msk [tilespmem:v2+s5+$0x0], $0xffff  }
0x15a: {  	v2 =	vadd.s32 $0x560, v0;
	_ =	sdelay $0x3  }
0x15b: {  	[tilespmem:s6+$0x1A10] =	vst v1  }
0x15c: {  	v1 =	vld.idx.msk [tilespmem:v2+s5+$0x0], $0xffff  }
0x15d: {  	v2 =	vadd.s32 $0x561, v0;
	_ =	sdelay $0x3  }
0x15e: {  	[tilespmem:s6+$0x1A90] =	vst v1  }
0x15f: {  	v1 =	vld.idx.msk [tilespmem:v2+s5+$0x0], $0xffff  }
0x160: {  	v2 =	vadd.s32 $0x562, v0;
	_ =	sdelay $0x3  }
0x161: {  	[tilespmem:s6+$0x1B10] =	vst v1  }
0x162: {  	v1 =	vld.idx.msk [tilespmem:v2+s5+$0x0], $0xffff  }
0x163: {  	v2 =	vadd.s32 $0x563, v0;
	_ =	sdelay $0x3  }
0x164: {  	[tilespmem:s6+$0x1B90] =	vst v1  }
0x165: {  	v1 =	vld.idx.msk [tilespmem:v2+s5+$0x0], $0xffff  }
0x166: {  	v2 =	vadd.s32 $0x564, v0;
	_ =	sdelay $0x3  }
0x167: {  	[tilespmem:s6+$0x1C10] =	vst v1  }
0x168: {  	v1 =	vld.idx.msk [tilespmem:v2+s5+$0x0], $0xffff  }
0x169: {  	v2 =	vadd.s32 $0x565, v0;
	_ =	sdelay $0x3  }
0x16a: {  	[tilespmem:s6+$0x1C90] =	vst v1  }
0x16b: {  	v1 =	vld.idx.msk [tilespmem:v2+s5+$0x0], $0xffff  }
0x16c: {  	v2 =	vadd.s32 $0x566, v0;
	_ =	sdelay $0x3  }
0x16d: {  	[tilespmem:s6+$0x1D10] =	vst v1  }
0x16e: {  	v1 =	vld.idx.msk [tilespmem:v2+s5+$0x0], $0xffff  }
0x16f: {  	v2 =	vadd.s32 $0x567, v0;
	_ =	sdelay $0x3  }
0x170: {  	[tilespmem:s6+$0x1D90] =	vst v1  }
0x171: {  	v1 =	vld.idx.msk [tilespmem:v2+s5+$0x0], $0xffff  }
0x172: {  	v2 =	vadd.s32 $0x568, v0;
	_ =	sdelay $0x3  }
0x173: {  	[tilespmem:s6+$0x1E10] =	vst v1  }
0x174: {  	v1 =	vld.idx.msk [tilespmem:v2+s5+$0x0], $0xffff  }
0x175: {  	v2 =	vadd.s32 $0x569, v0;
	_ =	sdelay $0x3  }
0x176: {  	[tilespmem:s6+$0x1E90] =	vst v1  }
0x177: {  	v1 =	vld.idx.msk [tilespmem:v2+s5+$0x0], $0xffff  }
0x178: {  	v2 =	vadd.s32 $0x56A, v0;
	_ =	sdelay $0x3  }
0x179: {  	[tilespmem:s6+$0x1F10] =	vst v1  }
0x17a: {  	v1 =	vld.idx.msk [tilespmem:v2+s5+$0x0], $0xffff  }
0x17b: {  	v2 =	vadd.s32 $0x56B, v0;
	_ =	sdelay $0x3  }
0x17c: {  	[tilespmem:s6+$0x1F90] =	vst v1  }
0x17d: {  	v1 =	vld.idx.msk [tilespmem:v2+s5+$0x0], $0xffff  }
0x17e: {  	v2 =	vadd.s32 $0x56C, v0;
	_ =	sdelay $0x3  }
0x17f: {  	[tilespmem:s6+$0x2010] =	vst v1  }
0x180: {  	v1 =	vld.idx.msk [tilespmem:v2+s5+$0x0], $0xffff  }
0x181: {  	v2 =	vadd.s32 $0x56D, v0;
	_ =	sdelay $0x3  }
0x182: {  	[tilespmem:s6+$0x2090] =	vst v1  }
0x183: {  	v1 =	vld.idx.msk [tilespmem:v2+s5+$0x0], $0xffff  }
0x184: {  	v2 =	vadd.s32 $0x56E, v0;
	_ =	sdelay $0x3  }
0x185: {  	[tilespmem:s6+$0x2110] =	vst v1  }
0x186: {  	v1 =	vld.idx.msk [tilespmem:v2+s5+$0x0], $0xffff  }
0x187: {  	v2 =	vadd.s32 $0x56F, v0;
	_ =	sdelay $0x3  }
0x188: {  	[tilespmem:s6+$0x2190] =	vst v1  }
0x189: {  	v1 =	vld.idx.msk [tilespmem:v2+s5+$0x0], $0xffff  }
0x18a: {  	v2 =	vadd.s32 $0x570, v0;
	_ =	sdelay $0x3  }
0x18b: {  	[tilespmem:s6+$0x2210] =	vst v1  }
0x18c: {  	v1 =	vld.idx.msk [tilespmem:v2+s5+$0x0], $0xffff  }
0x18d: {  	v2 =	vadd.s32 $0x571, v0;
	_ =	sdelay $0x3  }
0x18e: {  	[tilespmem:s6+$0x2290] =	vst v1  }
0x18f: {  	v1 =	vld.idx.msk [tilespmem:v2+s5+$0x0], $0xffff  }
0x190: {  	v2 =	vadd.s32 $0x572, v0;
	_ =	sdelay $0x3  }
0x191: {  	[tilespmem:s6+$0x2310] =	vst v1  }
0x192: {  	v1 =	vld.idx.msk [tilespmem:v2+s5+$0x0], $0xffff  }
0x193: {  	v2 =	vadd.s32 $0x573, v0;
	_ =	sdelay $0x3  }
0x194: {  	[tilespmem:s6+$0x2390] =	vst v1  }
0x195: {  	v1 =	vld.idx.msk [tilespmem:v2+s5+$0x0], $0xffff  }
0x196: {  	v2 =	vadd.s32 $0x574, v0;
	_ =	sdelay $0x3  }
0x197: {  	[tilespmem:s6+$0x2410] =	vst v1  }
0x198: {  	v1 =	vld.idx.msk [tilespmem:v2+s5+$0x0], $0xffff  }
0x199: {  	v2 =	vadd.s32 $0x575, v0;
	_ =	sdelay $0x3  }
0x19a: {  	[tilespmem:s6+$0x2490] =	vst v1  }
0x19b: {  	v1 =	vld.idx.msk [tilespmem:v2+s5+$0x0], $0xffff  }
0x19c: {  	v2 =	vadd.s32 $0x576, v0;
	_ =	sdelay $0x3  }
0x19d: {  	[tilespmem:s6+$0x2510] =	vst v1  }
0x19e: {  	v1 =	vld.idx.msk [tilespmem:v2+s5+$0x0], $0xffff  }
0x19f: {  	v2 =	vadd.s32 $0x577, v0;
	_ =	sdelay $0x3  }
0x1a0: {  	[tilespmem:s6+$0x2590] =	vst v1  }
0x1a1: {  	v1 =	vld.idx.msk [tilespmem:v2+s5+$0x0], $0xffff  }
0x1a2: {  	v2 =	vadd.s32 $0x578, v0;
	_ =	sdelay $0x3  }
0x1a3: {  	[tilespmem:s6+$0x2610] =	vst v1  }
0x1a4: {  	v1 =	vld.idx.msk [tilespmem:v2+s5+$0x0], $0xffff  }
0x1a5: {  	v2 =	vadd.s32 $0x579, v0;
	_ =	sdelay $0x3  }
0x1a6: {  	[tilespmem:s6+$0x2690] =	vst v1  }
0x1a7: {  	v1 =	vld.idx.msk [tilespmem:v2+s5+$0x0], $0xffff  }
0x1a8: {  	v2 =	vadd.s32 $0x57A, v0;
	_ =	sdelay $0x3  }
0x1a9: {  	[tilespmem:s6+$0x2710] =	vst v1  }
0x1aa: {  	v1 =	vld.idx.msk [tilespmem:v2+s5+$0x0], $0xffff  }
0x1ab: {  	v2 =	vadd.s32 $0x57B, v0;
	_ =	sdelay $0x3  }
0x1ac: {  	[tilespmem:s6+$0x2790] =	vst v1  }
0x1ad: {  	v1 =	vld.idx.msk [tilespmem:v2+s5+$0x0], $0xffff  }
0x1ae: {  	v2 =	vadd.s32 $0x57C, v0;
	_ =	sdelay $0x3  }
0x1af: {  	[tilespmem:s6+$0x2810] =	vst v1  }
0x1b0: {  	v1 =	vld.idx.msk [tilespmem:v2+s5+$0x0], $0xffff  }
0x1b1: {  	v2 =	vadd.s32 $0x57D, v0;
	_ =	sdelay $0x3  }
0x1b2: {  	[tilespmem:s6+$0x2890] =	vst v1  }
0x1b3: {  	v1 =	vld.idx.msk [tilespmem:v2+s5+$0x0], $0xffff  }
0x1b4: {  	v2 =	vadd.s32 $0x57E, v0;
	_ =	sdelay $0x3  }
0x1b5: {  	[tilespmem:s6+$0x2910] =	vst v1  }
0x1b6: {  	v1 =	vld.idx.msk [tilespmem:v2+s5+$0x0], $0xffff  }
0x1b7: {  	v2 =	vadd.s32 $0x57F, v0;
	_ =	sdelay $0x3  }
0x1b8: {  	[tilespmem:s6+$0x2990] =	vst v1  }
0x1b9: {  	v1 =	vld.idx.msk [tilespmem:v2+s5+$0x0], $0xffff  }
0x1ba: {  	v2 =	vadd.s32 $0x580, v0;
	_ =	sdelay $0x3  }
0x1bb: {  	[tilespmem:s6+$0x2A10] =	vst v1  }
0x1bc: {  	v1 =	vld.idx.msk [tilespmem:v2+s5+$0x0], $0xffff  }
0x1bd: {  	v2 =	vadd.s32 $0x581, v0;
	_ =	sdelay $0x3  }
0x1be: {  	[tilespmem:s6+$0x2A90] =	vst v1  }
0x1bf: {  	v1 =	vld.idx.msk [tilespmem:v2+s5+$0x0], $0xffff  }
0x1c0: {  	v2 =	vadd.s32 $0x582, v0;
	_ =	sdelay $0x3  }
0x1c1: {  	[tilespmem:s6+$0x2B10] =	vst v1  }
0x1c2: {  	v1 =	vld.idx.msk [tilespmem:v2+s5+$0x0], $0xffff  }
0x1c3: {  	v2 =	vadd.s32 $0x583, v0;
	_ =	sdelay $0x3  }
0x1c4: {  	[tilespmem:s6+$0x2B90] =	vst v1  }
0x1c5: {  	v1 =	vld.idx.msk [tilespmem:v2+s5+$0x0], $0xffff  }
0x1c6: {  	v2 =	vadd.s32 $0x584, v0;
	_ =	sdelay $0x3  }
0x1c7: {  	[tilespmem:s6+$0x2C10] =	vst v1  }
0x1c8: {  	v1 =	vld.idx.msk [tilespmem:v2+s5+$0x0], $0xffff  }
0x1c9: {  	v2 =	vadd.s32 $0x585, v0;
	_ =	sdelay $0x3  }
0x1ca: {  	[tilespmem:s6+$0x2C90] =	vst v1  }
0x1cb: {  	v1 =	vld.idx.msk [tilespmem:v2+s5+$0x0], $0xffff  }
0x1cc: {  	v2 =	vadd.s32 $0x586, v0;
	_ =	sdelay $0x3  }
0x1cd: {  	[tilespmem:s6+$0x2D10] =	vst v1  }
0x1ce: {  	v1 =	vld.idx.msk [tilespmem:v2+s5+$0x0], $0xffff  }
0x1cf: {  	v2 =	vadd.s32 $0x587, v0;
	_ =	sdelay $0x3  }
0x1d0: {  	[tilespmem:s6+$0x2D90] =	vst v1  }
0x1d1: {  	v1 =	vld.idx.msk [tilespmem:v2+s5+$0x0], $0xffff  }
0x1d2: {  	v2 =	vadd.s32 $0x588, v0;
	_ =	sdelay $0x3  }
0x1d3: {  	[tilespmem:s6+$0x2E10] =	vst v1  }
0x1d4: {  	v1 =	vld.idx.msk [tilespmem:v2+s5+$0x0], $0xffff  }
0x1d5: {  	v2 =	vadd.s32 $0x589, v0;
	_ =	sdelay $0x3  }
0x1d6: {  	[tilespmem:s6+$0x2E90] =	vst v1  }
0x1d7: {  	v1 =	vld.idx.msk [tilespmem:v2+s5+$0x0], $0xffff  }
0x1d8: {  	v2 =	vadd.s32 $0x58A, v0;
	_ =	sdelay $0x3  }
0x1d9: {  	[tilespmem:s6+$0x2F10] =	vst v1  }
0x1da: {  	v1 =	vld.idx.msk [tilespmem:v2+s5+$0x0], $0xffff  }
0x1db: {  	v2 =	vadd.s32 $0x58B, v0;
	_ =	sdelay $0x3  }
0x1dc: {  	[tilespmem:s6+$0x2F90] =	vst v1  }
0x1dd: {  	v1 =	vld.idx.msk [tilespmem:v2+s5+$0x0], $0xffff  }
0x1de: {  	v2 =	vadd.s32 $0x58C, v0;
	_ =	sdelay $0x3  }
0x1df: {  	[tilespmem:s6+$0x3010] =	vst v1  }
0x1e0: {  	v1 =	vld.idx.msk [tilespmem:v2+s5+$0x0], $0xffff  }
0x1e1: {  	v2 =	vadd.s32 $0x58D, v0;
	_ =	sdelay $0x3  }
0x1e2: {  	[tilespmem:s6+$0x3090] =	vst v1  }
0x1e3: {  	v1 =	vld.idx.msk [tilespmem:v2+s5+$0x0], $0xffff  }
0x1e4: {  	v2 =	vadd.s32 $0x58E, v0;
	_ =	sdelay $0x3  }
0x1e5: {  	[tilespmem:s6+$0x3110] =	vst v1  }
0x1e6: {  	v1 =	vld.idx.msk [tilespmem:v2+s5+$0x0], $0xffff  }
0x1e7: {  	v2 =	vadd.s32 $0x58F, v0;
	_ =	sdelay $0x3  }
0x1e8: {  	[tilespmem:s6+$0x3190] =	vst v1  }
0x1e9: {  	v1 =	vld.idx.msk [tilespmem:v2+s5+$0x0], $0xffff  }
0x1ea: {  	v2 =	vadd.s32 $0x590, v0;
	_ =	sdelay $0x3  }
0x1eb: {  	[tilespmem:s6+$0x3210] =	vst v1  }
0x1ec: {  	v1 =	vld.idx.msk [tilespmem:v2+s5+$0x0], $0xffff  }
0x1ed: {  	v2 =	vadd.s32 $0x591, v0;
	_ =	sdelay $0x3  }
0x1ee: {  	[tilespmem:s6+$0x3290] =	vst v1  }
0x1ef: {  	v1 =	vld.idx.msk [tilespmem:v2+s5+$0x0], $0xffff  }
0x1f0: {  	v2 =	vadd.s32 $0x592, v0;
	_ =	sdelay $0x3  }
0x1f1: {  	[tilespmem:s6+$0x3310] =	vst v1  }
0x1f2: {  	v1 =	vld.idx.msk [tilespmem:v2+s5+$0x0], $0xffff  }
0x1f3: {  	v2 =	vadd.s32 $0x593, v0;
	_ =	sdelay $0x3  }
0x1f4: {  	[tilespmem:s6+$0x3390] =	vst v1  }
0x1f5: {  	p0 =	sne.s32 s29, $0x180;
	v1 =	vld.idx.msk [tilespmem:v2+s5+$0x0], $0xffff  }
.Ltmp2:
0x1f6: {  	_ = 	snop;
	(pc) =	sbr.rel @p0 .LBB2_2-.Ltmp2, $2  }
0x1f7: {  	_ =	sdelay $0x2  }
0x1f8: {  	s17 =	sadd.s32 $0xA80, s17;
	s29 =	sadd.s32 $0x80, s29;
	[tilespmem:s6+$0x3410] =	vst v1  }
0x1f9: {  	[bflag:$0x0] =	sbarrier.arrive $0xFFFF;
	s0 =	simm.s32 $0xD80;
	s2 =	simm.s32 $0xA80  }
0x1fa: {  	[tilespmem:s25], [sflag:$0x9] =	stream.indirect.gather [hbm4b:s7+s21], $0x80, s0, s21, $0xb8;
	[tilespmem:$0x1EE80] =	vst v63  }
0x1fb: {  	s28 =	simm.s32 $0xB00;
	s29 =	simm.s32 $0x7680;
	s26 =	rddreg [dreg:$0x0]  }
0x1fc: {  	[tilespmem:s1], [sflag:$0x1] =	stream.indirect.gather [hbm4b:s26+s21], $0x80, s2, s21, $0xb8;
	[tilespmem:$0x1EE80] =	vst v63  }
0x1fd: {  	s17 =	simm.s32 $0x0;
	p0 =	por $0x0, $0x0;
	s2 =	simm.s32 $0xD00  }
0x1fe: {  	[tilespmem:s29], [sflag:$0x2] =	stream.indirect.gather [spmem:s3], $0x80, s28, s21, $0xb8;
	[tilespmem:$0x1EE80] =	vst v63  }
.LBB2_4:
0x1ff: {  	s6 =	smul.u32 $0x6, s17;
	_ =	sdelay $0x1  }
0x200: {  	s8 =	sand.u32 $0x2, s6  }
0x201: {  	s9 =	smul.u32 $0x300000, s17;
	s4 =	sor.u32 $0x1, s8  }
0x202: {  	_ =	swait.ge [sflag:s4], $0x4000  }
0x203: {  	p1 =	seq.s32 s17, $0x0;
	s9 =	sadd.s32 s10, s9;
	[sflag:s4] =	ssyncset.done $0x0  }
0x204: {  	s28 =	smul.u32 $0xE00, s17;
	s29 =	sshrl.u32 s9, $0x3;
	[sflag:s4] =	ssyncadd.s32 $0xFFFFC000  }
0x205: {  	s9 =	sshll.u32 s8, $0xE;
	s20 =	sor.u32 $0x5, s8;
	s0 =	rddreg [dreg:$0x2]  }
0x206: {  	s18 =	sxor.u32 $0x2, s8;
	s24 =	sor.u32 $0x3680, s9;
	s16 =	sadd.s32 s0, s29  }
0x207: {  	[hbm4b:s16+s22] =	stream.strided.scatter [tilespmem:s24], [sflag:s20], $0x4000, s30, s22, $0x38;
	[tilespmem:$0x1EE80] =	vst v63  }
0x208: {  	s16 =	sadd.s32 @!p1 $0x5, s18  }
0x209: {  	s19 =	sshra.s32 s28, $0x2;
	_ =	swait.ge @!p1 [sflag:s16], $0x4000  }
0x20a: {  	s26 =	sshll.u32 s18, $0xE;
	s1 =	sadd.s32 $0x1, s18;
	[sflag:s16] =	ssyncset.done @!p1 $0x0  }
0x20b: {  	s26 =	sor.u32 $0x3680, s26;
	s0 =	sadd.s32 $0xB80, s19;
	[sflag:s16] =	ssyncadd.s32 @!p1 $0xFFFFC000  }
0x20c: {  	[tilespmem:s26], [sflag:s1] =	stream.indirect.gather [spmem:s3], $0x80, s0, s21, $0xb8;
	[tilespmem:$0x1EE80] =	vst v63  }
0x20d: {  	s6 =	sadd.s32 $0xFFFFFFFF, s6;
	s0 =	sadd.s32 $0x2, s8  }
0x20e: {  	s6 =	sand.u32 $0x3, s6;
	_ =	swait.ge [sflag:s0], $0x4000  }
0x20f: {  	s9 =	sor.u32 $0x7680, s9;
	s16 =	sadd.s32 @!p1 $0x5, s6;
	[sflag:s0] =	ssyncset.done $0x0  }
0x210: {  	s8 =	sadd.s32 $0x6, s8;
	[sflag:s0] =	ssyncadd.s32 $0xFFFFC000;
	s0 =	sadd.s32 s29, s11  }
0x211: {  	[hbm4b:s0+s22] =	stream.strided.scatter [tilespmem:s9], [sflag:s8], $0x4000, s30, s22, $0x38;
	[tilespmem:$0x1EE80] =	vst v63  }
0x212: {  	_ =	swait.ge @!p1 [sflag:s16], $0x4000  }
0x213: {  	s28 =	sadd.s32 $0x1, s6;
	s0 =	sshll.u32 s6, $0xE;
	[sflag:s16] =	ssyncset.done @!p1 $0x0  }
0x214: {  	[sflag:s16] =	ssyncadd.s32 @!p1 $0xFFFFC000;
	s16 =	sor.u32 $0x3680, s0;
	s0 =	sadd.s32 $0xC00, s19  }
0x215: {  	[tilespmem:s16], [sflag:s28] =	stream.indirect.gather [spmem:s3], $0x80, s0, s21, $0xb8;
	[tilespmem:$0x1EE80] =	vst v63  }
0x216: {  	_ =	swait.ge [sflag:s1], $0x4000  }
0x217: {  	[sflag:s1] =	ssyncset.done $0x0  }
0x218: {  	s0 =	sadd.s32 $0x5, s18;
	s18 =	sadd.s32 s29, s12;
	[sflag:s1] =	ssyncadd.s32 $0xFFFFC000  }
0x219: {  	[hbm4b:s18+s22] =	stream.strided.scatter [tilespmem:s26], [sflag:s0], $0x4000, s30, s22, $0x38;
	[tilespmem:$0x1EE80] =	vst v63  }
0x21a: {  	_ =	swait.ge [sflag:s20], $0x4000  }
0x21b: {  	[sflag:s20] =	ssyncset.done $0x0  }
0x21c: {  	s19 =	sadd.s32 $0xC80, s19;
	[sflag:s20] =	ssyncadd.s32 $0xFFFFC000  }
0x21d: {  	[tilespmem:s24], [sflag:s4] =	stream.indirect.gather [spmem:s3], $0x80, s19, s21, $0xb8;
	[tilespmem:$0x1EE80] =	vst v63  }
0x21e: {  	_ =	swait.ge [sflag:s28], $0x4000  }
0x21f: {  	[sflag:s28] =	ssyncset.done $0x0  }
0x220: {  	s18 =	sadd.s32 $0x5, s6;
	s19 =	sadd.s32 s29, s13;
	[sflag:s28] =	ssyncadd.s32 $0xFFFFC000  }
0x221: {  	[hbm4b:s19+s22] =	stream.strided.scatter [tilespmem:s16], [sflag:s18], $0x4000, s30, s22, $0x38;
	[tilespmem:$0x1EE80] =	vst v63  }
0x222: {  	_ =	swait.ge [sflag:s8], $0x4000  }
0x223: {  	[sflag:s8] =	ssyncset.done $0x0  }
0x224: {  	[sflag:s8] =	ssyncadd.s32 $0xFFFFC000  }
0x225: {  	_ =	swait.ge [sflag:s4], $0x4000  }
0x226: {  	p1 =	seq.s32 s17, $0xB;
	[sflag:s4] =	ssyncset.done $0x0  }
0x227: {  	s19 =	sadd.s32 s29, s14;
	[sflag:s4] =	ssyncadd.s32 $0xFFFFC000;
	s4 =	sadd.s32 $0x1, s17  }
0x228: {  	[hbm4b:s19+s22] =	stream.strided.scatter [tilespmem:s24], [sflag:s20], $0x4000, s30, s22, $0x38;
	[tilespmem:$0x1EE80] =	vst v63  }
0x229: {  	s6 =	smul.u32 @!p1 $0xE00, s4;
	_ =	swait.ge @!p1 [sflag:s0], $0x4000  }
0x22a: {  	[sflag:s0] =	ssyncset.done @!p1 $0x0  }
0x22b: {  	s6 =	sshra.s32 @!p1 s6, $0x2;
	[sflag:s0] =	ssyncadd.s32 @!p1 $0xFFFFC000  }
0x22c: {  	s0 =	sadd.s32 @!p1 $0xA80, s6;
	s6 =	simm.s32 @!p1 $0x80;
	s19 =	rddreg [dreg:$0x0]  }
0x22d: {  	[tilespmem:s26], [sflag:s1] =	stream.indirect.gather @!p1 [hbm4b:s19+s6], $0x80, s0, s6, $0xb8;
	[tilespmem:$0x1EE80] =	vst v63  }
0x22e: {  	s0 =	simm.s32 $0x1  }
0x22f: {  	s0 =	simm.s32 @!p0 $0x0  }
0x230: {  	_ =	swait.ge [sflag:s31], $0x4000;
	s0 =	sshll.u32 s0, $0xF  }
0x231: {  	[sflag:s31] =	ssyncset.done $0x0;
	s0 =	sor.u32 $0x3680, s0  }
0x232: {  	s20 =	simm.s32 $0x0;
	s6 =	smov.u32 s2;
	[sflag:s31] =	ssyncadd.s32 $0xFFFFC000;
	v1 =	vmov s0  }
.LBB2_5:
0x233: {  	v2 =	vld [tilespmem:s6+$0x0];
	_ =	sdelay $0x4  }
0x234: {  	v2 =	vshll.u32 v2, $0x6  }
0x235: {  	v2 =	vadd.s32 $0x17680, v2  }
0x236: {  	(v2sf) =	vpush v2, $0x1  }
0x237: {  	(v2sf) =	vpush v2, $0x0;
	_ =	sdelay $0xd  }
0x238: {  	s0 =	spop (v2sf)  }
0x239: {  	s1 =	spop (v2sf)  }
0x23a: {  	v3 =	vld [tilespmem:s1+$0x0];
	_ =	sdelay $0x3  }
0x23b: {  	s24 =	sshra.s32 s20, $0x2  }
0x23c: {  	[tilespmem:v1+s24+$0x4000 ss:$0x1] =	vst.idx.msk $0xffff, v3  }
0x23d: {  	v3 =	vld [tilespmem:s24+$0x136C0];
	_ =	sdelay $0x4  }
0x23e: {  	[tilespmem:v1+s24+$0x4040 ss:$0x1] =	vst.idx.msk $0xffff, v3  }
0x23f: {  	v3 =	vld [tilespmem:s1+$0x10];
	_ =	sdelay $0x4  }
0x240: {  	[tilespmem:v1+s24+$0x4010 ss:$0x1] =	vst.idx.msk $0xffff, v3  }
0x241: {  	v3 =	vld [tilespmem:s24+$0x136D0];
	_ =	sdelay $0x4  }
0x242: {  	[tilespmem:v1+s24+$0x4050 ss:$0x1] =	vst.idx.msk $0xffff, v3  }
0x243: {  	v3 =	vld [tilespmem:s1+$0x20];
	_ =	sdelay $0x4  }
0x244: {  	[tilespmem:v1+s24+$0x4020 ss:$0x1] =	vst.idx.msk $0xffff, v3  }
0x245: {  	v3 =	vld [tilespmem:s24+$0x136E0];
	_ =	sdelay $0x4  }
0x246: {  	[tilespmem:v1+s24+$0x4060 ss:$0x1] =	vst.idx.msk $0xffff, v3  }
0x247: {  	v3 =	vld [tilespmem:s1+$0x30];
	_ =	sdelay $0x4  }
0x248: {  	[tilespmem:v1+s24+$0x4030 ss:$0x1] =	vst.idx.msk $0xffff, v3  }
0x249: {  	v3 =	vld [tilespmem:s24+$0x136F0];
	_ =	sdelay $0x4  }
0x24a: {  	[tilespmem:v1+s24+$0x4070 ss:$0x1] =	vst.idx.msk $0xffff, v3  }
0x24b: {  	v3 =	vld [tilespmem:s0+$0x0];
	_ =	sdelay $0x4  }
0x24c: {  	[tilespmem:v1+s24+$0x4080 ss:$0x1] =	vst.idx.msk $0xffff, v3  }
0x24d: {  	v3 =	vld [tilespmem:s24+$0x13740];
	_ =	sdelay $0x4  }
0x24e: {  	[tilespmem:v1+s24+$0x40C0 ss:$0x1] =	vst.idx.msk $0xffff, v3  }
0x24f: {  	v3 =	vld [tilespmem:s0+$0x10];
	_ =	sdelay $0x4  }
0x250: {  	[tilespmem:v1+s24+$0x4090 ss:$0x1] =	vst.idx.msk $0xffff, v3  }
0x251: {  	v3 =	vld [tilespmem:s24+$0x13750];
	_ =	sdelay $0x4  }
0x252: {  	[tilespmem:v1+s24+$0x40D0 ss:$0x1] =	vst.idx.msk $0xffff, v3  }
0x253: {  	v3 =	vld [tilespmem:s0+$0x20];
	_ =	sdelay $0x4  }
0x254: {  	[tilespmem:v1+s24+$0x40A0 ss:$0x1] =	vst.idx.msk $0xffff, v3  }
0x255: {  	v3 =	vld [tilespmem:s24+$0x13760]  }
0x256: {  	(v2sf) =	vpush v2, $0x3  }
0x257: {  	(v2sf) =	vpush v2, $0x2;
	_ =	sdelay $0x2  }
0x258: {  	[tilespmem:v1+s24+$0x40E0 ss:$0x1] =	vst.idx.msk $0xffff, v3  }
0x259: {  	v3 =	vld [tilespmem:s0+$0x30];
	_ =	sdelay $0x4  }
0x25a: {  	[tilespmem:v1+s24+$0x40B0 ss:$0x1] =	vst.idx.msk $0xffff, v3  }
0x25b: {  	v3 =	vld [tilespmem:s24+$0x13770];
	_ =	sdelay $0x3  }
0x25c: {  	s19 =	spop (v2sf)  }
0x25d: {  	s26 =	spop (v2sf);
	[tilespmem:v1+s24+$0x40F0 ss:$0x1] =	vst.idx.msk $0xffff, v3  }
0x25e: {  	v3 =	vld [tilespmem:s26+$0x0];
	_ =	sdelay $0x4  }
0x25f: {  	[tilespmem:v1+s24+$0x4100 ss:$0x1] =	vst.idx.msk $0xffff, v3  }
0x260: {  	v3 =	vld [tilespmem:s24+$0x137C0];
	_ =	sdelay $0x4  }
0x261: {  	[tilespmem:v1+s24+$0x4140 ss:$0x1] =	vst.idx.msk $0xffff, v3  }
0x262: {  	v3 =	vld [tilespmem:s26+$0x10];
	_ =	sdelay $0x4  }
0x263: {  	[tilespmem:v1+s24+$0x4110 ss:$0x1] =	vst.idx.msk $0xffff, v3  }
0x264: {  	v3 =	vld [tilespmem:s24+$0x137D0];
	_ =	sdelay $0x4  }
0x265: {  	[tilespmem:v1+s24+$0x4150 ss:$0x1] =	vst.idx.msk $0xffff, v3  }
0x266: {  	v3 =	vld [tilespmem:s26+$0x20];
	_ =	sdelay $0x4  }
0x267: {  	[tilespmem:v1+s24+$0x4120 ss:$0x1] =	vst.idx.msk $0xffff, v3  }
0x268: {  	v3 =	vld [tilespmem:s24+$0x137E0];
	_ =	sdelay $0x4  }
0x269: {  	[tilespmem:v1+s24+$0x4160 ss:$0x1] =	vst.idx.msk $0xffff, v3  }
0x26a: {  	v3 =	vld [tilespmem:s26+$0x30];
	_ =	sdelay $0x4  }
0x26b: {  	[tilespmem:v1+s24+$0x4130 ss:$0x1] =	vst.idx.msk $0xffff, v3  }
0x26c: {  	v3 =	vld [tilespmem:s24+$0x137F0];
	_ =	sdelay $0x4  }
0x26d: {  	[tilespmem:v1+s24+$0x4170 ss:$0x1] =	vst.idx.msk $0xffff, v3  }
0x26e: {  	v3 =	vld [tilespmem:s19+$0x0];
	_ =	sdelay $0x4  }
0x26f: {  	[tilespmem:v1+s24+$0x4180 ss:$0x1] =	vst.idx.msk $0xffff, v3  }
0x270: {  	v3 =	vld [tilespmem:s24+$0x13840];
	_ =	sdelay $0x4  }
0x271: {  	[tilespmem:v1+s24+$0x41C0 ss:$0x1] =	vst.idx.msk $0xffff, v3  }
0x272: {  	v3 =	vld [tilespmem:s19+$0x10];
	_ =	sdelay $0x4  }
0x273: {  	[tilespmem:v1+s24+$0x4190 ss:$0x1] =	vst.idx.msk $0xffff, v3  }
0x274: {  	v3 =	vld [tilespmem:s24+$0x13850];
	_ =	sdelay $0x4  }
0x275: {  	[tilespmem:v1+s24+$0x41D0 ss:$0x1] =	vst.idx.msk $0xffff, v3  }
0x276: {  	v3 =	vld [tilespmem:s19+$0x20];
	_ =	sdelay $0x4  }
0x277: {  	[tilespmem:v1+s24+$0x41A0 ss:$0x1] =	vst.idx.msk $0xffff, v3  }
0x278: {  	v3 =	vld [tilespmem:s24+$0x13860]  }
0x279: {  	(v2sf) =	vpush v2, $0x5  }
0x27a: {  	(v2sf) =	vpush v2, $0x4;
	_ =	sdelay $0x2  }
0x27b: {  	[tilespmem:v1+s24+$0x41E0 ss:$0x1] =	vst.idx.msk $0xffff, v3  }
0x27c: {  	v3 =	vld [tilespmem:s19+$0x30];
	_ =	sdelay $0x4  }
0x27d: {  	[tilespmem:v1+s24+$0x41B0 ss:$0x1] =	vst.idx.msk $0xffff, v3  }
0x27e: {  	v3 =	vld [tilespmem:s24+$0x13870];
	_ =	sdelay $0x3  }
0x27f: {  	s19 =	spop (v2sf)  }
0x280: {  	s26 =	spop (v2sf);
	[tilespmem:v1+s24+$0x41F0 ss:$0x1] =	vst.idx.msk $0xffff, v3  }
0x281: {  	v3 =	vld [tilespmem:s26+$0x0];
	_ =	sdelay $0x4  }
0x282: {  	[tilespmem:v1+s24+$0x4200 ss:$0x1] =	vst.idx.msk $0xffff, v3  }
0x283: {  	v3 =	vld [tilespmem:s24+$0x138C0];
	_ =	sdelay $0x4  }
0x284: {  	[tilespmem:v1+s24+$0x4240 ss:$0x1] =	vst.idx.msk $0xffff, v3  }
0x285: {  	v3 =	vld [tilespmem:s26+$0x10];
	_ =	sdelay $0x4  }
0x286: {  	[tilespmem:v1+s24+$0x4210 ss:$0x1] =	vst.idx.msk $0xffff, v3  }
0x287: {  	v3 =	vld [tilespmem:s24+$0x138D0];
	_ =	sdelay $0x4  }
0x288: {  	[tilespmem:v1+s24+$0x4250 ss:$0x1] =	vst.idx.msk $0xffff, v3  }
0x289: {  	v3 =	vld [tilespmem:s26+$0x20];
	_ =	sdelay $0x4  }
0x28a: {  	[tilespmem:v1+s24+$0x4220 ss:$0x1] =	vst.idx.msk $0xffff, v3  }
0x28b: {  	v3 =	vld [tilespmem:s24+$0x138E0];
	_ =	sdelay $0x4  }
0x28c: {  	[tilespmem:v1+s24+$0x4260 ss:$0x1] =	vst.idx.msk $0xffff, v3  }
0x28d: {  	v3 =	vld [tilespmem:s26+$0x30];
	_ =	sdelay $0x4  }
0x28e: {  	[tilespmem:v1+s24+$0x4230 ss:$0x1] =	vst.idx.msk $0xffff, v3  }
0x28f: {  	v3 =	vld [tilespmem:s24+$0x138F0];
	_ =	sdelay $0x4  }
0x290: {  	[tilespmem:v1+s24+$0x4270 ss:$0x1] =	vst.idx.msk $0xffff, v3  }
0x291: {  	v3 =	vld [tilespmem:s19+$0x0];
	_ =	sdelay $0x4  }
0x292: {  	[tilespmem:v1+s24+$0x4280 ss:$0x1] =	vst.idx.msk $0xffff, v3  }
0x293: {  	v3 =	vld [tilespmem:s24+$0x13940];
	_ =	sdelay $0x4  }
0x294: {  	[tilespmem:v1+s24+$0x42C0 ss:$0x1] =	vst.idx.msk $0xffff, v3  }
0x295: {  	v3 =	vld [tilespmem:s19+$0x10];
	_ =	sdelay $0x4  }
0x296: {  	[tilespmem:v1+s24+$0x4290 ss:$0x1] =	vst.idx.msk $0xffff, v3  }
0x297: {  	v3 =	vld [tilespmem:s24+$0x13950];
	_ =	sdelay $0x4  }
0x298: {  	[tilespmem:v1+s24+$0x42D0 ss:$0x1] =	vst.idx.msk $0xffff, v3  }
0x299: {  	v3 =	vld [tilespmem:s19+$0x20];
	_ =	sdelay $0x4  }
0x29a: {  	[tilespmem:v1+s24+$0x42A0 ss:$0x1] =	vst.idx.msk $0xffff, v3  }
0x29b: {  	v3 =	vld [tilespmem:s24+$0x13960]  }
0x29c: {  	(v2sf) =	vpush v2, $0x7  }
0x29d: {  	(v2sf) =	vpush v2, $0x6;
	_ =	sdelay $0x2  }
0x29e: {  	[tilespmem:v1+s24+$0x42E0 ss:$0x1] =	vst.idx.msk $0xffff, v3  }
0x29f: {  	v3 =	vld [tilespmem:s19+$0x30];
	_ =	sdelay $0x4  }
0x2a0: {  	[tilespmem:v1+s24+$0x42B0 ss:$0x1] =	vst.idx.msk $0xffff, v3  }
0x2a1: {  	v3 =	vld [tilespmem:s24+$0x13970];
	_ =	sdelay $0x3  }
0x2a2: {  	s19 =	spop (v2sf)  }
0x2a3: {  	s26 =	spop (v2sf);
	[tilespmem:v1+s24+$0x42F0 ss:$0x1] =	vst.idx.msk $0xffff, v3  }
0x2a4: {  	v3 =	vld [tilespmem:s26+$0x0];
	_ =	sdelay $0x4  }
0x2a5: {  	[tilespmem:v1+s24+$0x4300 ss:$0x1] =	vst.idx.msk $0xffff, v3  }
0x2a6: {  	v3 =	vld [tilespmem:s24+$0x139C0];
	_ =	sdelay $0x4  }
0x2a7: {  	[tilespmem:v1+s24+$0x4340 ss:$0x1] =	vst.idx.msk $0xffff, v3  }
0x2a8: {  	v3 =	vld [tilespmem:s26+$0x10];
	_ =	sdelay $0x4  }
0x2a9: {  	[tilespmem:v1+s24+$0x4310 ss:$0x1] =	vst.idx.msk $0xffff, v3  }
0x2aa: {  	v3 =	vld [tilespmem:s24+$0x139D0];
	_ =	sdelay $0x4  }
0x2ab: {  	[tilespmem:v1+s24+$0x4350 ss:$0x1] =	vst.idx.msk $0xffff, v3  }
0x2ac: {  	v3 =	vld [tilespmem:s26+$0x20];
	_ =	sdelay $0x4  }
0x2ad: {  	[tilespmem:v1+s24+$0x4320 ss:$0x1] =	vst.idx.msk $0xffff, v3  }
0x2ae: {  	v3 =	vld [tilespmem:s24+$0x139E0];
	_ =	sdelay $0x4  }
0x2af: {  	[tilespmem:v1+s24+$0x4360 ss:$0x1] =	vst.idx.msk $0xffff, v3  }
0x2b0: {  	v3 =	vld [tilespmem:s26+$0x30];
	_ =	sdelay $0x4  }
0x2b1: {  	[tilespmem:v1+s24+$0x4330 ss:$0x1] =	vst.idx.msk $0xffff, v3  }
0x2b2: {  	v3 =	vld [tilespmem:s24+$0x139F0];
	_ =	sdelay $0x4  }
0x2b3: {  	[tilespmem:v1+s24+$0x4370 ss:$0x1] =	vst.idx.msk $0xffff, v3  }
0x2b4: {  	v3 =	vld [tilespmem:s19+$0x0];
	_ =	sdelay $0x4  }
0x2b5: {  	[tilespmem:v1+s24+$0x4380 ss:$0x1] =	vst.idx.msk $0xffff, v3  }
0x2b6: {  	v3 =	vld [tilespmem:s24+$0x13A40];
	_ =	sdelay $0x4  }
0x2b7: {  	[tilespmem:v1+s24+$0x43C0 ss:$0x1] =	vst.idx.msk $0xffff, v3  }
0x2b8: {  	v3 =	vld [tilespmem:s19+$0x10];
	_ =	sdelay $0x4  }
0x2b9: {  	[tilespmem:v1+s24+$0x4390 ss:$0x1] =	vst.idx.msk $0xffff, v3  }
0x2ba: {  	v3 =	vld [tilespmem:s24+$0x13A50];
	_ =	sdelay $0x4  }
0x2bb: {  	[tilespmem:v1+s24+$0x43D0 ss:$0x1] =	vst.idx.msk $0xffff, v3  }
0x2bc: {  	v3 =	vld [tilespmem:s19+$0x20];
	_ =	sdelay $0x4  }
0x2bd: {  	[tilespmem:v1+s24+$0x43A0 ss:$0x1] =	vst.idx.msk $0xffff, v3  }
0x2be: {  	v3 =	vld [tilespmem:s24+$0x13A60]  }
0x2bf: {  	(v2sf) =	vpush v2, $0x9  }
0x2c0: {  	(v2sf) =	vpush v2, $0x8;
	_ =	sdelay $0x2  }
0x2c1: {  	[tilespmem:v1+s24+$0x43E0 ss:$0x1] =	vst.idx.msk $0xffff, v3  }
0x2c2: {  	v3 =	vld [tilespmem:s19+$0x30];
	_ =	sdelay $0x4  }
0x2c3: {  	[tilespmem:v1+s24+$0x43B0 ss:$0x1] =	vst.idx.msk $0xffff, v3  }
0x2c4: {  	v3 =	vld [tilespmem:s24+$0x13A70];
	_ =	sdelay $0x3  }
0x2c5: {  	s19 =	spop (v2sf)  }
0x2c6: {  	s26 =	spop (v2sf);
	[tilespmem:v1+s24+$0x43F0 ss:$0x1] =	vst.idx.msk $0xffff, v3  }
0x2c7: {  	v3 =	vld [tilespmem:s26+$0x0];
	_ =	sdelay $0x4  }
0x2c8: {  	[tilespmem:v1+s24+$0x4400 ss:$0x1] =	vst.idx.msk $0xffff, v3  }
0x2c9: {  	v3 =	vld [tilespmem:s24+$0x13AC0];
	_ =	sdelay $0x4  }
0x2ca: {  	[tilespmem:v1+s24+$0x4440 ss:$0x1] =	vst.idx.msk $0xffff, v3  }
0x2cb: {  	v3 =	vld [tilespmem:s26+$0x10];
	_ =	sdelay $0x4  }
0x2cc: {  	[tilespmem:v1+s24+$0x4410 ss:$0x1] =	vst.idx.msk $0xffff, v3  }
0x2cd: {  	v3 =	vld [tilespmem:s24+$0x13AD0];
	_ =	sdelay $0x4  }
0x2ce: {  	[tilespmem:v1+s24+$0x4450 ss:$0x1] =	vst.idx.msk $0xffff, v3  }
0x2cf: {  	v3 =	vld [tilespmem:s26+$0x20];
	_ =	sdelay $0x4  }
0x2d0: {  	[tilespmem:v1+s24+$0x4420 ss:$0x1] =	vst.idx.msk $0xffff, v3  }
0x2d1: {  	v3 =	vld [tilespmem:s24+$0x13AE0];
	_ =	sdelay $0x4  }
0x2d2: {  	[tilespmem:v1+s24+$0x4460 ss:$0x1] =	vst.idx.msk $0xffff, v3  }
0x2d3: {  	v3 =	vld [tilespmem:s26+$0x30];
	_ =	sdelay $0x4  }
0x2d4: {  	[tilespmem:v1+s24+$0x4430 ss:$0x1] =	vst.idx.msk $0xffff, v3  }
0x2d5: {  	v3 =	vld [tilespmem:s24+$0x13AF0];
	_ =	sdelay $0x4  }
0x2d6: {  	[tilespmem:v1+s24+$0x4470 ss:$0x1] =	vst.idx.msk $0xffff, v3  }
0x2d7: {  	v3 =	vld [tilespmem:s19+$0x0];
	_ =	sdelay $0x4  }
0x2d8: {  	[tilespmem:v1+s24+$0x4480 ss:$0x1] =	vst.idx.msk $0xffff, v3  }
0x2d9: {  	v3 =	vld [tilespmem:s24+$0x13B40];
	_ =	sdelay $0x4  }
0x2da: {  	[tilespmem:v1+s24+$0x44C0 ss:$0x1] =	vst.idx.msk $0xffff, v3  }
0x2db: {  	v3 =	vld [tilespmem:s19+$0x10];
	_ =	sdelay $0x4  }
0x2dc: {  	[tilespmem:v1+s24+$0x4490 ss:$0x1] =	vst.idx.msk $0xffff, v3  }
0x2dd: {  	v3 =	vld [tilespmem:s24+$0x13B50];
	_ =	sdelay $0x4  }
0x2de: {  	[tilespmem:v1+s24+$0x44D0 ss:$0x1] =	vst.idx.msk $0xffff, v3  }
0x2df: {  	v3 =	vld [tilespmem:s19+$0x20];
	_ =	sdelay $0x4  }
0x2e0: {  	[tilespmem:v1+s24+$0x44A0 ss:$0x1] =	vst.idx.msk $0xffff, v3  }
0x2e1: {  	v3 =	vld [tilespmem:s24+$0x13B60]  }
0x2e2: {  	(v2sf) =	vpush v2, $0xB  }
0x2e3: {  	(v2sf) =	vpush v2, $0xA;
	_ =	sdelay $0x2  }
0x2e4: {  	[tilespmem:v1+s24+$0x44E0 ss:$0x1] =	vst.idx.msk $0xffff, v3  }
0x2e5: {  	v3 =	vld [tilespmem:s19+$0x30];
	_ =	sdelay $0x4  }
0x2e6: {  	[tilespmem:v1+s24+$0x44B0 ss:$0x1] =	vst.idx.msk $0xffff, v3  }
0x2e7: {  	v3 =	vld [tilespmem:s24+$0x13B70];
	_ =	sdelay $0x3  }
0x2e8: {  	s19 =	spop (v2sf)  }
0x2e9: {  	s26 =	spop (v2sf);
	[tilespmem:v1+s24+$0x44F0 ss:$0x1] =	vst.idx.msk $0xffff, v3  }
0x2ea: {  	v3 =	vld [tilespmem:s26+$0x0];
	_ =	sdelay $0x4  }
0x2eb: {  	[tilespmem:v1+s24+$0x4500 ss:$0x1] =	vst.idx.msk $0xffff, v3  }
0x2ec: {  	v3 =	vld [tilespmem:s24+$0x13BC0];
	_ =	sdelay $0x4  }
0x2ed: {  	[tilespmem:v1+s24+$0x4540 ss:$0x1] =	vst.idx.msk $0xffff, v3  }
0x2ee: {  	v3 =	vld [tilespmem:s26+$0x10];
	_ =	sdelay $0x4  }
0x2ef: {  	[tilespmem:v1+s24+$0x4510 ss:$0x1] =	vst.idx.msk $0xffff, v3  }
0x2f0: {  	v3 =	vld [tilespmem:s24+$0x13BD0];
	_ =	sdelay $0x4  }
0x2f1: {  	[tilespmem:v1+s24+$0x4550 ss:$0x1] =	vst.idx.msk $0xffff, v3  }
0x2f2: {  	v3 =	vld [tilespmem:s26+$0x20];
	_ =	sdelay $0x4  }
0x2f3: {  	[tilespmem:v1+s24+$0x4520 ss:$0x1] =	vst.idx.msk $0xffff, v3  }
0x2f4: {  	v3 =	vld [tilespmem:s24+$0x13BE0];
	_ =	sdelay $0x4  }
0x2f5: {  	[tilespmem:v1+s24+$0x4560 ss:$0x1] =	vst.idx.msk $0xffff, v3  }
0x2f6: {  	v3 =	vld [tilespmem:s26+$0x30];
	_ =	sdelay $0x4  }
0x2f7: {  	[tilespmem:v1+s24+$0x4530 ss:$0x1] =	vst.idx.msk $0xffff, v3  }
0x2f8: {  	v3 =	vld [tilespmem:s24+$0x13BF0];
	_ =	sdelay $0x4  }
0x2f9: {  	[tilespmem:v1+s24+$0x4570 ss:$0x1] =	vst.idx.msk $0xffff, v3  }
0x2fa: {  	v3 =	vld [tilespmem:s19+$0x0];
	_ =	sdelay $0x4  }
0x2fb: {  	[tilespmem:v1+s24+$0x4580 ss:$0x1] =	vst.idx.msk $0xffff, v3  }
0x2fc: {  	v3 =	vld [tilespmem:s24+$0x13C40];
	_ =	sdelay $0x4  }
0x2fd: {  	[tilespmem:v1+s24+$0x45C0 ss:$0x1] =	vst.idx.msk $0xffff, v3  }
0x2fe: {  	v3 =	vld [tilespmem:s19+$0x10];
	_ =	sdelay $0x4  }
0x2ff: {  	[tilespmem:v1+s24+$0x4590 ss:$0x1] =	vst.idx.msk $0xffff, v3  }
0x300: {  	v3 =	vld [tilespmem:s24+$0x13C50];
	_ =	sdelay $0x4  }
0x301: {  	[tilespmem:v1+s24+$0x45D0 ss:$0x1] =	vst.idx.msk $0xffff, v3  }
0x302: {  	v3 =	vld [tilespmem:s19+$0x20];
	_ =	sdelay $0x4  }
0x303: {  	[tilespmem:v1+s24+$0x45A0 ss:$0x1] =	vst.idx.msk $0xffff, v3  }
0x304: {  	v3 =	vld [tilespmem:s24+$0x13C60]  }
0x305: {  	(v2sf) =	vpush v2, $0xD  }
0x306: {  	(v2sf) =	vpush v2, $0xC;
	_ =	sdelay $0x2  }
0x307: {  	[tilespmem:v1+s24+$0x45E0 ss:$0x1] =	vst.idx.msk $0xffff, v3  }
0x308: {  	v3 =	vld [tilespmem:s19+$0x30];
	_ =	sdelay $0x4  }
0x309: {  	[tilespmem:v1+s24+$0x45B0 ss:$0x1] =	vst.idx.msk $0xffff, v3  }
0x30a: {  	v3 =	vld [tilespmem:s24+$0x13C70];
	_ =	sdelay $0x3  }
0x30b: {  	s19 =	spop (v2sf)  }
0x30c: {  	s26 =	spop (v2sf);
	[tilespmem:v1+s24+$0x45F0 ss:$0x1] =	vst.idx.msk $0xffff, v3  }
0x30d: {  	v3 =	vld [tilespmem:s26+$0x0];
	_ =	sdelay $0x4  }
0x30e: {  	[tilespmem:v1+s24+$0x4600 ss:$0x1] =	vst.idx.msk $0xffff, v3  }
0x30f: {  	v3 =	vld [tilespmem:s24+$0x13CC0];
	_ =	sdelay $0x4  }
0x310: {  	[tilespmem:v1+s24+$0x4640 ss:$0x1] =	vst.idx.msk $0xffff, v3  }
0x311: {  	v3 =	vld [tilespmem:s26+$0x10];
	_ =	sdelay $0x4  }
0x312: {  	[tilespmem:v1+s24+$0x4610 ss:$0x1] =	vst.idx.msk $0xffff, v3  }
0x313: {  	v3 =	vld [tilespmem:s24+$0x13CD0];
	_ =	sdelay $0x4  }
0x314: {  	[tilespmem:v1+s24+$0x4650 ss:$0x1] =	vst.idx.msk $0xffff, v3  }
0x315: {  	v3 =	vld [tilespmem:s26+$0x20];
	_ =	sdelay $0x4  }
0x316: {  	[tilespmem:v1+s24+$0x4620 ss:$0x1] =	vst.idx.msk $0xffff, v3  }
0x317: {  	v3 =	vld [tilespmem:s24+$0x13CE0];
	_ =	sdelay $0x4  }
0x318: {  	[tilespmem:v1+s24+$0x4660 ss:$0x1] =	vst.idx.msk $0xffff, v3  }
0x319: {  	v3 =	vld [tilespmem:s26+$0x30];
	_ =	sdelay $0x4  }
0x31a: {  	[tilespmem:v1+s24+$0x4630 ss:$0x1] =	vst.idx.msk $0xffff, v3  }
0x31b: {  	v3 =	vld [tilespmem:s24+$0x13CF0];
	_ =	sdelay $0x4  }
0x31c: {  	[tilespmem:v1+s24+$0x4670 ss:$0x1] =	vst.idx.msk $0xffff, v3  }
0x31d: {  	v3 =	vld [tilespmem:s19+$0x0];
	_ =	sdelay $0x4  }
0x31e: {  	[tilespmem:v1+s24+$0x4680 ss:$0x1] =	vst.idx.msk $0xffff, v3  }
0x31f: {  	v3 =	vld [tilespmem:s24+$0x13D40];
	_ =	sdelay $0x4  }
0x320: {  	[tilespmem:v1+s24+$0x46C0 ss:$0x1] =	vst.idx.msk $0xffff, v3  }
0x321: {  	v3 =	vld [tilespmem:s19+$0x10];
	_ =	sdelay $0x4  }
0x322: {  	[tilespmem:v1+s24+$0x4690 ss:$0x1] =	vst.idx.msk $0xffff, v3  }
0x323: {  	v3 =	vld [tilespmem:s24+$0x13D50];
	_ =	sdelay $0x4  }
0x324: {  	[tilespmem:v1+s24+$0x46D0 ss:$0x1] =	vst.idx.msk $0xffff, v3  }
0x325: {  	v3 =	vld [tilespmem:s19+$0x20];
	_ =	sdelay $0x4  }
0x326: {  	[tilespmem:v1+s24+$0x46A0 ss:$0x1] =	vst.idx.msk $0xffff, v3  }
0x327: {  	v3 =	vld [tilespmem:s24+$0x13D60]  }
0x328: {  	(v2sf) =	vpush v2, $0xF  }
0x329: {  	(v2sf) =	vpush v2, $0xE;
	_ =	sdelay $0x2  }
0x32a: {  	[tilespmem:v1+s24+$0x46E0 ss:$0x1] =	vst.idx.msk $0xffff, v3  }
0x32b: {  	v2 =	vld [tilespmem:s19+$0x30];
	_ =	sdelay $0x4  }
0x32c: {  	[tilespmem:v1+s24+$0x46B0 ss:$0x1] =	vst.idx.msk $0xffff, v2  }
0x32d: {  	v2 =	vld [tilespmem:s24+$0x13D70];
	_ =	sdelay $0x3  }
0x32e: {  	s19 =	spop (v2sf)  }
0x32f: {  	s26 =	spop (v2sf);
	[tilespmem:v1+s24+$0x46F0 ss:$0x1] =	vst.idx.msk $0xffff, v2  }
0x330: {  	v2 =	vld [tilespmem:s26+$0x0];
	_ =	sdelay $0x4  }
0x331: {  	[tilespmem:v1+s24+$0x4700 ss:$0x1] =	vst.idx.msk $0xffff, v2  }
0x332: {  	v2 =	vld [tilespmem:s24+$0x13DC0];
	_ =	sdelay $0x4  }
0x333: {  	[tilespmem:v1+s24+$0x4740 ss:$0x1] =	vst.idx.msk $0xffff, v2  }
0x334: {  	v2 =	vld [tilespmem:s26+$0x10];
	_ =	sdelay $0x4  }
0x335: {  	[tilespmem:v1+s24+$0x4710 ss:$0x1] =	vst.idx.msk $0xffff, v2  }
0x336: {  	v2 =	vld [tilespmem:s24+$0x13DD0];
	_ =	sdelay $0x4  }
0x337: {  	[tilespmem:v1+s24+$0x4750 ss:$0x1] =	vst.idx.msk $0xffff, v2  }
0x338: {  	v2 =	vld [tilespmem:s26+$0x20];
	_ =	sdelay $0x4  }
0x339: {  	[tilespmem:v1+s24+$0x4720 ss:$0x1] =	vst.idx.msk $0xffff, v2  }
0x33a: {  	v2 =	vld [tilespmem:s24+$0x13DE0];
	_ =	sdelay $0x4  }
0x33b: {  	[tilespmem:v1+s24+$0x4760 ss:$0x1] =	vst.idx.msk $0xffff, v2  }
0x33c: {  	v2 =	vld [tilespmem:s26+$0x30];
	_ =	sdelay $0x4  }
0x33d: {  	[tilespmem:v1+s24+$0x4730 ss:$0x1] =	vst.idx.msk $0xffff, v2  }
0x33e: {  	v2 =	vld [tilespmem:s24+$0x13DF0];
	_ =	sdelay $0x4  }
0x33f: {  	[tilespmem:v1+s24+$0x4770 ss:$0x1] =	vst.idx.msk $0xffff, v2  }
0x340: {  	v2 =	vld [tilespmem:s19+$0x0];
	_ =	sdelay $0x4  }
0x341: {  	[tilespmem:v1+s24+$0x4780 ss:$0x1] =	vst.idx.msk $0xffff, v2  }
0x342: {  	v2 =	vld [tilespmem:s24+$0x13E40];
	_ =	sdelay $0x4  }
0x343: {  	[tilespmem:v1+s24+$0x47C0 ss:$0x1] =	vst.idx.msk $0xffff, v2  }
0x344: {  	v2 =	vld [tilespmem:s19+$0x10];
	_ =	sdelay $0x4  }
0x345: {  	[tilespmem:v1+s24+$0x4790 ss:$0x1] =	vst.idx.msk $0xffff, v2  }
0x346: {  	v2 =	vld [tilespmem:s24+$0x13E50];
	_ =	sdelay $0x4  }
0x347: {  	[tilespmem:v1+s24+$0x47D0 ss:$0x1] =	vst.idx.msk $0xffff, v2  }
0x348: {  	v2 =	vld [tilespmem:s19+$0x20];
	_ =	sdelay $0x4  }
0x349: {  	[tilespmem:v1+s24+$0x47A0 ss:$0x1] =	vst.idx.msk $0xffff, v2  }
0x34a: {  	v2 =	vld [tilespmem:s24+$0x13E60];
	_ =	sdelay $0x4  }
0x34b: {  	[tilespmem:v1+s24+$0x47E0 ss:$0x1] =	vst.idx.msk $0xffff, v2  }
0x34c: {  	v2 =	vld [tilespmem:s19+$0x30];
	_ =	sdelay $0x4  }
0x34d: {  	[tilespmem:v1+s24+$0x47B0 ss:$0x1] =	vst.idx.msk $0xffff, v2  }
0x34e: {  	p1 =	sne.s32 s20, $0xE000;
	v2 =	vld [tilespmem:s24+$0x13E70]  }
.Ltmp3:
0x34f: {  	_ = 	snop;
	(pc) =	sbr.rel @p1 .LBB2_5-.Ltmp3, $2  }
0x350: {  	_ =	sdelay $0x2  }
0x351: {  	s6 =	sadd.s32 $0x10, s6;
	s20 =	sadd.s32 $0x2000, s20;
	[tilespmem:v1+s24+$0x47F0 ss:$0x1] =	vst.idx.msk $0xffff, v2  }
0x352: {  	p1 =	sne.s32 s17, $0xB  }
.Ltmp4:
0x353: {  	_ = 	snop;
	(pc) =	sbr.rel @!p1 .LBB2_7-.Ltmp4, $1  }
0x354: {  	_ =	sdelay $0x3  }
0x355: {  	s0 =	smul.u32 $0xE00, s4;
	_ =	sdelay $0x1  }
0x356: {  	s0 =	sshra.s32 s0, $0x2  }
0x357: {  	s1 =	sadd.s32 $0xD80, s0  }
0x358: {  	[tilespmem:s25], [sflag:$0x9] =	stream.indirect.gather [hbm4b:s7+s21], $0x80, s1, s21, $0xb8;
	[tilespmem:$0x1EE80] =	vst v63  }
0x359: {  	s29 =	sadd.s32 s29, s15;
	p1 =	sne.s32 s4, $0xC  }
0x35a: {  	[hbm4b:s29+s22] =	stream.strided.scatter [tilespmem:s9], [sflag:s8], $0x4000, s30, s22, $0x38;
	[tilespmem:$0x1EE80] =	vst v63  }
.Ltmp5:
0x35b: {  	_ = 	snop;
	(pc) =	sbr.rel @p1 .LBB2_4-.Ltmp5, $4  }
.Ltmp6:
0x35c: {  	_ =	swait.ge [sflag:s18], $0x4000;
	(pc) =	sbr.rel @!p1 .LBB2_9-.Ltmp6, $4  }
0x35d: {  	p0 =	por !p0, !p0;
	s2 =	sadd.s32 $0x380, s2;
	[sflag:s18] =	ssyncset.done $0x0  }
0x35e: {  	s17 =	smov.u32 s4;
	s0 =	sadd.s32 $0xB00, s0;
	[sflag:s18] =	ssyncadd.s32 $0xFFFFC000  }
0x35f: {  	[tilespmem:s16], [sflag:s28] =	stream.indirect.gather [spmem:s3], $0x80, s0, s21, $0xb8;
	[tilespmem:$0x1EE80] =	vst v63  }
0x360: {  	_ = 	snop  }
.LBB2_10:
0x361: {  	_ =	sfence.sel $0x180000  }
0x362: {  	[bflag:$0x0] =	sbarrier.arrive $0xFFFF  }
0x363: {  	_ =	strace $0x90000047  }
0x364: {  	s0 =	stileid.u32;
	[bflag:$0x2] =	sbarrier.arrive $0xFFFF  }
0x365: {  	p0 =	sne.s32 s0, $0x0;
	s0 =	rddreg [dreg:$0x4]  }
0x366: {  	s0 =	sadd.s32 @!p0 $0x100000, s0  }
0x367: {  	[sflag:s0] =	ssyncadd.tile.s32 @!p0 $0x1;
	_ =	shalt  }
.Lfunc_end2:
_tile_overlayer_lowered:
.L_overlay_start_2:
0x368: {  	(tag) =	ssettag $0x2  }
0x369: {  	s0 =	rddreg [dreg:$0x0];
	s2 =	stileid.u32  }
0x36a: {  	s1 =	rddreg [dreg:$0x1];
	p0 =	sne.s32 s2, $0x0  }
0x36b: {  	s3 =	rddreg [dreg:$0x2];
	[bflag:$0x3] =	sbarrier.arrive $0xFFFF;
	s2 =	simm.s32 @!p0 $0x1C0B  }
0x36c: {  	[timem:s3], [sflag:s2] =	dma.local @!p0 [hbm:s0], s1  }
0x36d: {  	s0 =	simm.s32 @!p0 $0xB  }
0x36e: {  	_ =	swait.ge @!p0 [sflag:s0], s1  }
0x36f: {  	s1 =	ssub.s32 @!p0 $0x0, s1;
	[sflag:s0] =	ssyncset.done @!p0 $0x0  }
0x370: {  	[sflag:s0] =	ssyncadd.s32 @!p0 s1  }
0x371: {  	[bflag:$0x3] =	sbarrier.arrive $0xFFFF  }
0x372: {  	_ =	shalt  }

</sc_bundles>
